<compile_context>
chip_gen: v7x
topology: tpu7x:2x2x1
jax: 0.10.2.dev20260603
libtpu: 0.0.44.dev20260713+nightly
codegen_flags: <defaults>
</compile_context>

<pallas_src>
import functools
import math

import jax
import jax.numpy as jnp
from jax import lax
from jax.experimental import pallas as pl
from jax.experimental.pallas import tpu as pltpu
from jax.experimental.pallas import tpu_sc as plsc

D = 128
CB = 4
CW = D // CB
K = 128
NS = 16
BS = 1600


def _npad(n):
    m = NS * 8 * BS // math.gcd(NS * 8, BS)
    return int(-(-(n + 8) // m) * m)


@functools.lru_cache(maxsize=None)
def _sc_call(NU, NI, E):
    N = max(NU, NI)
    NPAD = _npad(N)
    RPT = NPAD // NS
    NCH = -(-E // K)
    ITERS = -(-NCH // NS)
    mesh = plsc.VectorSubcoreMesh(core_axis_name="c", subcore_axis_name="s")
    f32 = jnp.float32
    last = ITERS - 1

    def body(fu_cat, fi_cat, gi_i, si_i, gi_u, si_u, ones_h, z32_h,
             outi, outu, degi, degu,
             acc,
             g0, g1, g2, s0, s1, s2, r0, r1, r2, ones_v, iwait,
             is0, is1, is2, gsem, ss0, ss1, ss2):
        c = lax.axis_index("c")
        s = lax.axis_index("s")
        gbuf = [g0, g1, g2]
        sbuf = [s0, s1, s2]
        rbuf = [r0, r1, r2]
        isem = [is0, is1, is2]
        ssem = [ss0, ss1, ss2]
        pltpu.sync_copy(ones_h, ones_v)

        def run_side(table, n_tab, gi, si, out, dego):
            def run_cb(cb, carry):
                off = cb * n_tab
                is_deg = cb == CB
                is_feat = cb != CB

                pltpu.sync_copy(z32_h.at[pl.ds(s * RPT, RPT)],
                                acc.at[pl.ds(s * RPT, RPT)])
                plsc.subcore_barrier()

                def fetch_idx(r, j):
                    base = (j * NS + s) * K
                    pltpu.async_copy(gi.at[pl.ds(base, K)], gbuf[r], isem[r])
                    pltpu.async_copy(si.at[pl.ds(base, K)], sbuf[r], isem[r])

                def gather_launch(r):
                    pltpu.make_async_copy(gi.at[pl.ds(0, 2 * K)], iwait,
                                          isem[r]).wait()

                    @pl.when(is_feat)
                    def _():
                        for o in range(0, K, 16):
                            gbuf[r][pl.ds(o, 16)] = gbuf[r][pl.ds(o, 16)] + off
                        pltpu.async_copy(table.at[gbuf[r]], rbuf[r], gsem)

                def wait_gather(r):
                    @pl.when(is_feat)
                    def _():
                        pltpu.make_async_copy(table.at[gbuf[r]], rbuf[r],
                                              gsem).wait()

                def issue_scat(r):
                    @pl.when(is_feat)
                    def _():
                        pltpu.async_copy(rbuf[r], acc.at[sbuf[r]], ssem[r],
                                         add=True)

                    @pl.when(is_deg)
                    def _():
                        pltpu.async_copy(ones_v, acc.at[sbuf[r]], ssem[r],
                                         add=True)

                def wait_scat(r):
                    pltpu.make_async_copy(rbuf[r], acc.at[sbuf[r]],
                                          ssem[r]).wait()

                def step(j, r, first, has_next, has_fetch):
                    wait_gather(r)
                    if has_next:
                        gather_launch((r + 1) % 3)
                    issue_scat(r)
                    if not first:
                        wait_scat((r + 2) % 3)
                    if has_fetch:
                        fetch_idx((r + 2) % 3, j + 2)

                fetch_idx(0, 0)
                if last >= 1:
                    fetch_idx(1, 1)
                gather_launch(0)

                def flags(j):
                    return dict(first=(j == 0), has_next=(j + 1 <= last),
                                has_fetch=(j + 2 <= last))

                steady_lo, steady_hi = 3, last - 2
                n_steady = max(0, steady_hi - steady_lo + 1)
                groups, rem = divmod(n_steady, 3)

                for j in range(0, min(3, ITERS)):
                    step(j, j % 3, **flags(j))

                if groups > 0:
                    def grp(t, carry):
                        for js in range(3):
                            step(steady_lo + 3 * t + js, js, first=False,
                                 has_next=True, has_fetch=True)
                        return carry
                    lax.fori_loop(0, groups, grp, jnp.int32(0))

                for j in range(steady_lo + 3 * groups,
                               steady_lo + 3 * groups + rem):
                    step(j, j % 3, first=False, has_next=True, has_fetch=True)

                for j in range(max(3, last - 1), last + 1):
                    step(j, j % 3, **flags(j))

                wait_scat(last % 3)

                plsc.subcore_barrier()

                @pl.when(is_feat)
                def _():
                    pltpu.sync_copy(
                        acc.at[pl.ds(s * RPT, RPT)],
                        out.at[pl.ds(cb * NPAD + s * RPT, RPT)])

                @pl.when(is_deg)
                def _():
                    pltpu.sync_copy(acc.at[pl.ds(s * RPT, RPT)],
                                    dego.at[pl.ds(s * RPT, RPT)])

                plsc.subcore_barrier()
                return carry

            lax.fori_loop(0, CB + 1, run_cb, jnp.int32(0))

        @pl.when(c == 0)
        def _():
            run_side(fu_cat, NU, gi_i, si_i, outi, degi)

        @pl.when(c == 1)
        def _():
            run_side(fi_cat, NI, gi_u, si_u, outu, degu)

    out_type = [jax.ShapeDtypeStruct((CB * NPAD, CW), f32),
                jax.ShapeDtypeStruct((CB * NPAD, CW), f32),
                jax.ShapeDtypeStruct((NPAD, CW), f32),
                jax.ShapeDtypeStruct((NPAD, CW), f32)]
    scratch_types = (
        [pltpu.VMEM_SHARED((NPAD, CW), f32)]
        + [pltpu.VMEM((K,), jnp.int32) for _ in range(6)]
        + [pltpu.VMEM((K, CW), f32) for _ in range(3)]
        + [pltpu.VMEM((K, CW), f32)]
        + [pltpu.VMEM((2 * K,), jnp.int32)]
        + [pltpu.SemaphoreType.DMA for _ in range(7)]
    )
    return pl.kernel(body, out_type=out_type, mesh=mesh,
                     scratch_types=scratch_types,
                     compiler_params=pltpu.CompilerParams(
                         use_tc_tiling_on_sc=False))


def _mean_body(b0, b1, b2, b3, dg, out):
    d = jnp.maximum(dg[:, 0:1], 1.0)
    out[:, 0 * CW:1 * CW] = b0[...] / d
    out[:, 1 * CW:2 * CW] = b1[...] / d
    out[:, 2 * CW:3 * CW] = b2[...] / d
    out[:, 3 * CW:4 * CW] = b3[...] / d


def _mean2_body(a0, a1, a2, a3, da, b0, b1, b2, b3, db, oa, ob):
    _mean_body(a0, a1, a2, a3, da, oa)
    _mean_body(b0, b1, b2, b3, db, ob)


def _mean_pair(bi, di, bu, du, n, npad):
    nblk = npad // BS
    specs = [pl.BlockSpec((BS, CW), lambda i, _cb=cb: (_cb * nblk + i, 0))
             for cb in range(CB)] + [pl.BlockSpec((BS, CW), lambda i: (i, 0))]
    ospec = pl.BlockSpec((BS, D), lambda i: (i, 0))
    oshape = jax.ShapeDtypeStruct((n, D), jnp.float32)
    return pl.pallas_call(
        _mean2_body,
        grid=(pl.cdiv(n, BS),),
        in_specs=specs + specs,
        out_specs=[ospec, ospec],
        out_shape=[oshape, oshape],
    )(*([bi] * CB), di, *([bu] * CB), du)


def _mean(blocks_cat, deg, n, npad):
    nblk = npad // BS
    specs = [pl.BlockSpec((BS, CW), lambda i, _cb=cb: (_cb * nblk + i, 0))
             for cb in range(CB)]
    return pl.pallas_call(
        _mean_body,
        grid=(pl.cdiv(n, BS),),
        in_specs=specs + [pl.BlockSpec((BS, CW), lambda i: (i, 0))],
        out_specs=pl.BlockSpec((BS, D), lambda i: (i, 0)),
        out_shape=jax.ShapeDtypeStruct((n, D), jnp.float32),
    )(*([blocks_cat] * CB), deg)


def kernel(feat_user, feat_item, edge_index):
    NU, _ = feat_user.shape
    NI, _ = feat_item.shape
    E = edge_index.shape[1]
    N = max(NU, NI)
    NPAD = _npad(N)
    NCH = -(-E // K)
    ITERS = -(-NCH // NS)
    NCHP = ITERS * NS
    EP = NCHP * K

    src = edge_index[0].astype(jnp.int32)
    dst = edge_index[1].astype(jnp.int32)
    if EP != E:
        npd = EP - E
        pad_g = (jnp.arange(npd, dtype=jnp.int32) % N)
        pad_s = N + (jnp.arange(npd, dtype=jnp.int32) % (NPAD - N))
        gsrc = jnp.concatenate([src, pad_g])
        ssrc = jnp.concatenate([src, pad_s])
        gdst = jnp.concatenate([dst, pad_g])
        sdst = jnp.concatenate([dst, pad_s])
    else:
        gsrc, ssrc, gdst, sdst = src, src, dst, dst

    fu_cat = feat_user.reshape(NU, CB, CW).transpose(1, 0, 2).reshape(CB * NU, CW)
    fi_cat = feat_item.reshape(NI, CB, CW).transpose(1, 0, 2).reshape(CB * NI, CW)

    ones_h = jnp.ones((K, CW), jnp.float32)
    z32_h = jnp.zeros((NPAD, CW), jnp.float32)

    call = _sc_call(NU, NI, E)
    outi, outu, degi, degu = call(fu_cat, fi_cat, gsrc, sdst, gdst, ssrc,
                                  ones_h, z32_h)

    if NU == NI:
        h_item, h_user = _mean_pair(outi, degi, outu, degu, NU, NPAD)
    else:
        h_item = _mean(outi, degi, NI, NPAD)
        h_user = _mean(outu, degu, NU, NPAD)
    return (h_user, h_item)

# --- scband reference (transcript-rebuilt; emitter-appended) ---
"""Pipeline reference for scband-light-gcnlayer-7129645711539 (READ-ONLY COPY).

The authoritative reference and input builder live on the scoring server;
editing this copy changes nothing except your own understanding.
"""

import jax, jax.numpy as jnp
import numpy as np

N_USER = 50000
N_ITEM = 50000
E = 600000
D = 128


def setup_inputs(seed: int = 0) -> dict:
    key = jax.random.key(seed)
    k1, k2, k3, k4 = jax.random.split(key, 4)
    feat_user = jax.random.normal(k1, (N_USER, D), dtype=jnp.float32)
    feat_item = jax.random.normal(k2, (N_ITEM, D), dtype=jnp.float32)
    src = jax.random.randint(k3, (E,), 0, N_USER)
    dst = jax.random.randint(k4, (E,), 0, N_ITEM)
    edge_index = jnp.stack([src, dst], axis=0)
    return {"feat_user": feat_user, "feat_item": feat_item, "edge_index": edge_index}


def _mean_aggregate(src_feat, src_idx, dst_idx, num_dst):
    # DGL fn.copy_u('h','m') + fn.mean('m','h'): gather source features along
    # edges, then mean-reduce at destination nodes. Zero in-degree nodes -> 0.
    msg = jnp.take(src_feat, src_idx, axis=0)                      # [E, D] gather
    summed = jax.ops.segment_sum(msg, dst_idx, num_segments=num_dst)  # scatter-add
    deg = jax.ops.segment_sum(jnp.ones((msg.shape[0], 1), dtype=src_feat.dtype),
                              dst_idx, num_segments=num_dst)
    return jnp.where(deg > 0, summed / jnp.maximum(deg, 1.0), 0.0)


def reference(feat_user, feat_item, edge_index):
    # Heterograph with two canonical etypes on a bipartite user-item graph:
    #   ('user', 'rates', 'item')    edges: src=edge_index[0], dst=edge_index[1]
    #   ('item', 'rated-by', 'user') edges: reverse of the above
    # multi_update_all({etype: (copy_u, mean)}, 'sum'): each dsttype receives
    # from exactly one etype here, so the 'sum' cross-type reducer is identity.
    src = edge_index[0]
    dst = edge_index[1]
    h_item = _mean_aggregate(feat_user, src, dst, N_ITEM)
    h_user = _mean_aggregate(feat_item, dst, src, N_USER)
    # return {ntype: g.nodes[ntype].data['h'] for ntype in g.ntypes}
    return (h_user, h_item)

if __name__ == "__main__":
    import jax
    _d = setup_inputs()
    print(jax.jit(kernel)(*tuple(_d.values())))

</pallas_src>

<mosaic_0001>
#map = affine_map<(d0, d1) -> (0, 0)>
#map1 = affine_map<(d0, d1) -> (0)>
module attributes {stable_mosaic.version = 14 : i64} {
  func.func @body(%arg0: i32, %arg1: i32, %arg2: memref<200000x32xf32, #tpu.memory_space<hbm>>, %arg3: memref<200000x32xf32, #tpu.memory_space<hbm>>, %arg4: memref<600064xi32, #tpu.memory_space<hbm>>, %arg5: memref<600064xi32, #tpu.memory_space<hbm>>, %arg6: memref<600064xi32, #tpu.memory_space<hbm>>, %arg7: memref<600064xi32, #tpu.memory_space<hbm>>, %arg8: memref<128x32xf32, #tpu.memory_space<hbm>>, %arg9: memref<51200x32xf32, #tpu.memory_space<hbm>>, %arg10: memref<204800x32xf32, #tpu.memory_space<hbm>>, %arg11: memref<204800x32xf32, #tpu.memory_space<hbm>>, %arg12: memref<51200x32xf32, #tpu.memory_space<hbm>>, %arg13: memref<51200x32xf32, #tpu.memory_space<hbm>>, %arg14: memref<51200x32xf32, #tpu.memory_space<vmem_shared>>, %arg15: memref<128xi32, #tpu.memory_space<vmem>>, %arg16: memref<128xi32, #tpu.memory_space<vmem>>, %arg17: memref<128xi32, #tpu.memory_space<vmem>>, %arg18: memref<128xi32, #tpu.memory_space<vmem>>, %arg19: memref<128xi32, #tpu.memory_space<vmem>>, %arg20: memref<128xi32, #tpu.memory_space<vmem>>, %arg21: memref<128x32xf32, #tpu.memory_space<vmem>>, %arg22: memref<128x32xf32, #tpu.memory_space<vmem>>, %arg23: memref<128x32xf32, #tpu.memory_space<vmem>>, %arg24: memref<128x32xf32, #tpu.memory_space<vmem>>, %arg25: memref<256xi32, #tpu.memory_space<vmem>>, %arg26: memref<!tpu.dma_semaphore, #tpu.memory_space<semaphore_mem>>, %arg27: memref<!tpu.dma_semaphore, #tpu.memory_space<semaphore_mem>>, %arg28: memref<!tpu.dma_semaphore, #tpu.memory_space<semaphore_mem>>, %arg29: memref<!tpu.dma_semaphore, #tpu.memory_space<semaphore_mem>>, %arg30: memref<!tpu.dma_semaphore, #tpu.memory_space<semaphore_mem>>, %arg31: memref<!tpu.dma_semaphore, #tpu.memory_space<semaphore_mem>>, %arg32: memref<!tpu.dma_semaphore, #tpu.memory_space<semaphore_mem>>) attributes {dimension_semantics = [#tpu.dimension_semantics<core_parallel>, #tpu.dimension_semantics<subcore_parallel>], iteration_bounds = array<i64: 2, 16>, scalar_prefetch = 0 : i64, scratch_operands = 19 : i64, tpu.core_type = #tpu.core_type<sc_vector_subcore>, window_params = [{transform_indices = #map}, {transform_indices = #map}, {transform_indices = #map1}, {transform_indices = #map1}, {transform_indices = #map1}, {transform_indices = #map1}, {transform_indices = #map}, {transform_indices = #map}, {transform_indices = #map}, {transform_indices = #map}, {transform_indices = #map}, {transform_indices = #map}]} {
    "tpu.region"() ({
      %run_scoped3A = tpu.sem_alloc : memref<!tpu.dma_semaphore, #tpu.memory_space<semaphore_mem>>
      tpu.enqueue_dma source(%arg8 : memref<128x32xf32, #tpu.memory_space<hbm>>) target(%arg24 : memref<128x32xf32, #tpu.memory_space<vmem>>) target_semaphore(%run_scoped3A : memref<!tpu.dma_semaphore, #tpu.memory_space<semaphore_mem>>)
      tpu.wait_dma2 semaphore(%run_scoped3A : memref<!tpu.dma_semaphore, #tpu.memory_space<semaphore_mem>>) src(%arg8 : memref<128x32xf32, #tpu.memory_space<hbm>>) dst(%arg24 : memref<128x32xf32, #tpu.memory_space<vmem>>)
      tpu.yield
    }) : () -> ()
    %eq3A = arith.constant 0 : i32
    %eq3A_0 = arith.cmpi eq, %arg0, %eq3A : i32
    %convert_element_type3A = arith.extui %eq3A_0 : i1 to i32
    %cond3A = arith.constant 0 : i32
    %cond3A_1 = arith.cmpi ne, %convert_element_type3A, %cond3A : i32
    scf.if %cond3A_1 {
      %scan3A = arith.constant 0 : i32
      %scan3A_7 = arith.constant 0 : i32
      %scan3A_8 = arith.constant 5 : i32
      %scan3A_9 = arith.addi %scan3A_7, %scan3A_8 : i32
      %scan3A_10 = arith.constant 1 : i32
      scf.for %scan3A_12 = %scan3A_7 to %scan3A_9 step %scan3A_10  : i32 {
        %mul3A = arith.constant 50000 : i32
        %mul3A_13 = arith.muli %scan3A_12, %mul3A : i32
        %eq3A_14 = arith.constant 4 : i32
        %eq3A_15 = arith.cmpi eq, %scan3A_12, %eq3A_14 : i32
        %ne3A = arith.constant 4 : i32
        %ne3A_16 = arith.cmpi ne, %scan3A_12, %ne3A : i32
        %mul3A_17 = arith.constant 3200 : i32
        %mul3A_18 = arith.muli %arg1, %mul3A_17 : i32
        %mul3A_19 = arith.constant 3200 : i32
        %mul3A_20 = arith.muli %arg1, %mul3A_19 : i32
        "tpu.region"() ({
          %run_scoped3A = tpu.sem_alloc : memref<!tpu.dma_semaphore, #tpu.memory_space<semaphore_mem>>
          %dma_start3A_167 = arith.constant 0 : i32
          %dma_start3A_168 = tpu.memref_slice %arg14[%mul3A_20, %dma_start3A_167] : memref<51200x32xf32, #tpu.memory_space<vmem_shared>> -> memref<3200x32xf32, #tpu.memory_space<vmem_shared>>
          %dma_start3A_169 = arith.constant 0 : i32
          %dma_start3A_170 = tpu.memref_slice %arg9[%mul3A_18, %dma_start3A_169] : memref<51200x32xf32, #tpu.memory_space<hbm>> -> memref<3200x32xf32, #tpu.memory_space<hbm>>
          tpu.enqueue_dma source(%dma_start3A_170 : memref<3200x32xf32, #tpu.memory_space<hbm>>) target(%dma_start3A_168 : memref<3200x32xf32, #tpu.memory_space<vmem_shared>>) target_semaphore(%run_scoped3A : memref<!tpu.dma_semaphore, #tpu.memory_space<semaphore_mem>>)
          %dma_wait3A_171 = arith.constant 0 : i32
          %dma_wait3A_172 = tpu.memref_slice %arg14[%mul3A_20, %dma_wait3A_171] : memref<51200x32xf32, #tpu.memory_space<vmem_shared>> -> memref<3200x32xf32, #tpu.memory_space<vmem_shared>>
          %dma_wait3A_173 = arith.constant 0 : i32
          %dma_wait3A_174 = tpu.memref_slice %arg9[%mul3A_18, %dma_wait3A_173] : memref<51200x32xf32, #tpu.memory_space<hbm>> -> memref<3200x32xf32, #tpu.memory_space<hbm>>
          tpu.wait_dma2 semaphore(%run_scoped3A : memref<!tpu.dma_semaphore, #tpu.memory_space<semaphore_mem>>) src(%dma_wait3A_174 : memref<3200x32xf32, #tpu.memory_space<hbm>>) dst(%dma_wait3A_172 : memref<3200x32xf32, #tpu.memory_space<vmem_shared>>)
          tpu.yield
        }) : () -> ()
        %barrier3A = arith.constant 0 : index
        tpu.barrier barrier_id(%barrier3A)
        %add3A = arith.constant 0 : i32
        %add3A_21 = arith.addi %add3A, %arg1 : i32
        %mul3A_22 = arith.constant 128 : i32
        %mul3A_23 = arith.muli %add3A_21, %mul3A_22 : i32
        %dma_start3A = tpu.memref_slice %arg4[%mul3A_23] : memref<600064xi32, #tpu.memory_space<hbm>> -> memref<128xi32, #tpu.memory_space<hbm>>
        %dma_start3A_24 = tpu.memref_slice %arg4[%mul3A_23] : memref<600064xi32, #tpu.memory_space<hbm>> -> memref<128xi32, #tpu.memory_space<hbm>>
        tpu.enqueue_dma source(%dma_start3A_24 : memref<128xi32, #tpu.memory_space<hbm>>) target(%arg15 : memref<128xi32, #tpu.memory_space<vmem>>) target_semaphore(%arg26 : memref<!tpu.dma_semaphore, #tpu.memory_space<semaphore_mem>>)
        %dma_start3A_25 = tpu.memref_slice %arg5[%mul3A_23] : memref<600064xi32, #tpu.memory_space<hbm>> -> memref<128xi32, #tpu.memory_space<hbm>>
        %dma_start3A_26 = tpu.memref_slice %arg5[%mul3A_23] : memref<600064xi32, #tpu.memory_space<hbm>> -> memref<128xi32, #tpu.memory_space<hbm>>
        tpu.enqueue_dma source(%dma_start3A_26 : memref<128xi32, #tpu.memory_space<hbm>>) target(%arg18 : memref<128xi32, #tpu.memory_space<vmem>>) target_semaphore(%arg26 : memref<!tpu.dma_semaphore, #tpu.memory_space<semaphore_mem>>)
        %add3A_27 = arith.constant 16 : i32
        %add3A_28 = arith.addi %add3A_27, %arg1 : i32
        %mul3A_29 = arith.constant 128 : i32
        %mul3A_30 = arith.muli %add3A_28, %mul3A_29 : i32
        %dma_start3A_31 = tpu.memref_slice %arg4[%mul3A_30] : memref<600064xi32, #tpu.memory_space<hbm>> -> memref<128xi32, #tpu.memory_space<hbm>>
        %dma_start3A_32 = tpu.memref_slice %arg4[%mul3A_30] : memref<600064xi32, #tpu.memory_space<hbm>> -> memref<128xi32, #tpu.memory_space<hbm>>
        tpu.enqueue_dma source(%dma_start3A_32 : memref<128xi32, #tpu.memory_space<hbm>>) target(%arg16 : memref<128xi32, #tpu.memory_space<vmem>>) target_semaphore(%arg27 : memref<!tpu.dma_semaphore, #tpu.memory_space<semaphore_mem>>)
        %dma_start3A_33 = tpu.memref_slice %arg5[%mul3A_30] : memref<600064xi32, #tpu.memory_space<hbm>> -> memref<128xi32, #tpu.memory_space<hbm>>
        %dma_start3A_34 = tpu.memref_slice %arg5[%mul3A_30] : memref<600064xi32, #tpu.memory_space<hbm>> -> memref<128xi32, #tpu.memory_space<hbm>>
        tpu.enqueue_dma source(%dma_start3A_34 : memref<128xi32, #tpu.memory_space<hbm>>) target(%arg19 : memref<128xi32, #tpu.memory_space<vmem>>) target_semaphore(%arg27 : memref<!tpu.dma_semaphore, #tpu.memory_space<semaphore_mem>>)
        %dma_wait3A = arith.constant 0 : i32
        %dma_wait3A_35 = tpu.memref_slice %arg4[%dma_wait3A] : memref<600064xi32, #tpu.memory_space<hbm>> -> memref<256xi32, #tpu.memory_space<hbm>>
        %dma_wait3A_36 = arith.constant 0 : i32
        %dma_wait3A_37 = tpu.memref_slice %arg4[%dma_wait3A_36] : memref<600064xi32, #tpu.memory_space<hbm>> -> memref<256xi32, #tpu.memory_space<hbm>>
        tpu.wait_dma2 semaphore(%arg26 : memref<!tpu.dma_semaphore, #tpu.memory_space<semaphore_mem>>) src(%dma_wait3A_37 : memref<256xi32, #tpu.memory_space<hbm>>) dst(%arg25 : memref<256xi32, #tpu.memory_space<vmem>>)
        %convert_element_type3A_38 = arith.extui %ne3A_16 : i1 to i32
        %cond3A_39 = arith.constant 0 : i32
        %cond3A_40 = arith.cmpi ne, %convert_element_type3A_38, %cond3A_39 : i32
        scf.if %cond3A_40 {
          %get3A = arith.constant 0 : index
          %get3A_167 = tpu.vector_load %arg15[%get3A] {strides = array<i32>} : memref<128xi32, #tpu.memory_space<vmem>>, vector<16xi32>,
          %get3A_168 = vector.shape_cast %get3A_167 : vector<16xi32> to vector<16xi32>
          %add3A_169 = vector.broadcast %mul3A_13 : i32 to vector<16xi32>
          %add3A_170 = arith.addi %get3A_168, %add3A_169 : vector<16xi32>
          %swap3A = arith.constant 0 : index
          %swap3A_171 = tpu.vector_load %arg15[%swap3A] {strides = array<i32>} : memref<128xi32, #tpu.memory_space<vmem>>, vector<16xi32>,
          %swap3A_172 = vector.shape_cast %swap3A_171 : vector<16xi32> to vector<16xi32>
          %swap3A_173 = vector.shape_cast %add3A_170 : vector<16xi32> to vector<16xi32>
          tpu.vector_store %arg15[%swap3A], %swap3A_173 {strides = array<i32>} : memref<128xi32, #tpu.memory_space<vmem>>, vector<16xi32>,
          %get3A_174 = arith.constant 16 : index
          %get3A_175 = tpu.vector_load %arg15[%get3A_174] {strides = array<i32>} : memref<128xi32, #tpu.memory_space<vmem>>, vector<16xi32>,
          %get3A_176 = vector.shape_cast %get3A_175 : vector<16xi32> to vector<16xi32>
          %add3A_177 = vector.broadcast %mul3A_13 : i32 to vector<16xi32>
          %add3A_178 = arith.addi %get3A_176, %add3A_177 : vector<16xi32>
          %swap3A_179 = arith.constant 16 : index
          %swap3A_180 = tpu.vector_load %arg15[%swap3A_179] {strides = array<i32>} : memref<128xi32, #tpu.memory_space<vmem>>, vector<16xi32>,
          %swap3A_181 = vector.shape_cast %swap3A_180 : vector<16xi32> to vector<16xi32>
          %swap3A_182 = vector.shape_cast %add3A_178 : vector<16xi32> to vector<16xi32>
          tpu.vector_store %arg15[%swap3A_179], %swap3A_182 {strides = array<i32>} : memref<128xi32, #tpu.memory_space<vmem>>, vector<16xi32>,
          %get3A_183 = arith.constant 32 : index
          %get3A_184 = tpu.vector_load %arg15[%get3A_183] {strides = array<i32>} : memref<128xi32, #tpu.memory_space<vmem>>, vector<16xi32>,
          %get3A_185 = vector.shape_cast %get3A_184 : vector<16xi32> to vector<16xi32>
          %add3A_186 = vector.broadcast %mul3A_13 : i32 to vector<16xi32>
          %add3A_187 = arith.addi %get3A_185, %add3A_186 : vector<16xi32>
          %swap3A_188 = arith.constant 32 : index
          %swap3A_189 = tpu.vector_load %arg15[%swap3A_188] {strides = array<i32>} : memref<128xi32, #tpu.memory_space<vmem>>, vector<16xi32>,
          %swap3A_190 = vector.shape_cast %swap3A_189 : vector<16xi32> to vector<16xi32>
          %swap3A_191 = vector.shape_cast %add3A_187 : vector<16xi32> to vector<16xi32>
          tpu.vector_store %arg15[%swap3A_188], %swap3A_191 {strides = array<i32>} : memref<128xi32, #tpu.memory_space<vmem>>, vector<16xi32>,
          %get3A_192 = arith.constant 48 : index
          %get3A_193 = tpu.vector_load %arg15[%get3A_192] {strides = array<i32>} : memref<128xi32, #tpu.memory_space<vmem>>, vector<16xi32>,
          %get3A_194 = vector.shape_cast %get3A_193 : vector<16xi32> to vector<16xi32>
          %add3A_195 = vector.broadcast %mul3A_13 : i32 to vector<16xi32>
          %add3A_196 = arith.addi %get3A_194, %add3A_195 : vector<16xi32>
          %swap3A_197 = arith.constant 48 : index
          %swap3A_198 = tpu.vector_load %arg15[%swap3A_197] {strides = array<i32>} : memref<128xi32, #tpu.memory_space<vmem>>, vector<16xi32>,
          %swap3A_199 = vector.shape_cast %swap3A_198 : vector<16xi32> to vector<16xi32>
          %swap3A_200 = vector.shape_cast %add3A_196 : vector<16xi32> to vector<16xi32>
          tpu.vector_store %arg15[%swap3A_197], %swap3A_200 {strides = array<i32>} : memref<128xi32, #tpu.memory_space<vmem>>, vector<16xi32>,
          %get3A_201 = arith.constant 64 : index
          %get3A_202 = tpu.vector_load %arg15[%get3A_201] {strides = array<i32>} : memref<128xi32, #tpu.memory_space<vmem>>, vector<16xi32>,
          %get3A_203 = vector.shape_cast %get3A_202 : vector<16xi32> to vector<16xi32>
          %add3A_204 = vector.broadcast %mul3A_13 : i32 to vector<16xi32>
          %add3A_205 = arith.addi %get3A_203, %add3A_204 : vector<16xi32>
          %swap3A_206 = arith.constant 64 : index
          %swap3A_207 = tpu.vector_load %arg15[%swap3A_206] {strides = array<i32>} : memref<128xi32, #tpu.memory_space<vmem>>, vector<16xi32>,
          %swap3A_208 = vector.shape_cast %swap3A_207 : vector<16xi32> to vector<16xi32>
          %swap3A_209 = vector.shape_cast %add3A_205 : vector<16xi32> to vector<16xi32>
          tpu.vector_store %arg15[%swap3A_206], %swap3A_209 {strides = array<i32>} : memref<128xi32, #tpu.memory_space<vmem>>, vector<16xi32>,
          %get3A_210 = arith.constant 80 : index
          %get3A_211 = tpu.vector_load %arg15[%get3A_210] {strides = array<i32>} : memref<128xi32, #tpu.memory_space<vmem>>, vector<16xi32>,
          %get3A_212 = vector.shape_cast %get3A_211 : vector<16xi32> to vector<16xi32>
          %add3A_213 = vector.broadcast %mul3A_13 : i32 to vector<16xi32>
          %add3A_214 = arith.addi %get3A_212, %add3A_213 : vector<16xi32>
          %swap3A_215 = arith.constant 80 : index
          %swap3A_216 = tpu.vector_load %arg15[%swap3A_215] {strides = array<i32>} : memref<128xi32, #tpu.memory_space<vmem>>, vector<16xi32>,
          %swap3A_217 = vector.shape_cast %swap3A_216 : vector<16xi32> to vector<16xi32>
          %swap3A_218 = vector.shape_cast %add3A_214 : vector<16xi32> to vector<16xi32>
          tpu.vector_store %arg15[%swap3A_215], %swap3A_218 {strides = array<i32>} : memref<128xi32, #tpu.memory_space<vmem>>, vector<16xi32>,
          %get3A_219 = arith.constant 96 : index
          %get3A_220 = tpu.vector_load %arg15[%get3A_219] {strides = array<i32>} : memref<128xi32, #tpu.memory_space<vmem>>, vector<16xi32>,
          %get3A_221 = vector.shape_cast %get3A_220 : vector<16xi32> to vector<16xi32>
          %add3A_222 = vector.broadcast %mul3A_13 : i32 to vector<16xi32>
          %add3A_223 = arith.addi %get3A_221, %add3A_222 : vector<16xi32>
          %swap3A_224 = arith.constant 96 : index
          %swap3A_225 = tpu.vector_load %arg15[%swap3A_224] {strides = array<i32>} : memref<128xi32, #tpu.memory_space<vmem>>, vector<16xi32>,
          %swap3A_226 = vector.shape_cast %swap3A_225 : vector<16xi32> to vector<16xi32>
          %swap3A_227 = vector.shape_cast %add3A_223 : vector<16xi32> to vector<16xi32>
          tpu.vector_store %arg15[%swap3A_224], %swap3A_227 {strides = array<i32>} : memref<128xi32, #tpu.memory_space<vmem>>, vector<16xi32>,
          %get3A_228 = arith.constant 112 : index
          %get3A_229 = tpu.vector_load %arg15[%get3A_228] {strides = array<i32>} : memref<128xi32, #tpu.memory_space<vmem>>, vector<16xi32>,
          %get3A_230 = vector.shape_cast %get3A_229 : vector<16xi32> to vector<16xi32>
          %add3A_231 = vector.broadcast %mul3A_13 : i32 to vector<16xi32>
          %add3A_232 = arith.addi %get3A_230, %add3A_231 : vector<16xi32>
          %swap3A_233 = arith.constant 112 : index
          %swap3A_234 = tpu.vector_load %arg15[%swap3A_233] {strides = array<i32>} : memref<128xi32, #tpu.memory_space<vmem>>, vector<16xi32>,
          %swap3A_235 = vector.shape_cast %swap3A_234 : vector<16xi32> to vector<16xi32>
          %swap3A_236 = vector.shape_cast %add3A_232 : vector<16xi32> to vector<16xi32>
          tpu.vector_store %arg15[%swap3A_233], %swap3A_236 {strides = array<i32>} : memref<128xi32, #tpu.memory_space<vmem>>, vector<16xi32>,
          %dma_start3A_237 = arith.constant 0 : i32
          %dma_start3A_238 = arith.constant 0 : i32
          %dma_start3A_239 = tpu.memref_slice %arg2[%dma_start3A_237, %dma_start3A_238] : memref<200000x32xf32, #tpu.memory_space<hbm>> -> memref<200000x32xf32, #tpu.memory_space<hbm>>
          tpu.enqueue_indirect_dma source(%dma_start3A_239 : memref<200000x32xf32, #tpu.memory_space<hbm>>) target(%arg21 : memref<128x32xf32, #tpu.memory_space<vmem>>) offsets(%arg15 : memref<128xi32, #tpu.memory_space<vmem>>) semaphore(%arg29 : memref<!tpu.dma_semaphore, #tpu.memory_space<semaphore_mem>>)
        } else {
        }
        %convert_element_type3A_41 = arith.extui %ne3A_16 : i1 to i32
        %cond3A_42 = arith.constant 0 : i32
        %cond3A_43 = arith.cmpi ne, %convert_element_type3A_41, %cond3A_42 : i32
        scf.if %cond3A_43 {
          %dma_wait3A_167 = arith.constant 0 : i32
          %dma_wait3A_168 = arith.constant 0 : i32
          %dma_wait3A_169 = tpu.memref_slice %arg2[%dma_wait3A_167, %dma_wait3A_168] : memref<200000x32xf32, #tpu.memory_space<hbm>> -> memref<200000x32xf32, #tpu.memory_space<hbm>>
          tpu.wait_indirect_dma semaphore(%arg29 : memref<!tpu.dma_semaphore, #tpu.memory_space<semaphore_mem>>) src(%dma_wait3A_169 : memref<200000x32xf32, #tpu.memory_space<hbm>>) dst(%arg21 : memref<128x32xf32, #tpu.memory_space<vmem>>)
        } else {
        }
        %dma_wait3A_44 = arith.constant 0 : i32
        %dma_wait3A_45 = tpu.memref_slice %arg4[%dma_wait3A_44] : memref<600064xi32, #tpu.memory_space<hbm>> -> memref<256xi32, #tpu.memory_space<hbm>>
        %dma_wait3A_46 = arith.constant 0 : i32
        %dma_wait3A_47 = tpu.memref_slice %arg4[%dma_wait3A_46] : memref<600064xi32, #tpu.memory_space<hbm>> -> memref<256xi32, #tpu.memory_space<hbm>>
        tpu.wait_dma2 semaphore(%arg27 : memref<!tpu.dma_semaphore, #tpu.memory_space<semaphore_mem>>) src(%dma_wait3A_47 : memref<256xi32, #tpu.memory_space<hbm>>) dst(%arg25 : memref<256xi32, #tpu.memory_space<vmem>>)
        %convert_element_type3A_48 = arith.extui %ne3A_16 : i1 to i32
        %cond3A_49 = arith.constant 0 : i32
        %cond3A_50 = arith.cmpi ne, %convert_element_type3A_48, %cond3A_49 : i32
        scf.if %cond3A_50 {
          %get3A = arith.constant 0 : index
          %get3A_167 = tpu.vector_load %arg16[%get3A] {strides = array<i32>} : memref<128xi32, #tpu.memory_space<vmem>>, vector<16xi32>,
          %get3A_168 = vector.shape_cast %get3A_167 : vector<16xi32> to vector<16xi32>
          %add3A_169 = vector.broadcast %mul3A_13 : i32 to vector<16xi32>
          %add3A_170 = arith.addi %get3A_168, %add3A_169 : vector<16xi32>
          %swap3A = arith.constant 0 : index
          %swap3A_171 = tpu.vector_load %arg16[%swap3A] {strides = array<i32>} : memref<128xi32, #tpu.memory_space<vmem>>, vector<16xi32>,
          %swap3A_172 = vector.shape_cast %swap3A_171 : vector<16xi32> to vector<16xi32>
          %swap3A_173 = vector.shape_cast %add3A_170 : vector<16xi32> to vector<16xi32>
          tpu.vector_store %arg16[%swap3A], %swap3A_173 {strides = array<i32>} : memref<128xi32, #tpu.memory_space<vmem>>, vector<16xi32>,
          %get3A_174 = arith.constant 16 : index
          %get3A_175 = tpu.vector_load %arg16[%get3A_174] {strides = array<i32>} : memref<128xi32, #tpu.memory_space<vmem>>, vector<16xi32>,
          %get3A_176 = vector.shape_cast %get3A_175 : vector<16xi32> to vector<16xi32>
          %add3A_177 = vector.broadcast %mul3A_13 : i32 to vector<16xi32>
          %add3A_178 = arith.addi %get3A_176, %add3A_177 : vector<16xi32>
          %swap3A_179 = arith.constant 16 : index
          %swap3A_180 = tpu.vector_load %arg16[%swap3A_179] {strides = array<i32>} : memref<128xi32, #tpu.memory_space<vmem>>, vector<16xi32>,
          %swap3A_181 = vector.shape_cast %swap3A_180 : vector<16xi32> to vector<16xi32>
          %swap3A_182 = vector.shape_cast %add3A_178 : vector<16xi32> to vector<16xi32>
          tpu.vector_store %arg16[%swap3A_179], %swap3A_182 {strides = array<i32>} : memref<128xi32, #tpu.memory_space<vmem>>, vector<16xi32>,
          %get3A_183 = arith.constant 32 : index
          %get3A_184 = tpu.vector_load %arg16[%get3A_183] {strides = array<i32>} : memref<128xi32, #tpu.memory_space<vmem>>, vector<16xi32>,
          %get3A_185 = vector.shape_cast %get3A_184 : vector<16xi32> to vector<16xi32>
          %add3A_186 = vector.broadcast %mul3A_13 : i32 to vector<16xi32>
          %add3A_187 = arith.addi %get3A_185, %add3A_186 : vector<16xi32>
          %swap3A_188 = arith.constant 32 : index
          %swap3A_189 = tpu.vector_load %arg16[%swap3A_188] {strides = array<i32>} : memref<128xi32, #tpu.memory_space<vmem>>, vector<16xi32>,
          %swap3A_190 = vector.shape_cast %swap3A_189 : vector<16xi32> to vector<16xi32>
          %swap3A_191 = vector.shape_cast %add3A_187 : vector<16xi32> to vector<16xi32>
          tpu.vector_store %arg16[%swap3A_188], %swap3A_191 {strides = array<i32>} : memref<128xi32, #tpu.memory_space<vmem>>, vector<16xi32>,
          %get3A_192 = arith.constant 48 : index
          %get3A_193 = tpu.vector_load %arg16[%get3A_192] {strides = array<i32>} : memref<128xi32, #tpu.memory_space<vmem>>, vector<16xi32>,
          %get3A_194 = vector.shape_cast %get3A_193 : vector<16xi32> to vector<16xi32>
          %add3A_195 = vector.broadcast %mul3A_13 : i32 to vector<16xi32>
          %add3A_196 = arith.addi %get3A_194, %add3A_195 : vector<16xi32>
          %swap3A_197 = arith.constant 48 : index
          %swap3A_198 = tpu.vector_load %arg16[%swap3A_197] {strides = array<i32>} : memref<128xi32, #tpu.memory_space<vmem>>, vector<16xi32>,
          %swap3A_199 = vector.shape_cast %swap3A_198 : vector<16xi32> to vector<16xi32>
          %swap3A_200 = vector.shape_cast %add3A_196 : vector<16xi32> to vector<16xi32>
          tpu.vector_store %arg16[%swap3A_197], %swap3A_200 {strides = array<i32>} : memref<128xi32, #tpu.memory_space<vmem>>, vector<16xi32>,
          %get3A_201 = arith.constant 64 : index
          %get3A_202 = tpu.vector_load %arg16[%get3A_201] {strides = array<i32>} : memref<128xi32, #tpu.memory_space<vmem>>, vector<16xi32>,
          %get3A_203 = vector.shape_cast %get3A_202 : vector<16xi32> to vector<16xi32>
          %add3A_204 = vector.broadcast %mul3A_13 : i32 to vector<16xi32>
          %add3A_205 = arith.addi %get3A_203, %add3A_204 : vector<16xi32>
          %swap3A_206 = arith.constant 64 : index
          %swap3A_207 = tpu.vector_load %arg16[%swap3A_206] {strides = array<i32>} : memref<128xi32, #tpu.memory_space<vmem>>, vector<16xi32>,
          %swap3A_208 = vector.shape_cast %swap3A_207 : vector<16xi32> to vector<16xi32>
          %swap3A_209 = vector.shape_cast %add3A_205 : vector<16xi32> to vector<16xi32>
          tpu.vector_store %arg16[%swap3A_206], %swap3A_209 {strides = array<i32>} : memref<128xi32, #tpu.memory_space<vmem>>, vector<16xi32>,
          %get3A_210 = arith.constant 80 : index
          %get3A_211 = tpu.vector_load %arg16[%get3A_210] {strides = array<i32>} : memref<128xi32, #tpu.memory_space<vmem>>, vector<16xi32>,
          %get3A_212 = vector.shape_cast %get3A_211 : vector<16xi32> to vector<16xi32>
          %add3A_213 = vector.broadcast %mul3A_13 : i32 to vector<16xi32>
          %add3A_214 = arith.addi %get3A_212, %add3A_213 : vector<16xi32>
          %swap3A_215 = arith.constant 80 : index
          %swap3A_216 = tpu.vector_load %arg16[%swap3A_215] {strides = array<i32>} : memref<128xi32, #tpu.memory_space<vmem>>, vector<16xi32>,
          %swap3A_217 = vector.shape_cast %swap3A_216 : vector<16xi32> to vector<16xi32>
          %swap3A_218 = vector.shape_cast %add3A_214 : vector<16xi32> to vector<16xi32>
          tpu.vector_store %arg16[%swap3A_215], %swap3A_218 {strides = array<i32>} : memref<128xi32, #tpu.memory_space<vmem>>, vector<16xi32>,
          %get3A_219 = arith.constant 96 : index
          %get3A_220 = tpu.vector_load %arg16[%get3A_219] {strides = array<i32>} : memref<128xi32, #tpu.memory_space<vmem>>, vector<16xi32>,
          %get3A_221 = vector.shape_cast %get3A_220 : vector<16xi32> to vector<16xi32>
          %add3A_222 = vector.broadcast %mul3A_13 : i32 to vector<16xi32>
          %add3A_223 = arith.addi %get3A_221, %add3A_222 : vector<16xi32>
          %swap3A_224 = arith.constant 96 : index
          %swap3A_225 = tpu.vector_load %arg16[%swap3A_224] {strides = array<i32>} : memref<128xi32, #tpu.memory_space<vmem>>, vector<16xi32>,
          %swap3A_226 = vector.shape_cast %swap3A_225 : vector<16xi32> to vector<16xi32>
          %swap3A_227 = vector.shape_cast %add3A_223 : vector<16xi32> to vector<16xi32>
          tpu.vector_store %arg16[%swap3A_224], %swap3A_227 {strides = array<i32>} : memref<128xi32, #tpu.memory_space<vmem>>, vector<16xi32>,
          %get3A_228 = arith.constant 112 : index
          %get3A_229 = tpu.vector_load %arg16[%get3A_228] {strides = array<i32>} : memref<128xi32, #tpu.memory_space<vmem>>, vector<16xi32>,
          %get3A_230 = vector.shape_cast %get3A_229 : vector<16xi32> to vector<16xi32>
          %add3A_231 = vector.broadcast %mul3A_13 : i32 to vector<16xi32>
          %add3A_232 = arith.addi %get3A_230, %add3A_231 : vector<16xi32>
          %swap3A_233 = arith.constant 112 : index
          %swap3A_234 = tpu.vector_load %arg16[%swap3A_233] {strides = array<i32>} : memref<128xi32, #tpu.memory_space<vmem>>, vector<16xi32>,
          %swap3A_235 = vector.shape_cast %swap3A_234 : vector<16xi32> to vector<16xi32>
          %swap3A_236 = vector.shape_cast %add3A_232 : vector<16xi32> to vector<16xi32>
          tpu.vector_store %arg16[%swap3A_233], %swap3A_236 {strides = array<i32>} : memref<128xi32, #tpu.memory_space<vmem>>, vector<16xi32>,
          %dma_start3A_237 = arith.constant 0 : i32
          %dma_start3A_238 = arith.constant 0 : i32
          %dma_start3A_239 = tpu.memref_slice %arg2[%dma_start3A_237, %dma_start3A_238] : memref<200000x32xf32, #tpu.memory_space<hbm>> -> memref<200000x32xf32, #tpu.memory_space<hbm>>
          tpu.enqueue_indirect_dma source(%dma_start3A_239 : memref<200000x32xf32, #tpu.memory_space<hbm>>) target(%arg22 : memref<128x32xf32, #tpu.memory_space<vmem>>) offsets(%arg16 : memref<128xi32, #tpu.memory_space<vmem>>) semaphore(%arg29 : memref<!tpu.dma_semaphore, #tpu.memory_space<semaphore_mem>>)
        } else {
        }
        %convert_element_type3A_51 = arith.extui %ne3A_16 : i1 to i32
        %cond3A_52 = arith.constant 0 : i32
        %cond3A_53 = arith.cmpi ne, %convert_element_type3A_51, %cond3A_52 : i32
        scf.if %cond3A_53 {
          %dma_start3A_167 = arith.constant 0 : i32
          %dma_start3A_168 = arith.constant 0 : i32
          %dma_start3A_169 = tpu.memref_slice %arg14[%dma_start3A_167, %dma_start3A_168] : memref<51200x32xf32, #tpu.memory_space<vmem_shared>> -> memref<51200x32xf32, #tpu.memory_space<vmem_shared>>
          tpu.enqueue_indirect_dma source(%arg21 : memref<128x32xf32, #tpu.memory_space<vmem>>) target(%dma_start3A_169 : memref<51200x32xf32, #tpu.memory_space<vmem_shared>>) offsets(%arg18 : memref<128xi32, #tpu.memory_space<vmem>>) semaphore(%arg30 : memref<!tpu.dma_semaphore, #tpu.memory_space<semaphore_mem>>) {add = true}
        } else {
        }
        %convert_element_type3A_54 = arith.extui %eq3A_15 : i1 to i32
        %cond3A_55 = arith.constant 0 : i32
        %cond3A_56 = arith.cmpi ne, %convert_element_type3A_54, %cond3A_55 : i32
        scf.if %cond3A_56 {
          %dma_start3A_167 = arith.constant 0 : i32
          %dma_start3A_168 = arith.constant 0 : i32
          %dma_start3A_169 = tpu.memref_slice %arg14[%dma_start3A_167, %dma_start3A_168] : memref<51200x32xf32, #tpu.memory_space<vmem_shared>> -> memref<51200x32xf32, #tpu.memory_space<vmem_shared>>
          tpu.enqueue_indirect_dma source(%arg24 : memref<128x32xf32, #tpu.memory_space<vmem>>) target(%dma_start3A_169 : memref<51200x32xf32, #tpu.memory_space<vmem_shared>>) offsets(%arg18 : memref<128xi32, #tpu.memory_space<vmem>>) semaphore(%arg30 : memref<!tpu.dma_semaphore, #tpu.memory_space<semaphore_mem>>) {add = true}
        } else {
        }
        %add3A_57 = arith.constant 32 : i32
        %add3A_58 = arith.addi %add3A_57, %arg1 : i32
        %mul3A_59 = arith.constant 128 : i32
        %mul3A_60 = arith.muli %add3A_58, %mul3A_59 : i32
        %dma_start3A_61 = tpu.memref_slice %arg4[%mul3A_60] : memref<600064xi32, #tpu.memory_space<hbm>> -> memref<128xi32, #tpu.memory_space<hbm>>
        %dma_start3A_62 = tpu.memref_slice %arg4[%mul3A_60] : memref<600064xi32, #tpu.memory_space<hbm>> -> memref<128xi32, #tpu.memory_space<hbm>>
        tpu.enqueue_dma source(%dma_start3A_62 : memref<128xi32, #tpu.memory_space<hbm>>) target(%arg17 : memref<128xi32, #tpu.memory_space<vmem>>) target_semaphore(%arg28 : memref<!tpu.dma_semaphore, #tpu.memory_space<semaphore_mem>>)
        %dma_start3A_63 = tpu.memref_slice %arg5[%mul3A_60] : memref<600064xi32, #tpu.memory_space<hbm>> -> memref<128xi32, #tpu.memory_space<hbm>>
        %dma_start3A_64 = tpu.memref_slice %arg5[%mul3A_60] : memref<600064xi32, #tpu.memory_space<hbm>> -> memref<128xi32, #tpu.memory_space<hbm>>
        tpu.enqueue_dma source(%dma_start3A_64 : memref<128xi32, #tpu.memory_space<hbm>>) target(%arg20 : memref<128xi32, #tpu.memory_space<vmem>>) target_semaphore(%arg28 : memref<!tpu.dma_semaphore, #tpu.memory_space<semaphore_mem>>)
        %convert_element_type3A_65 = arith.extui %ne3A_16 : i1 to i32
        %cond3A_66 = arith.constant 0 : i32
        %cond3A_67 = arith.cmpi ne, %convert_element_type3A_65, %cond3A_66 : i32
        scf.if %cond3A_67 {
          %dma_wait3A_167 = arith.constant 0 : i32
          %dma_wait3A_168 = arith.constant 0 : i32
          %dma_wait3A_169 = tpu.memref_slice %arg2[%dma_wait3A_167, %dma_wait3A_168] : memref<200000x32xf32, #tpu.memory_space<hbm>> -> memref<200000x32xf32, #tpu.memory_space<hbm>>
          tpu.wait_indirect_dma semaphore(%arg29 : memref<!tpu.dma_semaphore, #tpu.memory_space<semaphore_mem>>) src(%dma_wait3A_169 : memref<200000x32xf32, #tpu.memory_space<hbm>>) dst(%arg22 : memref<128x32xf32, #tpu.memory_space<vmem>>)
        } else {
        }
        %dma_wait3A_68 = arith.constant 0 : i32
        %dma_wait3A_69 = tpu.memref_slice %arg4[%dma_wait3A_68] : memref<600064xi32, #tpu.memory_space<hbm>> -> memref<256xi32, #tpu.memory_space<hbm>>
        %dma_wait3A_70 = arith.constant 0 : i32
        %dma_wait3A_71 = tpu.memref_slice %arg4[%dma_wait3A_70] : memref<600064xi32, #tpu.memory_space<hbm>> -> memref<256xi32, #tpu.memory_space<hbm>>
        tpu.wait_dma2 semaphore(%arg28 : memref<!tpu.dma_semaphore, #tpu.memory_space<semaphore_mem>>) src(%dma_wait3A_71 : memref<256xi32, #tpu.memory_space<hbm>>) dst(%arg25 : memref<256xi32, #tpu.memory_space<vmem>>)
        %convert_element_type3A_72 = arith.extui %ne3A_16 : i1 to i32
        %cond3A_73 = arith.constant 0 : i32
        %cond3A_74 = arith.cmpi ne, %convert_element_type3A_72, %cond3A_73 : i32
        scf.if %cond3A_74 {
          %get3A = arith.constant 0 : index
          %get3A_167 = tpu.vector_load %arg17[%get3A] {strides = array<i32>} : memref<128xi32, #tpu.memory_space<vmem>>, vector<16xi32>,
          %get3A_168 = vector.shape_cast %get3A_167 : vector<16xi32> to vector<16xi32>
          %add3A_169 = vector.broadcast %mul3A_13 : i32 to vector<16xi32>
          %add3A_170 = arith.addi %get3A_168, %add3A_169 : vector<16xi32>
          %swap3A = arith.constant 0 : index
          %swap3A_171 = tpu.vector_load %arg17[%swap3A] {strides = array<i32>} : memref<128xi32, #tpu.memory_space<vmem>>, vector<16xi32>,
          %swap3A_172 = vector.shape_cast %swap3A_171 : vector<16xi32> to vector<16xi32>
          %swap3A_173 = vector.shape_cast %add3A_170 : vector<16xi32> to vector<16xi32>
          tpu.vector_store %arg17[%swap3A], %swap3A_173 {strides = array<i32>} : memref<128xi32, #tpu.memory_space<vmem>>, vector<16xi32>,
          %get3A_174 = arith.constant 16 : index
          %get3A_175 = tpu.vector_load %arg17[%get3A_174] {strides = array<i32>} : memref<128xi32, #tpu.memory_space<vmem>>, vector<16xi32>,
          %get3A_176 = vector.shape_cast %get3A_175 : vector<16xi32> to vector<16xi32>
          %add3A_177 = vector.broadcast %mul3A_13 : i32 to vector<16xi32>
          %add3A_178 = arith.addi %get3A_176, %add3A_177 : vector<16xi32>
          %swap3A_179 = arith.constant 16 : index
          %swap3A_180 = tpu.vector_load %arg17[%swap3A_179] {strides = array<i32>} : memref<128xi32, #tpu.memory_space<vmem>>, vector<16xi32>,
          %swap3A_181 = vector.shape_cast %swap3A_180 : vector<16xi32> to vector<16xi32>
          %swap3A_182 = vector.shape_cast %add3A_178 : vector<16xi32> to vector<16xi32>
          tpu.vector_store %arg17[%swap3A_179], %swap3A_182 {strides = array<i32>} : memref<128xi32, #tpu.memory_space<vmem>>, vector<16xi32>,
          %get3A_183 = arith.constant 32 : index
          %get3A_184 = tpu.vector_load %arg17[%get3A_183] {strides = array<i32>} : memref<128xi32, #tpu.memory_space<vmem>>, vector<16xi32>,
          %get3A_185 = vector.shape_cast %get3A_184 : vector<16xi32> to vector<16xi32>
          %add3A_186 = vector.broadcast %mul3A_13 : i32 to vector<16xi32>
          %add3A_187 = arith.addi %get3A_185, %add3A_186 : vector<16xi32>
          %swap3A_188 = arith.constant 32 : index
          %swap3A_189 = tpu.vector_load %arg17[%swap3A_188] {strides = array<i32>} : memref<128xi32, #tpu.memory_space<vmem>>, vector<16xi32>,
          %swap3A_190 = vector.shape_cast %swap3A_189 : vector<16xi32> to vector<16xi32>
          %swap3A_191 = vector.shape_cast %add3A_187 : vector<16xi32> to vector<16xi32>
          tpu.vector_store %arg17[%swap3A_188], %swap3A_191 {strides = array<i32>} : memref<128xi32, #tpu.memory_space<vmem>>, vector<16xi32>,
          %get3A_192 = arith.constant 48 : index
          %get3A_193 = tpu.vector_load %arg17[%get3A_192] {strides = array<i32>} : memref<128xi32, #tpu.memory_space<vmem>>, vector<16xi32>,
          %get3A_194 = vector.shape_cast %get3A_193 : vector<16xi32> to vector<16xi32>
          %add3A_195 = vector.broadcast %mul3A_13 : i32 to vector<16xi32>
          %add3A_196 = arith.addi %get3A_194, %add3A_195 : vector<16xi32>
          %swap3A_197 = arith.constant 48 : index
          %swap3A_198 = tpu.vector_load %arg17[%swap3A_197] {strides = array<i32>} : memref<128xi32, #tpu.memory_space<vmem>>, vector<16xi32>,
          %swap3A_199 = vector.shape_cast %swap3A_198 : vector<16xi32> to vector<16xi32>
          %swap3A_200 = vector.shape_cast %add3A_196 : vector<16xi32> to vector<16xi32>
          tpu.vector_store %arg17[%swap3A_197], %swap3A_200 {strides = array<i32>} : memref<128xi32, #tpu.memory_space<vmem>>, vector<16xi32>,
          %get3A_201 = arith.constant 64 : index
          %get3A_202 = tpu.vector_load %arg17[%get3A_201] {strides = array<i32>} : memref<128xi32, #tpu.memory_space<vmem>>, vector<16xi32>,
          %get3A_203 = vector.shape_cast %get3A_202 : vector<16xi32> to vector<16xi32>
          %add3A_204 = vector.broadcast %mul3A_13 : i32 to vector<16xi32>
          %add3A_205 = arith.addi %get3A_203, %add3A_204 : vector<16xi32>
          %swap3A_206 = arith.constant 64 : index
          %swap3A_207 = tpu.vector_load %arg17[%swap3A_206] {strides = array<i32>} : memref<128xi32, #tpu.memory_space<vmem>>, vector<16xi32>,
          %swap3A_208 = vector.shape_cast %swap3A_207 : vector<16xi32> to vector<16xi32>
          %swap3A_209 = vector.shape_cast %add3A_205 : vector<16xi32> to vector<16xi32>
          tpu.vector_store %arg17[%swap3A_206], %swap3A_209 {strides = array<i32>} : memref<128xi32, #tpu.memory_space<vmem>>, vector<16xi32>,
          %get3A_210 = arith.constant 80 : index
          %get3A_211 = tpu.vector_load %arg17[%get3A_210] {strides = array<i32>} : memref<128xi32, #tpu.memory_space<vmem>>, vector<16xi32>,
          %get3A_212 = vector.shape_cast %get3A_211 : vector<16xi32> to vector<16xi32>
          %add3A_213 = vector.broadcast %mul3A_13 : i32 to vector<16xi32>
          %add3A_214 = arith.addi %get3A_212, %add3A_213 : vector<16xi32>
          %swap3A_215 = arith.constant 80 : index
          %swap3A_216 = tpu.vector_load %arg17[%swap3A_215] {strides = array<i32>} : memref<128xi32, #tpu.memory_space<vmem>>, vector<16xi32>,
          %swap3A_217 = vector.shape_cast %swap3A_216 : vector<16xi32> to vector<16xi32>
          %swap3A_218 = vector.shape_cast %add3A_214 : vector<16xi32> to vector<16xi32>
          tpu.vector_store %arg17[%swap3A_215], %swap3A_218 {strides = array<i32>} : memref<128xi32, #tpu.memory_space<vmem>>, vector<16xi32>,
          %get3A_219 = arith.constant 96 : index
          %get3A_220 = tpu.vector_load %arg17[%get3A_219] {strides = array<i32>} : memref<128xi32, #tpu.memory_space<vmem>>, vector<16xi32>,
          %get3A_221 = vector.shape_cast %get3A_220 : vector<16xi32> to vector<16xi32>
          %add3A_222 = vector.broadcast %mul3A_13 : i32 to vector<16xi32>
          %add3A_223 = arith.addi %get3A_221, %add3A_222 : vector<16xi32>
          %swap3A_224 = arith.constant 96 : index
          %swap3A_225 = tpu.vector_load %arg17[%swap3A_224] {strides = array<i32>} : memref<128xi32, #tpu.memory_space<vmem>>, vector<16xi32>,
          %swap3A_226 = vector.shape_cast %swap3A_225 : vector<16xi32> to vector<16xi32>
          %swap3A_227 = vector.shape_cast %add3A_223 : vector<16xi32> to vector<16xi32>
          tpu.vector_store %arg17[%swap3A_224], %swap3A_227 {strides = array<i32>} : memref<128xi32, #tpu.memory_space<vmem>>, vector<16xi32>,
          %get3A_228 = arith.constant 112 : index
          %get3A_229 = tpu.vector_load %arg17[%get3A_228] {strides = array<i32>} : memref<128xi32, #tpu.memory_space<vmem>>, vector<16xi32>,
          %get3A_230 = vector.shape_cast %get3A_229 : vector<16xi32> to vector<16xi32>
          %add3A_231 = vector.broadcast %mul3A_13 : i32 to vector<16xi32>
          %add3A_232 = arith.addi %get3A_230, %add3A_231 : vector<16xi32>
          %swap3A_233 = arith.constant 112 : index
          %swap3A_234 = tpu.vector_load %arg17[%swap3A_233] {strides = array<i32>} : memref<128xi32, #tpu.memory_space<vmem>>, vector<16xi32>,
          %swap3A_235 = vector.shape_cast %swap3A_234 : vector<16xi32> to vector<16xi32>
          %swap3A_236 = vector.shape_cast %add3A_232 : vector<16xi32> to vector<16xi32>
          tpu.vector_store %arg17[%swap3A_233], %swap3A_236 {strides = array<i32>} : memref<128xi32, #tpu.memory_space<vmem>>, vector<16xi32>,
          %dma_start3A_237 = arith.constant 0 : i32
          %dma_start3A_238 = arith.constant 0 : i32
          %dma_start3A_239 = tpu.memref_slice %arg2[%dma_start3A_237, %dma_start3A_238] : memref<200000x32xf32, #tpu.memory_space<hbm>> -> memref<200000x32xf32, #tpu.memory_space<hbm>>
          tpu.enqueue_indirect_dma source(%dma_start3A_239 : memref<200000x32xf32, #tpu.memory_space<hbm>>) target(%arg23 : memref<128x32xf32, #tpu.memory_space<vmem>>) offsets(%arg17 : memref<128xi32, #tpu.memory_space<vmem>>) semaphore(%arg29 : memref<!tpu.dma_semaphore, #tpu.memory_space<semaphore_mem>>)
        } else {
        }
        %convert_element_type3A_75 = arith.extui %ne3A_16 : i1 to i32
        %cond3A_76 = arith.constant 0 : i32
        %cond3A_77 = arith.cmpi ne, %convert_element_type3A_75, %cond3A_76 : i32
        scf.if %cond3A_77 {
          %dma_start3A_167 = arith.constant 0 : i32
          %dma_start3A_168 = arith.constant 0 : i32
          %dma_start3A_169 = tpu.memref_slice %arg14[%dma_start3A_167, %dma_start3A_168] : memref<51200x32xf32, #tpu.memory_space<vmem_shared>> -> memref<51200x32xf32, #tpu.memory_space<vmem_shared>>
          tpu.enqueue_indirect_dma source(%arg22 : memref<128x32xf32, #tpu.memory_space<vmem>>) target(%dma_start3A_169 : memref<51200x32xf32, #tpu.memory_space<vmem_shared>>) offsets(%arg19 : memref<128xi32, #tpu.memory_space<vmem>>) semaphore(%arg31 : memref<!tpu.dma_semaphore, #tpu.memory_space<semaphore_mem>>) {add = true}
        } else {
        }
        %convert_element_type3A_78 = arith.extui %eq3A_15 : i1 to i32
        %cond3A_79 = arith.constant 0 : i32
        %cond3A_80 = arith.cmpi ne, %convert_element_type3A_78, %cond3A_79 : i32
        scf.if %cond3A_80 {
          %dma_start3A_167 = arith.constant 0 : i32
          %dma_start3A_168 = arith.constant 0 : i32
          %dma_start3A_169 = tpu.memref_slice %arg14[%dma_start3A_167, %dma_start3A_168] : memref<51200x32xf32, #tpu.memory_space<vmem_shared>> -> memref<51200x32xf32, #tpu.memory_space<vmem_shared>>
          tpu.enqueue_indirect_dma source(%arg24 : memref<128x32xf32, #tpu.memory_space<vmem>>) target(%dma_start3A_169 : memref<51200x32xf32, #tpu.memory_space<vmem_shared>>) offsets(%arg19 : memref<128xi32, #tpu.memory_space<vmem>>) semaphore(%arg31 : memref<!tpu.dma_semaphore, #tpu.memory_space<semaphore_mem>>) {add = true}
        } else {
        }
        %dma_wait3A_81 = arith.constant 0 : i32
        %dma_wait3A_82 = arith.constant 0 : i32
        %dma_wait3A_83 = tpu.memref_slice %arg14[%dma_wait3A_81, %dma_wait3A_82] : memref<51200x32xf32, #tpu.memory_space<vmem_shared>> -> memref<51200x32xf32, #tpu.memory_space<vmem_shared>>
        tpu.wait_indirect_dma semaphore(%arg30 : memref<!tpu.dma_semaphore, #tpu.memory_space<semaphore_mem>>) src(%arg21 : memref<128x32xf32, #tpu.memory_space<vmem>>) dst(%dma_wait3A_83 : memref<51200x32xf32, #tpu.memory_space<vmem_shared>>)
        %add3A_84 = arith.constant 48 : i32
        %add3A_85 = arith.addi %add3A_84, %arg1 : i32
        %mul3A_86 = arith.constant 128 : i32
        %mul3A_87 = arith.muli %add3A_85, %mul3A_86 : i32
        %dma_start3A_88 = tpu.memref_slice %arg4[%mul3A_87] : memref<600064xi32, #tpu.memory_space<hbm>> -> memref<128xi32, #tpu.memory_space<hbm>>
        %dma_start3A_89 = tpu.memref_slice %arg4[%mul3A_87] : memref<600064xi32, #tpu.memory_space<hbm>> -> memref<128xi32, #tpu.memory_space<hbm>>
        tpu.enqueue_dma source(%dma_start3A_89 : memref<128xi32, #tpu.memory_space<hbm>>) target(%arg15 : memref<128xi32, #tpu.memory_space<vmem>>) target_semaphore(%arg26 : memref<!tpu.dma_semaphore, #tpu.memory_space<semaphore_mem>>)
        %dma_start3A_90 = tpu.memref_slice %arg5[%mul3A_87] : memref<600064xi32, #tpu.memory_space<hbm>> -> memref<128xi32, #tpu.memory_space<hbm>>
        %dma_start3A_91 = tpu.memref_slice %arg5[%mul3A_87] : memref<600064xi32, #tpu.memory_space<hbm>> -> memref<128xi32, #tpu.memory_space<hbm>>
        tpu.enqueue_dma source(%dma_start3A_91 : memref<128xi32, #tpu.memory_space<hbm>>) target(%arg18 : memref<128xi32, #tpu.memory_space<vmem>>) target_semaphore(%arg26 : memref<!tpu.dma_semaphore, #tpu.memory_space<semaphore_mem>>)
        %convert_element_type3A_92 = arith.extui %ne3A_16 : i1 to i32
        %cond3A_93 = arith.constant 0 : i32
        %cond3A_94 = arith.cmpi ne, %convert_element_type3A_92, %cond3A_93 : i32
        scf.if %cond3A_94 {
          %dma_wait3A_167 = arith.constant 0 : i32
          %dma_wait3A_168 = arith.constant 0 : i32
          %dma_wait3A_169 = tpu.memref_slice %arg2[%dma_wait3A_167, %dma_wait3A_168] : memref<200000x32xf32, #tpu.memory_space<hbm>> -> memref<200000x32xf32, #tpu.memory_space<hbm>>
          tpu.wait_indirect_dma semaphore(%arg29 : memref<!tpu.dma_semaphore, #tpu.memory_space<semaphore_mem>>) src(%dma_wait3A_169 : memref<200000x32xf32, #tpu.memory_space<hbm>>) dst(%arg23 : memref<128x32xf32, #tpu.memory_space<vmem>>)
        } else {
        }
        %dma_wait3A_95 = arith.constant 0 : i32
        %dma_wait3A_96 = tpu.memref_slice %arg4[%dma_wait3A_95] : memref<600064xi32, #tpu.memory_space<hbm>> -> memref<256xi32, #tpu.memory_space<hbm>>
        %dma_wait3A_97 = arith.constant 0 : i32
        %dma_wait3A_98 = tpu.memref_slice %arg4[%dma_wait3A_97] : memref<600064xi32, #tpu.memory_space<hbm>> -> memref<256xi32, #tpu.memory_space<hbm>>
        tpu.wait_dma2 semaphore(%arg26 : memref<!tpu.dma_semaphore, #tpu.memory_space<semaphore_mem>>) src(%dma_wait3A_98 : memref<256xi32, #tpu.memory_space<hbm>>) dst(%arg25 : memref<256xi32, #tpu.memory_space<vmem>>)
        %convert_element_type3A_99 = arith.extui %ne3A_16 : i1 to i32
        %cond3A_100 = arith.constant 0 : i32
        %cond3A_101 = arith.cmpi ne, %convert_element_type3A_99, %cond3A_100 : i32
        scf.if %cond3A_101 {
          %get3A = arith.constant 0 : index
          %get3A_167 = tpu.vector_load %arg15[%get3A] {strides = array<i32>} : memref<128xi32, #tpu.memory_space<vmem>>, vector<16xi32>,
          %get3A_168 = vector.shape_cast %get3A_167 : vector<16xi32> to vector<16xi32>
          %add3A_169 = vector.broadcast %mul3A_13 : i32 to vector<16xi32>
          %add3A_170 = arith.addi %get3A_168, %add3A_169 : vector<16xi32>
          %swap3A = arith.constant 0 : index
          %swap3A_171 = tpu.vector_load %arg15[%swap3A] {strides = array<i32>} : memref<128xi32, #tpu.memory_space<vmem>>, vector<16xi32>,
          %swap3A_172 = vector.shape_cast %swap3A_171 : vector<16xi32> to vector<16xi32>
          %swap3A_173 = vector.shape_cast %add3A_170 : vector<16xi32> to vector<16xi32>
          tpu.vector_store %arg15[%swap3A], %swap3A_173 {strides = array<i32>} : memref<128xi32, #tpu.memory_space<vmem>>, vector<16xi32>,
          %get3A_174 = arith.constant 16 : index
          %get3A_175 = tpu.vector_load %arg15[%get3A_174] {strides = array<i32>} : memref<128xi32, #tpu.memory_space<vmem>>, vector<16xi32>,
          %get3A_176 = vector.shape_cast %get3A_175 : vector<16xi32> to vector<16xi32>
          %add3A_177 = vector.broadcast %mul3A_13 : i32 to vector<16xi32>
          %add3A_178 = arith.addi %get3A_176, %add3A_177 : vector<16xi32>
          %swap3A_179 = arith.constant 16 : index
          %swap3A_180 = tpu.vector_load %arg15[%swap3A_179] {strides = array<i32>} : memref<128xi32, #tpu.memory_space<vmem>>, vector<16xi32>,
          %swap3A_181 = vector.shape_cast %swap3A_180 : vector<16xi32> to vector<16xi32>
          %swap3A_182 = vector.shape_cast %add3A_178 : vector<16xi32> to vector<16xi32>
          tpu.vector_store %arg15[%swap3A_179], %swap3A_182 {strides = array<i32>} : memref<128xi32, #tpu.memory_space<vmem>>, vector<16xi32>,
          %get3A_183 = arith.constant 32 : index
          %get3A_184 = tpu.vector_load %arg15[%get3A_183] {strides = array<i32>} : memref<128xi32, #tpu.memory_space<vmem>>, vector<16xi32>,
          %get3A_185 = vector.shape_cast %get3A_184 : vector<16xi32> to vector<16xi32>
          %add3A_186 = vector.broadcast %mul3A_13 : i32 to vector<16xi32>
          %add3A_187 = arith.addi %get3A_185, %add3A_186 : vector<16xi32>
          %swap3A_188 = arith.constant 32 : index
          %swap3A_189 = tpu.vector_load %arg15[%swap3A_188] {strides = array<i32>} : memref<128xi32, #tpu.memory_space<vmem>>, vector<16xi32>,
          %swap3A_190 = vector.shape_cast %swap3A_189 : vector<16xi32> to vector<16xi32>
          %swap3A_191 = vector.shape_cast %add3A_187 : vector<16xi32> to vector<16xi32>
          tpu.vector_store %arg15[%swap3A_188], %swap3A_191 {strides = array<i32>} : memref<128xi32, #tpu.memory_space<vmem>>, vector<16xi32>,
          %get3A_192 = arith.constant 48 : index
          %get3A_193 = tpu.vector_load %arg15[%get3A_192] {strides = array<i32>} : memref<128xi32, #tpu.memory_space<vmem>>, vector<16xi32>,
          %get3A_194 = vector.shape_cast %get3A_193 : vector<16xi32> to vector<16xi32>
          %add3A_195 = vector.broadcast %mul3A_13 : i32 to vector<16xi32>
          %add3A_196 = arith.addi %get3A_194, %add3A_195 : vector<16xi32>
          %swap3A_197 = arith.constant 48 : index
          %swap3A_198 = tpu.vector_load %arg15[%swap3A_197] {strides = array<i32>} : memref<128xi32, #tpu.memory_space<vmem>>, vector<16xi32>,
          %swap3A_199 = vector.shape_cast %swap3A_198 : vector<16xi32> to vector<16xi32>
          %swap3A_200 = vector.shape_cast %add3A_196 : vector<16xi32> to vector<16xi32>
          tpu.vector_store %arg15[%swap3A_197], %swap3A_200 {strides = array<i32>} : memref<128xi32, #tpu.memory_space<vmem>>, vector<16xi32>,
          %get3A_201 = arith.constant 64 : index
          %get3A_202 = tpu.vector_load %arg15[%get3A_201] {strides = array<i32>} : memref<128xi32, #tpu.memory_space<vmem>>, vector<16xi32>,
          %get3A_203 = vector.shape_cast %get3A_202 : vector<16xi32> to vector<16xi32>
          %add3A_204 = vector.broadcast %mul3A_13 : i32 to vector<16xi32>
          %add3A_205 = arith.addi %get3A_203, %add3A_204 : vector<16xi32>
          %swap3A_206 = arith.constant 64 : index
          %swap3A_207 = tpu.vector_load %arg15[%swap3A_206] {strides = array<i32>} : memref<128xi32, #tpu.memory_space<vmem>>, vector<16xi32>,
          %swap3A_208 = vector.shape_cast %swap3A_207 : vector<16xi32> to vector<16xi32>
          %swap3A_209 = vector.shape_cast %add3A_205 : vector<16xi32> to vector<16xi32>
          tpu.vector_store %arg15[%swap3A_206], %swap3A_209 {strides = array<i32>} : memref<128xi32, #tpu.memory_space<vmem>>, vector<16xi32>,
          %get3A_210 = arith.constant 80 : index
          %get3A_211 = tpu.vector_load %arg15[%get3A_210] {strides = array<i32>} : memref<128xi32, #tpu.memory_space<vmem>>, vector<16xi32>,
          %get3A_212 = vector.shape_cast %get3A_211 : vector<16xi32> to vector<16xi32>
          %add3A_213 = vector.broadcast %mul3A_13 : i32 to vector<16xi32>
          %add3A_214 = arith.addi %get3A_212, %add3A_213 : vector<16xi32>
          %swap3A_215 = arith.constant 80 : index
          %swap3A_216 = tpu.vector_load %arg15[%swap3A_215] {strides = array<i32>} : memref<128xi32, #tpu.memory_space<vmem>>, vector<16xi32>,
          %swap3A_217 = vector.shape_cast %swap3A_216 : vector<16xi32> to vector<16xi32>
          %swap3A_218 = vector.shape_cast %add3A_214 : vector<16xi32> to vector<16xi32>
          tpu.vector_store %arg15[%swap3A_215], %swap3A_218 {strides = array<i32>} : memref<128xi32, #tpu.memory_space<vmem>>, vector<16xi32>,
          %get3A_219 = arith.constant 96 : index
          %get3A_220 = tpu.vector_load %arg15[%get3A_219] {strides = array<i32>} : memref<128xi32, #tpu.memory_space<vmem>>, vector<16xi32>,
          %get3A_221 = vector.shape_cast %get3A_220 : vector<16xi32> to vector<16xi32>
          %add3A_222 = vector.broadcast %mul3A_13 : i32 to vector<16xi32>
          %add3A_223 = arith.addi %get3A_221, %add3A_222 : vector<16xi32>
          %swap3A_224 = arith.constant 96 : index
          %swap3A_225 = tpu.vector_load %arg15[%swap3A_224] {strides = array<i32>} : memref<128xi32, #tpu.memory_space<vmem>>, vector<16xi32>,
          %swap3A_226 = vector.shape_cast %swap3A_225 : vector<16xi32> to vector<16xi32>
          %swap3A_227 = vector.shape_cast %add3A_223 : vector<16xi32> to vector<16xi32>
          tpu.vector_store %arg15[%swap3A_224], %swap3A_227 {strides = array<i32>} : memref<128xi32, #tpu.memory_space<vmem>>, vector<16xi32>,
          %get3A_228 = arith.constant 112 : index
          %get3A_229 = tpu.vector_load %arg15[%get3A_228] {strides = array<i32>} : memref<128xi32, #tpu.memory_space<vmem>>, vector<16xi32>,
          %get3A_230 = vector.shape_cast %get3A_229 : vector<16xi32> to vector<16xi32>
          %add3A_231 = vector.broadcast %mul3A_13 : i32 to vector<16xi32>
          %add3A_232 = arith.addi %get3A_230, %add3A_231 : vector<16xi32>
          %swap3A_233 = arith.constant 112 : index
          %swap3A_234 = tpu.vector_load %arg15[%swap3A_233] {strides = array<i32>} : memref<128xi32, #tpu.memory_space<vmem>>, vector<16xi32>,
          %swap3A_235 = vector.shape_cast %swap3A_234 : vector<16xi32> to vector<16xi32>
          %swap3A_236 = vector.shape_cast %add3A_232 : vector<16xi32> to vector<16xi32>
          tpu.vector_store %arg15[%swap3A_233], %swap3A_236 {strides = array<i32>} : memref<128xi32, #tpu.memory_space<vmem>>, vector<16xi32>,
          %dma_start3A_237 = arith.constant 0 : i32
          %dma_start3A_238 = arith.constant 0 : i32
          %dma_start3A_239 = tpu.memref_slice %arg2[%dma_start3A_237, %dma_start3A_238] : memref<200000x32xf32, #tpu.memory_space<hbm>> -> memref<200000x32xf32, #tpu.memory_space<hbm>>
          tpu.enqueue_indirect_dma source(%dma_start3A_239 : memref<200000x32xf32, #tpu.memory_space<hbm>>) target(%arg21 : memref<128x32xf32, #tpu.memory_space<vmem>>) offsets(%arg15 : memref<128xi32, #tpu.memory_space<vmem>>) semaphore(%arg29 : memref<!tpu.dma_semaphore, #tpu.memory_space<semaphore_mem>>)
        } else {
        }
        %convert_element_type3A_102 = arith.extui %ne3A_16 : i1 to i32
        %cond3A_103 = arith.constant 0 : i32
        %cond3A_104 = arith.cmpi ne, %convert_element_type3A_102, %cond3A_103 : i32
        scf.if %cond3A_104 {
          %dma_start3A_167 = arith.constant 0 : i32
          %dma_start3A_168 = arith.constant 0 : i32
          %dma_start3A_169 = tpu.memref_slice %arg14[%dma_start3A_167, %dma_start3A_168] : memref<51200x32xf32, #tpu.memory_space<vmem_shared>> -> memref<51200x32xf32, #tpu.memory_space<vmem_shared>>
          tpu.enqueue_indirect_dma source(%arg23 : memref<128x32xf32, #tpu.memory_space<vmem>>) target(%dma_start3A_169 : memref<51200x32xf32, #tpu.memory_space<vmem_shared>>) offsets(%arg20 : memref<128xi32, #tpu.memory_space<vmem>>) semaphore(%arg32 : memref<!tpu.dma_semaphore, #tpu.memory_space<semaphore_mem>>) {add = true}
        } else {
        }
        %convert_element_type3A_105 = arith.extui %eq3A_15 : i1 to i32
        %cond3A_106 = arith.constant 0 : i32
        %cond3A_107 = arith.cmpi ne, %convert_element_type3A_105, %cond3A_106 : i32
        scf.if %cond3A_107 {
          %dma_start3A_167 = arith.constant 0 : i32
          %dma_start3A_168 = arith.constant 0 : i32
          %dma_start3A_169 = tpu.memref_slice %arg14[%dma_start3A_167, %dma_start3A_168] : memref<51200x32xf32, #tpu.memory_space<vmem_shared>> -> memref<51200x32xf32, #tpu.memory_space<vmem_shared>>
          tpu.enqueue_indirect_dma source(%arg24 : memref<128x32xf32, #tpu.memory_space<vmem>>) target(%dma_start3A_169 : memref<51200x32xf32, #tpu.memory_space<vmem_shared>>) offsets(%arg20 : memref<128xi32, #tpu.memory_space<vmem>>) semaphore(%arg32 : memref<!tpu.dma_semaphore, #tpu.memory_space<semaphore_mem>>) {add = true}
        } else {
        }
        %dma_wait3A_108 = arith.constant 0 : i32
        %dma_wait3A_109 = arith.constant 0 : i32
        %dma_wait3A_110 = tpu.memref_slice %arg14[%dma_wait3A_108, %dma_wait3A_109] : memref<51200x32xf32, #tpu.memory_space<vmem_shared>> -> memref<51200x32xf32, #tpu.memory_space<vmem_shared>>
        tpu.wait_indirect_dma semaphore(%arg31 : memref<!tpu.dma_semaphore, #tpu.memory_space<semaphore_mem>>) src(%arg22 : memref<128x32xf32, #tpu.memory_space<vmem>>) dst(%dma_wait3A_110 : memref<51200x32xf32, #tpu.memory_space<vmem_shared>>)
        %add3A_111 = arith.constant 64 : i32
        %add3A_112 = arith.addi %add3A_111, %arg1 : i32
        %mul3A_113 = arith.constant 128 : i32
        %mul3A_114 = arith.muli %add3A_112, %mul3A_113 : i32
        %dma_start3A_115 = tpu.memref_slice %arg4[%mul3A_114] : memref<600064xi32, #tpu.memory_space<hbm>> -> memref<128xi32, #tpu.memory_space<hbm>>
        %dma_start3A_116 = tpu.memref_slice %arg4[%mul3A_114] : memref<600064xi32, #tpu.memory_space<hbm>> -> memref<128xi32, #tpu.memory_space<hbm>>
        tpu.enqueue_dma source(%dma_start3A_116 : memref<128xi32, #tpu.memory_space<hbm>>) target(%arg16 : memref<128xi32, #tpu.memory_space<vmem>>) target_semaphore(%arg27 : memref<!tpu.dma_semaphore, #tpu.memory_space<semaphore_mem>>)
        %dma_start3A_117 = tpu.memref_slice %arg5[%mul3A_114] : memref<600064xi32, #tpu.memory_space<hbm>> -> memref<128xi32, #tpu.memory_space<hbm>>
        %dma_start3A_118 = tpu.memref_slice %arg5[%mul3A_114] : memref<600064xi32, #tpu.memory_space<hbm>> -> memref<128xi32, #tpu.memory_space<hbm>>
        tpu.enqueue_dma source(%dma_start3A_118 : memref<128xi32, #tpu.memory_space<hbm>>) target(%arg19 : memref<128xi32, #tpu.memory_space<vmem>>) target_semaphore(%arg27 : memref<!tpu.dma_semaphore, #tpu.memory_space<semaphore_mem>>)
        %scan3A_119 = arith.constant 0 : i32
        %scan3A_120 = arith.constant 0 : i32
        %scan3A_121 = arith.constant 96 : i32
        %scan3A_122 = arith.addi %scan3A_120, %scan3A_121 : i32
        %scan3A_123 = arith.constant 1 : i32
        scf.for %scan3A_167 = %scan3A_120 to %scan3A_122 step %scan3A_123  : i32 {
          %mul3A_168 = arith.constant 3 : i32
          %mul3A_169 = arith.muli %mul3A_168, %scan3A_167 : i32
          %add3A_170 = arith.constant 3 : i32
          %add3A_171 = arith.addi %add3A_170, %mul3A_169 : i32
          %add3A_172 = arith.constant 0 : i32
          %add3A_173 = arith.addi %add3A_171, %add3A_172 : i32
          %convert_element_type3A_174 = arith.extui %ne3A_16 : i1 to i32
          %cond3A_175 = arith.constant 0 : i32
          %cond3A_176 = arith.cmpi ne, %convert_element_type3A_174, %cond3A_175 : i32
          scf.if %cond3A_176 {
            %dma_wait3A_276 = arith.constant 0 : i32
            %dma_wait3A_277 = arith.constant 0 : i32
            %dma_wait3A_278 = tpu.memref_slice %arg2[%dma_wait3A_276, %dma_wait3A_277] : memref<200000x32xf32, #tpu.memory_space<hbm>> -> memref<200000x32xf32, #tpu.memory_space<hbm>>
            tpu.wait_indirect_dma semaphore(%arg29 : memref<!tpu.dma_semaphore, #tpu.memory_space<semaphore_mem>>) src(%dma_wait3A_278 : memref<200000x32xf32, #tpu.memory_space<hbm>>) dst(%arg21 : memref<128x32xf32, #tpu.memory_space<vmem>>)
          } else {
          }
          %dma_wait3A_177 = arith.constant 0 : i32
          %dma_wait3A_178 = tpu.memref_slice %arg4[%dma_wait3A_177] : memref<600064xi32, #tpu.memory_space<hbm>> -> memref<256xi32, #tpu.memory_space<hbm>>
          %dma_wait3A_179 = arith.constant 0 : i32
          %dma_wait3A_180 = tpu.memref_slice %arg4[%dma_wait3A_179] : memref<600064xi32, #tpu.memory_space<hbm>> -> memref<256xi32, #tpu.memory_space<hbm>>
          tpu.wait_dma2 semaphore(%arg27 : memref<!tpu.dma_semaphore, #tpu.memory_space<semaphore_mem>>) src(%dma_wait3A_180 : memref<256xi32, #tpu.memory_space<hbm>>) dst(%arg25 : memref<256xi32, #tpu.memory_space<vmem>>)
          %convert_element_type3A_181 = arith.extui %ne3A_16 : i1 to i32
          %cond3A_182 = arith.constant 0 : i32
          %cond3A_183 = arith.cmpi ne, %convert_element_type3A_181, %cond3A_182 : i32
          scf.if %cond3A_183 {
            %get3A = arith.constant 0 : index
            %get3A_276 = tpu.vector_load %arg16[%get3A] {strides = array<i32>} : memref<128xi32, #tpu.memory_space<vmem>>, vector<16xi32>,
            %get3A_277 = vector.shape_cast %get3A_276 : vector<16xi32> to vector<16xi32>
            %add3A_278 = vector.broadcast %mul3A_13 : i32 to vector<16xi32>
            %add3A_279 = arith.addi %get3A_277, %add3A_278 : vector<16xi32>
            %swap3A = arith.constant 0 : index
            %swap3A_280 = tpu.vector_load %arg16[%swap3A] {strides = array<i32>} : memref<128xi32, #tpu.memory_space<vmem>>, vector<16xi32>,
            %swap3A_281 = vector.shape_cast %swap3A_280 : vector<16xi32> to vector<16xi32>
            %swap3A_282 = vector.shape_cast %add3A_279 : vector<16xi32> to vector<16xi32>
            tpu.vector_store %arg16[%swap3A], %swap3A_282 {strides = array<i32>} : memref<128xi32, #tpu.memory_space<vmem>>, vector<16xi32>,
            %get3A_283 = arith.constant 16 : index
            %get3A_284 = tpu.vector_load %arg16[%get3A_283] {strides = array<i32>} : memref<128xi32, #tpu.memory_space<vmem>>, vector<16xi32>,
            %get3A_285 = vector.shape_cast %get3A_284 : vector<16xi32> to vector<16xi32>
            %add3A_286 = vector.broadcast %mul3A_13 : i32 to vector<16xi32>
            %add3A_287 = arith.addi %get3A_285, %add3A_286 : vector<16xi32>
            %swap3A_288 = arith.constant 16 : index
            %swap3A_289 = tpu.vector_load %arg16[%swap3A_288] {strides = array<i32>} : memref<128xi32, #tpu.memory_space<vmem>>, vector<16xi32>,
            %swap3A_290 = vector.shape_cast %swap3A_289 : vector<16xi32> to vector<16xi32>
            %swap3A_291 = vector.shape_cast %add3A_287 : vector<16xi32> to vector<16xi32>
            tpu.vector_store %arg16[%swap3A_288], %swap3A_291 {strides = array<i32>} : memref<128xi32, #tpu.memory_space<vmem>>, vector<16xi32>,
            %get3A_292 = arith.constant 32 : index
            %get3A_293 = tpu.vector_load %arg16[%get3A_292] {strides = array<i32>} : memref<128xi32, #tpu.memory_space<vmem>>, vector<16xi32>,
            %get3A_294 = vector.shape_cast %get3A_293 : vector<16xi32> to vector<16xi32>
            %add3A_295 = vector.broadcast %mul3A_13 : i32 to vector<16xi32>
            %add3A_296 = arith.addi %get3A_294, %add3A_295 : vector<16xi32>
            %swap3A_297 = arith.constant 32 : index
            %swap3A_298 = tpu.vector_load %arg16[%swap3A_297] {strides = array<i32>} : memref<128xi32, #tpu.memory_space<vmem>>, vector<16xi32>,
            %swap3A_299 = vector.shape_cast %swap3A_298 : vector<16xi32> to vector<16xi32>
            %swap3A_300 = vector.shape_cast %add3A_296 : vector<16xi32> to vector<16xi32>
            tpu.vector_store %arg16[%swap3A_297], %swap3A_300 {strides = array<i32>} : memref<128xi32, #tpu.memory_space<vmem>>, vector<16xi32>,
            %get3A_301 = arith.constant 48 : index
            %get3A_302 = tpu.vector_load %arg16[%get3A_301] {strides = array<i32>} : memref<128xi32, #tpu.memory_space<vmem>>, vector<16xi32>,
            %get3A_303 = vector.shape_cast %get3A_302 : vector<16xi32> to vector<16xi32>
            %add3A_304 = vector.broadcast %mul3A_13 : i32 to vector<16xi32>
            %add3A_305 = arith.addi %get3A_303, %add3A_304 : vector<16xi32>
            %swap3A_306 = arith.constant 48 : index
            %swap3A_307 = tpu.vector_load %arg16[%swap3A_306] {strides = array<i32>} : memref<128xi32, #tpu.memory_space<vmem>>, vector<16xi32>,
            %swap3A_308 = vector.shape_cast %swap3A_307 : vector<16xi32> to vector<16xi32>
            %swap3A_309 = vector.shape_cast %add3A_305 : vector<16xi32> to vector<16xi32>
            tpu.vector_store %arg16[%swap3A_306], %swap3A_309 {strides = array<i32>} : memref<128xi32, #tpu.memory_space<vmem>>, vector<16xi32>,
            %get3A_310 = arith.constant 64 : index
            %get3A_311 = tpu.vector_load %arg16[%get3A_310] {strides = array<i32>} : memref<128xi32, #tpu.memory_space<vmem>>, vector<16xi32>,
            %get3A_312 = vector.shape_cast %get3A_311 : vector<16xi32> to vector<16xi32>
            %add3A_313 = vector.broadcast %mul3A_13 : i32 to vector<16xi32>
            %add3A_314 = arith.addi %get3A_312, %add3A_313 : vector<16xi32>
            %swap3A_315 = arith.constant 64 : index
            %swap3A_316 = tpu.vector_load %arg16[%swap3A_315] {strides = array<i32>} : memref<128xi32, #tpu.memory_space<vmem>>, vector<16xi32>,
            %swap3A_317 = vector.shape_cast %swap3A_316 : vector<16xi32> to vector<16xi32>
            %swap3A_318 = vector.shape_cast %add3A_314 : vector<16xi32> to vector<16xi32>
            tpu.vector_store %arg16[%swap3A_315], %swap3A_318 {strides = array<i32>} : memref<128xi32, #tpu.memory_space<vmem>>, vector<16xi32>,
            %get3A_319 = arith.constant 80 : index
            %get3A_320 = tpu.vector_load %arg16[%get3A_319] {strides = array<i32>} : memref<128xi32, #tpu.memory_space<vmem>>, vector<16xi32>,
            %get3A_321 = vector.shape_cast %get3A_320 : vector<16xi32> to vector<16xi32>
            %add3A_322 = vector.broadcast %mul3A_13 : i32 to vector<16xi32>
            %add3A_323 = arith.addi %get3A_321, %add3A_322 : vector<16xi32>
            %swap3A_324 = arith.constant 80 : index
            %swap3A_325 = tpu.vector_load %arg16[%swap3A_324] {strides = array<i32>} : memref<128xi32, #tpu.memory_space<vmem>>, vector<16xi32>,
            %swap3A_326 = vector.shape_cast %swap3A_325 : vector<16xi32> to vector<16xi32>
            %swap3A_327 = vector.shape_cast %add3A_323 : vector<16xi32> to vector<16xi32>
            tpu.vector_store %arg16[%swap3A_324], %swap3A_327 {strides = array<i32>} : memref<128xi32, #tpu.memory_space<vmem>>, vector<16xi32>,
            %get3A_328 = arith.constant 96 : index
            %get3A_329 = tpu.vector_load %arg16[%get3A_328] {strides = array<i32>} : memref<128xi32, #tpu.memory_space<vmem>>, vector<16xi32>,
            %get3A_330 = vector.shape_cast %get3A_329 : vector<16xi32> to vector<16xi32>
            %add3A_331 = vector.broadcast %mul3A_13 : i32 to vector<16xi32>
            %add3A_332 = arith.addi %get3A_330, %add3A_331 : vector<16xi32>
            %swap3A_333 = arith.constant 96 : index
            %swap3A_334 = tpu.vector_load %arg16[%swap3A_333] {strides = array<i32>} : memref<128xi32, #tpu.memory_space<vmem>>, vector<16xi32>,
            %swap3A_335 = vector.shape_cast %swap3A_334 : vector<16xi32> to vector<16xi32>
            %swap3A_336 = vector.shape_cast %add3A_332 : vector<16xi32> to vector<16xi32>
            tpu.vector_store %arg16[%swap3A_333], %swap3A_336 {strides = array<i32>} : memref<128xi32, #tpu.memory_space<vmem>>, vector<16xi32>,
            %get3A_337 = arith.constant 112 : index
            %get3A_338 = tpu.vector_load %arg16[%get3A_337] {strides = array<i32>} : memref<128xi32, #tpu.memory_space<vmem>>, vector<16xi32>,
            %get3A_339 = vector.shape_cast %get3A_338 : vector<16xi32> to vector<16xi32>
            %add3A_340 = vector.broadcast %mul3A_13 : i32 to vector<16xi32>
            %add3A_341 = arith.addi %get3A_339, %add3A_340 : vector<16xi32>
            %swap3A_342 = arith.constant 112 : index
            %swap3A_343 = tpu.vector_load %arg16[%swap3A_342] {strides = array<i32>} : memref<128xi32, #tpu.memory_space<vmem>>, vector<16xi32>,
            %swap3A_344 = vector.shape_cast %swap3A_343 : vector<16xi32> to vector<16xi32>
            %swap3A_345 = vector.shape_cast %add3A_341 : vector<16xi32> to vector<16xi32>
            tpu.vector_store %arg16[%swap3A_342], %swap3A_345 {strides = array<i32>} : memref<128xi32, #tpu.memory_space<vmem>>, vector<16xi32>,
            %dma_start3A_346 = arith.constant 0 : i32
            %dma_start3A_347 = arith.constant 0 : i32
            %dma_start3A_348 = tpu.memref_slice %arg2[%dma_start3A_346, %dma_start3A_347] : memref<200000x32xf32, #tpu.memory_space<hbm>> -> memref<200000x32xf32, #tpu.memory_space<hbm>>
            tpu.enqueue_indirect_dma source(%dma_start3A_348 : memref<200000x32xf32, #tpu.memory_space<hbm>>) target(%arg22 : memref<128x32xf32, #tpu.memory_space<vmem>>) offsets(%arg16 : memref<128xi32, #tpu.memory_space<vmem>>) semaphore(%arg29 : memref<!tpu.dma_semaphore, #tpu.memory_space<semaphore_mem>>)
          } else {
          }
          %convert_element_type3A_184 = arith.extui %ne3A_16 : i1 to i32
          %cond3A_185 = arith.constant 0 : i32
          %cond3A_186 = arith.cmpi ne, %convert_element_type3A_184, %cond3A_185 : i32
          scf.if %cond3A_186 {
            %dma_start3A_276 = arith.constant 0 : i32
            %dma_start3A_277 = arith.constant 0 : i32
            %dma_start3A_278 = tpu.memref_slice %arg14[%dma_start3A_276, %dma_start3A_277] : memref<51200x32xf32, #tpu.memory_space<vmem_shared>> -> memref<51200x32xf32, #tpu.memory_space<vmem_shared>>
            tpu.enqueue_indirect_dma source(%arg21 : memref<128x32xf32, #tpu.memory_space<vmem>>) target(%dma_start3A_278 : memref<51200x32xf32, #tpu.memory_space<vmem_shared>>) offsets(%arg18 : memref<128xi32, #tpu.memory_space<vmem>>) semaphore(%arg30 : memref<!tpu.dma_semaphore, #tpu.memory_space<semaphore_mem>>) {add = true}
          } else {
          }
          %convert_element_type3A_187 = arith.extui %eq3A_15 : i1 to i32
          %cond3A_188 = arith.constant 0 : i32
          %cond3A_189 = arith.cmpi ne, %convert_element_type3A_187, %cond3A_188 : i32
          scf.if %cond3A_189 {
            %dma_start3A_276 = arith.constant 0 : i32
            %dma_start3A_277 = arith.constant 0 : i32
            %dma_start3A_278 = tpu.memref_slice %arg14[%dma_start3A_276, %dma_start3A_277] : memref<51200x32xf32, #tpu.memory_space<vmem_shared>> -> memref<51200x32xf32, #tpu.memory_space<vmem_shared>>
            tpu.enqueue_indirect_dma source(%arg24 : memref<128x32xf32, #tpu.memory_space<vmem>>) target(%dma_start3A_278 : memref<51200x32xf32, #tpu.memory_space<vmem_shared>>) offsets(%arg18 : memref<128xi32, #tpu.memory_space<vmem>>) semaphore(%arg30 : memref<!tpu.dma_semaphore, #tpu.memory_space<semaphore_mem>>) {add = true}
          } else {
          }
          %dma_wait3A_190 = arith.constant 0 : i32
          %dma_wait3A_191 = arith.constant 0 : i32
          %dma_wait3A_192 = tpu.memref_slice %arg14[%dma_wait3A_190, %dma_wait3A_191] : memref<51200x32xf32, #tpu.memory_space<vmem_shared>> -> memref<51200x32xf32, #tpu.memory_space<vmem_shared>>
          tpu.wait_indirect_dma semaphore(%arg32 : memref<!tpu.dma_semaphore, #tpu.memory_space<semaphore_mem>>) src(%arg23 : memref<128x32xf32, #tpu.memory_space<vmem>>) dst(%dma_wait3A_192 : memref<51200x32xf32, #tpu.memory_space<vmem_shared>>)
          %add3A_193 = arith.constant 2 : i32
          %add3A_194 = arith.addi %add3A_173, %add3A_193 : i32
          %mul3A_195 = arith.constant 16 : i32
          %mul3A_196 = arith.muli %add3A_194, %mul3A_195 : i32
          %add3A_197 = arith.addi %mul3A_196, %arg1 : i32
          %mul3A_198 = arith.constant 128 : i32
          %mul3A_199 = arith.muli %add3A_197, %mul3A_198 : i32
          %dma_start3A_200 = tpu.memref_slice %arg4[%mul3A_199] : memref<600064xi32, #tpu.memory_space<hbm>> -> memref<128xi32, #tpu.memory_space<hbm>>
          %dma_start3A_201 = tpu.memref_slice %arg4[%mul3A_199] : memref<600064xi32, #tpu.memory_space<hbm>> -> memref<128xi32, #tpu.memory_space<hbm>>
          tpu.enqueue_dma source(%dma_start3A_201 : memref<128xi32, #tpu.memory_space<hbm>>) target(%arg17 : memref<128xi32, #tpu.memory_space<vmem>>) target_semaphore(%arg28 : memref<!tpu.dma_semaphore, #tpu.memory_space<semaphore_mem>>)
          %dma_start3A_202 = tpu.memref_slice %arg5[%mul3A_199] : memref<600064xi32, #tpu.memory_space<hbm>> -> memref<128xi32, #tpu.memory_space<hbm>>
          %dma_start3A_203 = tpu.memref_slice %arg5[%mul3A_199] : memref<600064xi32, #tpu.memory_space<hbm>> -> memref<128xi32, #tpu.memory_space<hbm>>
          tpu.enqueue_dma source(%dma_start3A_203 : memref<128xi32, #tpu.memory_space<hbm>>) target(%arg20 : memref<128xi32, #tpu.memory_space<vmem>>) target_semaphore(%arg28 : memref<!tpu.dma_semaphore, #tpu.memory_space<semaphore_mem>>)
          %mul3A_204 = arith.constant 3 : i32
          %mul3A_205 = arith.muli %mul3A_204, %scan3A_167 : i32
          %add3A_206 = arith.constant 3 : i32
          %add3A_207 = arith.addi %add3A_206, %mul3A_205 : i32
          %add3A_208 = arith.constant 1 : i32
          %add3A_209 = arith.addi %add3A_207, %add3A_208 : i32
          %convert_element_type3A_210 = arith.extui %ne3A_16 : i1 to i32
          %cond3A_211 = arith.constant 0 : i32
          %cond3A_212 = arith.cmpi ne, %convert_element_type3A_210, %cond3A_211 : i32
          scf.if %cond3A_212 {
            %dma_wait3A_276 = arith.constant 0 : i32
            %dma_wait3A_277 = arith.constant 0 : i32
            %dma_wait3A_278 = tpu.memref_slice %arg2[%dma_wait3A_276, %dma_wait3A_277] : memref<200000x32xf32, #tpu.memory_space<hbm>> -> memref<200000x32xf32, #tpu.memory_space<hbm>>
            tpu.wait_indirect_dma semaphore(%arg29 : memref<!tpu.dma_semaphore, #tpu.memory_space<semaphore_mem>>) src(%dma_wait3A_278 : memref<200000x32xf32, #tpu.memory_space<hbm>>) dst(%arg22 : memref<128x32xf32, #tpu.memory_space<vmem>>)
          } else {
          }
          %dma_wait3A_213 = arith.constant 0 : i32
          %dma_wait3A_214 = tpu.memref_slice %arg4[%dma_wait3A_213] : memref<600064xi32, #tpu.memory_space<hbm>> -> memref<256xi32, #tpu.memory_space<hbm>>
          %dma_wait3A_215 = arith.constant 0 : i32
          %dma_wait3A_216 = tpu.memref_slice %arg4[%dma_wait3A_215] : memref<600064xi32, #tpu.memory_space<hbm>> -> memref<256xi32, #tpu.memory_space<hbm>>
          tpu.wait_dma2 semaphore(%arg28 : memref<!tpu.dma_semaphore, #tpu.memory_space<semaphore_mem>>) src(%dma_wait3A_216 : memref<256xi32, #tpu.memory_space<hbm>>) dst(%arg25 : memref<256xi32, #tpu.memory_space<vmem>>)
          %convert_element_type3A_217 = arith.extui %ne3A_16 : i1 to i32
          %cond3A_218 = arith.constant 0 : i32
          %cond3A_219 = arith.cmpi ne, %convert_element_type3A_217, %cond3A_218 : i32
          scf.if %cond3A_219 {
            %get3A = arith.constant 0 : index
            %get3A_276 = tpu.vector_load %arg17[%get3A] {strides = array<i32>} : memref<128xi32, #tpu.memory_space<vmem>>, vector<16xi32>,
            %get3A_277 = vector.shape_cast %get3A_276 : vector<16xi32> to vector<16xi32>
            %add3A_278 = vector.broadcast %mul3A_13 : i32 to vector<16xi32>
            %add3A_279 = arith.addi %get3A_277, %add3A_278 : vector<16xi32>
            %swap3A = arith.constant 0 : index
            %swap3A_280 = tpu.vector_load %arg17[%swap3A] {strides = array<i32>} : memref<128xi32, #tpu.memory_space<vmem>>, vector<16xi32>,
            %swap3A_281 = vector.shape_cast %swap3A_280 : vector<16xi32> to vector<16xi32>
            %swap3A_282 = vector.shape_cast %add3A_279 : vector<16xi32> to vector<16xi32>
            tpu.vector_store %arg17[%swap3A], %swap3A_282 {strides = array<i32>} : memref<128xi32, #tpu.memory_space<vmem>>, vector<16xi32>,
            %get3A_283 = arith.constant 16 : index
            %get3A_284 = tpu.vector_load %arg17[%get3A_283] {strides = array<i32>} : memref<128xi32, #tpu.memory_space<vmem>>, vector<16xi32>,
            %get3A_285 = vector.shape_cast %get3A_284 : vector<16xi32> to vector<16xi32>
            %add3A_286 = vector.broadcast %mul3A_13 : i32 to vector<16xi32>
            %add3A_287 = arith.addi %get3A_285, %add3A_286 : vector<16xi32>
            %swap3A_288 = arith.constant 16 : index
            %swap3A_289 = tpu.vector_load %arg17[%swap3A_288] {strides = array<i32>} : memref<128xi32, #tpu.memory_space<vmem>>, vector<16xi32>,
            %swap3A_290 = vector.shape_cast %swap3A_289 : vector<16xi32> to vector<16xi32>
            %swap3A_291 = vector.shape_cast %add3A_287 : vector<16xi32> to vector<16xi32>
            tpu.vector_store %arg17[%swap3A_288], %swap3A_291 {strides = array<i32>} : memref<128xi32, #tpu.memory_space<vmem>>, vector<16xi32>,
            %get3A_292 = arith.constant 32 : index
            %get3A_293 = tpu.vector_load %arg17[%get3A_292] {strides = array<i32>} : memref<128xi32, #tpu.memory_space<vmem>>, vector<16xi32>,
            %get3A_294 = vector.shape_cast %get3A_293 : vector<16xi32> to vector<16xi32>
            %add3A_295 = vector.broadcast %mul3A_13 : i32 to vector<16xi32>
            %add3A_296 = arith.addi %get3A_294, %add3A_295 : vector<16xi32>
            %swap3A_297 = arith.constant 32 : index
            %swap3A_298 = tpu.vector_load %arg17[%swap3A_297] {strides = array<i32>} : memref<128xi32, #tpu.memory_space<vmem>>, vector<16xi32>,
            %swap3A_299 = vector.shape_cast %swap3A_298 : vector<16xi32> to vector<16xi32>
            %swap3A_300 = vector.shape_cast %add3A_296 : vector<16xi32> to vector<16xi32>
            tpu.vector_store %arg17[%swap3A_297], %swap3A_300 {strides = array<i32>} : memref<128xi32, #tpu.memory_space<vmem>>, vector<16xi32>,
            %get3A_301 = arith.constant 48 : index
            %get3A_302 = tpu.vector_load %arg17[%get3A_301] {strides = array<i32>} : memref<128xi32, #tpu.memory_space<vmem>>, vector<16xi32>,
            %get3A_303 = vector.shape_cast %get3A_302 : vector<16xi32> to vector<16xi32>
            %add3A_304 = vector.broadcast %mul3A_13 : i32 to vector<16xi32>
            %add3A_305 = arith.addi %get3A_303, %add3A_304 : vector<16xi32>
            %swap3A_306 = arith.constant 48 : index
            %swap3A_307 = tpu.vector_load %arg17[%swap3A_306] {strides = array<i32>} : memref<128xi32, #tpu.memory_space<vmem>>, vector<16xi32>,
            %swap3A_308 = vector.shape_cast %swap3A_307 : vector<16xi32> to vector<16xi32>
            %swap3A_309 = vector.shape_cast %add3A_305 : vector<16xi32> to vector<16xi32>
            tpu.vector_store %arg17[%swap3A_306], %swap3A_309 {strides = array<i32>} : memref<128xi32, #tpu.memory_space<vmem>>, vector<16xi32>,
            %get3A_310 = arith.constant 64 : index
            %get3A_311 = tpu.vector_load %arg17[%get3A_310] {strides = array<i32>} : memref<128xi32, #tpu.memory_space<vmem>>, vector<16xi32>,
            %get3A_312 = vector.shape_cast %get3A_311 : vector<16xi32> to vector<16xi32>
            %add3A_313 = vector.broadcast %mul3A_13 : i32 to vector<16xi32>
            %add3A_314 = arith.addi %get3A_312, %add3A_313 : vector<16xi32>
            %swap3A_315 = arith.constant 64 : index
            %swap3A_316 = tpu.vector_load %arg17[%swap3A_315] {strides = array<i32>} : memref<128xi32, #tpu.memory_space<vmem>>, vector<16xi32>,
            %swap3A_317 = vector.shape_cast %swap3A_316 : vector<16xi32> to vector<16xi32>
            %swap3A_318 = vector.shape_cast %add3A_314 : vector<16xi32> to vector<16xi32>
            tpu.vector_store %arg17[%swap3A_315], %swap3A_318 {strides = array<i32>} : memref<128xi32, #tpu.memory_space<vmem>>, vector<16xi32>,
            %get3A_319 = arith.constant 80 : index
            %get3A_320 = tpu.vector_load %arg17[%get3A_319] {strides = array<i32>} : memref<128xi32, #tpu.memory_space<vmem>>, vector<16xi32>,
            %get3A_321 = vector.shape_cast %get3A_320 : vector<16xi32> to vector<16xi32>
            %add3A_322 = vector.broadcast %mul3A_13 : i32 to vector<16xi32>
            %add3A_323 = arith.addi %get3A_321, %add3A_322 : vector<16xi32>
            %swap3A_324 = arith.constant 80 : index
            %swap3A_325 = tpu.vector_load %arg17[%swap3A_324] {strides = array<i32>} : memref<128xi32, #tpu.memory_space<vmem>>, vector<16xi32>,
            %swap3A_326 = vector.shape_cast %swap3A_325 : vector<16xi32> to vector<16xi32>
            %swap3A_327 = vector.shape_cast %add3A_323 : vector<16xi32> to vector<16xi32>
            tpu.vector_store %arg17[%swap3A_324], %swap3A_327 {strides = array<i32>} : memref<128xi32, #tpu.memory_space<vmem>>, vector<16xi32>,
            %get3A_328 = arith.constant 96 : index
            %get3A_329 = tpu.vector_load %arg17[%get3A_328] {strides = array<i32>} : memref<128xi32, #tpu.memory_space<vmem>>, vector<16xi32>,
            %get3A_330 = vector.shape_cast %get3A_329 : vector<16xi32> to vector<16xi32>
            %add3A_331 = vector.broadcast %mul3A_13 : i32 to vector<16xi32>
            %add3A_332 = arith.addi %get3A_330, %add3A_331 : vector<16xi32>
            %swap3A_333 = arith.constant 96 : index
            %swap3A_334 = tpu.vector_load %arg17[%swap3A_333] {strides = array<i32>} : memref<128xi32, #tpu.memory_space<vmem>>, vector<16xi32>,
            %swap3A_335 = vector.shape_cast %swap3A_334 : vector<16xi32> to vector<16xi32>
            %swap3A_336 = vector.shape_cast %add3A_332 : vector<16xi32> to vector<16xi32>
            tpu.vector_store %arg17[%swap3A_333], %swap3A_336 {strides = array<i32>} : memref<128xi32, #tpu.memory_space<vmem>>, vector<16xi32>,
            %get3A_337 = arith.constant 112 : index
            %get3A_338 = tpu.vector_load %arg17[%get3A_337] {strides = array<i32>} : memref<128xi32, #tpu.memory_space<vmem>>, vector<16xi32>,
            %get3A_339 = vector.shape_cast %get3A_338 : vector<16xi32> to vector<16xi32>
            %add3A_340 = vector.broadcast %mul3A_13 : i32 to vector<16xi32>
            %add3A_341 = arith.addi %get3A_339, %add3A_340 : vector<16xi32>
            %swap3A_342 = arith.constant 112 : index
            %swap3A_343 = tpu.vector_load %arg17[%swap3A_342] {strides = array<i32>} : memref<128xi32, #tpu.memory_space<vmem>>, vector<16xi32>,
            %swap3A_344 = vector.shape_cast %swap3A_343 : vector<16xi32> to vector<16xi32>
            %swap3A_345 = vector.shape_cast %add3A_341 : vector<16xi32> to vector<16xi32>
            tpu.vector_store %arg17[%swap3A_342], %swap3A_345 {strides = array<i32>} : memref<128xi32, #tpu.memory_space<vmem>>, vector<16xi32>,
            %dma_start3A_346 = arith.constant 0 : i32
            %dma_start3A_347 = arith.constant 0 : i32
            %dma_start3A_348 = tpu.memref_slice %arg2[%dma_start3A_346, %dma_start3A_347] : memref<200000x32xf32, #tpu.memory_space<hbm>> -> memref<200000x32xf32, #tpu.memory_space<hbm>>
            tpu.enqueue_indirect_dma source(%dma_start3A_348 : memref<200000x32xf32, #tpu.memory_space<hbm>>) target(%arg23 : memref<128x32xf32, #tpu.memory_space<vmem>>) offsets(%arg17 : memref<128xi32, #tpu.memory_space<vmem>>) semaphore(%arg29 : memref<!tpu.dma_semaphore, #tpu.memory_space<semaphore_mem>>)
          } else {
          }
          %convert_element_type3A_220 = arith.extui %ne3A_16 : i1 to i32
          %cond3A_221 = arith.constant 0 : i32
          %cond3A_222 = arith.cmpi ne, %convert_element_type3A_220, %cond3A_221 : i32
          scf.if %cond3A_222 {
            %dma_start3A_276 = arith.constant 0 : i32
            %dma_start3A_277 = arith.constant 0 : i32
            %dma_start3A_278 = tpu.memref_slice %arg14[%dma_start3A_276, %dma_start3A_277] : memref<51200x32xf32, #tpu.memory_space<vmem_shared>> -> memref<51200x32xf32, #tpu.memory_space<vmem_shared>>
            tpu.enqueue_indirect_dma source(%arg22 : memref<128x32xf32, #tpu.memory_space<vmem>>) target(%dma_start3A_278 : memref<51200x32xf32, #tpu.memory_space<vmem_shared>>) offsets(%arg19 : memref<128xi32, #tpu.memory_space<vmem>>) semaphore(%arg31 : memref<!tpu.dma_semaphore, #tpu.memory_space<semaphore_mem>>) {add = true}
          } else {
          }
          %convert_element_type3A_223 = arith.extui %eq3A_15 : i1 to i32
          %cond3A_224 = arith.constant 0 : i32
          %cond3A_225 = arith.cmpi ne, %convert_element_type3A_223, %cond3A_224 : i32
          scf.if %cond3A_225 {
            %dma_start3A_276 = arith.constant 0 : i32
            %dma_start3A_277 = arith.constant 0 : i32
            %dma_start3A_278 = tpu.memref_slice %arg14[%dma_start3A_276, %dma_start3A_277] : memref<51200x32xf32, #tpu.memory_space<vmem_shared>> -> memref<51200x32xf32, #tpu.memory_space<vmem_shared>>
            tpu.enqueue_indirect_dma source(%arg24 : memref<128x32xf32, #tpu.memory_space<vmem>>) target(%dma_start3A_278 : memref<51200x32xf32, #tpu.memory_space<vmem_shared>>) offsets(%arg19 : memref<128xi32, #tpu.memory_space<vmem>>) semaphore(%arg31 : memref<!tpu.dma_semaphore, #tpu.memory_space<semaphore_mem>>) {add = true}
          } else {
          }
          %dma_wait3A_226 = arith.constant 0 : i32
          %dma_wait3A_227 = arith.constant 0 : i32
          %dma_wait3A_228 = tpu.memref_slice %arg14[%dma_wait3A_226, %dma_wait3A_227] : memref<51200x32xf32, #tpu.memory_space<vmem_shared>> -> memref<51200x32xf32, #tpu.memory_space<vmem_shared>>
          tpu.wait_indirect_dma semaphore(%arg30 : memref<!tpu.dma_semaphore, #tpu.memory_space<semaphore_mem>>) src(%arg21 : memref<128x32xf32, #tpu.memory_space<vmem>>) dst(%dma_wait3A_228 : memref<51200x32xf32, #tpu.memory_space<vmem_shared>>)
          %add3A_229 = arith.constant 2 : i32
          %add3A_230 = arith.addi %add3A_209, %add3A_229 : i32
          %mul3A_231 = arith.constant 16 : i32
          %mul3A_232 = arith.muli %add3A_230, %mul3A_231 : i32
          %add3A_233 = arith.addi %mul3A_232, %arg1 : i32
          %mul3A_234 = arith.constant 128 : i32
          %mul3A_235 = arith.muli %add3A_233, %mul3A_234 : i32
          %dma_start3A_236 = tpu.memref_slice %arg4[%mul3A_235] : memref<600064xi32, #tpu.memory_space<hbm>> -> memref<128xi32, #tpu.memory_space<hbm>>
          %dma_start3A_237 = tpu.memref_slice %arg4[%mul3A_235] : memref<600064xi32, #tpu.memory_space<hbm>> -> memref<128xi32, #tpu.memory_space<hbm>>
          tpu.enqueue_dma source(%dma_start3A_237 : memref<128xi32, #tpu.memory_space<hbm>>) target(%arg15 : memref<128xi32, #tpu.memory_space<vmem>>) target_semaphore(%arg26 : memref<!tpu.dma_semaphore, #tpu.memory_space<semaphore_mem>>)
          %dma_start3A_238 = tpu.memref_slice %arg5[%mul3A_235] : memref<600064xi32, #tpu.memory_space<hbm>> -> memref<128xi32, #tpu.memory_space<hbm>>
          %dma_start3A_239 = tpu.memref_slice %arg5[%mul3A_235] : memref<600064xi32, #tpu.memory_space<hbm>> -> memref<128xi32, #tpu.memory_space<hbm>>
          tpu.enqueue_dma source(%dma_start3A_239 : memref<128xi32, #tpu.memory_space<hbm>>) target(%arg18 : memref<128xi32, #tpu.memory_space<vmem>>) target_semaphore(%arg26 : memref<!tpu.dma_semaphore, #tpu.memory_space<semaphore_mem>>)
          %mul3A_240 = arith.constant 3 : i32
          %mul3A_241 = arith.muli %mul3A_240, %scan3A_167 : i32
          %add3A_242 = arith.constant 3 : i32
          %add3A_243 = arith.addi %add3A_242, %mul3A_241 : i32
          %add3A_244 = arith.constant 2 : i32
          %add3A_245 = arith.addi %add3A_243, %add3A_244 : i32
          %convert_element_type3A_246 = arith.extui %ne3A_16 : i1 to i32
          %cond3A_247 = arith.constant 0 : i32
          %cond3A_248 = arith.cmpi ne, %convert_element_type3A_246, %cond3A_247 : i32
          scf.if %cond3A_248 {
            %dma_wait3A_276 = arith.constant 0 : i32
            %dma_wait3A_277 = arith.constant 0 : i32
            %dma_wait3A_278 = tpu.memref_slice %arg2[%dma_wait3A_276, %dma_wait3A_277] : memref<200000x32xf32, #tpu.memory_space<hbm>> -> memref<200000x32xf32, #tpu.memory_space<hbm>>
            tpu.wait_indirect_dma semaphore(%arg29 : memref<!tpu.dma_semaphore, #tpu.memory_space<semaphore_mem>>) src(%dma_wait3A_278 : memref<200000x32xf32, #tpu.memory_space<hbm>>) dst(%arg23 : memref<128x32xf32, #tpu.memory_space<vmem>>)
          } else {
          }
          %dma_wait3A_249 = arith.constant 0 : i32
          %dma_wait3A_250 = tpu.memref_slice %arg4[%dma_wait3A_249] : memref<600064xi32, #tpu.memory_space<hbm>> -> memref<256xi32, #tpu.memory_space<hbm>>
          %dma_wait3A_251 = arith.constant 0 : i32
          %dma_wait3A_252 = tpu.memref_slice %arg4[%dma_wait3A_251] : memref<600064xi32, #tpu.memory_space<hbm>> -> memref<256xi32, #tpu.memory_space<hbm>>
          tpu.wait_dma2 semaphore(%arg26 : memref<!tpu.dma_semaphore, #tpu.memory_space<semaphore_mem>>) src(%dma_wait3A_252 : memref<256xi32, #tpu.memory_space<hbm>>) dst(%arg25 : memref<256xi32, #tpu.memory_space<vmem>>)
          %convert_element_type3A_253 = arith.extui %ne3A_16 : i1 to i32
          %cond3A_254 = arith.constant 0 : i32
          %cond3A_255 = arith.cmpi ne, %convert_element_type3A_253, %cond3A_254 : i32
          scf.if %cond3A_255 {
            %get3A = arith.constant 0 : index
            %get3A_276 = tpu.vector_load %arg15[%get3A] {strides = array<i32>} : memref<128xi32, #tpu.memory_space<vmem>>, vector<16xi32>,
            %get3A_277 = vector.shape_cast %get3A_276 : vector<16xi32> to vector<16xi32>
            %add3A_278 = vector.broadcast %mul3A_13 : i32 to vector<16xi32>
            %add3A_279 = arith.addi %get3A_277, %add3A_278 : vector<16xi32>
            %swap3A = arith.constant 0 : index
            %swap3A_280 = tpu.vector_load %arg15[%swap3A] {strides = array<i32>} : memref<128xi32, #tpu.memory_space<vmem>>, vector<16xi32>,
            %swap3A_281 = vector.shape_cast %swap3A_280 : vector<16xi32> to vector<16xi32>
            %swap3A_282 = vector.shape_cast %add3A_279 : vector<16xi32> to vector<16xi32>
            tpu.vector_store %arg15[%swap3A], %swap3A_282 {strides = array<i32>} : memref<128xi32, #tpu.memory_space<vmem>>, vector<16xi32>,
            %get3A_283 = arith.constant 16 : index
            %get3A_284 = tpu.vector_load %arg15[%get3A_283] {strides = array<i32>} : memref<128xi32, #tpu.memory_space<vmem>>, vector<16xi32>,
            %get3A_285 = vector.shape_cast %get3A_284 : vector<16xi32> to vector<16xi32>
            %add3A_286 = vector.broadcast %mul3A_13 : i32 to vector<16xi32>
            %add3A_287 = arith.addi %get3A_285, %add3A_286 : vector<16xi32>
            %swap3A_288 = arith.constant 16 : index
            %swap3A_289 = tpu.vector_load %arg15[%swap3A_288] {strides = array<i32>} : memref<128xi32, #tpu.memory_space<vmem>>, vector<16xi32>,
            %swap3A_290 = vector.shape_cast %swap3A_289 : vector<16xi32> to vector<16xi32>
            %swap3A_291 = vector.shape_cast %add3A_287 : vector<16xi32> to vector<16xi32>
            tpu.vector_store %arg15[%swap3A_288], %swap3A_291 {strides = array<i32>} : memref<128xi32, #tpu.memory_space<vmem>>, vector<16xi32>,
            %get3A_292 = arith.constant 32 : index
            %get3A_293 = tpu.vector_load %arg15[%get3A_292] {strides = array<i32>} : memref<128xi32, #tpu.memory_space<vmem>>, vector<16xi32>,
            %get3A_294 = vector.shape_cast %get3A_293 : vector<16xi32> to vector<16xi32>
            %add3A_295 = vector.broadcast %mul3A_13 : i32 to vector<16xi32>
            %add3A_296 = arith.addi %get3A_294, %add3A_295 : vector<16xi32>
            %swap3A_297 = arith.constant 32 : index
            %swap3A_298 = tpu.vector_load %arg15[%swap3A_297] {strides = array<i32>} : memref<128xi32, #tpu.memory_space<vmem>>, vector<16xi32>,
            %swap3A_299 = vector.shape_cast %swap3A_298 : vector<16xi32> to vector<16xi32>
            %swap3A_300 = vector.shape_cast %add3A_296 : vector<16xi32> to vector<16xi32>
            tpu.vector_store %arg15[%swap3A_297], %swap3A_300 {strides = array<i32>} : memref<128xi32, #tpu.memory_space<vmem>>, vector<16xi32>,
            %get3A_301 = arith.constant 48 : index
            %get3A_302 = tpu.vector_load %arg15[%get3A_301] {strides = array<i32>} : memref<128xi32, #tpu.memory_space<vmem>>, vector<16xi32>,
            %get3A_303 = vector.shape_cast %get3A_302 : vector<16xi32> to vector<16xi32>
            %add3A_304 = vector.broadcast %mul3A_13 : i32 to vector<16xi32>
            %add3A_305 = arith.addi %get3A_303, %add3A_304 : vector<16xi32>
            %swap3A_306 = arith.constant 48 : index
            %swap3A_307 = tpu.vector_load %arg15[%swap3A_306] {strides = array<i32>} : memref<128xi32, #tpu.memory_space<vmem>>, vector<16xi32>,
            %swap3A_308 = vector.shape_cast %swap3A_307 : vector<16xi32> to vector<16xi32>
            %swap3A_309 = vector.shape_cast %add3A_305 : vector<16xi32> to vector<16xi32>
            tpu.vector_store %arg15[%swap3A_306], %swap3A_309 {strides = array<i32>} : memref<128xi32, #tpu.memory_space<vmem>>, vector<16xi32>,
            %get3A_310 = arith.constant 64 : index
            %get3A_311 = tpu.vector_load %arg15[%get3A_310] {strides = array<i32>} : memref<128xi32, #tpu.memory_space<vmem>>, vector<16xi32>,
            %get3A_312 = vector.shape_cast %get3A_311 : vector<16xi32> to vector<16xi32>
            %add3A_313 = vector.broadcast %mul3A_13 : i32 to vector<16xi32>
            %add3A_314 = arith.addi %get3A_312, %add3A_313 : vector<16xi32>
            %swap3A_315 = arith.constant 64 : index
            %swap3A_316 = tpu.vector_load %arg15[%swap3A_315] {strides = array<i32>} : memref<128xi32, #tpu.memory_space<vmem>>, vector<16xi32>,
            %swap3A_317 = vector.shape_cast %swap3A_316 : vector<16xi32> to vector<16xi32>
            %swap3A_318 = vector.shape_cast %add3A_314 : vector<16xi32> to vector<16xi32>
            tpu.vector_store %arg15[%swap3A_315], %swap3A_318 {strides = array<i32>} : memref<128xi32, #tpu.memory_space<vmem>>, vector<16xi32>,
            %get3A_319 = arith.constant 80 : index
            %get3A_320 = tpu.vector_load %arg15[%get3A_319] {strides = array<i32>} : memref<128xi32, #tpu.memory_space<vmem>>, vector<16xi32>,
            %get3A_321 = vector.shape_cast %get3A_320 : vector<16xi32> to vector<16xi32>
            %add3A_322 = vector.broadcast %mul3A_13 : i32 to vector<16xi32>
            %add3A_323 = arith.addi %get3A_321, %add3A_322 : vector<16xi32>
            %swap3A_324 = arith.constant 80 : index
            %swap3A_325 = tpu.vector_load %arg15[%swap3A_324] {strides = array<i32>} : memref<128xi32, #tpu.memory_space<vmem>>, vector<16xi32>,
            %swap3A_326 = vector.shape_cast %swap3A_325 : vector<16xi32> to vector<16xi32>
            %swap3A_327 = vector.shape_cast %add3A_323 : vector<16xi32> to vector<16xi32>
            tpu.vector_store %arg15[%swap3A_324], %swap3A_327 {strides = array<i32>} : memref<128xi32, #tpu.memory_space<vmem>>, vector<16xi32>,
            %get3A_328 = arith.constant 96 : index
            %get3A_329 = tpu.vector_load %arg15[%get3A_328] {strides = array<i32>} : memref<128xi32, #tpu.memory_space<vmem>>, vector<16xi32>,
            %get3A_330 = vector.shape_cast %get3A_329 : vector<16xi32> to vector<16xi32>
            %add3A_331 = vector.broadcast %mul3A_13 : i32 to vector<16xi32>
            %add3A_332 = arith.addi %get3A_330, %add3A_331 : vector<16xi32>
            %swap3A_333 = arith.constant 96 : index
            %swap3A_334 = tpu.vector_load %arg15[%swap3A_333] {strides = array<i32>} : memref<128xi32, #tpu.memory_space<vmem>>, vector<16xi32>,
            %swap3A_335 = vector.shape_cast %swap3A_334 : vector<16xi32> to vector<16xi32>
            %swap3A_336 = vector.shape_cast %add3A_332 : vector<16xi32> to vector<16xi32>
            tpu.vector_store %arg15[%swap3A_333], %swap3A_336 {strides = array<i32>} : memref<128xi32, #tpu.memory_space<vmem>>, vector<16xi32>,
            %get3A_337 = arith.constant 112 : index
            %get3A_338 = tpu.vector_load %arg15[%get3A_337] {strides = array<i32>} : memref<128xi32, #tpu.memory_space<vmem>>, vector<16xi32>,
            %get3A_339 = vector.shape_cast %get3A_338 : vector<16xi32> to vector<16xi32>
            %add3A_340 = vector.broadcast %mul3A_13 : i32 to vector<16xi32>
            %add3A_341 = arith.addi %get3A_339, %add3A_340 : vector<16xi32>
            %swap3A_342 = arith.constant 112 : index
            %swap3A_343 = tpu.vector_load %arg15[%swap3A_342] {strides = array<i32>} : memref<128xi32, #tpu.memory_space<vmem>>, vector<16xi32>,
            %swap3A_344 = vector.shape_cast %swap3A_343 : vector<16xi32> to vector<16xi32>
            %swap3A_345 = vector.shape_cast %add3A_341 : vector<16xi32> to vector<16xi32>
            tpu.vector_store %arg15[%swap3A_342], %swap3A_345 {strides = array<i32>} : memref<128xi32, #tpu.memory_space<vmem>>, vector<16xi32>,
            %dma_start3A_346 = arith.constant 0 : i32
            %dma_start3A_347 = arith.constant 0 : i32
            %dma_start3A_348 = tpu.memref_slice %arg2[%dma_start3A_346, %dma_start3A_347] : memref<200000x32xf32, #tpu.memory_space<hbm>> -> memref<200000x32xf32, #tpu.memory_space<hbm>>
            tpu.enqueue_indirect_dma source(%dma_start3A_348 : memref<200000x32xf32, #tpu.memory_space<hbm>>) target(%arg21 : memref<128x32xf32, #tpu.memory_space<vmem>>) offsets(%arg15 : memref<128xi32, #tpu.memory_space<vmem>>) semaphore(%arg29 : memref<!tpu.dma_semaphore, #tpu.memory_space<semaphore_mem>>)
          } else {
          }
          %convert_element_type3A_256 = arith.extui %ne3A_16 : i1 to i32
          %cond3A_257 = arith.constant 0 : i32
          %cond3A_258 = arith.cmpi ne, %convert_element_type3A_256, %cond3A_257 : i32
          scf.if %cond3A_258 {
            %dma_start3A_276 = arith.constant 0 : i32
            %dma_start3A_277 = arith.constant 0 : i32
            %dma_start3A_278 = tpu.memref_slice %arg14[%dma_start3A_276, %dma_start3A_277] : memref<51200x32xf32, #tpu.memory_space<vmem_shared>> -> memref<51200x32xf32, #tpu.memory_space<vmem_shared>>
            tpu.enqueue_indirect_dma source(%arg23 : memref<128x32xf32, #tpu.memory_space<vmem>>) target(%dma_start3A_278 : memref<51200x32xf32, #tpu.memory_space<vmem_shared>>) offsets(%arg20 : memref<128xi32, #tpu.memory_space<vmem>>) semaphore(%arg32 : memref<!tpu.dma_semaphore, #tpu.memory_space<semaphore_mem>>) {add = true}
          } else {
          }
          %convert_element_type3A_259 = arith.extui %eq3A_15 : i1 to i32
          %cond3A_260 = arith.constant 0 : i32
          %cond3A_261 = arith.cmpi ne, %convert_element_type3A_259, %cond3A_260 : i32
          scf.if %cond3A_261 {
            %dma_start3A_276 = arith.constant 0 : i32
            %dma_start3A_277 = arith.constant 0 : i32
            %dma_start3A_278 = tpu.memref_slice %arg14[%dma_start3A_276, %dma_start3A_277] : memref<51200x32xf32, #tpu.memory_space<vmem_shared>> -> memref<51200x32xf32, #tpu.memory_space<vmem_shared>>
            tpu.enqueue_indirect_dma source(%arg24 : memref<128x32xf32, #tpu.memory_space<vmem>>) target(%dma_start3A_278 : memref<51200x32xf32, #tpu.memory_space<vmem_shared>>) offsets(%arg20 : memref<128xi32, #tpu.memory_space<vmem>>) semaphore(%arg32 : memref<!tpu.dma_semaphore, #tpu.memory_space<semaphore_mem>>) {add = true}
          } else {
          }
          %dma_wait3A_262 = arith.constant 0 : i32
          %dma_wait3A_263 = arith.constant 0 : i32
          %dma_wait3A_264 = tpu.memref_slice %arg14[%dma_wait3A_262, %dma_wait3A_263] : memref<51200x32xf32, #tpu.memory_space<vmem_shared>> -> memref<51200x32xf32, #tpu.memory_space<vmem_shared>>
          tpu.wait_indirect_dma semaphore(%arg31 : memref<!tpu.dma_semaphore, #tpu.memory_space<semaphore_mem>>) src(%arg22 : memref<128x32xf32, #tpu.memory_space<vmem>>) dst(%dma_wait3A_264 : memref<51200x32xf32, #tpu.memory_space<vmem_shared>>)
          %add3A_265 = arith.constant 2 : i32
          %add3A_266 = arith.addi %add3A_245, %add3A_265 : i32
          %mul3A_267 = arith.constant 16 : i32
          %mul3A_268 = arith.muli %add3A_266, %mul3A_267 : i32
          %add3A_269 = arith.addi %mul3A_268, %arg1 : i32
          %mul3A_270 = arith.constant 128 : i32
          %mul3A_271 = arith.muli %add3A_269, %mul3A_270 : i32
          %dma_start3A_272 = tpu.memref_slice %arg4[%mul3A_271] : memref<600064xi32, #tpu.memory_space<hbm>> -> memref<128xi32, #tpu.memory_space<hbm>>
          %dma_start3A_273 = tpu.memref_slice %arg4[%mul3A_271] : memref<600064xi32, #tpu.memory_space<hbm>> -> memref<128xi32, #tpu.memory_space<hbm>>
          tpu.enqueue_dma source(%dma_start3A_273 : memref<128xi32, #tpu.memory_space<hbm>>) target(%arg16 : memref<128xi32, #tpu.memory_space<vmem>>) target_semaphore(%arg27 : memref<!tpu.dma_semaphore, #tpu.memory_space<semaphore_mem>>)
          %dma_start3A_274 = tpu.memref_slice %arg5[%mul3A_271] : memref<600064xi32, #tpu.memory_space<hbm>> -> memref<128xi32, #tpu.memory_space<hbm>>
          %dma_start3A_275 = tpu.memref_slice %arg5[%mul3A_271] : memref<600064xi32, #tpu.memory_space<hbm>> -> memref<128xi32, #tpu.memory_space<hbm>>
          tpu.enqueue_dma source(%dma_start3A_275 : memref<128xi32, #tpu.memory_space<hbm>>) target(%arg19 : memref<128xi32, #tpu.memory_space<vmem>>) target_semaphore(%arg27 : memref<!tpu.dma_semaphore, #tpu.memory_space<semaphore_mem>>)
        }
        %scan3A_124 = arith.constant 96 : i32
        %convert_element_type3A_125 = arith.extui %ne3A_16 : i1 to i32
        %cond3A_126 = arith.constant 0 : i32
        %cond3A_127 = arith.cmpi ne, %convert_element_type3A_125, %cond3A_126 : i32
        scf.if %cond3A_127 {
          %dma_wait3A_167 = arith.constant 0 : i32
          %dma_wait3A_168 = arith.constant 0 : i32
          %dma_wait3A_169 = tpu.memref_slice %arg2[%dma_wait3A_167, %dma_wait3A_168] : memref<200000x32xf32, #tpu.memory_space<hbm>> -> memref<200000x32xf32, #tpu.memory_space<hbm>>
          tpu.wait_indirect_dma semaphore(%arg29 : memref<!tpu.dma_semaphore, #tpu.memory_space<semaphore_mem>>) src(%dma_wait3A_169 : memref<200000x32xf32, #tpu.memory_space<hbm>>) dst(%arg21 : memref<128x32xf32, #tpu.memory_space<vmem>>)
        } else {
        }
        %dma_wait3A_128 = arith.constant 0 : i32
        %dma_wait3A_129 = tpu.memref_slice %arg4[%dma_wait3A_128] : memref<600064xi32, #tpu.memory_space<hbm>> -> memref<256xi32, #tpu.memory_space<hbm>>
        %dma_wait3A_130 = arith.constant 0 : i32
        %dma_wait3A_131 = tpu.memref_slice %arg4[%dma_wait3A_130] : memref<600064xi32, #tpu.memory_space<hbm>> -> memref<256xi32, #tpu.memory_space<hbm>>
        tpu.wait_dma2 semaphore(%arg27 : memref<!tpu.dma_semaphore, #tpu.memory_space<semaphore_mem>>) src(%dma_wait3A_131 : memref<256xi32, #tpu.memory_space<hbm>>) dst(%arg25 : memref<256xi32, #tpu.memory_space<vmem>>)
        %convert_element_type3A_132 = arith.extui %ne3A_16 : i1 to i32
        %cond3A_133 = arith.constant 0 : i32
        %cond3A_134 = arith.cmpi ne, %convert_element_type3A_132, %cond3A_133 : i32
        scf.if %cond3A_134 {
          %get3A = arith.constant 0 : index
          %get3A_167 = tpu.vector_load %arg16[%get3A] {strides = array<i32>} : memref<128xi32, #tpu.memory_space<vmem>>, vector<16xi32>,
          %get3A_168 = vector.shape_cast %get3A_167 : vector<16xi32> to vector<16xi32>
          %add3A_169 = vector.broadcast %mul3A_13 : i32 to vector<16xi32>
          %add3A_170 = arith.addi %get3A_168, %add3A_169 : vector<16xi32>
          %swap3A = arith.constant 0 : index
          %swap3A_171 = tpu.vector_load %arg16[%swap3A] {strides = array<i32>} : memref<128xi32, #tpu.memory_space<vmem>>, vector<16xi32>,
          %swap3A_172 = vector.shape_cast %swap3A_171 : vector<16xi32> to vector<16xi32>
          %swap3A_173 = vector.shape_cast %add3A_170 : vector<16xi32> to vector<16xi32>
          tpu.vector_store %arg16[%swap3A], %swap3A_173 {strides = array<i32>} : memref<128xi32, #tpu.memory_space<vmem>>, vector<16xi32>,
          %get3A_174 = arith.constant 16 : index
          %get3A_175 = tpu.vector_load %arg16[%get3A_174] {strides = array<i32>} : memref<128xi32, #tpu.memory_space<vmem>>, vector<16xi32>,
          %get3A_176 = vector.shape_cast %get3A_175 : vector<16xi32> to vector<16xi32>
          %add3A_177 = vector.broadcast %mul3A_13 : i32 to vector<16xi32>
          %add3A_178 = arith.addi %get3A_176, %add3A_177 : vector<16xi32>
          %swap3A_179 = arith.constant 16 : index
          %swap3A_180 = tpu.vector_load %arg16[%swap3A_179] {strides = array<i32>} : memref<128xi32, #tpu.memory_space<vmem>>, vector<16xi32>,
          %swap3A_181 = vector.shape_cast %swap3A_180 : vector<16xi32> to vector<16xi32>
          %swap3A_182 = vector.shape_cast %add3A_178 : vector<16xi32> to vector<16xi32>
          tpu.vector_store %arg16[%swap3A_179], %swap3A_182 {strides = array<i32>} : memref<128xi32, #tpu.memory_space<vmem>>, vector<16xi32>,
          %get3A_183 = arith.constant 32 : index
          %get3A_184 = tpu.vector_load %arg16[%get3A_183] {strides = array<i32>} : memref<128xi32, #tpu.memory_space<vmem>>, vector<16xi32>,
          %get3A_185 = vector.shape_cast %get3A_184 : vector<16xi32> to vector<16xi32>
          %add3A_186 = vector.broadcast %mul3A_13 : i32 to vector<16xi32>
          %add3A_187 = arith.addi %get3A_185, %add3A_186 : vector<16xi32>
          %swap3A_188 = arith.constant 32 : index
          %swap3A_189 = tpu.vector_load %arg16[%swap3A_188] {strides = array<i32>} : memref<128xi32, #tpu.memory_space<vmem>>, vector<16xi32>,
          %swap3A_190 = vector.shape_cast %swap3A_189 : vector<16xi32> to vector<16xi32>
          %swap3A_191 = vector.shape_cast %add3A_187 : vector<16xi32> to vector<16xi32>
          tpu.vector_store %arg16[%swap3A_188], %swap3A_191 {strides = array<i32>} : memref<128xi32, #tpu.memory_space<vmem>>, vector<16xi32>,
          %get3A_192 = arith.constant 48 : index
          %get3A_193 = tpu.vector_load %arg16[%get3A_192] {strides = array<i32>} : memref<128xi32, #tpu.memory_space<vmem>>, vector<16xi32>,
          %get3A_194 = vector.shape_cast %get3A_193 : vector<16xi32> to vector<16xi32>
          %add3A_195 = vector.broadcast %mul3A_13 : i32 to vector<16xi32>
          %add3A_196 = arith.addi %get3A_194, %add3A_195 : vector<16xi32>
          %swap3A_197 = arith.constant 48 : index
          %swap3A_198 = tpu.vector_load %arg16[%swap3A_197] {strides = array<i32>} : memref<128xi32, #tpu.memory_space<vmem>>, vector<16xi32>,
          %swap3A_199 = vector.shape_cast %swap3A_198 : vector<16xi32> to vector<16xi32>
          %swap3A_200 = vector.shape_cast %add3A_196 : vector<16xi32> to vector<16xi32>
          tpu.vector_store %arg16[%swap3A_197], %swap3A_200 {strides = array<i32>} : memref<128xi32, #tpu.memory_space<vmem>>, vector<16xi32>,
          %get3A_201 = arith.constant 64 : index
          %get3A_202 = tpu.vector_load %arg16[%get3A_201] {strides = array<i32>} : memref<128xi32, #tpu.memory_space<vmem>>, vector<16xi32>,
          %get3A_203 = vector.shape_cast %get3A_202 : vector<16xi32> to vector<16xi32>
          %add3A_204 = vector.broadcast %mul3A_13 : i32 to vector<16xi32>
          %add3A_205 = arith.addi %get3A_203, %add3A_204 : vector<16xi32>
          %swap3A_206 = arith.constant 64 : index
          %swap3A_207 = tpu.vector_load %arg16[%swap3A_206] {strides = array<i32>} : memref<128xi32, #tpu.memory_space<vmem>>, vector<16xi32>,
          %swap3A_208 = vector.shape_cast %swap3A_207 : vector<16xi32> to vector<16xi32>
          %swap3A_209 = vector.shape_cast %add3A_205 : vector<16xi32> to vector<16xi32>
          tpu.vector_store %arg16[%swap3A_206], %swap3A_209 {strides = array<i32>} : memref<128xi32, #tpu.memory_space<vmem>>, vector<16xi32>,
          %get3A_210 = arith.constant 80 : index
          %get3A_211 = tpu.vector_load %arg16[%get3A_210] {strides = array<i32>} : memref<128xi32, #tpu.memory_space<vmem>>, vector<16xi32>,
          %get3A_212 = vector.shape_cast %get3A_211 : vector<16xi32> to vector<16xi32>
          %add3A_213 = vector.broadcast %mul3A_13 : i32 to vector<16xi32>
          %add3A_214 = arith.addi %get3A_212, %add3A_213 : vector<16xi32>
          %swap3A_215 = arith.constant 80 : index
          %swap3A_216 = tpu.vector_load %arg16[%swap3A_215] {strides = array<i32>} : memref<128xi32, #tpu.memory_space<vmem>>, vector<16xi32>,
          %swap3A_217 = vector.shape_cast %swap3A_216 : vector<16xi32> to vector<16xi32>
          %swap3A_218 = vector.shape_cast %add3A_214 : vector<16xi32> to vector<16xi32>
          tpu.vector_store %arg16[%swap3A_215], %swap3A_218 {strides = array<i32>} : memref<128xi32, #tpu.memory_space<vmem>>, vector<16xi32>,
          %get3A_219 = arith.constant 96 : index
          %get3A_220 = tpu.vector_load %arg16[%get3A_219] {strides = array<i32>} : memref<128xi32, #tpu.memory_space<vmem>>, vector<16xi32>,
          %get3A_221 = vector.shape_cast %get3A_220 : vector<16xi32> to vector<16xi32>
          %add3A_222 = vector.broadcast %mul3A_13 : i32 to vector<16xi32>
          %add3A_223 = arith.addi %get3A_221, %add3A_222 : vector<16xi32>
          %swap3A_224 = arith.constant 96 : index
          %swap3A_225 = tpu.vector_load %arg16[%swap3A_224] {strides = array<i32>} : memref<128xi32, #tpu.memory_space<vmem>>, vector<16xi32>,
          %swap3A_226 = vector.shape_cast %swap3A_225 : vector<16xi32> to vector<16xi32>
          %swap3A_227 = vector.shape_cast %add3A_223 : vector<16xi32> to vector<16xi32>
          tpu.vector_store %arg16[%swap3A_224], %swap3A_227 {strides = array<i32>} : memref<128xi32, #tpu.memory_space<vmem>>, vector<16xi32>,
          %get3A_228 = arith.constant 112 : index
          %get3A_229 = tpu.vector_load %arg16[%get3A_228] {strides = array<i32>} : memref<128xi32, #tpu.memory_space<vmem>>, vector<16xi32>,
          %get3A_230 = vector.shape_cast %get3A_229 : vector<16xi32> to vector<16xi32>
          %add3A_231 = vector.broadcast %mul3A_13 : i32 to vector<16xi32>
          %add3A_232 = arith.addi %get3A_230, %add3A_231 : vector<16xi32>
          %swap3A_233 = arith.constant 112 : index
          %swap3A_234 = tpu.vector_load %arg16[%swap3A_233] {strides = array<i32>} : memref<128xi32, #tpu.memory_space<vmem>>, vector<16xi32>,
          %swap3A_235 = vector.shape_cast %swap3A_234 : vector<16xi32> to vector<16xi32>
          %swap3A_236 = vector.shape_cast %add3A_232 : vector<16xi32> to vector<16xi32>
          tpu.vector_store %arg16[%swap3A_233], %swap3A_236 {strides = array<i32>} : memref<128xi32, #tpu.memory_space<vmem>>, vector<16xi32>,
          %dma_start3A_237 = arith.constant 0 : i32
          %dma_start3A_238 = arith.constant 0 : i32
          %dma_start3A_239 = tpu.memref_slice %arg2[%dma_start3A_237, %dma_start3A_238] : memref<200000x32xf32, #tpu.memory_space<hbm>> -> memref<200000x32xf32, #tpu.memory_space<hbm>>
          tpu.enqueue_indirect_dma source(%dma_start3A_239 : memref<200000x32xf32, #tpu.memory_space<hbm>>) target(%arg22 : memref<128x32xf32, #tpu.memory_space<vmem>>) offsets(%arg16 : memref<128xi32, #tpu.memory_space<vmem>>) semaphore(%arg29 : memref<!tpu.dma_semaphore, #tpu.memory_space<semaphore_mem>>)
        } else {
        }
        %convert_element_type3A_135 = arith.extui %ne3A_16 : i1 to i32
        %cond3A_136 = arith.constant 0 : i32
        %cond3A_137 = arith.cmpi ne, %convert_element_type3A_135, %cond3A_136 : i32
        scf.if %cond3A_137 {
          %dma_start3A_167 = arith.constant 0 : i32
          %dma_start3A_168 = arith.constant 0 : i32
          %dma_start3A_169 = tpu.memref_slice %arg14[%dma_start3A_167, %dma_start3A_168] : memref<51200x32xf32, #tpu.memory_space<vmem_shared>> -> memref<51200x32xf32, #tpu.memory_space<vmem_shared>>
          tpu.enqueue_indirect_dma source(%arg21 : memref<128x32xf32, #tpu.memory_space<vmem>>) target(%dma_start3A_169 : memref<51200x32xf32, #tpu.memory_space<vmem_shared>>) offsets(%arg18 : memref<128xi32, #tpu.memory_space<vmem>>) semaphore(%arg30 : memref<!tpu.dma_semaphore, #tpu.memory_space<semaphore_mem>>) {add = true}
        } else {
        }
        %convert_element_type3A_138 = arith.extui %eq3A_15 : i1 to i32
        %cond3A_139 = arith.constant 0 : i32
        %cond3A_140 = arith.cmpi ne, %convert_element_type3A_138, %cond3A_139 : i32
        scf.if %cond3A_140 {
          %dma_start3A_167 = arith.constant 0 : i32
          %dma_start3A_168 = arith.constant 0 : i32
          %dma_start3A_169 = tpu.memref_slice %arg14[%dma_start3A_167, %dma_start3A_168] : memref<51200x32xf32, #tpu.memory_space<vmem_shared>> -> memref<51200x32xf32, #tpu.memory_space<vmem_shared>>
          tpu.enqueue_indirect_dma source(%arg24 : memref<128x32xf32, #tpu.memory_space<vmem>>) target(%dma_start3A_169 : memref<51200x32xf32, #tpu.memory_space<vmem_shared>>) offsets(%arg18 : memref<128xi32, #tpu.memory_space<vmem>>) semaphore(%arg30 : memref<!tpu.dma_semaphore, #tpu.memory_space<semaphore_mem>>) {add = true}
        } else {
        }
        %dma_wait3A_141 = arith.constant 0 : i32
        %dma_wait3A_142 = arith.constant 0 : i32
        %dma_wait3A_143 = tpu.memref_slice %arg14[%dma_wait3A_141, %dma_wait3A_142] : memref<51200x32xf32, #tpu.memory_space<vmem_shared>> -> memref<51200x32xf32, #tpu.memory_space<vmem_shared>>
        tpu.wait_indirect_dma semaphore(%arg32 : memref<!tpu.dma_semaphore, #tpu.memory_space<semaphore_mem>>) src(%arg23 : memref<128x32xf32, #tpu.memory_space<vmem>>) dst(%dma_wait3A_143 : memref<51200x32xf32, #tpu.memory_space<vmem_shared>>)
        %convert_element_type3A_144 = arith.extui %ne3A_16 : i1 to i32
        %cond3A_145 = arith.constant 0 : i32
        %cond3A_146 = arith.cmpi ne, %convert_element_type3A_144, %cond3A_145 : i32
        scf.if %cond3A_146 {
          %dma_wait3A_167 = arith.constant 0 : i32
          %dma_wait3A_168 = arith.constant 0 : i32
          %dma_wait3A_169 = tpu.memref_slice %arg2[%dma_wait3A_167, %dma_wait3A_168] : memref<200000x32xf32, #tpu.memory_space<hbm>> -> memref<200000x32xf32, #tpu.memory_space<hbm>>
          tpu.wait_indirect_dma semaphore(%arg29 : memref<!tpu.dma_semaphore, #tpu.memory_space<semaphore_mem>>) src(%dma_wait3A_169 : memref<200000x32xf32, #tpu.memory_space<hbm>>) dst(%arg22 : memref<128x32xf32, #tpu.memory_space<vmem>>)
        } else {
        }
        %convert_element_type3A_147 = arith.extui %ne3A_16 : i1 to i32
        %cond3A_148 = arith.constant 0 : i32
        %cond3A_149 = arith.cmpi ne, %convert_element_type3A_147, %cond3A_148 : i32
        scf.if %cond3A_149 {
          %dma_start3A_167 = arith.constant 0 : i32
          %dma_start3A_168 = arith.constant 0 : i32
          %dma_start3A_169 = tpu.memref_slice %arg14[%dma_start3A_167, %dma_start3A_168] : memref<51200x32xf32, #tpu.memory_space<vmem_shared>> -> memref<51200x32xf32, #tpu.memory_space<vmem_shared>>
          tpu.enqueue_indirect_dma source(%arg22 : memref<128x32xf32, #tpu.memory_space<vmem>>) target(%dma_start3A_169 : memref<51200x32xf32, #tpu.memory_space<vmem_shared>>) offsets(%arg19 : memref<128xi32, #tpu.memory_space<vmem>>) semaphore(%arg31 : memref<!tpu.dma_semaphore, #tpu.memory_space<semaphore_mem>>) {add = true}
        } else {
        }
        %convert_element_type3A_150 = arith.extui %eq3A_15 : i1 to i32
        %cond3A_151 = arith.constant 0 : i32
        %cond3A_152 = arith.cmpi ne, %convert_element_type3A_150, %cond3A_151 : i32
        scf.if %cond3A_152 {
          %dma_start3A_167 = arith.constant 0 : i32
          %dma_start3A_168 = arith.constant 0 : i32
          %dma_start3A_169 = tpu.memref_slice %arg14[%dma_start3A_167, %dma_start3A_168] : memref<51200x32xf32, #tpu.memory_space<vmem_shared>> -> memref<51200x32xf32, #tpu.memory_space<vmem_shared>>
          tpu.enqueue_indirect_dma source(%arg24 : memref<128x32xf32, #tpu.memory_space<vmem>>) target(%dma_start3A_169 : memref<51200x32xf32, #tpu.memory_space<vmem_shared>>) offsets(%arg19 : memref<128xi32, #tpu.memory_space<vmem>>) semaphore(%arg31 : memref<!tpu.dma_semaphore, #tpu.memory_space<semaphore_mem>>) {add = true}
        } else {
        }
        %dma_wait3A_153 = arith.constant 0 : i32
        %dma_wait3A_154 = arith.constant 0 : i32
        %dma_wait3A_155 = tpu.memref_slice %arg14[%dma_wait3A_153, %dma_wait3A_154] : memref<51200x32xf32, #tpu.memory_space<vmem_shared>> -> memref<51200x32xf32, #tpu.memory_space<vmem_shared>>
        tpu.wait_indirect_dma semaphore(%arg30 : memref<!tpu.dma_semaphore, #tpu.memory_space<semaphore_mem>>) src(%arg21 : memref<128x32xf32, #tpu.memory_space<vmem>>) dst(%dma_wait3A_155 : memref<51200x32xf32, #tpu.memory_space<vmem_shared>>)
        %dma_wait3A_156 = arith.constant 0 : i32
        %dma_wait3A_157 = arith.constant 0 : i32
        %dma_wait3A_158 = tpu.memref_slice %arg14[%dma_wait3A_156, %dma_wait3A_157] : memref<51200x32xf32, #tpu.memory_space<vmem_shared>> -> memref<51200x32xf32, #tpu.memory_space<vmem_shared>>
        tpu.wait_indirect_dma semaphore(%arg31 : memref<!tpu.dma_semaphore, #tpu.memory_space<semaphore_mem>>) src(%arg22 : memref<128x32xf32, #tpu.memory_space<vmem>>) dst(%dma_wait3A_158 : memref<51200x32xf32, #tpu.memory_space<vmem_shared>>)
        %barrier3A_159 = arith.constant 0 : index
        tpu.barrier barrier_id(%barrier3A_159)
        %convert_element_type3A_160 = arith.extui %ne3A_16 : i1 to i32
        %cond3A_161 = arith.constant 0 : i32
        %cond3A_162 = arith.cmpi ne, %convert_element_type3A_160, %cond3A_161 : i32
        scf.if %cond3A_162 {
          %mul3A_167 = arith.constant 3200 : i32
          %mul3A_168 = arith.muli %arg1, %mul3A_167 : i32
          %mul3A_169 = arith.constant 51200 : i32
          %mul3A_170 = arith.muli %scan3A_12, %mul3A_169 : i32
          %mul3A_171 = arith.constant 3200 : i32
          %mul3A_172 = arith.muli %arg1, %mul3A_171 : i32
          %add3A_173 = arith.addi %mul3A_170, %mul3A_172 : i32
          "tpu.region"() ({
            %run_scoped3A = tpu.sem_alloc : memref<!tpu.dma_semaphore, #tpu.memory_space<semaphore_mem>>
            %dma_start3A_174 = arith.constant 0 : i32
            %dma_start3A_175 = tpu.memref_slice %arg10[%add3A_173, %dma_start3A_174] : memref<204800x32xf32, #tpu.memory_space<hbm>> -> memref<3200x32xf32, #tpu.memory_space<hbm>>
            %dma_start3A_176 = arith.constant 0 : i32
            %dma_start3A_177 = tpu.memref_slice %arg14[%mul3A_168, %dma_start3A_176] : memref<51200x32xf32, #tpu.memory_space<vmem_shared>> -> memref<3200x32xf32, #tpu.memory_space<vmem_shared>>
            tpu.enqueue_dma source(%dma_start3A_177 : memref<3200x32xf32, #tpu.memory_space<vmem_shared>>) target(%dma_start3A_175 : memref<3200x32xf32, #tpu.memory_space<hbm>>) target_semaphore(%run_scoped3A : memref<!tpu.dma_semaphore, #tpu.memory_space<semaphore_mem>>)
            %dma_wait3A_178 = arith.constant 0 : i32
            %dma_wait3A_179 = tpu.memref_slice %arg10[%add3A_173, %dma_wait3A_178] : memref<204800x32xf32, #tpu.memory_space<hbm>> -> memref<3200x32xf32, #tpu.memory_space<hbm>>
            %dma_wait3A_180 = arith.constant 0 : i32
            %dma_wait3A_181 = tpu.memref_slice %arg14[%mul3A_168, %dma_wait3A_180] : memref<51200x32xf32, #tpu.memory_space<vmem_shared>> -> memref<3200x32xf32, #tpu.memory_space<vmem_shared>>
            tpu.wait_dma2 semaphore(%run_scoped3A : memref<!tpu.dma_semaphore, #tpu.memory_space<semaphore_mem>>) src(%dma_wait3A_181 : memref<3200x32xf32, #tpu.memory_space<vmem_shared>>) dst(%dma_wait3A_179 : memref<3200x32xf32, #tpu.memory_space<hbm>>)
            tpu.yield
          }) : () -> ()
        } else {
        }
        %convert_element_type3A_163 = arith.extui %eq3A_15 : i1 to i32
        %cond3A_164 = arith.constant 0 : i32
        %cond3A_165 = arith.cmpi ne, %convert_element_type3A_163, %cond3A_164 : i32
        scf.if %cond3A_165 {
          %mul3A_167 = arith.constant 3200 : i32
          %mul3A_168 = arith.muli %arg1, %mul3A_167 : i32
          %mul3A_169 = arith.constant 3200 : i32
          %mul3A_170 = arith.muli %arg1, %mul3A_169 : i32
          "tpu.region"() ({
            %run_scoped3A = tpu.sem_alloc : memref<!tpu.dma_semaphore, #tpu.memory_space<semaphore_mem>>
            %dma_start3A_171 = arith.constant 0 : i32
            %dma_start3A_172 = tpu.memref_slice %arg12[%mul3A_170, %dma_start3A_171] : memref<51200x32xf32, #tpu.memory_space<hbm>> -> memref<3200x32xf32, #tpu.memory_space<hbm>>
            %dma_start3A_173 = arith.constant 0 : i32
            %dma_start3A_174 = tpu.memref_slice %arg14[%mul3A_168, %dma_start3A_173] : memref<51200x32xf32, #tpu.memory_space<vmem_shared>> -> memref<3200x32xf32, #tpu.memory_space<vmem_shared>>
            tpu.enqueue_dma source(%dma_start3A_174 : memref<3200x32xf32, #tpu.memory_space<vmem_shared>>) target(%dma_start3A_172 : memref<3200x32xf32, #tpu.memory_space<hbm>>) target_semaphore(%run_scoped3A : memref<!tpu.dma_semaphore, #tpu.memory_space<semaphore_mem>>)
            %dma_wait3A_175 = arith.constant 0 : i32
            %dma_wait3A_176 = tpu.memref_slice %arg12[%mul3A_170, %dma_wait3A_175] : memref<51200x32xf32, #tpu.memory_space<hbm>> -> memref<3200x32xf32, #tpu.memory_space<hbm>>
            %dma_wait3A_177 = arith.constant 0 : i32
            %dma_wait3A_178 = tpu.memref_slice %arg14[%mul3A_168, %dma_wait3A_177] : memref<51200x32xf32, #tpu.memory_space<vmem_shared>> -> memref<3200x32xf32, #tpu.memory_space<vmem_shared>>
            tpu.wait_dma2 semaphore(%run_scoped3A : memref<!tpu.dma_semaphore, #tpu.memory_space<semaphore_mem>>) src(%dma_wait3A_178 : memref<3200x32xf32, #tpu.memory_space<vmem_shared>>) dst(%dma_wait3A_176 : memref<3200x32xf32, #tpu.memory_space<hbm>>)
            tpu.yield
          }) : () -> ()
        } else {
        }
        %barrier3A_166 = arith.constant 0 : index
        tpu.barrier barrier_id(%barrier3A_166)
      }
      %scan3A_11 = arith.constant 5 : i32
    } else {
    }
    %eq3A_2 = arith.constant 1 : i32
    %eq3A_3 = arith.cmpi eq, %arg0, %eq3A_2 : i32
    %convert_element_type3A_4 = arith.extui %eq3A_3 : i1 to i32
    %cond3A_5 = arith.constant 0 : i32
    %cond3A_6 = arith.cmpi ne, %convert_element_type3A_4, %cond3A_5 : i32
    scf.if %cond3A_6 {
      %scan3A = arith.constant 0 : i32
      %scan3A_7 = arith.constant 0 : i32
      %scan3A_8 = arith.constant 5 : i32
      %scan3A_9 = arith.addi %scan3A_7, %scan3A_8 : i32
      %scan3A_10 = arith.constant 1 : i32
      scf.for %scan3A_12 = %scan3A_7 to %scan3A_9 step %scan3A_10  : i32 {
        %mul3A = arith.constant 50000 : i32
        %mul3A_13 = arith.muli %scan3A_12, %mul3A : i32
        %eq3A_14 = arith.constant 4 : i32
        %eq3A_15 = arith.cmpi eq, %scan3A_12, %eq3A_14 : i32
        %ne3A = arith.constant 4 : i32
        %ne3A_16 = arith.cmpi ne, %scan3A_12, %ne3A : i32
        %mul3A_17 = arith.constant 3200 : i32
        %mul3A_18 = arith.muli %arg1, %mul3A_17 : i32
        %mul3A_19 = arith.constant 3200 : i32
        %mul3A_20 = arith.muli %arg1, %mul3A_19 : i32
        "tpu.region"() ({
          %run_scoped3A = tpu.sem_alloc : memref<!tpu.dma_semaphore, #tpu.memory_space<semaphore_mem>>
          %dma_start3A_167 = arith.constant 0 : i32
          %dma_start3A_168 = tpu.memref_slice %arg14[%mul3A_20, %dma_start3A_167] : memref<51200x32xf32, #tpu.memory_space<vmem_shared>> -> memref<3200x32xf32, #tpu.memory_space<vmem_shared>>
          %dma_start3A_169 = arith.constant 0 : i32
          %dma_start3A_170 = tpu.memref_slice %arg9[%mul3A_18, %dma_start3A_169] : memref<51200x32xf32, #tpu.memory_space<hbm>> -> memref<3200x32xf32, #tpu.memory_space<hbm>>
          tpu.enqueue_dma source(%dma_start3A_170 : memref<3200x32xf32, #tpu.memory_space<hbm>>) target(%dma_start3A_168 : memref<3200x32xf32, #tpu.memory_space<vmem_shared>>) target_semaphore(%run_scoped3A : memref<!tpu.dma_semaphore, #tpu.memory_space<semaphore_mem>>)
          %dma_wait3A_171 = arith.constant 0 : i32
          %dma_wait3A_172 = tpu.memref_slice %arg14[%mul3A_20, %dma_wait3A_171] : memref<51200x32xf32, #tpu.memory_space<vmem_shared>> -> memref<3200x32xf32, #tpu.memory_space<vmem_shared>>
          %dma_wait3A_173 = arith.constant 0 : i32
          %dma_wait3A_174 = tpu.memref_slice %arg9[%mul3A_18, %dma_wait3A_173] : memref<51200x32xf32, #tpu.memory_space<hbm>> -> memref<3200x32xf32, #tpu.memory_space<hbm>>
          tpu.wait_dma2 semaphore(%run_scoped3A : memref<!tpu.dma_semaphore, #tpu.memory_space<semaphore_mem>>) src(%dma_wait3A_174 : memref<3200x32xf32, #tpu.memory_space<hbm>>) dst(%dma_wait3A_172 : memref<3200x32xf32, #tpu.memory_space<vmem_shared>>)
          tpu.yield
        }) : () -> ()
        %barrier3A = arith.constant 0 : index
        tpu.barrier barrier_id(%barrier3A)
        %add3A = arith.constant 0 : i32
        %add3A_21 = arith.addi %add3A, %arg1 : i32
        %mul3A_22 = arith.constant 128 : i32
        %mul3A_23 = arith.muli %add3A_21, %mul3A_22 : i32
        %dma_start3A = tpu.memref_slice %arg6[%mul3A_23] : memref<600064xi32, #tpu.memory_space<hbm>> -> memref<128xi32, #tpu.memory_space<hbm>>
        %dma_start3A_24 = tpu.memref_slice %arg6[%mul3A_23] : memref<600064xi32, #tpu.memory_space<hbm>> -> memref<128xi32, #tpu.memory_space<hbm>>
        tpu.enqueue_dma source(%dma_start3A_24 : memref<128xi32, #tpu.memory_space<hbm>>) target(%arg15 : memref<128xi32, #tpu.memory_space<vmem>>) target_semaphore(%arg26 : memref<!tpu.dma_semaphore, #tpu.memory_space<semaphore_mem>>)
        %dma_start3A_25 = tpu.memref_slice %arg7[%mul3A_23] : memref<600064xi32, #tpu.memory_space<hbm>> -> memref<128xi32, #tpu.memory_space<hbm>>
        %dma_start3A_26 = tpu.memref_slice %arg7[%mul3A_23] : memref<600064xi32, #tpu.memory_space<hbm>> -> memref<128xi32, #tpu.memory_space<hbm>>
        tpu.enqueue_dma source(%dma_start3A_26 : memref<128xi32, #tpu.memory_space<hbm>>) target(%arg18 : memref<128xi32, #tpu.memory_space<vmem>>) target_semaphore(%arg26 : memref<!tpu.dma_semaphore, #tpu.memory_space<semaphore_mem>>)
        %add3A_27 = arith.constant 16 : i32
        %add3A_28 = arith.addi %add3A_27, %arg1 : i32
        %mul3A_29 = arith.constant 128 : i32
        %mul3A_30 = arith.muli %add3A_28, %mul3A_29 : i32
        %dma_start3A_31 = tpu.memref_slice %arg6[%mul3A_30] : memref<600064xi32, #tpu.memory_space<hbm>> -> memref<128xi32, #tpu.memory_space<hbm>>
        %dma_start3A_32 = tpu.memref_slice %arg6[%mul3A_30] : memref<600064xi32, #tpu.memory_space<hbm>> -> memref<128xi32, #tpu.memory_space<hbm>>
        tpu.enqueue_dma source(%dma_start3A_32 : memref<128xi32, #tpu.memory_space<hbm>>) target(%arg16 : memref<128xi32, #tpu.memory_space<vmem>>) target_semaphore(%arg27 : memref<!tpu.dma_semaphore, #tpu.memory_space<semaphore_mem>>)
        %dma_start3A_33 = tpu.memref_slice %arg7[%mul3A_30] : memref<600064xi32, #tpu.memory_space<hbm>> -> memref<128xi32, #tpu.memory_space<hbm>>
        %dma_start3A_34 = tpu.memref_slice %arg7[%mul3A_30] : memref<600064xi32, #tpu.memory_space<hbm>> -> memref<128xi32, #tpu.memory_space<hbm>>
        tpu.enqueue_dma source(%dma_start3A_34 : memref<128xi32, #tpu.memory_space<hbm>>) target(%arg19 : memref<128xi32, #tpu.memory_space<vmem>>) target_semaphore(%arg27 : memref<!tpu.dma_semaphore, #tpu.memory_space<semaphore_mem>>)
        %dma_wait3A = arith.constant 0 : i32
        %dma_wait3A_35 = tpu.memref_slice %arg6[%dma_wait3A] : memref<600064xi32, #tpu.memory_space<hbm>> -> memref<256xi32, #tpu.memory_space<hbm>>
        %dma_wait3A_36 = arith.constant 0 : i32
        %dma_wait3A_37 = tpu.memref_slice %arg6[%dma_wait3A_36] : memref<600064xi32, #tpu.memory_space<hbm>> -> memref<256xi32, #tpu.memory_space<hbm>>
        tpu.wait_dma2 semaphore(%arg26 : memref<!tpu.dma_semaphore, #tpu.memory_space<semaphore_mem>>) src(%dma_wait3A_37 : memref<256xi32, #tpu.memory_space<hbm>>) dst(%arg25 : memref<256xi32, #tpu.memory_space<vmem>>)
        %convert_element_type3A_38 = arith.extui %ne3A_16 : i1 to i32
        %cond3A_39 = arith.constant 0 : i32
        %cond3A_40 = arith.cmpi ne, %convert_element_type3A_38, %cond3A_39 : i32
        scf.if %cond3A_40 {
          %get3A = arith.constant 0 : index
          %get3A_167 = tpu.vector_load %arg15[%get3A] {strides = array<i32>} : memref<128xi32, #tpu.memory_space<vmem>>, vector<16xi32>,
          %get3A_168 = vector.shape_cast %get3A_167 : vector<16xi32> to vector<16xi32>
          %add3A_169 = vector.broadcast %mul3A_13 : i32 to vector<16xi32>
          %add3A_170 = arith.addi %get3A_168, %add3A_169 : vector<16xi32>
          %swap3A = arith.constant 0 : index
          %swap3A_171 = tpu.vector_load %arg15[%swap3A] {strides = array<i32>} : memref<128xi32, #tpu.memory_space<vmem>>, vector<16xi32>,
          %swap3A_172 = vector.shape_cast %swap3A_171 : vector<16xi32> to vector<16xi32>
          %swap3A_173 = vector.shape_cast %add3A_170 : vector<16xi32> to vector<16xi32>
          tpu.vector_store %arg15[%swap3A], %swap3A_173 {strides = array<i32>} : memref<128xi32, #tpu.memory_space<vmem>>, vector<16xi32>,
          %get3A_174 = arith.constant 16 : index
          %get3A_175 = tpu.vector_load %arg15[%get3A_174] {strides = array<i32>} : memref<128xi32, #tpu.memory_space<vmem>>, vector<16xi32>,
          %get3A_176 = vector.shape_cast %get3A_175 : vector<16xi32> to vector<16xi32>
          %add3A_177 = vector.broadcast %mul3A_13 : i32 to vector<16xi32>
          %add3A_178 = arith.addi %get3A_176, %add3A_177 : vector<16xi32>
          %swap3A_179 = arith.constant 16 : index
          %swap3A_180 = tpu.vector_load %arg15[%swap3A_179] {strides = array<i32>} : memref<128xi32, #tpu.memory_space<vmem>>, vector<16xi32>,
          %swap3A_181 = vector.shape_cast %swap3A_180 : vector<16xi32> to vector<16xi32>
          %swap3A_182 = vector.shape_cast %add3A_178 : vector<16xi32> to vector<16xi32>
          tpu.vector_store %arg15[%swap3A_179], %swap3A_182 {strides = array<i32>} : memref<128xi32, #tpu.memory_space<vmem>>, vector<16xi32>,
          %get3A_183 = arith.constant 32 : index
          %get3A_184 = tpu.vector_load %arg15[%get3A_183] {strides = array<i32>} : memref<128xi32, #tpu.memory_space<vmem>>, vector<16xi32>,
          %get3A_185 = vector.shape_cast %get3A_184 : vector<16xi32> to vector<16xi32>
          %add3A_186 = vector.broadcast %mul3A_13 : i32 to vector<16xi32>
          %add3A_187 = arith.addi %get3A_185, %add3A_186 : vector<16xi32>
          %swap3A_188 = arith.constant 32 : index
          %swap3A_189 = tpu.vector_load %arg15[%swap3A_188] {strides = array<i32>} : memref<128xi32, #tpu.memory_space<vmem>>, vector<16xi32>,
          %swap3A_190 = vector.shape_cast %swap3A_189 : vector<16xi32> to vector<16xi32>
          %swap3A_191 = vector.shape_cast %add3A_187 : vector<16xi32> to vector<16xi32>
          tpu.vector_store %arg15[%swap3A_188], %swap3A_191 {strides = array<i32>} : memref<128xi32, #tpu.memory_space<vmem>>, vector<16xi32>,
          %get3A_192 = arith.constant 48 : index
          %get3A_193 = tpu.vector_load %arg15[%get3A_192] {strides = array<i32>} : memref<128xi32, #tpu.memory_space<vmem>>, vector<16xi32>,
          %get3A_194 = vector.shape_cast %get3A_193 : vector<16xi32> to vector<16xi32>
          %add3A_195 = vector.broadcast %mul3A_13 : i32 to vector<16xi32>
          %add3A_196 = arith.addi %get3A_194, %add3A_195 : vector<16xi32>
          %swap3A_197 = arith.constant 48 : index
          %swap3A_198 = tpu.vector_load %arg15[%swap3A_197] {strides = array<i32>} : memref<128xi32, #tpu.memory_space<vmem>>, vector<16xi32>,
          %swap3A_199 = vector.shape_cast %swap3A_198 : vector<16xi32> to vector<16xi32>
          %swap3A_200 = vector.shape_cast %add3A_196 : vector<16xi32> to vector<16xi32>
          tpu.vector_store %arg15[%swap3A_197], %swap3A_200 {strides = array<i32>} : memref<128xi32, #tpu.memory_space<vmem>>, vector<16xi32>,
          %get3A_201 = arith.constant 64 : index
          %get3A_202 = tpu.vector_load %arg15[%get3A_201] {strides = array<i32>} : memref<128xi32, #tpu.memory_space<vmem>>, vector<16xi32>,
          %get3A_203 = vector.shape_cast %get3A_202 : vector<16xi32> to vector<16xi32>
          %add3A_204 = vector.broadcast %mul3A_13 : i32 to vector<16xi32>
          %add3A_205 = arith.addi %get3A_203, %add3A_204 : vector<16xi32>
          %swap3A_206 = arith.constant 64 : index
          %swap3A_207 = tpu.vector_load %arg15[%swap3A_206] {strides = array<i32>} : memref<128xi32, #tpu.memory_space<vmem>>, vector<16xi32>,
          %swap3A_208 = vector.shape_cast %swap3A_207 : vector<16xi32> to vector<16xi32>
          %swap3A_209 = vector.shape_cast %add3A_205 : vector<16xi32> to vector<16xi32>
          tpu.vector_store %arg15[%swap3A_206], %swap3A_209 {strides = array<i32>} : memref<128xi32, #tpu.memory_space<vmem>>, vector<16xi32>,
          %get3A_210 = arith.constant 80 : index
          %get3A_211 = tpu.vector_load %arg15[%get3A_210] {strides = array<i32>} : memref<128xi32, #tpu.memory_space<vmem>>, vector<16xi32>,
          %get3A_212 = vector.shape_cast %get3A_211 : vector<16xi32> to vector<16xi32>
          %add3A_213 = vector.broadcast %mul3A_13 : i32 to vector<16xi32>
          %add3A_214 = arith.addi %get3A_212, %add3A_213 : vector<16xi32>
          %swap3A_215 = arith.constant 80 : index
          %swap3A_216 = tpu.vector_load %arg15[%swap3A_215] {strides = array<i32>} : memref<128xi32, #tpu.memory_space<vmem>>, vector<16xi32>,
          %swap3A_217 = vector.shape_cast %swap3A_216 : vector<16xi32> to vector<16xi32>
          %swap3A_218 = vector.shape_cast %add3A_214 : vector<16xi32> to vector<16xi32>
          tpu.vector_store %arg15[%swap3A_215], %swap3A_218 {strides = array<i32>} : memref<128xi32, #tpu.memory_space<vmem>>, vector<16xi32>,
          %get3A_219 = arith.constant 96 : index
          %get3A_220 = tpu.vector_load %arg15[%get3A_219] {strides = array<i32>} : memref<128xi32, #tpu.memory_space<vmem>>, vector<16xi32>,
          %get3A_221 = vector.shape_cast %get3A_220 : vector<16xi32> to vector<16xi32>
          %add3A_222 = vector.broadcast %mul3A_13 : i32 to vector<16xi32>
          %add3A_223 = arith.addi %get3A_221, %add3A_222 : vector<16xi32>
          %swap3A_224 = arith.constant 96 : index
          %swap3A_225 = tpu.vector_load %arg15[%swap3A_224] {strides = array<i32>} : memref<128xi32, #tpu.memory_space<vmem>>, vector<16xi32>,
          %swap3A_226 = vector.shape_cast %swap3A_225 : vector<16xi32> to vector<16xi32>
          %swap3A_227 = vector.shape_cast %add3A_223 : vector<16xi32> to vector<16xi32>
          tpu.vector_store %arg15[%swap3A_224], %swap3A_227 {strides = array<i32>} : memref<128xi32, #tpu.memory_space<vmem>>, vector<16xi32>,
          %get3A_228 = arith.constant 112 : index
          %get3A_229 = tpu.vector_load %arg15[%get3A_228] {strides = array<i32>} : memref<128xi32, #tpu.memory_space<vmem>>, vector<16xi32>,
          %get3A_230 = vector.shape_cast %get3A_229 : vector<16xi32> to vector<16xi32>
          %add3A_231 = vector.broadcast %mul3A_13 : i32 to vector<16xi32>
          %add3A_232 = arith.addi %get3A_230, %add3A_231 : vector<16xi32>
          %swap3A_233 = arith.constant 112 : index
          %swap3A_234 = tpu.vector_load %arg15[%swap3A_233] {strides = array<i32>} : memref<128xi32, #tpu.memory_space<vmem>>, vector<16xi32>,
          %swap3A_235 = vector.shape_cast %swap3A_234 : vector<16xi32> to vector<16xi32>
          %swap3A_236 = vector.shape_cast %add3A_232 : vector<16xi32> to vector<16xi32>
          tpu.vector_store %arg15[%swap3A_233], %swap3A_236 {strides = array<i32>} : memref<128xi32, #tpu.memory_space<vmem>>, vector<16xi32>,
          %dma_start3A_237 = arith.constant 0 : i32
          %dma_start3A_238 = arith.constant 0 : i32
          %dma_start3A_239 = tpu.memref_slice %arg3[%dma_start3A_237, %dma_start3A_238] : memref<200000x32xf32, #tpu.memory_space<hbm>> -> memref<200000x32xf32, #tpu.memory_space<hbm>>
          tpu.enqueue_indirect_dma source(%dma_start3A_239 : memref<200000x32xf32, #tpu.memory_space<hbm>>) target(%arg21 : memref<128x32xf32, #tpu.memory_space<vmem>>) offsets(%arg15 : memref<128xi32, #tpu.memory_space<vmem>>) semaphore(%arg29 : memref<!tpu.dma_semaphore, #tpu.memory_space<semaphore_mem>>)
        } else {
        }
        %convert_element_type3A_41 = arith.extui %ne3A_16 : i1 to i32
        %cond3A_42 = arith.constant 0 : i32
        %cond3A_43 = arith.cmpi ne, %convert_element_type3A_41, %cond3A_42 : i32
        scf.if %cond3A_43 {
          %dma_wait3A_167 = arith.constant 0 : i32
          %dma_wait3A_168 = arith.constant 0 : i32
          %dma_wait3A_169 = tpu.memref_slice %arg3[%dma_wait3A_167, %dma_wait3A_168] : memref<200000x32xf32, #tpu.memory_space<hbm>> -> memref<200000x32xf32, #tpu.memory_space<hbm>>
          tpu.wait_indirect_dma semaphore(%arg29 : memref<!tpu.dma_semaphore, #tpu.memory_space<semaphore_mem>>) src(%dma_wait3A_169 : memref<200000x32xf32, #tpu.memory_space<hbm>>) dst(%arg21 : memref<128x32xf32, #tpu.memory_space<vmem>>)
        } else {
        }
        %dma_wait3A_44 = arith.constant 0 : i32
        %dma_wait3A_45 = tpu.memref_slice %arg6[%dma_wait3A_44] : memref<600064xi32, #tpu.memory_space<hbm>> -> memref<256xi32, #tpu.memory_space<hbm>>
        %dma_wait3A_46 = arith.constant 0 : i32
        %dma_wait3A_47 = tpu.memref_slice %arg6[%dma_wait3A_46] : memref<600064xi32, #tpu.memory_space<hbm>> -> memref<256xi32, #tpu.memory_space<hbm>>
        tpu.wait_dma2 semaphore(%arg27 : memref<!tpu.dma_semaphore, #tpu.memory_space<semaphore_mem>>) src(%dma_wait3A_47 : memref<256xi32, #tpu.memory_space<hbm>>) dst(%arg25 : memref<256xi32, #tpu.memory_space<vmem>>)
        %convert_element_type3A_48 = arith.extui %ne3A_16 : i1 to i32
        %cond3A_49 = arith.constant 0 : i32
        %cond3A_50 = arith.cmpi ne, %convert_element_type3A_48, %cond3A_49 : i32
        scf.if %cond3A_50 {
          %get3A = arith.constant 0 : index
          %get3A_167 = tpu.vector_load %arg16[%get3A] {strides = array<i32>} : memref<128xi32, #tpu.memory_space<vmem>>, vector<16xi32>,
          %get3A_168 = vector.shape_cast %get3A_167 : vector<16xi32> to vector<16xi32>
          %add3A_169 = vector.broadcast %mul3A_13 : i32 to vector<16xi32>
          %add3A_170 = arith.addi %get3A_168, %add3A_169 : vector<16xi32>
          %swap3A = arith.constant 0 : index
          %swap3A_171 = tpu.vector_load %arg16[%swap3A] {strides = array<i32>} : memref<128xi32, #tpu.memory_space<vmem>>, vector<16xi32>,
          %swap3A_172 = vector.shape_cast %swap3A_171 : vector<16xi32> to vector<16xi32>
          %swap3A_173 = vector.shape_cast %add3A_170 : vector<16xi32> to vector<16xi32>
          tpu.vector_store %arg16[%swap3A], %swap3A_173 {strides = array<i32>} : memref<128xi32, #tpu.memory_space<vmem>>, vector<16xi32>,
          %get3A_174 = arith.constant 16 : index
          %get3A_175 = tpu.vector_load %arg16[%get3A_174] {strides = array<i32>} : memref<128xi32, #tpu.memory_space<vmem>>, vector<16xi32>,
          %get3A_176 = vector.shape_cast %get3A_175 : vector<16xi32> to vector<16xi32>
          %add3A_177 = vector.broadcast %mul3A_13 : i32 to vector<16xi32>
          %add3A_178 = arith.addi %get3A_176, %add3A_177 : vector<16xi32>
          %swap3A_179 = arith.constant 16 : index
          %swap3A_180 = tpu.vector_load %arg16[%swap3A_179] {strides = array<i32>} : memref<128xi32, #tpu.memory_space<vmem>>, vector<16xi32>,
          %swap3A_181 = vector.shape_cast %swap3A_180 : vector<16xi32> to vector<16xi32>
          %swap3A_182 = vector.shape_cast %add3A_178 : vector<16xi32> to vector<16xi32>
          tpu.vector_store %arg16[%swap3A_179], %swap3A_182 {strides = array<i32>} : memref<128xi32, #tpu.memory_space<vmem>>, vector<16xi32>,
          %get3A_183 = arith.constant 32 : index
          %get3A_184 = tpu.vector_load %arg16[%get3A_183] {strides = array<i32>} : memref<128xi32, #tpu.memory_space<vmem>>, vector<16xi32>,
          %get3A_185 = vector.shape_cast %get3A_184 : vector<16xi32> to vector<16xi32>
          %add3A_186 = vector.broadcast %mul3A_13 : i32 to vector<16xi32>
          %add3A_187 = arith.addi %get3A_185, %add3A_186 : vector<16xi32>
          %swap3A_188 = arith.constant 32 : index
          %swap3A_189 = tpu.vector_load %arg16[%swap3A_188] {strides = array<i32>} : memref<128xi32, #tpu.memory_space<vmem>>, vector<16xi32>,
          %swap3A_190 = vector.shape_cast %swap3A_189 : vector<16xi32> to vector<16xi32>
          %swap3A_191 = vector.shape_cast %add3A_187 : vector<16xi32> to vector<16xi32>
          tpu.vector_store %arg16[%swap3A_188], %swap3A_191 {strides = array<i32>} : memref<128xi32, #tpu.memory_space<vmem>>, vector<16xi32>,
          %get3A_192 = arith.constant 48 : index
          %get3A_193 = tpu.vector_load %arg16[%get3A_192] {strides = array<i32>} : memref<128xi32, #tpu.memory_space<vmem>>, vector<16xi32>,
          %get3A_194 = vector.shape_cast %get3A_193 : vector<16xi32> to vector<16xi32>
          %add3A_195 = vector.broadcast %mul3A_13 : i32 to vector<16xi32>
          %add3A_196 = arith.addi %get3A_194, %add3A_195 : vector<16xi32>
          %swap3A_197 = arith.constant 48 : index
          %swap3A_198 = tpu.vector_load %arg16[%swap3A_197] {strides = array<i32>} : memref<128xi32, #tpu.memory_space<vmem>>, vector<16xi32>,
          %swap3A_199 = vector.shape_cast %swap3A_198 : vector<16xi32> to vector<16xi32>
          %swap3A_200 = vector.shape_cast %add3A_196 : vector<16xi32> to vector<16xi32>
          tpu.vector_store %arg16[%swap3A_197], %swap3A_200 {strides = array<i32>} : memref<128xi32, #tpu.memory_space<vmem>>, vector<16xi32>,
          %get3A_201 = arith.constant 64 : index
          %get3A_202 = tpu.vector_load %arg16[%get3A_201] {strides = array<i32>} : memref<128xi32, #tpu.memory_space<vmem>>, vector<16xi32>,
          %get3A_203 = vector.shape_cast %get3A_202 : vector<16xi32> to vector<16xi32>
          %add3A_204 = vector.broadcast %mul3A_13 : i32 to vector<16xi32>
          %add3A_205 = arith.addi %get3A_203, %add3A_204 : vector<16xi32>
          %swap3A_206 = arith.constant 64 : index
          %swap3A_207 = tpu.vector_load %arg16[%swap3A_206] {strides = array<i32>} : memref<128xi32, #tpu.memory_space<vmem>>, vector<16xi32>,
          %swap3A_208 = vector.shape_cast %swap3A_207 : vector<16xi32> to vector<16xi32>
          %swap3A_209 = vector.shape_cast %add3A_205 : vector<16xi32> to vector<16xi32>
          tpu.vector_store %arg16[%swap3A_206], %swap3A_209 {strides = array<i32>} : memref<128xi32, #tpu.memory_space<vmem>>, vector<16xi32>,
          %get3A_210 = arith.constant 80 : index
          %get3A_211 = tpu.vector_load %arg16[%get3A_210] {strides = array<i32>} : memref<128xi32, #tpu.memory_space<vmem>>, vector<16xi32>,
          %get3A_212 = vector.shape_cast %get3A_211 : vector<16xi32> to vector<16xi32>
          %add3A_213 = vector.broadcast %mul3A_13 : i32 to vector<16xi32>
          %add3A_214 = arith.addi %get3A_212, %add3A_213 : vector<16xi32>
          %swap3A_215 = arith.constant 80 : index
          %swap3A_216 = tpu.vector_load %arg16[%swap3A_215] {strides = array<i32>} : memref<128xi32, #tpu.memory_space<vmem>>, vector<16xi32>,
          %swap3A_217 = vector.shape_cast %swap3A_216 : vector<16xi32> to vector<16xi32>
          %swap3A_218 = vector.shape_cast %add3A_214 : vector<16xi32> to vector<16xi32>
          tpu.vector_store %arg16[%swap3A_215], %swap3A_218 {strides = array<i32>} : memref<128xi32, #tpu.memory_space<vmem>>, vector<16xi32>,
          %get3A_219 = arith.constant 96 : index
          %get3A_220 = tpu.vector_load %arg16[%get3A_219] {strides = array<i32>} : memref<128xi32, #tpu.memory_space<vmem>>, vector<16xi32>,
          %get3A_221 = vector.shape_cast %get3A_220 : vector<16xi32> to vector<16xi32>
          %add3A_222 = vector.broadcast %mul3A_13 : i32 to vector<16xi32>
          %add3A_223 = arith.addi %get3A_221, %add3A_222 : vector<16xi32>
          %swap3A_224 = arith.constant 96 : index
          %swap3A_225 = tpu.vector_load %arg16[%swap3A_224] {strides = array<i32>} : memref<128xi32, #tpu.memory_space<vmem>>, vector<16xi32>,
          %swap3A_226 = vector.shape_cast %swap3A_225 : vector<16xi32> to vector<16xi32>
          %swap3A_227 = vector.shape_cast %add3A_223 : vector<16xi32> to vector<16xi32>
          tpu.vector_store %arg16[%swap3A_224], %swap3A_227 {strides = array<i32>} : memref<128xi32, #tpu.memory_space<vmem>>, vector<16xi32>,
          %get3A_228 = arith.constant 112 : index
          %get3A_229 = tpu.vector_load %arg16[%get3A_228] {strides = array<i32>} : memref<128xi32, #tpu.memory_space<vmem>>, vector<16xi32>,
          %get3A_230 = vector.shape_cast %get3A_229 : vector<16xi32> to vector<16xi32>
          %add3A_231 = vector.broadcast %mul3A_13 : i32 to vector<16xi32>
          %add3A_232 = arith.addi %get3A_230, %add3A_231 : vector<16xi32>
          %swap3A_233 = arith.constant 112 : index
          %swap3A_234 = tpu.vector_load %arg16[%swap3A_233] {strides = array<i32>} : memref<128xi32, #tpu.memory_space<vmem>>, vector<16xi32>,
          %swap3A_235 = vector.shape_cast %swap3A_234 : vector<16xi32> to vector<16xi32>
          %swap3A_236 = vector.shape_cast %add3A_232 : vector<16xi32> to vector<16xi32>
          tpu.vector_store %arg16[%swap3A_233], %swap3A_236 {strides = array<i32>} : memref<128xi32, #tpu.memory_space<vmem>>, vector<16xi32>,
          %dma_start3A_237 = arith.constant 0 : i32
          %dma_start3A_238 = arith.constant 0 : i32
          %dma_start3A_239 = tpu.memref_slice %arg3[%dma_start3A_237, %dma_start3A_238] : memref<200000x32xf32, #tpu.memory_space<hbm>> -> memref<200000x32xf32, #tpu.memory_space<hbm>>
          tpu.enqueue_indirect_dma source(%dma_start3A_239 : memref<200000x32xf32, #tpu.memory_space<hbm>>) target(%arg22 : memref<128x32xf32, #tpu.memory_space<vmem>>) offsets(%arg16 : memref<128xi32, #tpu.memory_space<vmem>>) semaphore(%arg29 : memref<!tpu.dma_semaphore, #tpu.memory_space<semaphore_mem>>)
        } else {
        }
        %convert_element_type3A_51 = arith.extui %ne3A_16 : i1 to i32
        %cond3A_52 = arith.constant 0 : i32
        %cond3A_53 = arith.cmpi ne, %convert_element_type3A_51, %cond3A_52 : i32
        scf.if %cond3A_53 {
          %dma_start3A_167 = arith.constant 0 : i32
          %dma_start3A_168 = arith.constant 0 : i32
          %dma_start3A_169 = tpu.memref_slice %arg14[%dma_start3A_167, %dma_start3A_168] : memref<51200x32xf32, #tpu.memory_space<vmem_shared>> -> memref<51200x32xf32, #tpu.memory_space<vmem_shared>>
          tpu.enqueue_indirect_dma source(%arg21 : memref<128x32xf32, #tpu.memory_space<vmem>>) target(%dma_start3A_169 : memref<51200x32xf32, #tpu.memory_space<vmem_shared>>) offsets(%arg18 : memref<128xi32, #tpu.memory_space<vmem>>) semaphore(%arg30 : memref<!tpu.dma_semaphore, #tpu.memory_space<semaphore_mem>>) {add = true}
        } else {
        }
        %convert_element_type3A_54 = arith.extui %eq3A_15 : i1 to i32
        %cond3A_55 = arith.constant 0 : i32
        %cond3A_56 = arith.cmpi ne, %convert_element_type3A_54, %cond3A_55 : i32
        scf.if %cond3A_56 {
          %dma_start3A_167 = arith.constant 0 : i32
          %dma_start3A_168 = arith.constant 0 : i32
          %dma_start3A_169 = tpu.memref_slice %arg14[%dma_start3A_167, %dma_start3A_168] : memref<51200x32xf32, #tpu.memory_space<vmem_shared>> -> memref<51200x32xf32, #tpu.memory_space<vmem_shared>>
          tpu.enqueue_indirect_dma source(%arg24 : memref<128x32xf32, #tpu.memory_space<vmem>>) target(%dma_start3A_169 : memref<51200x32xf32, #tpu.memory_space<vmem_shared>>) offsets(%arg18 : memref<128xi32, #tpu.memory_space<vmem>>) semaphore(%arg30 : memref<!tpu.dma_semaphore, #tpu.memory_space<semaphore_mem>>) {add = true}
        } else {
        }
        %add3A_57 = arith.constant 32 : i32
        %add3A_58 = arith.addi %add3A_57, %arg1 : i32
        %mul3A_59 = arith.constant 128 : i32
        %mul3A_60 = arith.muli %add3A_58, %mul3A_59 : i32
        %dma_start3A_61 = tpu.memref_slice %arg6[%mul3A_60] : memref<600064xi32, #tpu.memory_space<hbm>> -> memref<128xi32, #tpu.memory_space<hbm>>
        %dma_start3A_62 = tpu.memref_slice %arg6[%mul3A_60] : memref<600064xi32, #tpu.memory_space<hbm>> -> memref<128xi32, #tpu.memory_space<hbm>>
        tpu.enqueue_dma source(%dma_start3A_62 : memref<128xi32, #tpu.memory_space<hbm>>) target(%arg17 : memref<128xi32, #tpu.memory_space<vmem>>) target_semaphore(%arg28 : memref<!tpu.dma_semaphore, #tpu.memory_space<semaphore_mem>>)
        %dma_start3A_63 = tpu.memref_slice %arg7[%mul3A_60] : memref<600064xi32, #tpu.memory_space<hbm>> -> memref<128xi32, #tpu.memory_space<hbm>>
        %dma_start3A_64 = tpu.memref_slice %arg7[%mul3A_60] : memref<600064xi32, #tpu.memory_space<hbm>> -> memref<128xi32, #tpu.memory_space<hbm>>
        tpu.enqueue_dma source(%dma_start3A_64 : memref<128xi32, #tpu.memory_space<hbm>>) target(%arg20 : memref<128xi32, #tpu.memory_space<vmem>>) target_semaphore(%arg28 : memref<!tpu.dma_semaphore, #tpu.memory_space<semaphore_mem>>)
        %convert_element_type3A_65 = arith.extui %ne3A_16 : i1 to i32
        %cond3A_66 = arith.constant 0 : i32
        %cond3A_67 = arith.cmpi ne, %convert_element_type3A_65, %cond3A_66 : i32
        scf.if %cond3A_67 {
          %dma_wait3A_167 = arith.constant 0 : i32
          %dma_wait3A_168 = arith.constant 0 : i32
          %dma_wait3A_169 = tpu.memref_slice %arg3[%dma_wait3A_167, %dma_wait3A_168] : memref<200000x32xf32, #tpu.memory_space<hbm>> -> memref<200000x32xf32, #tpu.memory_space<hbm>>
          tpu.wait_indirect_dma semaphore(%arg29 : memref<!tpu.dma_semaphore, #tpu.memory_space<semaphore_mem>>) src(%dma_wait3A_169 : memref<200000x32xf32, #tpu.memory_space<hbm>>) dst(%arg22 : memref<128x32xf32, #tpu.memory_space<vmem>>)
        } else {
        }
        %dma_wait3A_68 = arith.constant 0 : i32
        %dma_wait3A_69 = tpu.memref_slice %arg6[%dma_wait3A_68] : memref<600064xi32, #tpu.memory_space<hbm>> -> memref<256xi32, #tpu.memory_space<hbm>>
        %dma_wait3A_70 = arith.constant 0 : i32
        %dma_wait3A_71 = tpu.memref_slice %arg6[%dma_wait3A_70] : memref<600064xi32, #tpu.memory_space<hbm>> -> memref<256xi32, #tpu.memory_space<hbm>>
        tpu.wait_dma2 semaphore(%arg28 : memref<!tpu.dma_semaphore, #tpu.memory_space<semaphore_mem>>) src(%dma_wait3A_71 : memref<256xi32, #tpu.memory_space<hbm>>) dst(%arg25 : memref<256xi32, #tpu.memory_space<vmem>>)
        %convert_element_type3A_72 = arith.extui %ne3A_16 : i1 to i32
        %cond3A_73 = arith.constant 0 : i32
        %cond3A_74 = arith.cmpi ne, %convert_element_type3A_72, %cond3A_73 : i32
        scf.if %cond3A_74 {
          %get3A = arith.constant 0 : index
          %get3A_167 = tpu.vector_load %arg17[%get3A] {strides = array<i32>} : memref<128xi32, #tpu.memory_space<vmem>>, vector<16xi32>,
          %get3A_168 = vector.shape_cast %get3A_167 : vector<16xi32> to vector<16xi32>
          %add3A_169 = vector.broadcast %mul3A_13 : i32 to vector<16xi32>
          %add3A_170 = arith.addi %get3A_168, %add3A_169 : vector<16xi32>
          %swap3A = arith.constant 0 : index
          %swap3A_171 = tpu.vector_load %arg17[%swap3A] {strides = array<i32>} : memref<128xi32, #tpu.memory_space<vmem>>, vector<16xi32>,
          %swap3A_172 = vector.shape_cast %swap3A_171 : vector<16xi32> to vector<16xi32>
          %swap3A_173 = vector.shape_cast %add3A_170 : vector<16xi32> to vector<16xi32>
          tpu.vector_store %arg17[%swap3A], %swap3A_173 {strides = array<i32>} : memref<128xi32, #tpu.memory_space<vmem>>, vector<16xi32>,
          %get3A_174 = arith.constant 16 : index
          %get3A_175 = tpu.vector_load %arg17[%get3A_174] {strides = array<i32>} : memref<128xi32, #tpu.memory_space<vmem>>, vector<16xi32>,
          %get3A_176 = vector.shape_cast %get3A_175 : vector<16xi32> to vector<16xi32>
          %add3A_177 = vector.broadcast %mul3A_13 : i32 to vector<16xi32>
          %add3A_178 = arith.addi %get3A_176, %add3A_177 : vector<16xi32>
          %swap3A_179 = arith.constant 16 : index
          %swap3A_180 = tpu.vector_load %arg17[%swap3A_179] {strides = array<i32>} : memref<128xi32, #tpu.memory_space<vmem>>, vector<16xi32>,
          %swap3A_181 = vector.shape_cast %swap3A_180 : vector<16xi32> to vector<16xi32>
          %swap3A_182 = vector.shape_cast %add3A_178 : vector<16xi32> to vector<16xi32>
          tpu.vector_store %arg17[%swap3A_179], %swap3A_182 {strides = array<i32>} : memref<128xi32, #tpu.memory_space<vmem>>, vector<16xi32>,
          %get3A_183 = arith.constant 32 : index
          %get3A_184 = tpu.vector_load %arg17[%get3A_183] {strides = array<i32>} : memref<128xi32, #tpu.memory_space<vmem>>, vector<16xi32>,
          %get3A_185 = vector.shape_cast %get3A_184 : vector<16xi32> to vector<16xi32>
          %add3A_186 = vector.broadcast %mul3A_13 : i32 to vector<16xi32>
          %add3A_187 = arith.addi %get3A_185, %add3A_186 : vector<16xi32>
          %swap3A_188 = arith.constant 32 : index
          %swap3A_189 = tpu.vector_load %arg17[%swap3A_188] {strides = array<i32>} : memref<128xi32, #tpu.memory_space<vmem>>, vector<16xi32>,
          %swap3A_190 = vector.shape_cast %swap3A_189 : vector<16xi32> to vector<16xi32>
          %swap3A_191 = vector.shape_cast %add3A_187 : vector<16xi32> to vector<16xi32>
          tpu.vector_store %arg17[%swap3A_188], %swap3A_191 {strides = array<i32>} : memref<128xi32, #tpu.memory_space<vmem>>, vector<16xi32>,
          %get3A_192 = arith.constant 48 : index
          %get3A_193 = tpu.vector_load %arg17[%get3A_192] {strides = array<i32>} : memref<128xi32, #tpu.memory_space<vmem>>, vector<16xi32>,
          %get3A_194 = vector.shape_cast %get3A_193 : vector<16xi32> to vector<16xi32>
          %add3A_195 = vector.broadcast %mul3A_13 : i32 to vector<16xi32>
          %add3A_196 = arith.addi %get3A_194, %add3A_195 : vector<16xi32>
          %swap3A_197 = arith.constant 48 : index
          %swap3A_198 = tpu.vector_load %arg17[%swap3A_197] {strides = array<i32>} : memref<128xi32, #tpu.memory_space<vmem>>, vector<16xi32>,
          %swap3A_199 = vector.shape_cast %swap3A_198 : vector<16xi32> to vector<16xi32>
          %swap3A_200 = vector.shape_cast %add3A_196 : vector<16xi32> to vector<16xi32>
          tpu.vector_store %arg17[%swap3A_197], %swap3A_200 {strides = array<i32>} : memref<128xi32, #tpu.memory_space<vmem>>, vector<16xi32>,
          %get3A_201 = arith.constant 64 : index
          %get3A_202 = tpu.vector_load %arg17[%get3A_201] {strides = array<i32>} : memref<128xi32, #tpu.memory_space<vmem>>, vector<16xi32>,
          %get3A_203 = vector.shape_cast %get3A_202 : vector<16xi32> to vector<16xi32>
          %add3A_204 = vector.broadcast %mul3A_13 : i32 to vector<16xi32>
          %add3A_205 = arith.addi %get3A_203, %add3A_204 : vector<16xi32>
          %swap3A_206 = arith.constant 64 : index
          %swap3A_207 = tpu.vector_load %arg17[%swap3A_206] {strides = array<i32>} : memref<128xi32, #tpu.memory_space<vmem>>, vector<16xi32>,
          %swap3A_208 = vector.shape_cast %swap3A_207 : vector<16xi32> to vector<16xi32>
          %swap3A_209 = vector.shape_cast %add3A_205 : vector<16xi32> to vector<16xi32>
          tpu.vector_store %arg17[%swap3A_206], %swap3A_209 {strides = array<i32>} : memref<128xi32, #tpu.memory_space<vmem>>, vector<16xi32>,
          %get3A_210 = arith.constant 80 : index
          %get3A_211 = tpu.vector_load %arg17[%get3A_210] {strides = array<i32>} : memref<128xi32, #tpu.memory_space<vmem>>, vector<16xi32>,
          %get3A_212 = vector.shape_cast %get3A_211 : vector<16xi32> to vector<16xi32>
          %add3A_213 = vector.broadcast %mul3A_13 : i32 to vector<16xi32>
          %add3A_214 = arith.addi %get3A_212, %add3A_213 : vector<16xi32>
          %swap3A_215 = arith.constant 80 : index
          %swap3A_216 = tpu.vector_load %arg17[%swap3A_215] {strides = array<i32>} : memref<128xi32, #tpu.memory_space<vmem>>, vector<16xi32>,
          %swap3A_217 = vector.shape_cast %swap3A_216 : vector<16xi32> to vector<16xi32>
          %swap3A_218 = vector.shape_cast %add3A_214 : vector<16xi32> to vector<16xi32>
          tpu.vector_store %arg17[%swap3A_215], %swap3A_218 {strides = array<i32>} : memref<128xi32, #tpu.memory_space<vmem>>, vector<16xi32>,
          %get3A_219 = arith.constant 96 : index
          %get3A_220 = tpu.vector_load %arg17[%get3A_219] {strides = array<i32>} : memref<128xi32, #tpu.memory_space<vmem>>, vector<16xi32>,
          %get3A_221 = vector.shape_cast %get3A_220 : vector<16xi32> to vector<16xi32>
          %add3A_222 = vector.broadcast %mul3A_13 : i32 to vector<16xi32>
          %add3A_223 = arith.addi %get3A_221, %add3A_222 : vector<16xi32>
          %swap3A_224 = arith.constant 96 : index
          %swap3A_225 = tpu.vector_load %arg17[%swap3A_224] {strides = array<i32>} : memref<128xi32, #tpu.memory_space<vmem>>, vector<16xi32>,
          %swap3A_226 = vector.shape_cast %swap3A_225 : vector<16xi32> to vector<16xi32>
          %swap3A_227 = vector.shape_cast %add3A_223 : vector<16xi32> to vector<16xi32>
          tpu.vector_store %arg17[%swap3A_224], %swap3A_227 {strides = array<i32>} : memref<128xi32, #tpu.memory_space<vmem>>, vector<16xi32>,
          %get3A_228 = arith.constant 112 : index
          %get3A_229 = tpu.vector_load %arg17[%get3A_228] {strides = array<i32>} : memref<128xi32, #tpu.memory_space<vmem>>, vector<16xi32>,
          %get3A_230 = vector.shape_cast %get3A_229 : vector<16xi32> to vector<16xi32>
          %add3A_231 = vector.broadcast %mul3A_13 : i32 to vector<16xi32>
          %add3A_232 = arith.addi %get3A_230, %add3A_231 : vector<16xi32>
          %swap3A_233 = arith.constant 112 : index
          %swap3A_234 = tpu.vector_load %arg17[%swap3A_233] {strides = array<i32>} : memref<128xi32, #tpu.memory_space<vmem>>, vector<16xi32>,
          %swap3A_235 = vector.shape_cast %swap3A_234 : vector<16xi32> to vector<16xi32>
          %swap3A_236 = vector.shape_cast %add3A_232 : vector<16xi32> to vector<16xi32>
          tpu.vector_store %arg17[%swap3A_233], %swap3A_236 {strides = array<i32>} : memref<128xi32, #tpu.memory_space<vmem>>, vector<16xi32>,
          %dma_start3A_237 = arith.constant 0 : i32
          %dma_start3A_238 = arith.constant 0 : i32
          %dma_start3A_239 = tpu.memref_slice %arg3[%dma_start3A_237, %dma_start3A_238] : memref<200000x32xf32, #tpu.memory_space<hbm>> -> memref<200000x32xf32, #tpu.memory_space<hbm>>
          tpu.enqueue_indirect_dma source(%dma_start3A_239 : memref<200000x32xf32, #tpu.memory_space<hbm>>) target(%arg23 : memref<128x32xf32, #tpu.memory_space<vmem>>) offsets(%arg17 : memref<128xi32, #tpu.memory_space<vmem>>) semaphore(%arg29 : memref<!tpu.dma_semaphore, #tpu.memory_space<semaphore_mem>>)
        } else {
        }
        %convert_element_type3A_75 = arith.extui %ne3A_16 : i1 to i32
        %cond3A_76 = arith.constant 0 : i32
        %cond3A_77 = arith.cmpi ne, %convert_element_type3A_75, %cond3A_76 : i32
        scf.if %cond3A_77 {
          %dma_start3A_167 = arith.constant 0 : i32
          %dma_start3A_168 = arith.constant 0 : i32
          %dma_start3A_169 = tpu.memref_slice %arg14[%dma_start3A_167, %dma_start3A_168] : memref<51200x32xf32, #tpu.memory_space<vmem_shared>> -> memref<51200x32xf32, #tpu.memory_space<vmem_shared>>
          tpu.enqueue_indirect_dma source(%arg22 : memref<128x32xf32, #tpu.memory_space<vmem>>) target(%dma_start3A_169 : memref<51200x32xf32, #tpu.memory_space<vmem_shared>>) offsets(%arg19 : memref<128xi32, #tpu.memory_space<vmem>>) semaphore(%arg31 : memref<!tpu.dma_semaphore, #tpu.memory_space<semaphore_mem>>) {add = true}
        } else {
        }
        %convert_element_type3A_78 = arith.extui %eq3A_15 : i1 to i32
        %cond3A_79 = arith.constant 0 : i32
        %cond3A_80 = arith.cmpi ne, %convert_element_type3A_78, %cond3A_79 : i32
        scf.if %cond3A_80 {
          %dma_start3A_167 = arith.constant 0 : i32
          %dma_start3A_168 = arith.constant 0 : i32
          %dma_start3A_169 = tpu.memref_slice %arg14[%dma_start3A_167, %dma_start3A_168] : memref<51200x32xf32, #tpu.memory_space<vmem_shared>> -> memref<51200x32xf32, #tpu.memory_space<vmem_shared>>
          tpu.enqueue_indirect_dma source(%arg24 : memref<128x32xf32, #tpu.memory_space<vmem>>) target(%dma_start3A_169 : memref<51200x32xf32, #tpu.memory_space<vmem_shared>>) offsets(%arg19 : memref<128xi32, #tpu.memory_space<vmem>>) semaphore(%arg31 : memref<!tpu.dma_semaphore, #tpu.memory_space<semaphore_mem>>) {add = true}
        } else {
        }
        %dma_wait3A_81 = arith.constant 0 : i32
        %dma_wait3A_82 = arith.constant 0 : i32
        %dma_wait3A_83 = tpu.memref_slice %arg14[%dma_wait3A_81, %dma_wait3A_82] : memref<51200x32xf32, #tpu.memory_space<vmem_shared>> -> memref<51200x32xf32, #tpu.memory_space<vmem_shared>>
        tpu.wait_indirect_dma semaphore(%arg30 : memref<!tpu.dma_semaphore, #tpu.memory_space<semaphore_mem>>) src(%arg21 : memref<128x32xf32, #tpu.memory_space<vmem>>) dst(%dma_wait3A_83 : memref<51200x32xf32, #tpu.memory_space<vmem_shared>>)
        %add3A_84 = arith.constant 48 : i32
        %add3A_85 = arith.addi %add3A_84, %arg1 : i32
        %mul3A_86 = arith.constant 128 : i32
        %mul3A_87 = arith.muli %add3A_85, %mul3A_86 : i32
        %dma_start3A_88 = tpu.memref_slice %arg6[%mul3A_87] : memref<600064xi32, #tpu.memory_space<hbm>> -> memref<128xi32, #tpu.memory_space<hbm>>
        %dma_start3A_89 = tpu.memref_slice %arg6[%mul3A_87] : memref<600064xi32, #tpu.memory_space<hbm>> -> memref<128xi32, #tpu.memory_space<hbm>>
        tpu.enqueue_dma source(%dma_start3A_89 : memref<128xi32, #tpu.memory_space<hbm>>) target(%arg15 : memref<128xi32, #tpu.memory_space<vmem>>) target_semaphore(%arg26 : memref<!tpu.dma_semaphore, #tpu.memory_space<semaphore_mem>>)
        %dma_start3A_90 = tpu.memref_slice %arg7[%mul3A_87] : memref<600064xi32, #tpu.memory_space<hbm>> -> memref<128xi32, #tpu.memory_space<hbm>>
        %dma_start3A_91 = tpu.memref_slice %arg7[%mul3A_87] : memref<600064xi32, #tpu.memory_space<hbm>> -> memref<128xi32, #tpu.memory_space<hbm>>
        tpu.enqueue_dma source(%dma_start3A_91 : memref<128xi32, #tpu.memory_space<hbm>>) target(%arg18 : memref<128xi32, #tpu.memory_space<vmem>>) target_semaphore(%arg26 : memref<!tpu.dma_semaphore, #tpu.memory_space<semaphore_mem>>)
        %convert_element_type3A_92 = arith.extui %ne3A_16 : i1 to i32
        %cond3A_93 = arith.constant 0 : i32
        %cond3A_94 = arith.cmpi ne, %convert_element_type3A_92, %cond3A_93 : i32
        scf.if %cond3A_94 {
          %dma_wait3A_167 = arith.constant 0 : i32
          %dma_wait3A_168 = arith.constant 0 : i32
          %dma_wait3A_169 = tpu.memref_slice %arg3[%dma_wait3A_167, %dma_wait3A_168] : memref<200000x32xf32, #tpu.memory_space<hbm>> -> memref<200000x32xf32, #tpu.memory_space<hbm>>
          tpu.wait_indirect_dma semaphore(%arg29 : memref<!tpu.dma_semaphore, #tpu.memory_space<semaphore_mem>>) src(%dma_wait3A_169 : memref<200000x32xf32, #tpu.memory_space<hbm>>) dst(%arg23 : memref<128x32xf32, #tpu.memory_space<vmem>>)
        } else {
        }
        %dma_wait3A_95 = arith.constant 0 : i32
        %dma_wait3A_96 = tpu.memref_slice %arg6[%dma_wait3A_95] : memref<600064xi32, #tpu.memory_space<hbm>> -> memref<256xi32, #tpu.memory_space<hbm>>
        %dma_wait3A_97 = arith.constant 0 : i32
        %dma_wait3A_98 = tpu.memref_slice %arg6[%dma_wait3A_97] : memref<600064xi32, #tpu.memory_space<hbm>> -> memref<256xi32, #tpu.memory_space<hbm>>
        tpu.wait_dma2 semaphore(%arg26 : memref<!tpu.dma_semaphore, #tpu.memory_space<semaphore_mem>>) src(%dma_wait3A_98 : memref<256xi32, #tpu.memory_space<hbm>>) dst(%arg25 : memref<256xi32, #tpu.memory_space<vmem>>)
        %convert_element_type3A_99 = arith.extui %ne3A_16 : i1 to i32
        %cond3A_100 = arith.constant 0 : i32
        %cond3A_101 = arith.cmpi ne, %convert_element_type3A_99, %cond3A_100 : i32
        scf.if %cond3A_101 {
          %get3A = arith.constant 0 : index
          %get3A_167 = tpu.vector_load %arg15[%get3A] {strides = array<i32>} : memref<128xi32, #tpu.memory_space<vmem>>, vector<16xi32>,
          %get3A_168 = vector.shape_cast %get3A_167 : vector<16xi32> to vector<16xi32>
          %add3A_169 = vector.broadcast %mul3A_13 : i32 to vector<16xi32>
          %add3A_170 = arith.addi %get3A_168, %add3A_169 : vector<16xi32>
          %swap3A = arith.constant 0 : index
          %swap3A_171 = tpu.vector_load %arg15[%swap3A] {strides = array<i32>} : memref<128xi32, #tpu.memory_space<vmem>>, vector<16xi32>,
          %swap3A_172 = vector.shape_cast %swap3A_171 : vector<16xi32> to vector<16xi32>
          %swap3A_173 = vector.shape_cast %add3A_170 : vector<16xi32> to vector<16xi32>
          tpu.vector_store %arg15[%swap3A], %swap3A_173 {strides = array<i32>} : memref<128xi32, #tpu.memory_space<vmem>>, vector<16xi32>,
          %get3A_174 = arith.constant 16 : index
          %get3A_175 = tpu.vector_load %arg15[%get3A_174] {strides = array<i32>} : memref<128xi32, #tpu.memory_space<vmem>>, vector<16xi32>,
          %get3A_176 = vector.shape_cast %get3A_175 : vector<16xi32> to vector<16xi32>
          %add3A_177 = vector.broadcast %mul3A_13 : i32 to vector<16xi32>
          %add3A_178 = arith.addi %get3A_176, %add3A_177 : vector<16xi32>
          %swap3A_179 = arith.constant 16 : index
          %swap3A_180 = tpu.vector_load %arg15[%swap3A_179] {strides = array<i32>} : memref<128xi32, #tpu.memory_space<vmem>>, vector<16xi32>,
          %swap3A_181 = vector.shape_cast %swap3A_180 : vector<16xi32> to vector<16xi32>
          %swap3A_182 = vector.shape_cast %add3A_178 : vector<16xi32> to vector<16xi32>
          tpu.vector_store %arg15[%swap3A_179], %swap3A_182 {strides = array<i32>} : memref<128xi32, #tpu.memory_space<vmem>>, vector<16xi32>,
          %get3A_183 = arith.constant 32 : index
          %get3A_184 = tpu.vector_load %arg15[%get3A_183] {strides = array<i32>} : memref<128xi32, #tpu.memory_space<vmem>>, vector<16xi32>,
          %get3A_185 = vector.shape_cast %get3A_184 : vector<16xi32> to vector<16xi32>
          %add3A_186 = vector.broadcast %mul3A_13 : i32 to vector<16xi32>
          %add3A_187 = arith.addi %get3A_185, %add3A_186 : vector<16xi32>
          %swap3A_188 = arith.constant 32 : index
          %swap3A_189 = tpu.vector_load %arg15[%swap3A_188] {strides = array<i32>} : memref<128xi32, #tpu.memory_space<vmem>>, vector<16xi32>,
          %swap3A_190 = vector.shape_cast %swap3A_189 : vector<16xi32> to vector<16xi32>
          %swap3A_191 = vector.shape_cast %add3A_187 : vector<16xi32> to vector<16xi32>
          tpu.vector_store %arg15[%swap3A_188], %swap3A_191 {strides = array<i32>} : memref<128xi32, #tpu.memory_space<vmem>>, vector<16xi32>,
          %get3A_192 = arith.constant 48 : index
          %get3A_193 = tpu.vector_load %arg15[%get3A_192] {strides = array<i32>} : memref<128xi32, #tpu.memory_space<vmem>>, vector<16xi32>,
          %get3A_194 = vector.shape_cast %get3A_193 : vector<16xi32> to vector<16xi32>
          %add3A_195 = vector.broadcast %mul3A_13 : i32 to vector<16xi32>
          %add3A_196 = arith.addi %get3A_194, %add3A_195 : vector<16xi32>
          %swap3A_197 = arith.constant 48 : index
          %swap3A_198 = tpu.vector_load %arg15[%swap3A_197] {strides = array<i32>} : memref<128xi32, #tpu.memory_space<vmem>>, vector<16xi32>,
          %swap3A_199 = vector.shape_cast %swap3A_198 : vector<16xi32> to vector<16xi32>
          %swap3A_200 = vector.shape_cast %add3A_196 : vector<16xi32> to vector<16xi32>
          tpu.vector_store %arg15[%swap3A_197], %swap3A_200 {strides = array<i32>} : memref<128xi32, #tpu.memory_space<vmem>>, vector<16xi32>,
          %get3A_201 = arith.constant 64 : index
          %get3A_202 = tpu.vector_load %arg15[%get3A_201] {strides = array<i32>} : memref<128xi32, #tpu.memory_space<vmem>>, vector<16xi32>,
          %get3A_203 = vector.shape_cast %get3A_202 : vector<16xi32> to vector<16xi32>
          %add3A_204 = vector.broadcast %mul3A_13 : i32 to vector<16xi32>
          %add3A_205 = arith.addi %get3A_203, %add3A_204 : vector<16xi32>
          %swap3A_206 = arith.constant 64 : index
          %swap3A_207 = tpu.vector_load %arg15[%swap3A_206] {strides = array<i32>} : memref<128xi32, #tpu.memory_space<vmem>>, vector<16xi32>,
          %swap3A_208 = vector.shape_cast %swap3A_207 : vector<16xi32> to vector<16xi32>
          %swap3A_209 = vector.shape_cast %add3A_205 : vector<16xi32> to vector<16xi32>
          tpu.vector_store %arg15[%swap3A_206], %swap3A_209 {strides = array<i32>} : memref<128xi32, #tpu.memory_space<vmem>>, vector<16xi32>,
          %get3A_210 = arith.constant 80 : index
          %get3A_211 = tpu.vector_load %arg15[%get3A_210] {strides = array<i32>} : memref<128xi32, #tpu.memory_space<vmem>>, vector<16xi32>,
          %get3A_212 = vector.shape_cast %get3A_211 : vector<16xi32> to vector<16xi32>
          %add3A_213 = vector.broadcast %mul3A_13 : i32 to vector<16xi32>
          %add3A_214 = arith.addi %get3A_212, %add3A_213 : vector<16xi32>
          %swap3A_215 = arith.constant 80 : index
          %swap3A_216 = tpu.vector_load %arg15[%swap3A_215] {strides = array<i32>} : memref<128xi32, #tpu.memory_space<vmem>>, vector<16xi32>,
          %swap3A_217 = vector.shape_cast %swap3A_216 : vector<16xi32> to vector<16xi32>
          %swap3A_218 = vector.shape_cast %add3A_214 : vector<16xi32> to vector<16xi32>
          tpu.vector_store %arg15[%swap3A_215], %swap3A_218 {strides = array<i32>} : memref<128xi32, #tpu.memory_space<vmem>>, vector<16xi32>,
          %get3A_219 = arith.constant 96 : index
          %get3A_220 = tpu.vector_load %arg15[%get3A_219] {strides = array<i32>} : memref<128xi32, #tpu.memory_space<vmem>>, vector<16xi32>,
          %get3A_221 = vector.shape_cast %get3A_220 : vector<16xi32> to vector<16xi32>
          %add3A_222 = vector.broadcast %mul3A_13 : i32 to vector<16xi32>
          %add3A_223 = arith.addi %get3A_221, %add3A_222 : vector<16xi32>
          %swap3A_224 = arith.constant 96 : index
          %swap3A_225 = tpu.vector_load %arg15[%swap3A_224] {strides = array<i32>} : memref<128xi32, #tpu.memory_space<vmem>>, vector<16xi32>,
          %swap3A_226 = vector.shape_cast %swap3A_225 : vector<16xi32> to vector<16xi32>
          %swap3A_227 = vector.shape_cast %add3A_223 : vector<16xi32> to vector<16xi32>
          tpu.vector_store %arg15[%swap3A_224], %swap3A_227 {strides = array<i32>} : memref<128xi32, #tpu.memory_space<vmem>>, vector<16xi32>,
          %get3A_228 = arith.constant 112 : index
          %get3A_229 = tpu.vector_load %arg15[%get3A_228] {strides = array<i32>} : memref<128xi32, #tpu.memory_space<vmem>>, vector<16xi32>,
          %get3A_230 = vector.shape_cast %get3A_229 : vector<16xi32> to vector<16xi32>
          %add3A_231 = vector.broadcast %mul3A_13 : i32 to vector<16xi32>
          %add3A_232 = arith.addi %get3A_230, %add3A_231 : vector<16xi32>
          %swap3A_233 = arith.constant 112 : index
          %swap3A_234 = tpu.vector_load %arg15[%swap3A_233] {strides = array<i32>} : memref<128xi32, #tpu.memory_space<vmem>>, vector<16xi32>,
          %swap3A_235 = vector.shape_cast %swap3A_234 : vector<16xi32> to vector<16xi32>
          %swap3A_236 = vector.shape_cast %add3A_232 : vector<16xi32> to vector<16xi32>
          tpu.vector_store %arg15[%swap3A_233], %swap3A_236 {strides = array<i32>} : memref<128xi32, #tpu.memory_space<vmem>>, vector<16xi32>,
          %dma_start3A_237 = arith.constant 0 : i32
          %dma_start3A_238 = arith.constant 0 : i32
          %dma_start3A_239 = tpu.memref_slice %arg3[%dma_start3A_237, %dma_start3A_238] : memref<200000x32xf32, #tpu.memory_space<hbm>> -> memref<200000x32xf32, #tpu.memory_space<hbm>>
          tpu.enqueue_indirect_dma source(%dma_start3A_239 : memref<200000x32xf32, #tpu.memory_space<hbm>>) target(%arg21 : memref<128x32xf32, #tpu.memory_space<vmem>>) offsets(%arg15 : memref<128xi32, #tpu.memory_space<vmem>>) semaphore(%arg29 : memref<!tpu.dma_semaphore, #tpu.memory_space<semaphore_mem>>)
        } else {
        }
        %convert_element_type3A_102 = arith.extui %ne3A_16 : i1 to i32
        %cond3A_103 = arith.constant 0 : i32
        %cond3A_104 = arith.cmpi ne, %convert_element_type3A_102, %cond3A_103 : i32
        scf.if %cond3A_104 {
          %dma_start3A_167 = arith.constant 0 : i32
          %dma_start3A_168 = arith.constant 0 : i32
          %dma_start3A_169 = tpu.memref_slice %arg14[%dma_start3A_167, %dma_start3A_168] : memref<51200x32xf32, #tpu.memory_space<vmem_shared>> -> memref<51200x32xf32, #tpu.memory_space<vmem_shared>>
          tpu.enqueue_indirect_dma source(%arg23 : memref<128x32xf32, #tpu.memory_space<vmem>>) target(%dma_start3A_169 : memref<51200x32xf32, #tpu.memory_space<vmem_shared>>) offsets(%arg20 : memref<128xi32, #tpu.memory_space<vmem>>) semaphore(%arg32 : memref<!tpu.dma_semaphore, #tpu.memory_space<semaphore_mem>>) {add = true}
        } else {
        }
        %convert_element_type3A_105 = arith.extui %eq3A_15 : i1 to i32
        %cond3A_106 = arith.constant 0 : i32
        %cond3A_107 = arith.cmpi ne, %convert_element_type3A_105, %cond3A_106 : i32
        scf.if %cond3A_107 {
          %dma_start3A_167 = arith.constant 0 : i32
          %dma_start3A_168 = arith.constant 0 : i32
          %dma_start3A_169 = tpu.memref_slice %arg14[%dma_start3A_167, %dma_start3A_168] : memref<51200x32xf32, #tpu.memory_space<vmem_shared>> -> memref<51200x32xf32, #tpu.memory_space<vmem_shared>>
          tpu.enqueue_indirect_dma source(%arg24 : memref<128x32xf32, #tpu.memory_space<vmem>>) target(%dma_start3A_169 : memref<51200x32xf32, #tpu.memory_space<vmem_shared>>) offsets(%arg20 : memref<128xi32, #tpu.memory_space<vmem>>) semaphore(%arg32 : memref<!tpu.dma_semaphore, #tpu.memory_space<semaphore_mem>>) {add = true}
        } else {
        }
        %dma_wait3A_108 = arith.constant 0 : i32
        %dma_wait3A_109 = arith.constant 0 : i32
        %dma_wait3A_110 = tpu.memref_slice %arg14[%dma_wait3A_108, %dma_wait3A_109] : memref<51200x32xf32, #tpu.memory_space<vmem_shared>> -> memref<51200x32xf32, #tpu.memory_space<vmem_shared>>
        tpu.wait_indirect_dma semaphore(%arg31 : memref<!tpu.dma_semaphore, #tpu.memory_space<semaphore_mem>>) src(%arg22 : memref<128x32xf32, #tpu.memory_space<vmem>>) dst(%dma_wait3A_110 : memref<51200x32xf32, #tpu.memory_space<vmem_shared>>)
        %add3A_111 = arith.constant 64 : i32
        %add3A_112 = arith.addi %add3A_111, %arg1 : i32
        %mul3A_113 = arith.constant 128 : i32
        %mul3A_114 = arith.muli %add3A_112, %mul3A_113 : i32
        %dma_start3A_115 = tpu.memref_slice %arg6[%mul3A_114] : memref<600064xi32, #tpu.memory_space<hbm>> -> memref<128xi32, #tpu.memory_space<hbm>>
        %dma_start3A_116 = tpu.memref_slice %arg6[%mul3A_114] : memref<600064xi32, #tpu.memory_space<hbm>> -> memref<128xi32, #tpu.memory_space<hbm>>
        tpu.enqueue_dma source(%dma_start3A_116 : memref<128xi32, #tpu.memory_space<hbm>>) target(%arg16 : memref<128xi32, #tpu.memory_space<vmem>>) target_semaphore(%arg27 : memref<!tpu.dma_semaphore, #tpu.memory_space<semaphore_mem>>)
        %dma_start3A_117 = tpu.memref_slice %arg7[%mul3A_114] : memref<600064xi32, #tpu.memory_space<hbm>> -> memref<128xi32, #tpu.memory_space<hbm>>
        %dma_start3A_118 = tpu.memref_slice %arg7[%mul3A_114] : memref<600064xi32, #tpu.memory_space<hbm>> -> memref<128xi32, #tpu.memory_space<hbm>>
        tpu.enqueue_dma source(%dma_start3A_118 : memref<128xi32, #tpu.memory_space<hbm>>) target(%arg19 : memref<128xi32, #tpu.memory_space<vmem>>) target_semaphore(%arg27 : memref<!tpu.dma_semaphore, #tpu.memory_space<semaphore_mem>>)
        %scan3A_119 = arith.constant 0 : i32
        %scan3A_120 = arith.constant 0 : i32
        %scan3A_121 = arith.constant 96 : i32
        %scan3A_122 = arith.addi %scan3A_120, %scan3A_121 : i32
        %scan3A_123 = arith.constant 1 : i32
        scf.for %scan3A_167 = %scan3A_120 to %scan3A_122 step %scan3A_123  : i32 {
          %mul3A_168 = arith.constant 3 : i32
          %mul3A_169 = arith.muli %mul3A_168, %scan3A_167 : i32
          %add3A_170 = arith.constant 3 : i32
          %add3A_171 = arith.addi %add3A_170, %mul3A_169 : i32
          %add3A_172 = arith.constant 0 : i32
          %add3A_173 = arith.addi %add3A_171, %add3A_172 : i32
          %convert_element_type3A_174 = arith.extui %ne3A_16 : i1 to i32
          %cond3A_175 = arith.constant 0 : i32
          %cond3A_176 = arith.cmpi ne, %convert_element_type3A_174, %cond3A_175 : i32
          scf.if %cond3A_176 {
            %dma_wait3A_276 = arith.constant 0 : i32
            %dma_wait3A_277 = arith.constant 0 : i32
            %dma_wait3A_278 = tpu.memref_slice %arg3[%dma_wait3A_276, %dma_wait3A_277] : memref<200000x32xf32, #tpu.memory_space<hbm>> -> memref<200000x32xf32, #tpu.memory_space<hbm>>
            tpu.wait_indirect_dma semaphore(%arg29 : memref<!tpu.dma_semaphore, #tpu.memory_space<semaphore_mem>>) src(%dma_wait3A_278 : memref<200000x32xf32, #tpu.memory_space<hbm>>) dst(%arg21 : memref<128x32xf32, #tpu.memory_space<vmem>>)
          } else {
          }
          %dma_wait3A_177 = arith.constant 0 : i32
          %dma_wait3A_178 = tpu.memref_slice %arg6[%dma_wait3A_177] : memref<600064xi32, #tpu.memory_space<hbm>> -> memref<256xi32, #tpu.memory_space<hbm>>
          %dma_wait3A_179 = arith.constant 0 : i32
          %dma_wait3A_180 = tpu.memref_slice %arg6[%dma_wait3A_179] : memref<600064xi32, #tpu.memory_space<hbm>> -> memref<256xi32, #tpu.memory_space<hbm>>
          tpu.wait_dma2 semaphore(%arg27 : memref<!tpu.dma_semaphore, #tpu.memory_space<semaphore_mem>>) src(%dma_wait3A_180 : memref<256xi32, #tpu.memory_space<hbm>>) dst(%arg25 : memref<256xi32, #tpu.memory_space<vmem>>)
          %convert_element_type3A_181 = arith.extui %ne3A_16 : i1 to i32
          %cond3A_182 = arith.constant 0 : i32
          %cond3A_183 = arith.cmpi ne, %convert_element_type3A_181, %cond3A_182 : i32
          scf.if %cond3A_183 {
            %get3A = arith.constant 0 : index
            %get3A_276 = tpu.vector_load %arg16[%get3A] {strides = array<i32>} : memref<128xi32, #tpu.memory_space<vmem>>, vector<16xi32>,
            %get3A_277 = vector.shape_cast %get3A_276 : vector<16xi32> to vector<16xi32>
            %add3A_278 = vector.broadcast %mul3A_13 : i32 to vector<16xi32>
            %add3A_279 = arith.addi %get3A_277, %add3A_278 : vector<16xi32>
            %swap3A = arith.constant 0 : index
            %swap3A_280 = tpu.vector_load %arg16[%swap3A] {strides = array<i32>} : memref<128xi32, #tpu.memory_space<vmem>>, vector<16xi32>,
            %swap3A_281 = vector.shape_cast %swap3A_280 : vector<16xi32> to vector<16xi32>
            %swap3A_282 = vector.shape_cast %add3A_279 : vector<16xi32> to vector<16xi32>
            tpu.vector_store %arg16[%swap3A], %swap3A_282 {strides = array<i32>} : memref<128xi32, #tpu.memory_space<vmem>>, vector<16xi32>,
            %get3A_283 = arith.constant 16 : index
            %get3A_284 = tpu.vector_load %arg16[%get3A_283] {strides = array<i32>} : memref<128xi32, #tpu.memory_space<vmem>>, vector<16xi32>,
            %get3A_285 = vector.shape_cast %get3A_284 : vector<16xi32> to vector<16xi32>
            %add3A_286 = vector.broadcast %mul3A_13 : i32 to vector<16xi32>
            %add3A_287 = arith.addi %get3A_285, %add3A_286 : vector<16xi32>
            %swap3A_288 = arith.constant 16 : index
            %swap3A_289 = tpu.vector_load %arg16[%swap3A_288] {strides = array<i32>} : memref<128xi32, #tpu.memory_space<vmem>>, vector<16xi32>,
            %swap3A_290 = vector.shape_cast %swap3A_289 : vector<16xi32> to vector<16xi32>
            %swap3A_291 = vector.shape_cast %add3A_287 : vector<16xi32> to vector<16xi32>
            tpu.vector_store %arg16[%swap3A_288], %swap3A_291 {strides = array<i32>} : memref<128xi32, #tpu.memory_space<vmem>>, vector<16xi32>,
            %get3A_292 = arith.constant 32 : index
            %get3A_293 = tpu.vector_load %arg16[%get3A_292] {strides = array<i32>} : memref<128xi32, #tpu.memory_space<vmem>>, vector<16xi32>,
            %get3A_294 = vector.shape_cast %get3A_293 : vector<16xi32> to vector<16xi32>
            %add3A_295 = vector.broadcast %mul3A_13 : i32 to vector<16xi32>
            %add3A_296 = arith.addi %get3A_294, %add3A_295 : vector<16xi32>
            %swap3A_297 = arith.constant 32 : index
            %swap3A_298 = tpu.vector_load %arg16[%swap3A_297] {strides = array<i32>} : memref<128xi32, #tpu.memory_space<vmem>>, vector<16xi32>,
            %swap3A_299 = vector.shape_cast %swap3A_298 : vector<16xi32> to vector<16xi32>
            %swap3A_300 = vector.shape_cast %add3A_296 : vector<16xi32> to vector<16xi32>
            tpu.vector_store %arg16[%swap3A_297], %swap3A_300 {strides = array<i32>} : memref<128xi32, #tpu.memory_space<vmem>>, vector<16xi32>,
            %get3A_301 = arith.constant 48 : index
            %get3A_302 = tpu.vector_load %arg16[%get3A_301] {strides = array<i32>} : memref<128xi32, #tpu.memory_space<vmem>>, vector<16xi32>,
            %get3A_303 = vector.shape_cast %get3A_302 : vector<16xi32> to vector<16xi32>
            %add3A_304 = vector.broadcast %mul3A_13 : i32 to vector<16xi32>
            %add3A_305 = arith.addi %get3A_303, %add3A_304 : vector<16xi32>
            %swap3A_306 = arith.constant 48 : index
            %swap3A_307 = tpu.vector_load %arg16[%swap3A_306] {strides = array<i32>} : memref<128xi32, #tpu.memory_space<vmem>>, vector<16xi32>,
            %swap3A_308 = vector.shape_cast %swap3A_307 : vector<16xi32> to vector<16xi32>
            %swap3A_309 = vector.shape_cast %add3A_305 : vector<16xi32> to vector<16xi32>
            tpu.vector_store %arg16[%swap3A_306], %swap3A_309 {strides = array<i32>} : memref<128xi32, #tpu.memory_space<vmem>>, vector<16xi32>,
            %get3A_310 = arith.constant 64 : index
            %get3A_311 = tpu.vector_load %arg16[%get3A_310] {strides = array<i32>} : memref<128xi32, #tpu.memory_space<vmem>>, vector<16xi32>,
            %get3A_312 = vector.shape_cast %get3A_311 : vector<16xi32> to vector<16xi32>
            %add3A_313 = vector.broadcast %mul3A_13 : i32 to vector<16xi32>
            %add3A_314 = arith.addi %get3A_312, %add3A_313 : vector<16xi32>
            %swap3A_315 = arith.constant 64 : index
            %swap3A_316 = tpu.vector_load %arg16[%swap3A_315] {strides = array<i32>} : memref<128xi32, #tpu.memory_space<vmem>>, vector<16xi32>,
            %swap3A_317 = vector.shape_cast %swap3A_316 : vector<16xi32> to vector<16xi32>
            %swap3A_318 = vector.shape_cast %add3A_314 : vector<16xi32> to vector<16xi32>
            tpu.vector_store %arg16[%swap3A_315], %swap3A_318 {strides = array<i32>} : memref<128xi32, #tpu.memory_space<vmem>>, vector<16xi32>,
            %get3A_319 = arith.constant 80 : index
            %get3A_320 = tpu.vector_load %arg16[%get3A_319] {strides = array<i32>} : memref<128xi32, #tpu.memory_space<vmem>>, vector<16xi32>,
            %get3A_321 = vector.shape_cast %get3A_320 : vector<16xi32> to vector<16xi32>
            %add3A_322 = vector.broadcast %mul3A_13 : i32 to vector<16xi32>
            %add3A_323 = arith.addi %get3A_321, %add3A_322 : vector<16xi32>
            %swap3A_324 = arith.constant 80 : index
            %swap3A_325 = tpu.vector_load %arg16[%swap3A_324] {strides = array<i32>} : memref<128xi32, #tpu.memory_space<vmem>>, vector<16xi32>,
            %swap3A_326 = vector.shape_cast %swap3A_325 : vector<16xi32> to vector<16xi32>
            %swap3A_327 = vector.shape_cast %add3A_323 : vector<16xi32> to vector<16xi32>
            tpu.vector_store %arg16[%swap3A_324], %swap3A_327 {strides = array<i32>} : memref<128xi32, #tpu.memory_space<vmem>>, vector<16xi32>,
            %get3A_328 = arith.constant 96 : index
            %get3A_329 = tpu.vector_load %arg16[%get3A_328] {strides = array<i32>} : memref<128xi32, #tpu.memory_space<vmem>>, vector<16xi32>,
            %get3A_330 = vector.shape_cast %get3A_329 : vector<16xi32> to vector<16xi32>
            %add3A_331 = vector.broadcast %mul3A_13 : i32 to vector<16xi32>
            %add3A_332 = arith.addi %get3A_330, %add3A_331 : vector<16xi32>
            %swap3A_333 = arith.constant 96 : index
            %swap3A_334 = tpu.vector_load %arg16[%swap3A_333] {strides = array<i32>} : memref<128xi32, #tpu.memory_space<vmem>>, vector<16xi32>,
            %swap3A_335 = vector.shape_cast %swap3A_334 : vector<16xi32> to vector<16xi32>
            %swap3A_336 = vector.shape_cast %add3A_332 : vector<16xi32> to vector<16xi32>
            tpu.vector_store %arg16[%swap3A_333], %swap3A_336 {strides = array<i32>} : memref<128xi32, #tpu.memory_space<vmem>>, vector<16xi32>,
            %get3A_337 = arith.constant 112 : index
            %get3A_338 = tpu.vector_load %arg16[%get3A_337] {strides = array<i32>} : memref<128xi32, #tpu.memory_space<vmem>>, vector<16xi32>,
            %get3A_339 = vector.shape_cast %get3A_338 : vector<16xi32> to vector<16xi32>
            %add3A_340 = vector.broadcast %mul3A_13 : i32 to vector<16xi32>
            %add3A_341 = arith.addi %get3A_339, %add3A_340 : vector<16xi32>
            %swap3A_342 = arith.constant 112 : index
            %swap3A_343 = tpu.vector_load %arg16[%swap3A_342] {strides = array<i32>} : memref<128xi32, #tpu.memory_space<vmem>>, vector<16xi32>,
            %swap3A_344 = vector.shape_cast %swap3A_343 : vector<16xi32> to vector<16xi32>
            %swap3A_345 = vector.shape_cast %add3A_341 : vector<16xi32> to vector<16xi32>
            tpu.vector_store %arg16[%swap3A_342], %swap3A_345 {strides = array<i32>} : memref<128xi32, #tpu.memory_space<vmem>>, vector<16xi32>,
            %dma_start3A_346 = arith.constant 0 : i32
            %dma_start3A_347 = arith.constant 0 : i32
            %dma_start3A_348 = tpu.memref_slice %arg3[%dma_start3A_346, %dma_start3A_347] : memref<200000x32xf32, #tpu.memory_space<hbm>> -> memref<200000x32xf32, #tpu.memory_space<hbm>>
            tpu.enqueue_indirect_dma source(%dma_start3A_348 : memref<200000x32xf32, #tpu.memory_space<hbm>>) target(%arg22 : memref<128x32xf32, #tpu.memory_space<vmem>>) offsets(%arg16 : memref<128xi32, #tpu.memory_space<vmem>>) semaphore(%arg29 : memref<!tpu.dma_semaphore, #tpu.memory_space<semaphore_mem>>)
          } else {
          }
          %convert_element_type3A_184 = arith.extui %ne3A_16 : i1 to i32
          %cond3A_185 = arith.constant 0 : i32
          %cond3A_186 = arith.cmpi ne, %convert_element_type3A_184, %cond3A_185 : i32
          scf.if %cond3A_186 {
            %dma_start3A_276 = arith.constant 0 : i32
            %dma_start3A_277 = arith.constant 0 : i32
            %dma_start3A_278 = tpu.memref_slice %arg14[%dma_start3A_276, %dma_start3A_277] : memref<51200x32xf32, #tpu.memory_space<vmem_shared>> -> memref<51200x32xf32, #tpu.memory_space<vmem_shared>>
            tpu.enqueue_indirect_dma source(%arg21 : memref<128x32xf32, #tpu.memory_space<vmem>>) target(%dma_start3A_278 : memref<51200x32xf32, #tpu.memory_space<vmem_shared>>) offsets(%arg18 : memref<128xi32, #tpu.memory_space<vmem>>) semaphore(%arg30 : memref<!tpu.dma_semaphore, #tpu.memory_space<semaphore_mem>>) {add = true}
          } else {
          }
          %convert_element_type3A_187 = arith.extui %eq3A_15 : i1 to i32
          %cond3A_188 = arith.constant 0 : i32
          %cond3A_189 = arith.cmpi ne, %convert_element_type3A_187, %cond3A_188 : i32
          scf.if %cond3A_189 {
            %dma_start3A_276 = arith.constant 0 : i32
            %dma_start3A_277 = arith.constant 0 : i32
            %dma_start3A_278 = tpu.memref_slice %arg14[%dma_start3A_276, %dma_start3A_277] : memref<51200x32xf32, #tpu.memory_space<vmem_shared>> -> memref<51200x32xf32, #tpu.memory_space<vmem_shared>>
            tpu.enqueue_indirect_dma source(%arg24 : memref<128x32xf32, #tpu.memory_space<vmem>>) target(%dma_start3A_278 : memref<51200x32xf32, #tpu.memory_space<vmem_shared>>) offsets(%arg18 : memref<128xi32, #tpu.memory_space<vmem>>) semaphore(%arg30 : memref<!tpu.dma_semaphore, #tpu.memory_space<semaphore_mem>>) {add = true}
          } else {
          }
          %dma_wait3A_190 = arith.constant 0 : i32
          %dma_wait3A_191 = arith.constant 0 : i32
          %dma_wait3A_192 = tpu.memref_slice %arg14[%dma_wait3A_190, %dma_wait3A_191] : memref<51200x32xf32, #tpu.memory_space<vmem_shared>> -> memref<51200x32xf32, #tpu.memory_space<vmem_shared>>
          tpu.wait_indirect_dma semaphore(%arg32 : memref<!tpu.dma_semaphore, #tpu.memory_space<semaphore_mem>>) src(%arg23 : memref<128x32xf32, #tpu.memory_space<vmem>>) dst(%dma_wait3A_192 : memref<51200x32xf32, #tpu.memory_space<vmem_shared>>)
          %add3A_193 = arith.constant 2 : i32
          %add3A_194 = arith.addi %add3A_173, %add3A_193 : i32
          %mul3A_195 = arith.constant 16 : i32
          %mul3A_196 = arith.muli %add3A_194, %mul3A_195 : i32
          %add3A_197 = arith.addi %mul3A_196, %arg1 : i32
          %mul3A_198 = arith.constant 128 : i32
          %mul3A_199 = arith.muli %add3A_197, %mul3A_198 : i32
          %dma_start3A_200 = tpu.memref_slice %arg6[%mul3A_199] : memref<600064xi32, #tpu.memory_space<hbm>> -> memref<128xi32, #tpu.memory_space<hbm>>
          %dma_start3A_201 = tpu.memref_slice %arg6[%mul3A_199] : memref<600064xi32, #tpu.memory_space<hbm>> -> memref<128xi32, #tpu.memory_space<hbm>>
          tpu.enqueue_dma source(%dma_start3A_201 : memref<128xi32, #tpu.memory_space<hbm>>) target(%arg17 : memref<128xi32, #tpu.memory_space<vmem>>) target_semaphore(%arg28 : memref<!tpu.dma_semaphore, #tpu.memory_space<semaphore_mem>>)
          %dma_start3A_202 = tpu.memref_slice %arg7[%mul3A_199] : memref<600064xi32, #tpu.memory_space<hbm>> -> memref<128xi32, #tpu.memory_space<hbm>>
          %dma_start3A_203 = tpu.memref_slice %arg7[%mul3A_199] : memref<600064xi32, #tpu.memory_space<hbm>> -> memref<128xi32, #tpu.memory_space<hbm>>
          tpu.enqueue_dma source(%dma_start3A_203 : memref<128xi32, #tpu.memory_space<hbm>>) target(%arg20 : memref<128xi32, #tpu.memory_space<vmem>>) target_semaphore(%arg28 : memref<!tpu.dma_semaphore, #tpu.memory_space<semaphore_mem>>)
          %mul3A_204 = arith.constant 3 : i32
          %mul3A_205 = arith.muli %mul3A_204, %scan3A_167 : i32
          %add3A_206 = arith.constant 3 : i32
          %add3A_207 = arith.addi %add3A_206, %mul3A_205 : i32
          %add3A_208 = arith.constant 1 : i32
          %add3A_209 = arith.addi %add3A_207, %add3A_208 : i32
          %convert_element_type3A_210 = arith.extui %ne3A_16 : i1 to i32
          %cond3A_211 = arith.constant 0 : i32
          %cond3A_212 = arith.cmpi ne, %convert_element_type3A_210, %cond3A_211 : i32
          scf.if %cond3A_212 {
            %dma_wait3A_276 = arith.constant 0 : i32
            %dma_wait3A_277 = arith.constant 0 : i32
            %dma_wait3A_278 = tpu.memref_slice %arg3[%dma_wait3A_276, %dma_wait3A_277] : memref<200000x32xf32, #tpu.memory_space<hbm>> -> memref<200000x32xf32, #tpu.memory_space<hbm>>
            tpu.wait_indirect_dma semaphore(%arg29 : memref<!tpu.dma_semaphore, #tpu.memory_space<semaphore_mem>>) src(%dma_wait3A_278 : memref<200000x32xf32, #tpu.memory_space<hbm>>) dst(%arg22 : memref<128x32xf32, #tpu.memory_space<vmem>>)
          } else {
          }
          %dma_wait3A_213 = arith.constant 0 : i32
          %dma_wait3A_214 = tpu.memref_slice %arg6[%dma_wait3A_213] : memref<600064xi32, #tpu.memory_space<hbm>> -> memref<256xi32, #tpu.memory_space<hbm>>
          %dma_wait3A_215 = arith.constant 0 : i32
          %dma_wait3A_216 = tpu.memref_slice %arg6[%dma_wait3A_215] : memref<600064xi32, #tpu.memory_space<hbm>> -> memref<256xi32, #tpu.memory_space<hbm>>
          tpu.wait_dma2 semaphore(%arg28 : memref<!tpu.dma_semaphore, #tpu.memory_space<semaphore_mem>>) src(%dma_wait3A_216 : memref<256xi32, #tpu.memory_space<hbm>>) dst(%arg25 : memref<256xi32, #tpu.memory_space<vmem>>)
          %convert_element_type3A_217 = arith.extui %ne3A_16 : i1 to i32
          %cond3A_218 = arith.constant 0 : i32
          %cond3A_219 = arith.cmpi ne, %convert_element_type3A_217, %cond3A_218 : i32
          scf.if %cond3A_219 {
            %get3A = arith.constant 0 : index
            %get3A_276 = tpu.vector_load %arg17[%get3A] {strides = array<i32>} : memref<128xi32, #tpu.memory_space<vmem>>, vector<16xi32>,
            %get3A_277 = vector.shape_cast %get3A_276 : vector<16xi32> to vector<16xi32>
            %add3A_278 = vector.broadcast %mul3A_13 : i32 to vector<16xi32>
            %add3A_279 = arith.addi %get3A_277, %add3A_278 : vector<16xi32>
            %swap3A = arith.constant 0 : index
            %swap3A_280 = tpu.vector_load %arg17[%swap3A] {strides = array<i32>} : memref<128xi32, #tpu.memory_space<vmem>>, vector<16xi32>,
            %swap3A_281 = vector.shape_cast %swap3A_280 : vector<16xi32> to vector<16xi32>
            %swap3A_282 = vector.shape_cast %add3A_279 : vector<16xi32> to vector<16xi32>
            tpu.vector_store %arg17[%swap3A], %swap3A_282 {strides = array<i32>} : memref<128xi32, #tpu.memory_space<vmem>>, vector<16xi32>,
            %get3A_283 = arith.constant 16 : index
            %get3A_284 = tpu.vector_load %arg17[%get3A_283] {strides = array<i32>} : memref<128xi32, #tpu.memory_space<vmem>>, vector<16xi32>,
            %get3A_285 = vector.shape_cast %get3A_284 : vector<16xi32> to vector<16xi32>
            %add3A_286 = vector.broadcast %mul3A_13 : i32 to vector<16xi32>
            %add3A_287 = arith.addi %get3A_285, %add3A_286 : vector<16xi32>
            %swap3A_288 = arith.constant 16 : index
            %swap3A_289 = tpu.vector_load %arg17[%swap3A_288] {strides = array<i32>} : memref<128xi32, #tpu.memory_space<vmem>>, vector<16xi32>,
            %swap3A_290 = vector.shape_cast %swap3A_289 : vector<16xi32> to vector<16xi32>
            %swap3A_291 = vector.shape_cast %add3A_287 : vector<16xi32> to vector<16xi32>
            tpu.vector_store %arg17[%swap3A_288], %swap3A_291 {strides = array<i32>} : memref<128xi32, #tpu.memory_space<vmem>>, vector<16xi32>,
            %get3A_292 = arith.constant 32 : index
            %get3A_293 = tpu.vector_load %arg17[%get3A_292] {strides = array<i32>} : memref<128xi32, #tpu.memory_space<vmem>>, vector<16xi32>,
            %get3A_294 = vector.shape_cast %get3A_293 : vector<16xi32> to vector<16xi32>
            %add3A_295 = vector.broadcast %mul3A_13 : i32 to vector<16xi32>
            %add3A_296 = arith.addi %get3A_294, %add3A_295 : vector<16xi32>
            %swap3A_297 = arith.constant 32 : index
            %swap3A_298 = tpu.vector_load %arg17[%swap3A_297] {strides = array<i32>} : memref<128xi32, #tpu.memory_space<vmem>>, vector<16xi32>,
            %swap3A_299 = vector.shape_cast %swap3A_298 : vector<16xi32> to vector<16xi32>
            %swap3A_300 = vector.shape_cast %add3A_296 : vector<16xi32> to vector<16xi32>
            tpu.vector_store %arg17[%swap3A_297], %swap3A_300 {strides = array<i32>} : memref<128xi32, #tpu.memory_space<vmem>>, vector<16xi32>,
            %get3A_301 = arith.constant 48 : index
            %get3A_302 = tpu.vector_load %arg17[%get3A_301] {strides = array<i32>} : memref<128xi32, #tpu.memory_space<vmem>>, vector<16xi32>,
            %get3A_303 = vector.shape_cast %get3A_302 : vector<16xi32> to vector<16xi32>
            %add3A_304 = vector.broadcast %mul3A_13 : i32 to vector<16xi32>
            %add3A_305 = arith.addi %get3A_303, %add3A_304 : vector<16xi32>
            %swap3A_306 = arith.constant 48 : index
            %swap3A_307 = tpu.vector_load %arg17[%swap3A_306] {strides = array<i32>} : memref<128xi32, #tpu.memory_space<vmem>>, vector<16xi32>,
            %swap3A_308 = vector.shape_cast %swap3A_307 : vector<16xi32> to vector<16xi32>
            %swap3A_309 = vector.shape_cast %add3A_305 : vector<16xi32> to vector<16xi32>
            tpu.vector_store %arg17[%swap3A_306], %swap3A_309 {strides = array<i32>} : memref<128xi32, #tpu.memory_space<vmem>>, vector<16xi32>,
            %get3A_310 = arith.constant 64 : index
            %get3A_311 = tpu.vector_load %arg17[%get3A_310] {strides = array<i32>} : memref<128xi32, #tpu.memory_space<vmem>>, vector<16xi32>,
            %get3A_312 = vector.shape_cast %get3A_311 : vector<16xi32> to vector<16xi32>
            %add3A_313 = vector.broadcast %mul3A_13 : i32 to vector<16xi32>
            %add3A_314 = arith.addi %get3A_312, %add3A_313 : vector<16xi32>
            %swap3A_315 = arith.constant 64 : index
            %swap3A_316 = tpu.vector_load %arg17[%swap3A_315] {strides = array<i32>} : memref<128xi32, #tpu.memory_space<vmem>>, vector<16xi32>,
            %swap3A_317 = vector.shape_cast %swap3A_316 : vector<16xi32> to vector<16xi32>
            %swap3A_318 = vector.shape_cast %add3A_314 : vector<16xi32> to vector<16xi32>
            tpu.vector_store %arg17[%swap3A_315], %swap3A_318 {strides = array<i32>} : memref<128xi32, #tpu.memory_space<vmem>>, vector<16xi32>,
            %get3A_319 = arith.constant 80 : index
            %get3A_320 = tpu.vector_load %arg17[%get3A_319] {strides = array<i32>} : memref<128xi32, #tpu.memory_space<vmem>>, vector<16xi32>,
            %get3A_321 = vector.shape_cast %get3A_320 : vector<16xi32> to vector<16xi32>
            %add3A_322 = vector.broadcast %mul3A_13 : i32 to vector<16xi32>
            %add3A_323 = arith.addi %get3A_321, %add3A_322 : vector<16xi32>
            %swap3A_324 = arith.constant 80 : index
            %swap3A_325 = tpu.vector_load %arg17[%swap3A_324] {strides = array<i32>} : memref<128xi32, #tpu.memory_space<vmem>>, vector<16xi32>,
            %swap3A_326 = vector.shape_cast %swap3A_325 : vector<16xi32> to vector<16xi32>
            %swap3A_327 = vector.shape_cast %add3A_323 : vector<16xi32> to vector<16xi32>
            tpu.vector_store %arg17[%swap3A_324], %swap3A_327 {strides = array<i32>} : memref<128xi32, #tpu.memory_space<vmem>>, vector<16xi32>,
            %get3A_328 = arith.constant 96 : index
            %get3A_329 = tpu.vector_load %arg17[%get3A_328] {strides = array<i32>} : memref<128xi32, #tpu.memory_space<vmem>>, vector<16xi32>,
            %get3A_330 = vector.shape_cast %get3A_329 : vector<16xi32> to vector<16xi32>
            %add3A_331 = vector.broadcast %mul3A_13 : i32 to vector<16xi32>
            %add3A_332 = arith.addi %get3A_330, %add3A_331 : vector<16xi32>
            %swap3A_333 = arith.constant 96 : index
            %swap3A_334 = tpu.vector_load %arg17[%swap3A_333] {strides = array<i32>} : memref<128xi32, #tpu.memory_space<vmem>>, vector<16xi32>,
            %swap3A_335 = vector.shape_cast %swap3A_334 : vector<16xi32> to vector<16xi32>
            %swap3A_336 = vector.shape_cast %add3A_332 : vector<16xi32> to vector<16xi32>
            tpu.vector_store %arg17[%swap3A_333], %swap3A_336 {strides = array<i32>} : memref<128xi32, #tpu.memory_space<vmem>>, vector<16xi32>,
            %get3A_337 = arith.constant 112 : index
            %get3A_338 = tpu.vector_load %arg17[%get3A_337] {strides = array<i32>} : memref<128xi32, #tpu.memory_space<vmem>>, vector<16xi32>,
            %get3A_339 = vector.shape_cast %get3A_338 : vector<16xi32> to vector<16xi32>
            %add3A_340 = vector.broadcast %mul3A_13 : i32 to vector<16xi32>
            %add3A_341 = arith.addi %get3A_339, %add3A_340 : vector<16xi32>
            %swap3A_342 = arith.constant 112 : index
            %swap3A_343 = tpu.vector_load %arg17[%swap3A_342] {strides = array<i32>} : memref<128xi32, #tpu.memory_space<vmem>>, vector<16xi32>,
            %swap3A_344 = vector.shape_cast %swap3A_343 : vector<16xi32> to vector<16xi32>
            %swap3A_345 = vector.shape_cast %add3A_341 : vector<16xi32> to vector<16xi32>
            tpu.vector_store %arg17[%swap3A_342], %swap3A_345 {strides = array<i32>} : memref<128xi32, #tpu.memory_space<vmem>>, vector<16xi32>,
            %dma_start3A_346 = arith.constant 0 : i32
            %dma_start3A_347 = arith.constant 0 : i32
            %dma_start3A_348 = tpu.memref_slice %arg3[%dma_start3A_346, %dma_start3A_347] : memref<200000x32xf32, #tpu.memory_space<hbm>> -> memref<200000x32xf32, #tpu.memory_space<hbm>>
            tpu.enqueue_indirect_dma source(%dma_start3A_348 : memref<200000x32xf32, #tpu.memory_space<hbm>>) target(%arg23 : memref<128x32xf32, #tpu.memory_space<vmem>>) offsets(%arg17 : memref<128xi32, #tpu.memory_space<vmem>>) semaphore(%arg29 : memref<!tpu.dma_semaphore, #tpu.memory_space<semaphore_mem>>)
          } else {
          }
          %convert_element_type3A_220 = arith.extui %ne3A_16 : i1 to i32
          %cond3A_221 = arith.constant 0 : i32
          %cond3A_222 = arith.cmpi ne, %convert_element_type3A_220, %cond3A_221 : i32
          scf.if %cond3A_222 {
            %dma_start3A_276 = arith.constant 0 : i32
            %dma_start3A_277 = arith.constant 0 : i32
            %dma_start3A_278 = tpu.memref_slice %arg14[%dma_start3A_276, %dma_start3A_277] : memref<51200x32xf32, #tpu.memory_space<vmem_shared>> -> memref<51200x32xf32, #tpu.memory_space<vmem_shared>>
            tpu.enqueue_indirect_dma source(%arg22 : memref<128x32xf32, #tpu.memory_space<vmem>>) target(%dma_start3A_278 : memref<51200x32xf32, #tpu.memory_space<vmem_shared>>) offsets(%arg19 : memref<128xi32, #tpu.memory_space<vmem>>) semaphore(%arg31 : memref<!tpu.dma_semaphore, #tpu.memory_space<semaphore_mem>>) {add = true}
          } else {
          }
          %convert_element_type3A_223 = arith.extui %eq3A_15 : i1 to i32
          %cond3A_224 = arith.constant 0 : i32
          %cond3A_225 = arith.cmpi ne, %convert_element_type3A_223, %cond3A_224 : i32
          scf.if %cond3A_225 {
            %dma_start3A_276 = arith.constant 0 : i32
            %dma_start3A_277 = arith.constant 0 : i32
            %dma_start3A_278 = tpu.memref_slice %arg14[%dma_start3A_276, %dma_start3A_277] : memref<51200x32xf32, #tpu.memory_space<vmem_shared>> -> memref<51200x32xf32, #tpu.memory_space<vmem_shared>>
            tpu.enqueue_indirect_dma source(%arg24 : memref<128x32xf32, #tpu.memory_space<vmem>>) target(%dma_start3A_278 : memref<51200x32xf32, #tpu.memory_space<vmem_shared>>) offsets(%arg19 : memref<128xi32, #tpu.memory_space<vmem>>) semaphore(%arg31 : memref<!tpu.dma_semaphore, #tpu.memory_space<semaphore_mem>>) {add = true}
          } else {
          }
          %dma_wait3A_226 = arith.constant 0 : i32
          %dma_wait3A_227 = arith.constant 0 : i32
          %dma_wait3A_228 = tpu.memref_slice %arg14[%dma_wait3A_226, %dma_wait3A_227] : memref<51200x32xf32, #tpu.memory_space<vmem_shared>> -> memref<51200x32xf32, #tpu.memory_space<vmem_shared>>
          tpu.wait_indirect_dma semaphore(%arg30 : memref<!tpu.dma_semaphore, #tpu.memory_space<semaphore_mem>>) src(%arg21 : memref<128x32xf32, #tpu.memory_space<vmem>>) dst(%dma_wait3A_228 : memref<51200x32xf32, #tpu.memory_space<vmem_shared>>)
          %add3A_229 = arith.constant 2 : i32
          %add3A_230 = arith.addi %add3A_209, %add3A_229 : i32
          %mul3A_231 = arith.constant 16 : i32
          %mul3A_232 = arith.muli %add3A_230, %mul3A_231 : i32
          %add3A_233 = arith.addi %mul3A_232, %arg1 : i32
          %mul3A_234 = arith.constant 128 : i32
          %mul3A_235 = arith.muli %add3A_233, %mul3A_234 : i32
          %dma_start3A_236 = tpu.memref_slice %arg6[%mul3A_235] : memref<600064xi32, #tpu.memory_space<hbm>> -> memref<128xi32, #tpu.memory_space<hbm>>
          %dma_start3A_237 = tpu.memref_slice %arg6[%mul3A_235] : memref<600064xi32, #tpu.memory_space<hbm>> -> memref<128xi32, #tpu.memory_space<hbm>>
          tpu.enqueue_dma source(%dma_start3A_237 : memref<128xi32, #tpu.memory_space<hbm>>) target(%arg15 : memref<128xi32, #tpu.memory_space<vmem>>) target_semaphore(%arg26 : memref<!tpu.dma_semaphore, #tpu.memory_space<semaphore_mem>>)
          %dma_start3A_238 = tpu.memref_slice %arg7[%mul3A_235] : memref<600064xi32, #tpu.memory_space<hbm>> -> memref<128xi32, #tpu.memory_space<hbm>>
          %dma_start3A_239 = tpu.memref_slice %arg7[%mul3A_235] : memref<600064xi32, #tpu.memory_space<hbm>> -> memref<128xi32, #tpu.memory_space<hbm>>
          tpu.enqueue_dma source(%dma_start3A_239 : memref<128xi32, #tpu.memory_space<hbm>>) target(%arg18 : memref<128xi32, #tpu.memory_space<vmem>>) target_semaphore(%arg26 : memref<!tpu.dma_semaphore, #tpu.memory_space<semaphore_mem>>)
          %mul3A_240 = arith.constant 3 : i32
          %mul3A_241 = arith.muli %mul3A_240, %scan3A_167 : i32
          %add3A_242 = arith.constant 3 : i32
          %add3A_243 = arith.addi %add3A_242, %mul3A_241 : i32
          %add3A_244 = arith.constant 2 : i32
          %add3A_245 = arith.addi %add3A_243, %add3A_244 : i32
          %convert_element_type3A_246 = arith.extui %ne3A_16 : i1 to i32
          %cond3A_247 = arith.constant 0 : i32
          %cond3A_248 = arith.cmpi ne, %convert_element_type3A_246, %cond3A_247 : i32
          scf.if %cond3A_248 {
            %dma_wait3A_276 = arith.constant 0 : i32
            %dma_wait3A_277 = arith.constant 0 : i32
            %dma_wait3A_278 = tpu.memref_slice %arg3[%dma_wait3A_276, %dma_wait3A_277] : memref<200000x32xf32, #tpu.memory_space<hbm>> -> memref<200000x32xf32, #tpu.memory_space<hbm>>
            tpu.wait_indirect_dma semaphore(%arg29 : memref<!tpu.dma_semaphore, #tpu.memory_space<semaphore_mem>>) src(%dma_wait3A_278 : memref<200000x32xf32, #tpu.memory_space<hbm>>) dst(%arg23 : memref<128x32xf32, #tpu.memory_space<vmem>>)
          } else {
          }
          %dma_wait3A_249 = arith.constant 0 : i32
          %dma_wait3A_250 = tpu.memref_slice %arg6[%dma_wait3A_249] : memref<600064xi32, #tpu.memory_space<hbm>> -> memref<256xi32, #tpu.memory_space<hbm>>
          %dma_wait3A_251 = arith.constant 0 : i32
          %dma_wait3A_252 = tpu.memref_slice %arg6[%dma_wait3A_251] : memref<600064xi32, #tpu.memory_space<hbm>> -> memref<256xi32, #tpu.memory_space<hbm>>
          tpu.wait_dma2 semaphore(%arg26 : memref<!tpu.dma_semaphore, #tpu.memory_space<semaphore_mem>>) src(%dma_wait3A_252 : memref<256xi32, #tpu.memory_space<hbm>>) dst(%arg25 : memref<256xi32, #tpu.memory_space<vmem>>)
          %convert_element_type3A_253 = arith.extui %ne3A_16 : i1 to i32
          %cond3A_254 = arith.constant 0 : i32
          %cond3A_255 = arith.cmpi ne, %convert_element_type3A_253, %cond3A_254 : i32
          scf.if %cond3A_255 {
            %get3A = arith.constant 0 : index
            %get3A_276 = tpu.vector_load %arg15[%get3A] {strides = array<i32>} : memref<128xi32, #tpu.memory_space<vmem>>, vector<16xi32>,
            %get3A_277 = vector.shape_cast %get3A_276 : vector<16xi32> to vector<16xi32>
            %add3A_278 = vector.broadcast %mul3A_13 : i32 to vector<16xi32>
            %add3A_279 = arith.addi %get3A_277, %add3A_278 : vector<16xi32>
            %swap3A = arith.constant 0 : index
            %swap3A_280 = tpu.vector_load %arg15[%swap3A] {strides = array<i32>} : memref<128xi32, #tpu.memory_space<vmem>>, vector<16xi32>,
            %swap3A_281 = vector.shape_cast %swap3A_280 : vector<16xi32> to vector<16xi32>
            %swap3A_282 = vector.shape_cast %add3A_279 : vector<16xi32> to vector<16xi32>
            tpu.vector_store %arg15[%swap3A], %swap3A_282 {strides = array<i32>} : memref<128xi32, #tpu.memory_space<vmem>>, vector<16xi32>,
            %get3A_283 = arith.constant 16 : index
            %get3A_284 = tpu.vector_load %arg15[%get3A_283] {strides = array<i32>} : memref<128xi32, #tpu.memory_space<vmem>>, vector<16xi32>,
            %get3A_285 = vector.shape_cast %get3A_284 : vector<16xi32> to vector<16xi32>
            %add3A_286 = vector.broadcast %mul3A_13 : i32 to vector<16xi32>
            %add3A_287 = arith.addi %get3A_285, %add3A_286 : vector<16xi32>
            %swap3A_288 = arith.constant 16 : index
            %swap3A_289 = tpu.vector_load %arg15[%swap3A_288] {strides = array<i32>} : memref<128xi32, #tpu.memory_space<vmem>>, vector<16xi32>,
            %swap3A_290 = vector.shape_cast %swap3A_289 : vector<16xi32> to vector<16xi32>
            %swap3A_291 = vector.shape_cast %add3A_287 : vector<16xi32> to vector<16xi32>
            tpu.vector_store %arg15[%swap3A_288], %swap3A_291 {strides = array<i32>} : memref<128xi32, #tpu.memory_space<vmem>>, vector<16xi32>,
            %get3A_292 = arith.constant 32 : index
            %get3A_293 = tpu.vector_load %arg15[%get3A_292] {strides = array<i32>} : memref<128xi32, #tpu.memory_space<vmem>>, vector<16xi32>,
            %get3A_294 = vector.shape_cast %get3A_293 : vector<16xi32> to vector<16xi32>
            %add3A_295 = vector.broadcast %mul3A_13 : i32 to vector<16xi32>
            %add3A_296 = arith.addi %get3A_294, %add3A_295 : vector<16xi32>
            %swap3A_297 = arith.constant 32 : index
            %swap3A_298 = tpu.vector_load %arg15[%swap3A_297] {strides = array<i32>} : memref<128xi32, #tpu.memory_space<vmem>>, vector<16xi32>,
            %swap3A_299 = vector.shape_cast %swap3A_298 : vector<16xi32> to vector<16xi32>
            %swap3A_300 = vector.shape_cast %add3A_296 : vector<16xi32> to vector<16xi32>
            tpu.vector_store %arg15[%swap3A_297], %swap3A_300 {strides = array<i32>} : memref<128xi32, #tpu.memory_space<vmem>>, vector<16xi32>,
            %get3A_301 = arith.constant 48 : index
            %get3A_302 = tpu.vector_load %arg15[%get3A_301] {strides = array<i32>} : memref<128xi32, #tpu.memory_space<vmem>>, vector<16xi32>,
            %get3A_303 = vector.shape_cast %get3A_302 : vector<16xi32> to vector<16xi32>
            %add3A_304 = vector.broadcast %mul3A_13 : i32 to vector<16xi32>
            %add3A_305 = arith.addi %get3A_303, %add3A_304 : vector<16xi32>
            %swap3A_306 = arith.constant 48 : index
            %swap3A_307 = tpu.vector_load %arg15[%swap3A_306] {strides = array<i32>} : memref<128xi32, #tpu.memory_space<vmem>>, vector<16xi32>,
            %swap3A_308 = vector.shape_cast %swap3A_307 : vector<16xi32> to vector<16xi32>
            %swap3A_309 = vector.shape_cast %add3A_305 : vector<16xi32> to vector<16xi32>
            tpu.vector_store %arg15[%swap3A_306], %swap3A_309 {strides = array<i32>} : memref<128xi32, #tpu.memory_space<vmem>>, vector<16xi32>,
            %get3A_310 = arith.constant 64 : index
            %get3A_311 = tpu.vector_load %arg15[%get3A_310] {strides = array<i32>} : memref<128xi32, #tpu.memory_space<vmem>>, vector<16xi32>,
            %get3A_312 = vector.shape_cast %get3A_311 : vector<16xi32> to vector<16xi32>
            %add3A_313 = vector.broadcast %mul3A_13 : i32 to vector<16xi32>
            %add3A_314 = arith.addi %get3A_312, %add3A_313 : vector<16xi32>
            %swap3A_315 = arith.constant 64 : index
            %swap3A_316 = tpu.vector_load %arg15[%swap3A_315] {strides = array<i32>} : memref<128xi32, #tpu.memory_space<vmem>>, vector<16xi32>,
            %swap3A_317 = vector.shape_cast %swap3A_316 : vector<16xi32> to vector<16xi32>
            %swap3A_318 = vector.shape_cast %add3A_314 : vector<16xi32> to vector<16xi32>
            tpu.vector_store %arg15[%swap3A_315], %swap3A_318 {strides = array<i32>} : memref<128xi32, #tpu.memory_space<vmem>>, vector<16xi32>,
            %get3A_319 = arith.constant 80 : index
            %get3A_320 = tpu.vector_load %arg15[%get3A_319] {strides = array<i32>} : memref<128xi32, #tpu.memory_space<vmem>>, vector<16xi32>,
            %get3A_321 = vector.shape_cast %get3A_320 : vector<16xi32> to vector<16xi32>
            %add3A_322 = vector.broadcast %mul3A_13 : i32 to vector<16xi32>
            %add3A_323 = arith.addi %get3A_321, %add3A_322 : vector<16xi32>
            %swap3A_324 = arith.constant 80 : index
            %swap3A_325 = tpu.vector_load %arg15[%swap3A_324] {strides = array<i32>} : memref<128xi32, #tpu.memory_space<vmem>>, vector<16xi32>,
            %swap3A_326 = vector.shape_cast %swap3A_325 : vector<16xi32> to vector<16xi32>
            %swap3A_327 = vector.shape_cast %add3A_323 : vector<16xi32> to vector<16xi32>
            tpu.vector_store %arg15[%swap3A_324], %swap3A_327 {strides = array<i32>} : memref<128xi32, #tpu.memory_space<vmem>>, vector<16xi32>,
            %get3A_328 = arith.constant 96 : index
            %get3A_329 = tpu.vector_load %arg15[%get3A_328] {strides = array<i32>} : memref<128xi32, #tpu.memory_space<vmem>>, vector<16xi32>,
            %get3A_330 = vector.shape_cast %get3A_329 : vector<16xi32> to vector<16xi32>
            %add3A_331 = vector.broadcast %mul3A_13 : i32 to vector<16xi32>
            %add3A_332 = arith.addi %get3A_330, %add3A_331 : vector<16xi32>
            %swap3A_333 = arith.constant 96 : index
            %swap3A_334 = tpu.vector_load %arg15[%swap3A_333] {strides = array<i32>} : memref<128xi32, #tpu.memory_space<vmem>>, vector<16xi32>,
            %swap3A_335 = vector.shape_cast %swap3A_334 : vector<16xi32> to vector<16xi32>
            %swap3A_336 = vector.shape_cast %add3A_332 : vector<16xi32> to vector<16xi32>
            tpu.vector_store %arg15[%swap3A_333], %swap3A_336 {strides = array<i32>} : memref<128xi32, #tpu.memory_space<vmem>>, vector<16xi32>,
            %get3A_337 = arith.constant 112 : index
            %get3A_338 = tpu.vector_load %arg15[%get3A_337] {strides = array<i32>} : memref<128xi32, #tpu.memory_space<vmem>>, vector<16xi32>,
            %get3A_339 = vector.shape_cast %get3A_338 : vector<16xi32> to vector<16xi32>
            %add3A_340 = vector.broadcast %mul3A_13 : i32 to vector<16xi32>
            %add3A_341 = arith.addi %get3A_339, %add3A_340 : vector<16xi32>
            %swap3A_342 = arith.constant 112 : index
            %swap3A_343 = tpu.vector_load %arg15[%swap3A_342] {strides = array<i32>} : memref<128xi32, #tpu.memory_space<vmem>>, vector<16xi32>,
            %swap3A_344 = vector.shape_cast %swap3A_343 : vector<16xi32> to vector<16xi32>
            %swap3A_345 = vector.shape_cast %add3A_341 : vector<16xi32> to vector<16xi32>
            tpu.vector_store %arg15[%swap3A_342], %swap3A_345 {strides = array<i32>} : memref<128xi32, #tpu.memory_space<vmem>>, vector<16xi32>,
            %dma_start3A_346 = arith.constant 0 : i32
            %dma_start3A_347 = arith.constant 0 : i32
            %dma_start3A_348 = tpu.memref_slice %arg3[%dma_start3A_346, %dma_start3A_347] : memref<200000x32xf32, #tpu.memory_space<hbm>> -> memref<200000x32xf32, #tpu.memory_space<hbm>>
            tpu.enqueue_indirect_dma source(%dma_start3A_348 : memref<200000x32xf32, #tpu.memory_space<hbm>>) target(%arg21 : memref<128x32xf32, #tpu.memory_space<vmem>>) offsets(%arg15 : memref<128xi32, #tpu.memory_space<vmem>>) semaphore(%arg29 : memref<!tpu.dma_semaphore, #tpu.memory_space<semaphore_mem>>)
          } else {
          }
          %convert_element_type3A_256 = arith.extui %ne3A_16 : i1 to i32
          %cond3A_257 = arith.constant 0 : i32
          %cond3A_258 = arith.cmpi ne, %convert_element_type3A_256, %cond3A_257 : i32
          scf.if %cond3A_258 {
            %dma_start3A_276 = arith.constant 0 : i32
            %dma_start3A_277 = arith.constant 0 : i32
            %dma_start3A_278 = tpu.memref_slice %arg14[%dma_start3A_276, %dma_start3A_277] : memref<51200x32xf32, #tpu.memory_space<vmem_shared>> -> memref<51200x32xf32, #tpu.memory_space<vmem_shared>>
            tpu.enqueue_indirect_dma source(%arg23 : memref<128x32xf32, #tpu.memory_space<vmem>>) target(%dma_start3A_278 : memref<51200x32xf32, #tpu.memory_space<vmem_shared>>) offsets(%arg20 : memref<128xi32, #tpu.memory_space<vmem>>) semaphore(%arg32 : memref<!tpu.dma_semaphore, #tpu.memory_space<semaphore_mem>>) {add = true}
          } else {
          }
          %convert_element_type3A_259 = arith.extui %eq3A_15 : i1 to i32
          %cond3A_260 = arith.constant 0 : i32
          %cond3A_261 = arith.cmpi ne, %convert_element_type3A_259, %cond3A_260 : i32
          scf.if %cond3A_261 {
            %dma_start3A_276 = arith.constant 0 : i32
            %dma_start3A_277 = arith.constant 0 : i32
            %dma_start3A_278 = tpu.memref_slice %arg14[%dma_start3A_276, %dma_start3A_277] : memref<51200x32xf32, #tpu.memory_space<vmem_shared>> -> memref<51200x32xf32, #tpu.memory_space<vmem_shared>>
            tpu.enqueue_indirect_dma source(%arg24 : memref<128x32xf32, #tpu.memory_space<vmem>>) target(%dma_start3A_278 : memref<51200x32xf32, #tpu.memory_space<vmem_shared>>) offsets(%arg20 : memref<128xi32, #tpu.memory_space<vmem>>) semaphore(%arg32 : memref<!tpu.dma_semaphore, #tpu.memory_space<semaphore_mem>>) {add = true}
          } else {
          }
          %dma_wait3A_262 = arith.constant 0 : i32
          %dma_wait3A_263 = arith.constant 0 : i32
          %dma_wait3A_264 = tpu.memref_slice %arg14[%dma_wait3A_262, %dma_wait3A_263] : memref<51200x32xf32, #tpu.memory_space<vmem_shared>> -> memref<51200x32xf32, #tpu.memory_space<vmem_shared>>
          tpu.wait_indirect_dma semaphore(%arg31 : memref<!tpu.dma_semaphore, #tpu.memory_space<semaphore_mem>>) src(%arg22 : memref<128x32xf32, #tpu.memory_space<vmem>>) dst(%dma_wait3A_264 : memref<51200x32xf32, #tpu.memory_space<vmem_shared>>)
          %add3A_265 = arith.constant 2 : i32
          %add3A_266 = arith.addi %add3A_245, %add3A_265 : i32
          %mul3A_267 = arith.constant 16 : i32
          %mul3A_268 = arith.muli %add3A_266, %mul3A_267 : i32
          %add3A_269 = arith.addi %mul3A_268, %arg1 : i32
          %mul3A_270 = arith.constant 128 : i32
          %mul3A_271 = arith.muli %add3A_269, %mul3A_270 : i32
          %dma_start3A_272 = tpu.memref_slice %arg6[%mul3A_271] : memref<600064xi32, #tpu.memory_space<hbm>> -> memref<128xi32, #tpu.memory_space<hbm>>
          %dma_start3A_273 = tpu.memref_slice %arg6[%mul3A_271] : memref<600064xi32, #tpu.memory_space<hbm>> -> memref<128xi32, #tpu.memory_space<hbm>>
          tpu.enqueue_dma source(%dma_start3A_273 : memref<128xi32, #tpu.memory_space<hbm>>) target(%arg16 : memref<128xi32, #tpu.memory_space<vmem>>) target_semaphore(%arg27 : memref<!tpu.dma_semaphore, #tpu.memory_space<semaphore_mem>>)
          %dma_start3A_274 = tpu.memref_slice %arg7[%mul3A_271] : memref<600064xi32, #tpu.memory_space<hbm>> -> memref<128xi32, #tpu.memory_space<hbm>>
          %dma_start3A_275 = tpu.memref_slice %arg7[%mul3A_271] : memref<600064xi32, #tpu.memory_space<hbm>> -> memref<128xi32, #tpu.memory_space<hbm>>
          tpu.enqueue_dma source(%dma_start3A_275 : memref<128xi32, #tpu.memory_space<hbm>>) target(%arg19 : memref<128xi32, #tpu.memory_space<vmem>>) target_semaphore(%arg27 : memref<!tpu.dma_semaphore, #tpu.memory_space<semaphore_mem>>)
        }
        %scan3A_124 = arith.constant 96 : i32
        %convert_element_type3A_125 = arith.extui %ne3A_16 : i1 to i32
        %cond3A_126 = arith.constant 0 : i32
        %cond3A_127 = arith.cmpi ne, %convert_element_type3A_125, %cond3A_126 : i32
        scf.if %cond3A_127 {
          %dma_wait3A_167 = arith.constant 0 : i32
          %dma_wait3A_168 = arith.constant 0 : i32
          %dma_wait3A_169 = tpu.memref_slice %arg3[%dma_wait3A_167, %dma_wait3A_168] : memref<200000x32xf32, #tpu.memory_space<hbm>> -> memref<200000x32xf32, #tpu.memory_space<hbm>>
          tpu.wait_indirect_dma semaphore(%arg29 : memref<!tpu.dma_semaphore, #tpu.memory_space<semaphore_mem>>) src(%dma_wait3A_169 : memref<200000x32xf32, #tpu.memory_space<hbm>>) dst(%arg21 : memref<128x32xf32, #tpu.memory_space<vmem>>)
        } else {
        }
        %dma_wait3A_128 = arith.constant 0 : i32
        %dma_wait3A_129 = tpu.memref_slice %arg6[%dma_wait3A_128] : memref<600064xi32, #tpu.memory_space<hbm>> -> memref<256xi32, #tpu.memory_space<hbm>>
        %dma_wait3A_130 = arith.constant 0 : i32
        %dma_wait3A_131 = tpu.memref_slice %arg6[%dma_wait3A_130] : memref<600064xi32, #tpu.memory_space<hbm>> -> memref<256xi32, #tpu.memory_space<hbm>>
        tpu.wait_dma2 semaphore(%arg27 : memref<!tpu.dma_semaphore, #tpu.memory_space<semaphore_mem>>) src(%dma_wait3A_131 : memref<256xi32, #tpu.memory_space<hbm>>) dst(%arg25 : memref<256xi32, #tpu.memory_space<vmem>>)
        %convert_element_type3A_132 = arith.extui %ne3A_16 : i1 to i32
        %cond3A_133 = arith.constant 0 : i32
        %cond3A_134 = arith.cmpi ne, %convert_element_type3A_132, %cond3A_133 : i32
        scf.if %cond3A_134 {
          %get3A = arith.constant 0 : index
          %get3A_167 = tpu.vector_load %arg16[%get3A] {strides = array<i32>} : memref<128xi32, #tpu.memory_space<vmem>>, vector<16xi32>,
          %get3A_168 = vector.shape_cast %get3A_167 : vector<16xi32> to vector<16xi32>
          %add3A_169 = vector.broadcast %mul3A_13 : i32 to vector<16xi32>
          %add3A_170 = arith.addi %get3A_168, %add3A_169 : vector<16xi32>
          %swap3A = arith.constant 0 : index
          %swap3A_171 = tpu.vector_load %arg16[%swap3A] {strides = array<i32>} : memref<128xi32, #tpu.memory_space<vmem>>, vector<16xi32>,
          %swap3A_172 = vector.shape_cast %swap3A_171 : vector<16xi32> to vector<16xi32>
          %swap3A_173 = vector.shape_cast %add3A_170 : vector<16xi32> to vector<16xi32>
          tpu.vector_store %arg16[%swap3A], %swap3A_173 {strides = array<i32>} : memref<128xi32, #tpu.memory_space<vmem>>, vector<16xi32>,
          %get3A_174 = arith.constant 16 : index
          %get3A_175 = tpu.vector_load %arg16[%get3A_174] {strides = array<i32>} : memref<128xi32, #tpu.memory_space<vmem>>, vector<16xi32>,
          %get3A_176 = vector.shape_cast %get3A_175 : vector<16xi32> to vector<16xi32>
          %add3A_177 = vector.broadcast %mul3A_13 : i32 to vector<16xi32>
          %add3A_178 = arith.addi %get3A_176, %add3A_177 : vector<16xi32>
          %swap3A_179 = arith.constant 16 : index
          %swap3A_180 = tpu.vector_load %arg16[%swap3A_179] {strides = array<i32>} : memref<128xi32, #tpu.memory_space<vmem>>, vector<16xi32>,
          %swap3A_181 = vector.shape_cast %swap3A_180 : vector<16xi32> to vector<16xi32>
          %swap3A_182 = vector.shape_cast %add3A_178 : vector<16xi32> to vector<16xi32>
          tpu.vector_store %arg16[%swap3A_179], %swap3A_182 {strides = array<i32>} : memref<128xi32, #tpu.memory_space<vmem>>, vector<16xi32>,
          %get3A_183 = arith.constant 32 : index
          %get3A_184 = tpu.vector_load %arg16[%get3A_183] {strides = array<i32>} : memref<128xi32, #tpu.memory_space<vmem>>, vector<16xi32>,
          %get3A_185 = vector.shape_cast %get3A_184 : vector<16xi32> to vector<16xi32>
          %add3A_186 = vector.broadcast %mul3A_13 : i32 to vector<16xi32>
          %add3A_187 = arith.addi %get3A_185, %add3A_186 : vector<16xi32>
          %swap3A_188 = arith.constant 32 : index
          %swap3A_189 = tpu.vector_load %arg16[%swap3A_188] {strides = array<i32>} : memref<128xi32, #tpu.memory_space<vmem>>, vector<16xi32>,
          %swap3A_190 = vector.shape_cast %swap3A_189 : vector<16xi32> to vector<16xi32>
          %swap3A_191 = vector.shape_cast %add3A_187 : vector<16xi32> to vector<16xi32>
          tpu.vector_store %arg16[%swap3A_188], %swap3A_191 {strides = array<i32>} : memref<128xi32, #tpu.memory_space<vmem>>, vector<16xi32>,
          %get3A_192 = arith.constant 48 : index
          %get3A_193 = tpu.vector_load %arg16[%get3A_192] {strides = array<i32>} : memref<128xi32, #tpu.memory_space<vmem>>, vector<16xi32>,
          %get3A_194 = vector.shape_cast %get3A_193 : vector<16xi32> to vector<16xi32>
          %add3A_195 = vector.broadcast %mul3A_13 : i32 to vector<16xi32>
          %add3A_196 = arith.addi %get3A_194, %add3A_195 : vector<16xi32>
          %swap3A_197 = arith.constant 48 : index
          %swap3A_198 = tpu.vector_load %arg16[%swap3A_197] {strides = array<i32>} : memref<128xi32, #tpu.memory_space<vmem>>, vector<16xi32>,
          %swap3A_199 = vector.shape_cast %swap3A_198 : vector<16xi32> to vector<16xi32>
          %swap3A_200 = vector.shape_cast %add3A_196 : vector<16xi32> to vector<16xi32>
          tpu.vector_store %arg16[%swap3A_197], %swap3A_200 {strides = array<i32>} : memref<128xi32, #tpu.memory_space<vmem>>, vector<16xi32>,
          %get3A_201 = arith.constant 64 : index
          %get3A_202 = tpu.vector_load %arg16[%get3A_201] {strides = array<i32>} : memref<128xi32, #tpu.memory_space<vmem>>, vector<16xi32>,
          %get3A_203 = vector.shape_cast %get3A_202 : vector<16xi32> to vector<16xi32>
          %add3A_204 = vector.broadcast %mul3A_13 : i32 to vector<16xi32>
          %add3A_205 = arith.addi %get3A_203, %add3A_204 : vector<16xi32>
          %swap3A_206 = arith.constant 64 : index
          %swap3A_207 = tpu.vector_load %arg16[%swap3A_206] {strides = array<i32>} : memref<128xi32, #tpu.memory_space<vmem>>, vector<16xi32>,
          %swap3A_208 = vector.shape_cast %swap3A_207 : vector<16xi32> to vector<16xi32>
          %swap3A_209 = vector.shape_cast %add3A_205 : vector<16xi32> to vector<16xi32>
          tpu.vector_store %arg16[%swap3A_206], %swap3A_209 {strides = array<i32>} : memref<128xi32, #tpu.memory_space<vmem>>, vector<16xi32>,
          %get3A_210 = arith.constant 80 : index
          %get3A_211 = tpu.vector_load %arg16[%get3A_210] {strides = array<i32>} : memref<128xi32, #tpu.memory_space<vmem>>, vector<16xi32>,
          %get3A_212 = vector.shape_cast %get3A_211 : vector<16xi32> to vector<16xi32>
          %add3A_213 = vector.broadcast %mul3A_13 : i32 to vector<16xi32>
          %add3A_214 = arith.addi %get3A_212, %add3A_213 : vector<16xi32>
          %swap3A_215 = arith.constant 80 : index
          %swap3A_216 = tpu.vector_load %arg16[%swap3A_215] {strides = array<i32>} : memref<128xi32, #tpu.memory_space<vmem>>, vector<16xi32>,
          %swap3A_217 = vector.shape_cast %swap3A_216 : vector<16xi32> to vector<16xi32>
          %swap3A_218 = vector.shape_cast %add3A_214 : vector<16xi32> to vector<16xi32>
          tpu.vector_store %arg16[%swap3A_215], %swap3A_218 {strides = array<i32>} : memref<128xi32, #tpu.memory_space<vmem>>, vector<16xi32>,
          %get3A_219 = arith.constant 96 : index
          %get3A_220 = tpu.vector_load %arg16[%get3A_219] {strides = array<i32>} : memref<128xi32, #tpu.memory_space<vmem>>, vector<16xi32>,
          %get3A_221 = vector.shape_cast %get3A_220 : vector<16xi32> to vector<16xi32>
          %add3A_222 = vector.broadcast %mul3A_13 : i32 to vector<16xi32>
          %add3A_223 = arith.addi %get3A_221, %add3A_222 : vector<16xi32>
          %swap3A_224 = arith.constant 96 : index
          %swap3A_225 = tpu.vector_load %arg16[%swap3A_224] {strides = array<i32>} : memref<128xi32, #tpu.memory_space<vmem>>, vector<16xi32>,
          %swap3A_226 = vector.shape_cast %swap3A_225 : vector<16xi32> to vector<16xi32>
          %swap3A_227 = vector.shape_cast %add3A_223 : vector<16xi32> to vector<16xi32>
          tpu.vector_store %arg16[%swap3A_224], %swap3A_227 {strides = array<i32>} : memref<128xi32, #tpu.memory_space<vmem>>, vector<16xi32>,
          %get3A_228 = arith.constant 112 : index
          %get3A_229 = tpu.vector_load %arg16[%get3A_228] {strides = array<i32>} : memref<128xi32, #tpu.memory_space<vmem>>, vector<16xi32>,
          %get3A_230 = vector.shape_cast %get3A_229 : vector<16xi32> to vector<16xi32>
          %add3A_231 = vector.broadcast %mul3A_13 : i32 to vector<16xi32>
          %add3A_232 = arith.addi %get3A_230, %add3A_231 : vector<16xi32>
          %swap3A_233 = arith.constant 112 : index
          %swap3A_234 = tpu.vector_load %arg16[%swap3A_233] {strides = array<i32>} : memref<128xi32, #tpu.memory_space<vmem>>, vector<16xi32>,
          %swap3A_235 = vector.shape_cast %swap3A_234 : vector<16xi32> to vector<16xi32>
          %swap3A_236 = vector.shape_cast %add3A_232 : vector<16xi32> to vector<16xi32>
          tpu.vector_store %arg16[%swap3A_233], %swap3A_236 {strides = array<i32>} : memref<128xi32, #tpu.memory_space<vmem>>, vector<16xi32>,
          %dma_start3A_237 = arith.constant 0 : i32
          %dma_start3A_238 = arith.constant 0 : i32
          %dma_start3A_239 = tpu.memref_slice %arg3[%dma_start3A_237, %dma_start3A_238] : memref<200000x32xf32, #tpu.memory_space<hbm>> -> memref<200000x32xf32, #tpu.memory_space<hbm>>
          tpu.enqueue_indirect_dma source(%dma_start3A_239 : memref<200000x32xf32, #tpu.memory_space<hbm>>) target(%arg22 : memref<128x32xf32, #tpu.memory_space<vmem>>) offsets(%arg16 : memref<128xi32, #tpu.memory_space<vmem>>) semaphore(%arg29 : memref<!tpu.dma_semaphore, #tpu.memory_space<semaphore_mem>>)
        } else {
        }
        %convert_element_type3A_135 = arith.extui %ne3A_16 : i1 to i32
        %cond3A_136 = arith.constant 0 : i32
        %cond3A_137 = arith.cmpi ne, %convert_element_type3A_135, %cond3A_136 : i32
        scf.if %cond3A_137 {
          %dma_start3A_167 = arith.constant 0 : i32
          %dma_start3A_168 = arith.constant 0 : i32
          %dma_start3A_169 = tpu.memref_slice %arg14[%dma_start3A_167, %dma_start3A_168] : memref<51200x32xf32, #tpu.memory_space<vmem_shared>> -> memref<51200x32xf32, #tpu.memory_space<vmem_shared>>
          tpu.enqueue_indirect_dma source(%arg21 : memref<128x32xf32, #tpu.memory_space<vmem>>) target(%dma_start3A_169 : memref<51200x32xf32, #tpu.memory_space<vmem_shared>>) offsets(%arg18 : memref<128xi32, #tpu.memory_space<vmem>>) semaphore(%arg30 : memref<!tpu.dma_semaphore, #tpu.memory_space<semaphore_mem>>) {add = true}
        } else {
        }
        %convert_element_type3A_138 = arith.extui %eq3A_15 : i1 to i32
        %cond3A_139 = arith.constant 0 : i32
        %cond3A_140 = arith.cmpi ne, %convert_element_type3A_138, %cond3A_139 : i32
        scf.if %cond3A_140 {
          %dma_start3A_167 = arith.constant 0 : i32
          %dma_start3A_168 = arith.constant 0 : i32
          %dma_start3A_169 = tpu.memref_slice %arg14[%dma_start3A_167, %dma_start3A_168] : memref<51200x32xf32, #tpu.memory_space<vmem_shared>> -> memref<51200x32xf32, #tpu.memory_space<vmem_shared>>
          tpu.enqueue_indirect_dma source(%arg24 : memref<128x32xf32, #tpu.memory_space<vmem>>) target(%dma_start3A_169 : memref<51200x32xf32, #tpu.memory_space<vmem_shared>>) offsets(%arg18 : memref<128xi32, #tpu.memory_space<vmem>>) semaphore(%arg30 : memref<!tpu.dma_semaphore, #tpu.memory_space<semaphore_mem>>) {add = true}
        } else {
        }
        %dma_wait3A_141 = arith.constant 0 : i32
        %dma_wait3A_142 = arith.constant 0 : i32
        %dma_wait3A_143 = tpu.memref_slice %arg14[%dma_wait3A_141, %dma_wait3A_142] : memref<51200x32xf32, #tpu.memory_space<vmem_shared>> -> memref<51200x32xf32, #tpu.memory_space<vmem_shared>>
        tpu.wait_indirect_dma semaphore(%arg32 : memref<!tpu.dma_semaphore, #tpu.memory_space<semaphore_mem>>) src(%arg23 : memref<128x32xf32, #tpu.memory_space<vmem>>) dst(%dma_wait3A_143 : memref<51200x32xf32, #tpu.memory_space<vmem_shared>>)
        %convert_element_type3A_144 = arith.extui %ne3A_16 : i1 to i32
        %cond3A_145 = arith.constant 0 : i32
        %cond3A_146 = arith.cmpi ne, %convert_element_type3A_144, %cond3A_145 : i32
        scf.if %cond3A_146 {
          %dma_wait3A_167 = arith.constant 0 : i32
          %dma_wait3A_168 = arith.constant 0 : i32
          %dma_wait3A_169 = tpu.memref_slice %arg3[%dma_wait3A_167, %dma_wait3A_168] : memref<200000x32xf32, #tpu.memory_space<hbm>> -> memref<200000x32xf32, #tpu.memory_space<hbm>>
          tpu.wait_indirect_dma semaphore(%arg29 : memref<!tpu.dma_semaphore, #tpu.memory_space<semaphore_mem>>) src(%dma_wait3A_169 : memref<200000x32xf32, #tpu.memory_space<hbm>>) dst(%arg22 : memref<128x32xf32, #tpu.memory_space<vmem>>)
        } else {
        }
        %convert_element_type3A_147 = arith.extui %ne3A_16 : i1 to i32
        %cond3A_148 = arith.constant 0 : i32
        %cond3A_149 = arith.cmpi ne, %convert_element_type3A_147, %cond3A_148 : i32
        scf.if %cond3A_149 {
          %dma_start3A_167 = arith.constant 0 : i32
          %dma_start3A_168 = arith.constant 0 : i32
          %dma_start3A_169 = tpu.memref_slice %arg14[%dma_start3A_167, %dma_start3A_168] : memref<51200x32xf32, #tpu.memory_space<vmem_shared>> -> memref<51200x32xf32, #tpu.memory_space<vmem_shared>>
          tpu.enqueue_indirect_dma source(%arg22 : memref<128x32xf32, #tpu.memory_space<vmem>>) target(%dma_start3A_169 : memref<51200x32xf32, #tpu.memory_space<vmem_shared>>) offsets(%arg19 : memref<128xi32, #tpu.memory_space<vmem>>) semaphore(%arg31 : memref<!tpu.dma_semaphore, #tpu.memory_space<semaphore_mem>>) {add = true}
        } else {
        }
        %convert_element_type3A_150 = arith.extui %eq3A_15 : i1 to i32
        %cond3A_151 = arith.constant 0 : i32
        %cond3A_152 = arith.cmpi ne, %convert_element_type3A_150, %cond3A_151 : i32
        scf.if %cond3A_152 {
          %dma_start3A_167 = arith.constant 0 : i32
          %dma_start3A_168 = arith.constant 0 : i32
          %dma_start3A_169 = tpu.memref_slice %arg14[%dma_start3A_167, %dma_start3A_168] : memref<51200x32xf32, #tpu.memory_space<vmem_shared>> -> memref<51200x32xf32, #tpu.memory_space<vmem_shared>>
          tpu.enqueue_indirect_dma source(%arg24 : memref<128x32xf32, #tpu.memory_space<vmem>>) target(%dma_start3A_169 : memref<51200x32xf32, #tpu.memory_space<vmem_shared>>) offsets(%arg19 : memref<128xi32, #tpu.memory_space<vmem>>) semaphore(%arg31 : memref<!tpu.dma_semaphore, #tpu.memory_space<semaphore_mem>>) {add = true}
        } else {
        }
        %dma_wait3A_153 = arith.constant 0 : i32
        %dma_wait3A_154 = arith.constant 0 : i32
        %dma_wait3A_155 = tpu.memref_slice %arg14[%dma_wait3A_153, %dma_wait3A_154] : memref<51200x32xf32, #tpu.memory_space<vmem_shared>> -> memref<51200x32xf32, #tpu.memory_space<vmem_shared>>
        tpu.wait_indirect_dma semaphore(%arg30 : memref<!tpu.dma_semaphore, #tpu.memory_space<semaphore_mem>>) src(%arg21 : memref<128x32xf32, #tpu.memory_space<vmem>>) dst(%dma_wait3A_155 : memref<51200x32xf32, #tpu.memory_space<vmem_shared>>)
        %dma_wait3A_156 = arith.constant 0 : i32
        %dma_wait3A_157 = arith.constant 0 : i32
        %dma_wait3A_158 = tpu.memref_slice %arg14[%dma_wait3A_156, %dma_wait3A_157] : memref<51200x32xf32, #tpu.memory_space<vmem_shared>> -> memref<51200x32xf32, #tpu.memory_space<vmem_shared>>
        tpu.wait_indirect_dma semaphore(%arg31 : memref<!tpu.dma_semaphore, #tpu.memory_space<semaphore_mem>>) src(%arg22 : memref<128x32xf32, #tpu.memory_space<vmem>>) dst(%dma_wait3A_158 : memref<51200x32xf32, #tpu.memory_space<vmem_shared>>)
        %barrier3A_159 = arith.constant 0 : index
        tpu.barrier barrier_id(%barrier3A_159)
        %convert_element_type3A_160 = arith.extui %ne3A_16 : i1 to i32
        %cond3A_161 = arith.constant 0 : i32
        %cond3A_162 = arith.cmpi ne, %convert_element_type3A_160, %cond3A_161 : i32
        scf.if %cond3A_162 {
          %mul3A_167 = arith.constant 3200 : i32
          %mul3A_168 = arith.muli %arg1, %mul3A_167 : i32
          %mul3A_169 = arith.constant 51200 : i32
          %mul3A_170 = arith.muli %scan3A_12, %mul3A_169 : i32
          %mul3A_171 = arith.constant 3200 : i32
          %mul3A_172 = arith.muli %arg1, %mul3A_171 : i32
          %add3A_173 = arith.addi %mul3A_170, %mul3A_172 : i32
          "tpu.region"() ({
            %run_scoped3A = tpu.sem_alloc : memref<!tpu.dma_semaphore, #tpu.memory_space<semaphore_mem>>
            %dma_start3A_174 = arith.constant 0 : i32
            %dma_start3A_175 = tpu.memref_slice %arg11[%add3A_173, %dma_start3A_174] : memref<204800x32xf32, #tpu.memory_space<hbm>> -> memref<3200x32xf32, #tpu.memory_space<hbm>>
            %dma_start3A_176 = arith.constant 0 : i32
            %dma_start3A_177 = tpu.memref_slice %arg14[%mul3A_168, %dma_start3A_176] : memref<51200x32xf32, #tpu.memory_space<vmem_shared>> -> memref<3200x32xf32, #tpu.memory_space<vmem_shared>>
            tpu.enqueue_dma source(%dma_start3A_177 : memref<3200x32xf32, #tpu.memory_space<vmem_shared>>) target(%dma_start3A_175 : memref<3200x32xf32, #tpu.memory_space<hbm>>) target_semaphore(%run_scoped3A : memref<!tpu.dma_semaphore, #tpu.memory_space<semaphore_mem>>)
            %dma_wait3A_178 = arith.constant 0 : i32
            %dma_wait3A_179 = tpu.memref_slice %arg11[%add3A_173, %dma_wait3A_178] : memref<204800x32xf32, #tpu.memory_space<hbm>> -> memref<3200x32xf32, #tpu.memory_space<hbm>>
            %dma_wait3A_180 = arith.constant 0 : i32
            %dma_wait3A_181 = tpu.memref_slice %arg14[%mul3A_168, %dma_wait3A_180] : memref<51200x32xf32, #tpu.memory_space<vmem_shared>> -> memref<3200x32xf32, #tpu.memory_space<vmem_shared>>
            tpu.wait_dma2 semaphore(%run_scoped3A : memref<!tpu.dma_semaphore, #tpu.memory_space<semaphore_mem>>) src(%dma_wait3A_181 : memref<3200x32xf32, #tpu.memory_space<vmem_shared>>) dst(%dma_wait3A_179 : memref<3200x32xf32, #tpu.memory_space<hbm>>)
            tpu.yield
          }) : () -> ()
        } else {
        }
        %convert_element_type3A_163 = arith.extui %eq3A_15 : i1 to i32
        %cond3A_164 = arith.constant 0 : i32
        %cond3A_165 = arith.cmpi ne, %convert_element_type3A_163, %cond3A_164 : i32
        scf.if %cond3A_165 {
          %mul3A_167 = arith.constant 3200 : i32
          %mul3A_168 = arith.muli %arg1, %mul3A_167 : i32
          %mul3A_169 = arith.constant 3200 : i32
          %mul3A_170 = arith.muli %arg1, %mul3A_169 : i32
          "tpu.region"() ({
            %run_scoped3A = tpu.sem_alloc : memref<!tpu.dma_semaphore, #tpu.memory_space<semaphore_mem>>
            %dma_start3A_171 = arith.constant 0 : i32
            %dma_start3A_172 = tpu.memref_slice %arg13[%mul3A_170, %dma_start3A_171] : memref<51200x32xf32, #tpu.memory_space<hbm>> -> memref<3200x32xf32, #tpu.memory_space<hbm>>
            %dma_start3A_173 = arith.constant 0 : i32
            %dma_start3A_174 = tpu.memref_slice %arg14[%mul3A_168, %dma_start3A_173] : memref<51200x32xf32, #tpu.memory_space<vmem_shared>> -> memref<3200x32xf32, #tpu.memory_space<vmem_shared>>
            tpu.enqueue_dma source(%dma_start3A_174 : memref<3200x32xf32, #tpu.memory_space<vmem_shared>>) target(%dma_start3A_172 : memref<3200x32xf32, #tpu.memory_space<hbm>>) target_semaphore(%run_scoped3A : memref<!tpu.dma_semaphore, #tpu.memory_space<semaphore_mem>>)
            %dma_wait3A_175 = arith.constant 0 : i32
            %dma_wait3A_176 = tpu.memref_slice %arg13[%mul3A_170, %dma_wait3A_175] : memref<51200x32xf32, #tpu.memory_space<hbm>> -> memref<3200x32xf32, #tpu.memory_space<hbm>>
            %dma_wait3A_177 = arith.constant 0 : i32
            %dma_wait3A_178 = tpu.memref_slice %arg14[%mul3A_168, %dma_wait3A_177] : memref<51200x32xf32, #tpu.memory_space<vmem_shared>> -> memref<3200x32xf32, #tpu.memory_space<vmem_shared>>
            tpu.wait_dma2 semaphore(%run_scoped3A : memref<!tpu.dma_semaphore, #tpu.memory_space<semaphore_mem>>) src(%dma_wait3A_178 : memref<3200x32xf32, #tpu.memory_space<vmem_shared>>) dst(%dma_wait3A_176 : memref<3200x32xf32, #tpu.memory_space<hbm>>)
            tpu.yield
          }) : () -> ()
        } else {
        }
        %barrier3A_166 = arith.constant 0 : index
        tpu.barrier barrier_id(%barrier3A_166)
      }
      %scan3A_11 = arith.constant 5 : i32
    } else {
    }
    return
  }
}

module attributes {stable_mosaic.version = 14 : i64} {
  func.func @_mean2_body(%arg0: i32, %arg1: memref<1600x32xf32, #tpu.memory_space<vmem>>, %arg2: memref<1600x32xf32, #tpu.memory_space<vmem>>, %arg3: memref<1600x32xf32, #tpu.memory_space<vmem>>, %arg4: memref<1600x32xf32, #tpu.memory_space<vmem>>, %arg5: memref<1600x32xf32, #tpu.memory_space<vmem>>, %arg6: memref<1600x32xf32, #tpu.memory_space<vmem>>, %arg7: memref<1600x32xf32, #tpu.memory_space<vmem>>, %arg8: memref<1600x32xf32, #tpu.memory_space<vmem>>, %arg9: memref<1600x32xf32, #tpu.memory_space<vmem>>, %arg10: memref<1600x32xf32, #tpu.memory_space<vmem>>, %arg11: memref<1600x128xf32, #tpu.memory_space<vmem>>, %arg12: memref<1600x128xf32, #tpu.memory_space<vmem>>) attributes {dimension_semantics = [#tpu.dimension_semantics<arbitrary>], iteration_bounds = array<i64: 32>, scalar_prefetch = 0 : i64, scratch_operands = 0 : i64, tpu.core_type = #tpu.core_type<tc>, window_params = [{transform_indices = @transform_0, window_bounds = array<i64: 1600, 32>}, {transform_indices = @transform_1, window_bounds = array<i64: 1600, 32>}, {transform_indices = @transform_2, window_bounds = array<i64: 1600, 32>}, {transform_indices = @transform_3, window_bounds = array<i64: 1600, 32>}, {transform_indices = @transform_4, window_bounds = array<i64: 1600, 32>}, {transform_indices = @transform_5, window_bounds = array<i64: 1600, 32>}, {transform_indices = @transform_6, window_bounds = array<i64: 1600, 32>}, {transform_indices = @transform_7, window_bounds = array<i64: 1600, 32>}, {transform_indices = @transform_8, window_bounds = array<i64: 1600, 32>}, {transform_indices = @transform_9, window_bounds = array<i64: 1600, 32>}, {transform_indices = @transform_10, window_bounds = array<i64: 1600, 128>}, {transform_indices = @transform_11, window_bounds = array<i64: 1600, 128>}]} {
    %get3A = arith.constant 0 : index
    %get3A_0 = arith.constant 0 : index
    %get3A_1 = vector.load %arg5[%get3A, %get3A_0] : memref<1600x32xf32, #tpu.memory_space<vmem>>, vector<1600x1xf32>
    %max3A = arith.constant 1.000000e+00 : f32
    %max3A_2 = vector.broadcast %max3A : f32 to vector<1600x1xf32>
    %max3A_3 = arith.maximumf %get3A_1, %max3A_2 : vector<1600x1xf32>
    %get3A_4 = arith.constant 0 : index
    %get3A_5 = arith.constant 0 : index
    %get3A_6 = vector.load %arg1[%get3A_4, %get3A_5] : memref<1600x32xf32, #tpu.memory_space<vmem>>, vector<1600x32xf32>
    %div3A = vector.broadcast %max3A_3 : vector<1600x1xf32> to vector<1600x32xf32>
    %div3A_7 = arith.divf %get3A_6, %div3A : vector<1600x32xf32>
    %swap3A = arith.constant 0 : index
    %swap3A_8 = arith.constant 0 : index
    %swap3A_9 = vector.load %arg11[%swap3A, %swap3A_8] : memref<1600x128xf32, #tpu.memory_space<vmem>>, vector<1600x32xf32>
    tpu.vector_store %arg11[%swap3A, %swap3A_8], %div3A_7 {strides = array<i32>} : memref<1600x128xf32, #tpu.memory_space<vmem>>, vector<1600x32xf32>,
    %get3A_10 = arith.constant 0 : index
    %get3A_11 = arith.constant 0 : index
    %get3A_12 = vector.load %arg2[%get3A_10, %get3A_11] : memref<1600x32xf32, #tpu.memory_space<vmem>>, vector<1600x32xf32>
    %div3A_13 = vector.broadcast %max3A_3 : vector<1600x1xf32> to vector<1600x32xf32>
    %div3A_14 = arith.divf %get3A_12, %div3A_13 : vector<1600x32xf32>
    %swap3A_15 = arith.constant 0 : index
    %swap3A_16 = arith.constant 32 : index
    %swap3A_17 = vector.load %arg11[%swap3A_15, %swap3A_16] : memref<1600x128xf32, #tpu.memory_space<vmem>>, vector<1600x32xf32>
    tpu.vector_store %arg11[%swap3A_15, %swap3A_16], %div3A_14 {strides = array<i32>} : memref<1600x128xf32, #tpu.memory_space<vmem>>, vector<1600x32xf32>,
    %get3A_18 = arith.constant 0 : index
    %get3A_19 = arith.constant 0 : index
    %get3A_20 = vector.load %arg3[%get3A_18, %get3A_19] : memref<1600x32xf32, #tpu.memory_space<vmem>>, vector<1600x32xf32>
    %div3A_21 = vector.broadcast %max3A_3 : vector<1600x1xf32> to vector<1600x32xf32>
    %div3A_22 = arith.divf %get3A_20, %div3A_21 : vector<1600x32xf32>
    %swap3A_23 = arith.constant 0 : index
    %swap3A_24 = arith.constant 64 : index
    %swap3A_25 = vector.load %arg11[%swap3A_23, %swap3A_24] : memref<1600x128xf32, #tpu.memory_space<vmem>>, vector<1600x32xf32>
    tpu.vector_store %arg11[%swap3A_23, %swap3A_24], %div3A_22 {strides = array<i32>} : memref<1600x128xf32, #tpu.memory_space<vmem>>, vector<1600x32xf32>,
    %get3A_26 = arith.constant 0 : index
    %get3A_27 = arith.constant 0 : index
    %get3A_28 = vector.load %arg4[%get3A_26, %get3A_27] : memref<1600x32xf32, #tpu.memory_space<vmem>>, vector<1600x32xf32>
    %div3A_29 = vector.broadcast %max3A_3 : vector<1600x1xf32> to vector<1600x32xf32>
    %div3A_30 = arith.divf %get3A_28, %div3A_29 : vector<1600x32xf32>
    %swap3A_31 = arith.constant 0 : index
    %swap3A_32 = arith.constant 96 : index
    %swap3A_33 = vector.load %arg11[%swap3A_31, %swap3A_32] : memref<1600x128xf32, #tpu.memory_space<vmem>>, vector<1600x32xf32>
    tpu.vector_store %arg11[%swap3A_31, %swap3A_32], %div3A_30 {strides = array<i32>} : memref<1600x128xf32, #tpu.memory_space<vmem>>, vector<1600x32xf32>,
    %get3A_34 = arith.constant 0 : index
    %get3A_35 = arith.constant 0 : index
    %get3A_36 = vector.load %arg10[%get3A_34, %get3A_35] : memref<1600x32xf32, #tpu.memory_space<vmem>>, vector<1600x1xf32>
    %max3A_37 = arith.constant 1.000000e+00 : f32
    %max3A_38 = vector.broadcast %max3A_37 : f32 to vector<1600x1xf32>
    %max3A_39 = arith.maximumf %get3A_36, %max3A_38 : vector<1600x1xf32>
    %get3A_40 = arith.constant 0 : index
    %get3A_41 = arith.constant 0 : index
    %get3A_42 = vector.load %arg6[%get3A_40, %get3A_41] : memref<1600x32xf32, #tpu.memory_space<vmem>>, vector<1600x32xf32>
    %div3A_43 = vector.broadcast %max3A_39 : vector<1600x1xf32> to vector<1600x32xf32>
    %div3A_44 = arith.divf %get3A_42, %div3A_43 : vector<1600x32xf32>
    %swap3A_45 = arith.constant 0 : index
    %swap3A_46 = arith.constant 0 : index
    %swap3A_47 = vector.load %arg12[%swap3A_45, %swap3A_46] : memref<1600x128xf32, #tpu.memory_space<vmem>>, vector<1600x32xf32>
    tpu.vector_store %arg12[%swap3A_45, %swap3A_46], %div3A_44 {strides = array<i32>} : memref<1600x128xf32, #tpu.memory_space<vmem>>, vector<1600x32xf32>,
    %get3A_48 = arith.constant 0 : index
    %get3A_49 = arith.constant 0 : index
    %get3A_50 = vector.load %arg7[%get3A_48, %get3A_49] : memref<1600x32xf32, #tpu.memory_space<vmem>>, vector<1600x32xf32>
    %div3A_51 = vector.broadcast %max3A_39 : vector<1600x1xf32> to vector<1600x32xf32>
    %div3A_52 = arith.divf %get3A_50, %div3A_51 : vector<1600x32xf32>
    %swap3A_53 = arith.constant 0 : index
    %swap3A_54 = arith.constant 32 : index
    %swap3A_55 = vector.load %arg12[%swap3A_53, %swap3A_54] : memref<1600x128xf32, #tpu.memory_space<vmem>>, vector<1600x32xf32>
    tpu.vector_store %arg12[%swap3A_53, %swap3A_54], %div3A_52 {strides = array<i32>} : memref<1600x128xf32, #tpu.memory_space<vmem>>, vector<1600x32xf32>,
    %get3A_56 = arith.constant 0 : index
    %get3A_57 = arith.constant 0 : index
    %get3A_58 = vector.load %arg8[%get3A_56, %get3A_57] : memref<1600x32xf32, #tpu.memory_space<vmem>>, vector<1600x32xf32>
    %div3A_59 = vector.broadcast %max3A_39 : vector<1600x1xf32> to vector<1600x32xf32>
    %div3A_60 = arith.divf %get3A_58, %div3A_59 : vector<1600x32xf32>
    %swap3A_61 = arith.constant 0 : index
    %swap3A_62 = arith.constant 64 : index
    %swap3A_63 = vector.load %arg12[%swap3A_61, %swap3A_62] : memref<1600x128xf32, #tpu.memory_space<vmem>>, vector<1600x32xf32>
    tpu.vector_store %arg12[%swap3A_61, %swap3A_62], %div3A_60 {strides = array<i32>} : memref<1600x128xf32, #tpu.memory_space<vmem>>, vector<1600x32xf32>,
    %get3A_64 = arith.constant 0 : index
    %get3A_65 = arith.constant 0 : index
    %get3A_66 = vector.load %arg9[%get3A_64, %get3A_65] : memref<1600x32xf32, #tpu.memory_space<vmem>>, vector<1600x32xf32>
    %div3A_67 = vector.broadcast %max3A_39 : vector<1600x1xf32> to vector<1600x32xf32>
    %div3A_68 = arith.divf %get3A_66, %div3A_67 : vector<1600x32xf32>
    %swap3A_69 = arith.constant 0 : index
    %swap3A_70 = arith.constant 96 : index
    %swap3A_71 = vector.load %arg12[%swap3A_69, %swap3A_70] : memref<1600x128xf32, #tpu.memory_space<vmem>>, vector<1600x32xf32>
    tpu.vector_store %arg12[%swap3A_69, %swap3A_70], %div3A_68 {strides = array<i32>} : memref<1600x128xf32, #tpu.memory_space<vmem>>, vector<1600x32xf32>,
    return
  }
  func.func @transform_0(%arg0: i32) -> (i32, i32) {
    %add3A = arith.constant 0 : i32
    %add3A_0 = arith.addi %add3A, %arg0 : i32
    %c0_i32 = arith.constant 0 : i32
    %c0_i32_1 = arith.constant 0 : i32
    return %add3A_0, %c0_i32 : i32, i32
  }
  func.func @transform_1(%arg0: i32) -> (i32, i32) {
    %add3A = arith.constant 32 : i32
    %add3A_0 = arith.addi %add3A, %arg0 : i32
    %c0_i32 = arith.constant 0 : i32
    %c0_i32_1 = arith.constant 0 : i32
    return %add3A_0, %c0_i32 : i32, i32
  }
  func.func @transform_2(%arg0: i32) -> (i32, i32) {
    %add3A = arith.constant 64 : i32
    %add3A_0 = arith.addi %add3A, %arg0 : i32
    %c0_i32 = arith.constant 0 : i32
    %c0_i32_1 = arith.constant 0 : i32
    return %add3A_0, %c0_i32 : i32, i32
  }
  func.func @transform_3(%arg0: i32) -> (i32, i32) {
    %add3A = arith.constant 96 : i32
    %add3A_0 = arith.addi %add3A, %arg0 : i32
    %c0_i32 = arith.constant 0 : i32
    %c0_i32_1 = arith.constant 0 : i32
    return %add3A_0, %c0_i32 : i32, i32
  }
  func.func @transform_4(%arg0: i32) -> (i32, i32) {
    %c0_i32 = arith.constant 0 : i32
    %c0_i32_0 = arith.constant 0 : i32
    return %arg0, %c0_i32 : i32, i32
  }
  func.func @transform_5(%arg0: i32) -> (i32, i32) {
    %add3A = arith.constant 0 : i32
    %add3A_0 = arith.addi %add3A, %arg0 : i32
    %c0_i32 = arith.constant 0 : i32
    %c0_i32_1 = arith.constant 0 : i32
    return %add3A_0, %c0_i32 : i32, i32
  }
  func.func @transform_6(%arg0: i32) -> (i32, i32) {
    %add3A = arith.constant 32 : i32
    %add3A_0 = arith.addi %add3A, %arg0 : i32
    %c0_i32 = arith.constant 0 : i32
    %c0_i32_1 = arith.constant 0 : i32
    return %add3A_0, %c0_i32 : i32, i32
  }
  func.func @transform_7(%arg0: i32) -> (i32, i32) {
    %add3A = arith.constant 64 : i32
    %add3A_0 = arith.addi %add3A, %arg0 : i32
    %c0_i32 = arith.constant 0 : i32
    %c0_i32_1 = arith.constant 0 : i32
    return %add3A_0, %c0_i32 : i32, i32
  }
  func.func @transform_8(%arg0: i32) -> (i32, i32) {
    %add3A = arith.constant 96 : i32
    %add3A_0 = arith.addi %add3A, %arg0 : i32
    %c0_i32 = arith.constant 0 : i32
    %c0_i32_1 = arith.constant 0 : i32
    return %add3A_0, %c0_i32 : i32, i32
  }
  func.func @transform_9(%arg0: i32) -> (i32, i32) {
    %c0_i32 = arith.constant 0 : i32
    %c0_i32_0 = arith.constant 0 : i32
    return %arg0, %c0_i32 : i32, i32
  }
  func.func @transform_10(%arg0: i32) -> (i32, i32) {
    %c0_i32 = arith.constant 0 : i32
    %c0_i32_0 = arith.constant 0 : i32
    return %arg0, %c0_i32 : i32, i32
  }
  func.func @transform_11(%arg0: i32) -> (i32, i32) {
    %c0_i32 = arith.constant 0 : i32
    %c0_i32_0 = arith.constant 0 : i32
    return %arg0, %c0_i32 : i32, i32
  }
}

</mosaic_0001>

<sc_bundles>
// kernel: kernel.4.cloned.1.call-start
scs
__scs_entry_jumppad:
0x0: {  	(pc) =	sbr.rel $0x88, $3  }
0x1: {  	(tag) =	ssettag $0x0;
	lr =	simm.s32 $0x1  }
0x2: {  	[smem:$0x3F9E] =	sst lr;
	_ =	strace $0xD0000000  }
0x3: {  	_ = 	snop  }
0x4: {  	_ = 	snop  }
0x5: {  	_ = 	snop  }
0x6: {  	_ = 	snop  }
0x7: {  	_ = 	snop  }
__scs_overlays_trampoline_lowered:
0x8: {  	[smem:$0x3FAD] =	sst s0  }
0x9: {  	[smem:$0x3FAE] =	sst s1  }
0xa: {  	[smem:$0x3FAF] =	sst s2  }
0xb: {  	[smem:$0x3FB0] =	sst s3  }
0xc: {  	[smem:$0x3FB1] =	sst s4  }
0xd: {  	[smem:$0x3FB2] =	sst s5  }
0xe: {  	[smem:$0x3FB3] =	sst s6  }
0xf: {  	[smem:$0x3FB4] =	sst s7  }
0x10: {  	[smem:$0x3FB5] =	sst s8  }
0x11: {  	[smem:$0x3FB6] =	sst s9;
	s0 =	simm.s32 @!p0 $0x0  }
0x12: {  	s1 =	sld [smem:$0x3F9C];
	s0 =	simm.s32 @p0 $0x1  }
0x13: {  	[smem:$0x3FB7] =	sst s0;
	s0 =	simm.s32 @!p1 $0x0  }
0x14: {  	s2 =	sld [smem:$0x3F9B];
	s0 =	simm.s32 @p1 $0x1  }
0x15: {  	[smem:$0x3FB8] =	sst s0;
	s0 =	simm.s32 @!p2 $0x0  }
0x16: {  	s3 =	sld [smem:$0x3FDB];
	s0 =	simm.s32 @p2 $0x1  }
0x17: {  	s4 =	simm.s32 $0x1BF5;
	[smem:$0x3FBA] =	sst s0  }
0x18: {  	s0 =	sld [smem:$0x3F9D];
	_ =	swait.ge [sflag:s4], $0x0  }
0x19: {  	s7 =	sld [smem:$0x3F9E]  }
0x1a: {  	s8 =	sadd.s32 $0xFFFFE003, lr  }
0x1b: {  	s9 =	sadd.s32 $0xFFFFFEF7, lr;
	s5 =	simm.s32 $0xFFFFFFFF;
	p2 =	slt.u32 s8, $0xFFFFF086  }
0x1c: {  	p1 =	slt.u32 s9, $0xF7A;
	s5 =	simm.s32 @!p2 $0x0  }
0x1d: {  	s5 =	simm.s32 @p1 $0x1;
	p0 =	seq.s32 s7, s2  }
0x1e: {  	s7 =	smul.u32 @!p0 $0xF7A, s2;
	p2 =	seq.s32 @!p0 s5, $0x0  }
0x1f: {  	s9 =	smul.u32 $0xF7A, s1;
	s8 =	simm.s32 @!p0 $0x1BF5;
	p2 =	por !p2, p0  }
0x20: {  	[sflag:s8] =	ssyncset.s32 @!p0 $0xFFFFF086;
	s6 =	sadd.s32 @!p0 s3, s7;
	s7 =	simm.s32 @!p0 $0x108  }
0x21: {  	s3 =	sadd.s32 s3, s9;
	s6 =	sadd.s32 @!p0 $0x88, s6;
	s7 =	simm.s32 @p2 $0x1082  }
0x22: {  	[simem:s7], [sflag:s8] =	dma.local @!p0 [hbm:s6], $0xF7A  }
0x23: {  	s9 =	sor.u32 $0xD0000000, s2;
	s6 =	simm.s32 $0x108;
	_ =	swait.ge @!p0 [sflag:s8], $0x0  }
0x24: {  	s3 =	sadd.s32 $0x88, s3;
	s6 =	simm.s32 @!p1 $0x1082;
	[sflag:s4] =	ssyncset.s32 $0xFFFFF086  }
0x25: {  	[simem:s6], [sflag:s4] =	dma.local [hbm:s3], $0xF7A  }
0x26: {  	[smem:$0x3F9E] =	sst s1;
	(tag) =	ssettag s2;
	_ =	strace s9  }
0x27: {  	s1 =	sld [smem:$0x3FAE]  }
0x28: {  	s2 =	sld [smem:$0x3FAF]  }
0x29: {  	s4 =	sld [smem:$0x3FB1]  }
0x2a: {  	p0 =	seq.s32 s5, $0x0;
	s5 =	sld [smem:$0x3FB2]  }
0x2b: {  	s6 =	sld [smem:$0x3FB3]  }
0x2c: {  	s7 =	sld [smem:$0x3FB4]  }
0x2d: {  	s3 =	simm.s32 $0x108;
	s8 =	sld [smem:$0x3FB5]  }
0x2e: {  	s3 =	simm.s32 @!p0 $0x1082;
	s9 =	sld [smem:$0x3FB6]  }
0x2f: {  	lr =	sadd.s32 s0, s3;
	s0 =	sld [smem:$0x3FAD]  }
0x30: {  	s3 =	sld [smem:$0x3FB0]  }
0x31: {  	[smem:$0x3FB9] =	sst s10  }
0x32: {  	s10 =	sld [smem:$0x3FB7];
	_ =	sdelay $0x3  }
0x33: {  	p0 =	seq.s32 s10, $0x1;
	s10 =	sld [smem:$0x3FB9];
	_ =	sdelay $0x3  }
0x34: {  	[smem:$0x3FB9] =	sst s10  }
0x35: {  	s10 =	sld [smem:$0x3FB8];
	_ =	sdelay $0x3  }
0x36: {  	p1 =	seq.s32 s10, $0x1;
	s10 =	sld [smem:$0x3FB9];
	_ =	sdelay $0x3  }
0x37: {  	[smem:$0x3FB9] =	sst s10  }
0x38: {  	s10 =	sld [smem:$0x3FBA]  }
0x39: {  	_ = 	snop;
	(pc) =	sbr.ind lr, $3  }
0x3a: {  	_ = 	snop  }
0x3b: {  	_ = 	snop  }
0x3c: {  	p2 =	seq.s32 s10, $0x1;
	s10 =	sld [smem:$0x3FB9]  }
0x3d: {  	_ =	shalt  }
0x3e: {  	_ =	shalt  }
0x3f: {  	_ =	shalt  }
0x40: {  	_ =	shalt  }
0x41: {  	_ =	shalt  }
0x42: {  	_ =	shalt  }
0x43: {  	_ =	shalt  }
0x44: {  	_ =	shalt  }
0x45: {  	_ =	shalt  }
0x46: {  	_ =	shalt  }
0x47: {  	_ =	shalt  }
0x48: {  	_ =	shalt  }
0x49: {  	_ =	shalt  }
0x4a: {  	_ =	shalt  }
0x4b: {  	_ =	shalt  }
0x4c: {  	_ =	shalt  }
0x4d: {  	_ =	shalt  }
0x4e: {  	_ =	shalt  }
0x4f: {  	_ =	shalt  }
0x50: {  	_ =	shalt  }
0x51: {  	_ =	shalt  }
0x52: {  	_ =	shalt  }
0x53: {  	_ =	shalt  }
0x54: {  	_ =	shalt  }
0x55: {  	_ =	shalt  }
0x56: {  	_ =	shalt  }
0x57: {  	_ =	shalt  }
0x58: {  	_ =	shalt  }
0x59: {  	_ =	shalt  }
0x5a: {  	_ =	shalt  }
0x5b: {  	_ =	shalt  }
0x5c: {  	_ =	shalt  }
0x5d: {  	_ =	shalt  }
0x5e: {  	_ =	shalt  }
0x5f: {  	_ =	shalt  }
0x60: {  	_ =	shalt  }
0x61: {  	_ =	shalt  }
0x62: {  	_ =	shalt  }
0x63: {  	_ =	shalt  }
0x64: {  	_ =	shalt  }
0x65: {  	_ =	shalt  }
0x66: {  	_ =	shalt  }
0x67: {  	_ =	shalt  }
0x68: {  	_ =	shalt  }
0x69: {  	_ =	shalt  }
0x6a: {  	_ =	shalt  }
0x6b: {  	_ =	shalt  }
0x6c: {  	_ =	shalt  }
0x6d: {  	_ =	shalt  }
0x6e: {  	_ =	shalt  }
0x6f: {  	_ =	shalt  }
0x70: {  	_ =	shalt  }
0x71: {  	_ =	shalt  }
0x72: {  	_ =	shalt  }
0x73: {  	_ =	shalt  }
0x74: {  	_ =	shalt  }
0x75: {  	_ =	shalt  }
0x76: {  	_ =	shalt  }
0x77: {  	_ =	shalt  }
0x78: {  	_ =	shalt  }
0x79: {  	_ =	shalt  }
0x7a: {  	_ =	shalt  }
0x7b: {  	_ =	shalt  }
0x7c: {  	_ =	shalt  }
0x7d: {  	_ =	shalt  }
0x7e: {  	_ =	shalt  }
0x7f: {  	_ =	shalt  }
0x80: {  	_ =	shalt  }
0x81: {  	_ =	shalt  }
0x82: {  	_ =	shalt  }
0x83: {  	_ =	shalt  }
0x84: {  	_ =	shalt  }
0x85: {  	_ =	shalt  }
0x86: {  	_ =	shalt  }
0x87: {  	_ =	shalt  }
.Lfunc_end0:
.L_simem_size_0:
called_computation_lowered:
.L_overlay_start_0:
0x88: {  	s2 =	sld [smem:$0x3FD9]  }
0x89: {  	s3 =	sld [smem:$0x3FFE];
	_ =	sdelay $0x1  }
0x8a: {  	s1 =	srdreg.scid  }
0x8b: {  	s0 =	sand.u32 $0x1, s1  }
0x8c: {  	s14 =	sshll.u32 s0, $0xA;
	s2 =	sadd.s32 s3, s2  }
0x8d: {  	s2 =	sadd.s32 s2, s14  }
0x8e: {  	[smem:$0x3FC5] =	sst s2  }
0x8f: {  	_ = 	snop  }
0x90: {  	s2 =	sld [smem:$0x3FD0];
	_ =	sdelay $0x2  }
0x91: {  	s15 =	simm.s32 $0xA;
	s4 =	simm.s32 $0x10  }
0x92: {  	[smem:s4], [sflag:s15] =	dma.local [hbm:s2], $0x1  }
0x93: {  	_ =	swait.eq [sflag:s15], $0x1  }
0x94: {  	[sflag:s15] =	ssyncset.done $0x0  }
0x95: {  	s16 =	sld [smem:$0x10];
	[sflag:s15] =	ssyncadd.s32 $0xFFFFFFFF  }
0x96: {  	s17 =	sld [smem:$0x11];
	(tm) =	ssettm $0x1  }
0x97: {  	s18 =	sld [smem:$0x3FFB];
	_ =	sdelay $0x3  }
0x98: {  	_ =	strace s18  }
0x99: {  	s4 =	sld [smem:$0x3FFC];
	_ =	sdelay $0x3  }
0x9a: {  	_ =	strace s4  }
0x9b: {  	s4 =	sld [smem:$0x3FFD];
	_ =	sdelay $0x3  }
0x9c: {  	_ =	strace s4  }
0x9d: {  	_ =	strace $0x8FFFFFFF  }
0x9e: {  	s19 =	sld [smem:$0x3FDB];
	_ =	sdelay $0x1  }
0x9f: {  	s5 =	simm.s32 $_scs_section_size  }
0xa0: {  	s6 =	simm.s32 $_size__tile_overlayer_lowered;
	s7 =	simm.s32 $_tile_overlayer_lowered  }
0xa1: {  	s22 =	simm.s32 $0x1BFF;
	s21 =	sshll.u32 s7, $0x1;
	s4 =	sadd.s32 s5, s19  }
0xa2: {  	s8 =	simm.s32 $0x0;
	s20 =	sshll.u32 s6, $0x1;
	s6 =	sadd.s32 s21, s4  }
0xa3: {  	[timem:s8], [sflag:s22] =	dma.local [hbm:s6], s20  }
0xa4: {  	_ =	swait.ge [sflag:s22], s20  }
0xa5: {  	s5 =	ssub.s32 $0x0, s20;
	[sflag:s22] =	ssyncset.done $0x0  }
0xa6: {  	[sflag:s22] =	ssyncadd.s32 s5;
	_ =	sdelay $0x1  }
0xa7: {  	s23 =	simm.s32 $0x1B8B  }
0xa8: {  	_ =	swait.ge [sflag:s23], $0x1  }
0xa9: {  	[sflag:s23] =	ssyncset.done $0x0  }
0xaa: {  	s25 =	simm.s32 $0x1B8E;
	s24 =	sld [smem:$0x3FFE];
	[sflag:s23] =	ssyncadd.s32 $0xFFFFFFFF  }
0xab: {  	s26 =	simm.s32 $execute0_lowered;
	[smem:$0x3FD2] =	sst s25  }
0xac: {  	s6 =	sshll.u32 s26, $0x1;
	_ =	strace $0x80000046;
	[dreg:$0x1] =	wrdreg $0xFFFFFFFF  }
0xad: {  	s28 =	simm.s32 $_size_execute0_lowered;
	s4 =	sadd.s32 s4, s6;
	[dreg:$0x0] =	wrdreg $0x0  }
0xae: {  	s6 =	sshll.u32 s28, $0x1;
	[dreg:$0x2] =	wrdreg s4  }
0xaf: {  	[dreg:$0x3] =	wrdreg s6  }
0xb0: {  	[dreg:$0x4] =	wrdreg $0xC0  }
0xb1: {  	_ =	task [dreg:s8], $0x5FFFF  }
0xb2: {  	[dreg:$0x1] =	wrdreg $0xFFFFFFFF  }
0xb3: {  	[dreg:$0x0] =	wrdreg $0x60  }
0xb4: {  	[dreg:$0x2] =	wrdreg s16  }
0xb5: {  	[dreg:$0x3] =	wrdreg s17  }
0xb6: {  	[dreg:$0x4] =	wrdreg s24  }
0xb7: {  	[dreg:$0x5] =	wrdreg $0x0  }
0xb8: {  	[dreg:$0x6] =	wrdreg $0x9  }
0xb9: {  	_ =	task.clear_ibuf [dreg:s8], $0x7FFFF;
	_ =	strace $0x90000046  }
0xba: {  	s29 =	simm.s32 $0x9;
	_ =	strace $0x80000048  }
0xbb: {  	_ =	swait.ge [sflag:s29], $0x1  }
0xbc: {  	[sflag:s29] =	ssyncadd.s32 $0xFFFFFFFF  }
0xbd: {  	_ =	strace $0x90000048  }
0xbe: {  	_ =	sfence  }
0xbf: {  	s30 =	sld [smem:$0x0];
	_ =	sdelay $0x2  }
0xc0: {  	s31 =	sshll.u32 s1, $0xD;
	s1 =	sshrl.u32 s1, $0x2  }
0xc1: {  	s3 =	sand.u32 $0x4000, s31;
	s1 =	sadd.s32 s1, s30  }
0xc2: {  	s0 =	sor.u32 s3, s0;
	s1 =	sshll.u32 s1, $0x11  }
0xc3: {  	s0 =	sor.u32 s1, s0  }
0xc4: {  	s0 =	sadd.s32 $0x8F2B, s0  }
0xc5: {  	[sflag:s0] =	ssyncadd.remote.s32 $0x1  }
0xc6: {  	_ =	sfence.sel $0xFFFF  }
0xc7: {  	[dreg:$0x0] =	wrdreg $0xFFFFFFFF;
	(pc) =	sbr.abs _section_cstart, $3  }
0xc8: {  	[dreg:$0x1] =	wrdreg $0xFFFFFFFF  }
0xc9: {  	_ =	task.clear_ibuf [dreg:s8], $0x2FFFF;
	_ =	strace $0x9FFFFFFF  }
0xca: {  	(tm) =	ssettm $0x7FFFFFFF  }
0xcb: {  	_ =	shalt  }
tec
execute0_lowered:
.L_overlay_start_1:
0x0: {  	(tag) =	ssettag $0x1  }
0x1: {  	s1 =	rddreg [dreg:$0x1]  }
0x2: {  	s3 =	rddreg [dreg:$0x2];
	s2 =	simm.s32 $0x0;
	s14 =	stileid.u32  }
0x3: {  	[smem:$0x7FF] =	sst s2;
	s8 =	sadd.s32 $0x1800, s3;
	s17 =	sshll.u32 s14, $0x4  }
0x4: {  	s5 =	sadd.s32 $0x26400, s3;
	s18 =	sor.u32 $0x100, s17;
	s28 =	sadd.s32 s8, s17  }
0x5: {  	s6 =	sadd.s32 $0x13E00, s3;
	s11 =	sadd.s32 s5, s18;
	[dreg:$0x6] =	wrdreg s28  }
0x6: {  	s20 =	sor.u32 $0x200, s17;
	s12 =	sadd.s32 s6, s18;
	[dreg:$0x8] =	wrdreg s11  }
0x7: {  	s21 =	sadd.s32 s5, s20;
	[dreg:$0x9] =	wrdreg s12  }
0x8: {  	s22 =	sor.u32 $0x300, s17;
	s13 =	sadd.s32 s6, s20;
	[dreg:$0xa] =	wrdreg s21  }
0x9: {  	s4 =	srdreg.scid;
	s24 =	sadd.s32 s5, s22;
	[dreg:$0xb] =	wrdreg s13  }
0xa: {  	s25 =	sor.u32 $0x400, s17;
	s15 =	sadd.s32 s6, s22;
	[dreg:$0xc] =	wrdreg s24  }
0xb: {  	s23 =	sadd.s32 s5, s17;
	s5 =	sadd.s32 s5, s25;
	[dreg:$0xd] =	wrdreg s15  }
0xc: {  	s4 =	sand.u32 $0x1, s4;
	s26 =	sadd.s32 s6, s25;
	[dreg:$0xe] =	wrdreg s5  }
0xd: {  	s10 =	sadd.s32 $0x38A00, s3;
	s0 =	sadd.s32 s8, s18;
	[dreg:$0xf] =	wrdreg s26  }
0xe: {  	s7 =	ssub.s32 $0x2, s4;
	s31 =	sadd.s32 s10, s18;
	[dreg:$0x11] =	wrdreg s0  }
0xf: {  	p0 =	seq.s32 s4, $0x1;
	s4 =	sadd.s32 s8, s20;
	[dreg:$0x12] =	wrdreg s31  }
0x10: {  	[dreg:$0x13] =	wrdreg s4  }
0x11: {  	s9 =	sshrl.u32 s7, $0x1;
	s5 =	sadd.s32 s10, s20;
	s21 =	rddreg [dreg:$0x3]  }
0x12: {  	s7 =	ssub.s32 s7, s9;
	s9 =	sadd.s32 s8, s22;
	[dreg:$0x14] =	wrdreg s5  }
0x13: {  	s11 =	sadd.s32 s10, s22;
	[dreg:$0x15] =	wrdreg s9  }
0x14: {  	s19 =	sadd.s32 s6, s17;
	s12 =	sadd.s32 s8, s25;
	[dreg:$0x16] =	wrdreg s11  }
0x15: {  	s6 =	smul.u32 $0x19000, s14;
	s13 =	sadd.s32 s10, s25;
	[dreg:$0x17] =	wrdreg s12  }
0x16: {  	s16 =	sadd.s32 $0x4B000, s3;
	[dreg:$0x18] =	wrdreg s13  }
0x17: {  	s15 =	sshrl.u32 s6, $0x3;
	_ =	strace $0x80000047;
	[dreg:$0x1a] =	wrdreg s16  }
0x18: {  	s18 =	sadd.s32 $0xE1200, s3;
	[dreg:$0x19] =	wrdreg s15  }
0x19: {  	s29 =	simm.s32 $0x19180;
	s20 =	sadd.s32 $0x1A9200, s3;
	[dreg:$0x1b] =	wrdreg s18  }
0x1a: {  	s30 =	sadd.s32 s10, s17;
	s22 =	sadd.s32 $0x7D200, s3;
	[dreg:$0x1c] =	wrdreg s20  }
0x1b: {  	s24 =	sadd.s32 $0xAF200, s3;
	s31 =	smul.u32 $0xC80, s14;
	[dreg:$0x1d] =	wrdreg s22  }
0x1c: {  	s4 =	simm.s32 $0x8;
	s25 =	sadd.s32 s6, s21;
	[dreg:$0x1e] =	wrdreg s24  }
0x1d: {  	s8 =	simm.s32 $0x80;
	s28 =	smax.u32 s7, $0x1;
	[dreg:$0x1f] =	wrdreg s25  }
0x1e: {  	s14 =	simm.s32 $0x19100;
	s10 =	simm.s32 $0x19280;
	[smem:$0x7FC] =	sst s28  }
.Ltmp0:
0x1f: {  	s5 =	simm.s32 $0x19080;
	[smem:$0x7FD] =	sst s31;
	(pc) =	sbr.rel .LBB2_1-.Ltmp0, $4  }
0x20: {  	s6 =	simm.s32 $0x19200;
	s11 =	simm.s32 $0x5;
	[dreg:$0x5] =	wrdreg s23  }
0x21: {  	s12 =	simm.s32 $0x6;
	s17 =	sadd.s32 s15, s3;
	[dreg:$0x7] =	wrdreg s19  }
0x22: {  	s13 =	simm.s32 $0x7;
	[dreg:$0x10] =	wrdreg s30;
	s26 =	sadd.s32 $0x4B200, s17  }
0x23: {  	s7 =	simm.s32 $0x0;
	s15 =	simm.s32 $0x19000;
	[smem:$0x7FB] =	sst s26  }
.LBB2_11:
0x24: {  	s3 =	rddreg [dreg:$0x1e]  }
0x25: {  	s23 =	rddreg [dreg:$0x5]  }
0x26: {  	s19 =	rddreg [dreg:$0x7]  }
0x27: {  	s30 =	rddreg [dreg:$0x10]  }
0x28: {  	s14 =	simm.s32 $0x19100;
	s7 =	sld [smem:$0x7F9]  }
.LBB2_12:
0x29: {  	s0 =	rddreg [dreg:$0x19]  }
0x2a: {  	s28 =	sld [smem:$0x7FA]  }
0x2b: {  	s26 =	rddreg [dreg:$0x1f]  }
0x2c: {  	s3 =	sadd.s32 s3, s0;
	s4 =	sshrl.u32 s26, $0x3  }
0x2d: {  	[hbm:s3], [sflag:s28] =	dma.local [spmem:s4], $0x3200  }
0x2e: {  	s4 =	simm.s32 $0x8  }
0x2f: {  	_ =	swait.ge [sflag:s4], $0x3200  }
0x30: {  	s31 =	sld [smem:$0x7FC];
	_ =	sdelay $0x1  }
0x31: {  	s7 =	sadd.s32 $0x1, s7  }
0x32: {  	p1 =	sne.s32 s7, s31  }
.Ltmp1:
0x33: {  	_ = 	snop;
	(pc) =	sbr.rel @!p1 .LBB2_13-.Ltmp1, $3  }
0x34: {  	[sflag:s4] =	ssyncset.done $0x0  }
0x35: {  	[sflag:s4] =	ssyncadd.s32 $0xFFFFCE00  }
0x36: {  	[bflag:$0x0] =	sbarrier.arrive $0xFFFF;
	_ =	sdelay $0x1  }
.LBB2_1:
0x37: {  	[smem:$0x7F9] =	sst s7  }
0x38: {  	s0 =	rddreg [dreg:$0x1a]  }
.Ltmp2:
0x39: {  	s3 =	simm.s32 $0x1C300;
	s31 =	stileid.u32;
	(pc) =	sbr.rel @!p0 .LBB2_2-.Ltmp2, $4  }
0x3a: {  	[tilespmem:s3], [sflag:$0x8] =	stream.linear.gather [hbm4b:s0+s2], $0x1000, $0x38;
	[tilespmem:$0x1D300] =	vst v63  }
0x3b: {  	s3 =	sshll.u32 s31, $0x6;
	_ =	swait.ge [sflag:s4], $0x1000  }
0x3c: {  	s7 =	simm.s32 $0x0;
	s3 =	sor.u32 $0x1C08, s3;
	[sflag:s4] =	ssyncset.done $0x0  }
0x3d: {  	s9 =	simm.s32 $0x0;
	[smem:$0x7FA] =	sst s3;
	[sflag:s4] =	ssyncadd.s32 $0xFFFFF000  }
.LBB2_8:
0x3e: {  	s0 =	rddreg [dreg:$0x1f]  }
0x3f: {  	s26 =	sld [smem:$0x7FB]  }
0x40: {  	s7 =	sshrl.u32 s0, $0x3  }
0x41: {  	[smem:$0x7F5] =	sst s7  }
0x42: {  	[spmem:s7], [sflag:s3] =	dma.local [hbm:s26], $0x3200  }
0x43: {  	_ =	swait.ge [sflag:s4], $0x3200  }
0x44: {  	[sflag:s4] =	ssyncset.done $0x0  }
0x45: {  	[sflag:s4] =	ssyncadd.s32 $0xFFFFCE00  }
0x46: {  	[bflag:$0x0] =	sbarrier.arrive $0xFFFF  }
0x47: {  	s23 =	rddreg [dreg:$0x6]  }
0x48: {  	[tilespmem:s15], [sflag:$0x1] =	stream.linear.gather [hbm4b:s23+s2], $0x80, $0x38;
	[tilespmem:$0x1D300] =	vst v63  }
0x49: {  	_ = 	snop  }
0x4a: {  	[tilespmem:s29], [sflag:$0x1] =	stream.linear.gather [hbm4b:s30+s2], $0x80, $0x38;
	[tilespmem:$0x1D300] =	vst v63  }
0x4b: {  	s4 =	rddreg [dreg:$0x11]  }
0x4c: {  	[tilespmem:s5], [sflag:$0x2] =	stream.linear.gather [hbm4b:s4+s2], $0x80, $0x38;
	[tilespmem:$0x1D300] =	vst v63  }
0x4d: {  	s7 =	simm.s32 $0x1;
	s5 =	rddreg [dreg:$0x12]  }
0x4e: {  	[tilespmem:s6], [sflag:$0x2] =	stream.linear.gather [hbm4b:s5+s2], $0x80, $0x38;
	[tilespmem:$0x1D300] =	vst v63  }
0x4f: {  	_ =	swait.ge [sflag:s7], $0x100  }
0x50: {  	p1 =	seq.s32 s9, $0x4;
	[sflag:s7] =	ssyncset.done $0x0  }
0x51: {  	s25 =	simm.s32 @p1 $0x2;
	[sflag:s7] =	ssyncadd.s32 $0xFFFFFF00  }
0x52: {  	_ =	swait.ge @p1 [sflag:s25], $0x100  }
0x53: {  	[sflag:s25] =	ssyncset.done @p1 $0x0  }
0x54: {  	[sflag:s25] =	ssyncadd.s32 @p1 $0xFFFFFF00  }
0x55: {  	v0 =	vld @!p1 [tilespmem:$0x19000]  }
0x56: {  	v1 =	vld @!p1 [tilespmem:$0x19010]  }
0x57: {  	v2 =	vld @!p1 [tilespmem:$0x19020]  }
0x58: {  	[smem:$0x7F6] =	sst s9;
	s9 =	smul.u32 $0xC350, s9;
	v3 =	vld @!p1 [tilespmem:$0x19030]  }
0x59: {  	v4 =	vld @!p1 [tilespmem:$0x19040]  }
0x5a: {  	v5 =	vld @!p1 [tilespmem:$0x19050];
	v0 =	vadd.s32 @!p1 s9, v0  }
0x5b: {  	[tilespmem:$0x19000] =	vst @!p1 v0;
	v0 =	vadd.s32 @!p1 s9, v1;
	v1 =	vld @!p1 [tilespmem:$0x19060]  }
0x5c: {  	[tilespmem:$0x19010] =	vst @!p1 v0;
	v0 =	vadd.s32 @!p1 s9, v2;
	v2 =	vld @!p1 [tilespmem:$0x19070]  }
0x5d: {  	[tilespmem:$0x19020] =	vst @!p1 v0;
	v0 =	vadd.s32 @!p1 s9, v3  }
0x5e: {  	[tilespmem:$0x19030] =	vst @!p1 v0;
	v0 =	vadd.s32 @!p1 s9, v4  }
0x5f: {  	[tilespmem:$0x19040] =	vst @!p1 v0;
	v0 =	vadd.s32 @!p1 s9, v5  }
0x60: {  	[tilespmem:$0x19050] =	vst @!p1 v0;
	v0 =	vadd.s32 @!p1 s9, v1  }
0x61: {  	s20 =	simm.s32 @!p1 $0x80;
	[tilespmem:$0x19060] =	vst @!p1 v0;
	v0 =	vadd.s32 @!p1 s9, v2  }
0x62: {  	s0 =	simm.s32 @!p1 $0x19000;
	s19 =	simm.s32 @!p1 $0x19300;
	s24 =	simm.s32 @!p1 $0x4;
	[tilespmem:$0x19070] =	vst @!p1 v0  }
0x63: {  	[tilespmem:s19], [sflag:$0x4] =	stream.indirect.gather @!p1 [hbm4b:s1+s20], $0x20, s0, s20, $0xb8;
	[tilespmem:$0x1D300] =	vst v63  }
0x64: {  	_ =	swait.ge @!p1 [sflag:s24], $0x1000  }
0x65: {  	[sflag:s24] =	ssyncset.done @!p1 $0x0  }
0x66: {  	s28 =	simm.s32 @!p1 $0x2;
	[sflag:s24] =	ssyncadd.s32 @!p1 $0xFFFFF000  }
0x67: {  	_ =	swait.ge @!p1 [sflag:s28], $0x100  }
0x68: {  	[sflag:s28] =	ssyncset.done @!p1 $0x0  }
0x69: {  	[sflag:s28] =	ssyncadd.s32 @!p1 $0xFFFFFF00  }
0x6a: {  	v0 =	vld @!p1 [tilespmem:$0x19080]  }
0x6b: {  	v1 =	vld @!p1 [tilespmem:$0x19090]  }
0x6c: {  	v2 =	vld @!p1 [tilespmem:$0x190A0]  }
0x6d: {  	v3 =	vld @!p1 [tilespmem:$0x190B0]  }
0x6e: {  	v4 =	vld @!p1 [tilespmem:$0x190C0]  }
0x6f: {  	v5 =	vld @!p1 [tilespmem:$0x190D0];
	v0 =	vadd.s32 @!p1 s9, v0  }
0x70: {  	[tilespmem:$0x19080] =	vst @!p1 v0;
	v0 =	vadd.s32 @!p1 s9, v1;
	v1 =	vld @!p1 [tilespmem:$0x190E0]  }
0x71: {  	[tilespmem:$0x19090] =	vst @!p1 v0;
	v0 =	vadd.s32 @!p1 s9, v2;
	v2 =	vld @!p1 [tilespmem:$0x190F0]  }
0x72: {  	[tilespmem:$0x190A0] =	vst @!p1 v0;
	v0 =	vadd.s32 @!p1 s9, v3  }
0x73: {  	[tilespmem:$0x190B0] =	vst @!p1 v0;
	v0 =	vadd.s32 @!p1 s9, v4  }
0x74: {  	[tilespmem:$0x190C0] =	vst @!p1 v0;
	v0 =	vadd.s32 @!p1 s9, v5  }
0x75: {  	[tilespmem:$0x190D0] =	vst @!p1 v0;
	v0 =	vadd.s32 @!p1 s9, v1  }
0x76: {  	[tilespmem:$0x190E0] =	vst @!p1 v0;
	v0 =	vadd.s32 @!p1 s9, v2  }
0x77: {  	s3 =	simm.s32 @!p1 $0x19080;
	s26 =	simm.s32 @!p1 $0x1A300;
	s7 =	simm.s32 @!p1 $0x19300;
	[tilespmem:$0x190F0] =	vst @!p1 v0  }
0x78: {  	[tilespmem:s26], [sflag:$0x4] =	stream.indirect.gather @!p1 [hbm4b:s1+s20], $0x20, s3, s20, $0xb8;
	[tilespmem:$0x1D300] =	vst v63  }
0x79: {  	s7 =	simm.s32 @p1 $0x1C300  }
0x7a: {  	[spmem:s21] =	stream.indirect.scatter.add.f32 [tilespmem:s7], [sflag:$0x5], $0x20, s29, s8, $0xb8;
	[tilespmem:$0x1D300] =	vst v63  }
0x7b: {  	s16 =	rddreg [dreg:$0x13]  }
0x7c: {  	[tilespmem:s14], [sflag:$0x3] =	stream.linear.gather [hbm4b:s16+s2], $0x80, $0x38;
	[tilespmem:$0x1D300] =	vst v63  }
0x7d: {  	s17 =	rddreg [dreg:$0x14];
	s16 =	simm.s32 @p1 $0x3  }
0x7e: {  	[tilespmem:s10], [sflag:$0x3] =	stream.linear.gather [hbm4b:s17+s2], $0x80, $0x38;
	[tilespmem:$0x1D300] =	vst v63  }
0x7f: {  	_ =	swait.ge @p1 [sflag:s16], $0x100  }
0x80: {  	[sflag:s16] =	ssyncset.done @p1 $0x0  }
0x81: {  	[sflag:s16] =	ssyncadd.s32 @p1 $0xFFFFFF00  }
0x82: {  	_ =	swait.ge @!p1 [sflag:s24], $0x1000  }
0x83: {  	[sflag:s24] =	ssyncset.done @!p1 $0x0  }
0x84: {  	s17 =	simm.s32 @!p1 $0x3;
	[sflag:s24] =	ssyncadd.s32 @!p1 $0xFFFFF000  }
0x85: {  	_ =	swait.ge @!p1 [sflag:s17], $0x100  }
0x86: {  	[sflag:s17] =	ssyncset.done @!p1 $0x0  }
0x87: {  	[sflag:s17] =	ssyncadd.s32 @!p1 $0xFFFFFF00  }
0x88: {  	v0 =	vld @!p1 [tilespmem:$0x19100]  }
0x89: {  	v1 =	vld @!p1 [tilespmem:$0x19110]  }
0x8a: {  	v2 =	vld @!p1 [tilespmem:$0x19120]  }
0x8b: {  	v3 =	vld @!p1 [tilespmem:$0x19130]  }
0x8c: {  	v4 =	vld @!p1 [tilespmem:$0x19140]  }
0x8d: {  	v5 =	vld @!p1 [tilespmem:$0x19150];
	v0 =	vadd.s32 @!p1 s9, v0  }
0x8e: {  	[tilespmem:$0x19100] =	vst @!p1 v0;
	v0 =	vadd.s32 @!p1 s9, v1;
	v1 =	vld @!p1 [tilespmem:$0x19160]  }
0x8f: {  	[tilespmem:$0x19110] =	vst @!p1 v0;
	v0 =	vadd.s32 @!p1 s9, v2;
	v2 =	vld @!p1 [tilespmem:$0x19170]  }
0x90: {  	[tilespmem:$0x19120] =	vst @!p1 v0;
	v0 =	vadd.s32 @!p1 s9, v3  }
0x91: {  	[tilespmem:$0x19130] =	vst @!p1 v0;
	v0 =	vadd.s32 @!p1 s9, v4  }
0x92: {  	[tilespmem:$0x19140] =	vst @!p1 v0;
	v0 =	vadd.s32 @!p1 s9, v5  }
0x93: {  	[tilespmem:$0x19150] =	vst @!p1 v0;
	v0 =	vadd.s32 @!p1 s9, v1  }
0x94: {  	[tilespmem:$0x19160] =	vst @!p1 v0;
	v0 =	vadd.s32 @!p1 s9, v2  }
0x95: {  	s4 =	simm.s32 @!p1 $0x1B300;
	s5 =	simm.s32 @!p1 $0x1A300;
	s3 =	simm.s32 @!p1 $0x19100;
	[tilespmem:$0x19170] =	vst @!p1 v0  }
0x96: {  	[tilespmem:s4], [sflag:$0x4] =	stream.indirect.gather @!p1 [hbm4b:s1+s20], $0x20, s3, s20, $0xb8;
	[tilespmem:$0x1D300] =	vst v63  }
0x97: {  	s5 =	simm.s32 @p1 $0x1C300  }
0x98: {  	[spmem:s21] =	stream.indirect.scatter.add.f32 [tilespmem:s5], [sflag:$0x6], $0x20, s6, s8, $0xb8;
	[tilespmem:$0x1D300] =	vst v63  }
0x99: {  	_ =	swait.ge [sflag:s11], $0x1000  }
0x9a: {  	[sflag:s11] =	ssyncset.done $0x0  }
0x9b: {  	s18 =	rddreg [dreg:$0x15];
	[sflag:s11] =	ssyncadd.s32 $0xFFFFF000  }
0x9c: {  	[tilespmem:s15], [sflag:$0x1] =	stream.linear.gather [hbm4b:s18+s2], $0x80, $0x38;
	[tilespmem:$0x1D300] =	vst v63  }
0x9d: {  	s22 =	rddreg [dreg:$0x16];
	s18 =	simm.s32 @p1 $0x1  }
0x9e: {  	[tilespmem:s29], [sflag:$0x1] =	stream.linear.gather [hbm4b:s22+s2], $0x80, $0x38;
	[tilespmem:$0x1D300] =	vst v63  }
0x9f: {  	_ =	swait.ge @p1 [sflag:s18], $0x100  }
0xa0: {  	s14 =	simm.s32 @p1 $0x1C300;
	[sflag:s18] =	ssyncset.done @p1 $0x0  }
0xa1: {  	s15 =	simm.s32 @p1 $0x80;
	s22 =	simm.s32 @p1 $0x19280;
	[sflag:s18] =	ssyncadd.s32 @p1 $0xFFFFFF00  }
0xa2: {  	[spmem:s21] =	stream.indirect.scatter.add.f32 @p1 [tilespmem:s14], [sflag:$0x7], $0x20, s22, s15, $0xb8;
	[tilespmem:$0x1D300] =	vst v63  }
0xa3: {  	_ =	swait.ge @!p1 [sflag:s24], $0x1000  }
0xa4: {  	[sflag:s24] =	ssyncset.done @!p1 $0x0  }
0xa5: {  	s14 =	simm.s32 @!p1 $0x1;
	[sflag:s24] =	ssyncadd.s32 @!p1 $0xFFFFF000  }
0xa6: {  	_ =	swait.ge @!p1 [sflag:s14], $0x100  }
0xa7: {  	[sflag:s14] =	ssyncset.done @!p1 $0x0  }
0xa8: {  	[sflag:s14] =	ssyncadd.s32 @!p1 $0xFFFFFF00  }
0xa9: {  	v0 =	vld @!p1 [tilespmem:$0x19000]  }
0xaa: {  	v1 =	vld @!p1 [tilespmem:$0x19010]  }
0xab: {  	v2 =	vld @!p1 [tilespmem:$0x19020]  }
0xac: {  	v3 =	vld @!p1 [tilespmem:$0x19030]  }
0xad: {  	v4 =	vld @!p1 [tilespmem:$0x19040]  }
0xae: {  	v5 =	vld @!p1 [tilespmem:$0x19050];
	v0 =	vadd.s32 @!p1 s9, v0  }
0xaf: {  	[tilespmem:$0x19000] =	vst @!p1 v0;
	v0 =	vadd.s32 @!p1 s9, v1;
	v1 =	vld @!p1 [tilespmem:$0x19060]  }
0xb0: {  	[tilespmem:$0x19010] =	vst @!p1 v0;
	v0 =	vadd.s32 @!p1 s9, v2;
	v2 =	vld @!p1 [tilespmem:$0x19070]  }
0xb1: {  	[tilespmem:$0x19020] =	vst @!p1 v0;
	v0 =	vadd.s32 @!p1 s9, v3  }
0xb2: {  	[tilespmem:$0x19030] =	vst @!p1 v0;
	v0 =	vadd.s32 @!p1 s9, v4  }
0xb3: {  	[tilespmem:$0x19040] =	vst @!p1 v0;
	v0 =	vadd.s32 @!p1 s9, v5  }
0xb4: {  	[tilespmem:$0x19050] =	vst @!p1 v0;
	v0 =	vadd.s32 @!p1 s9, v1  }
0xb5: {  	[tilespmem:$0x19060] =	vst @!p1 v0;
	v0 =	vadd.s32 @!p1 s9, v2  }
0xb6: {  	[tilespmem:$0x19070] =	vst @!p1 v0  }
0xb7: {  	[tilespmem:s19], [sflag:$0x4] =	stream.indirect.gather @!p1 [hbm4b:s1+s20], $0x20, s0, s20, $0xb8;
	[tilespmem:$0x1D300] =	vst v63  }
0xb8: {  	s15 =	simm.s32 @!p1 $0x19280  }
0xb9: {  	[spmem:s21] =	stream.indirect.scatter.add.f32 @!p1 [tilespmem:s4], [sflag:$0x7], $0x20, s15, s20, $0xb8;
	[tilespmem:$0x1D300] =	vst v63  }
0xba: {  	_ =	swait.ge [sflag:s12], $0x1000  }
0xbb: {  	s3 =	simm.s32 $0x19080;
	[sflag:s12] =	ssyncset.done $0x0  }
0xbc: {  	s4 =	simm.s32 $0x0;
	s22 =	rddreg [dreg:$0x17];
	[sflag:s12] =	ssyncadd.s32 $0xFFFFF000  }
0xbd: {  	[tilespmem:s3], [sflag:$0x2] =	stream.linear.gather [hbm4b:s22+s4], $0x80, $0x38;
	[tilespmem:$0x1D300] =	vst v63  }
0xbe: {  	s0 =	rddreg [dreg:$0x18]  }
0xbf: {  	[tilespmem:s6], [sflag:$0x2] =	stream.linear.gather [hbm4b:s0+s4], $0x80, $0x38;
	[tilespmem:$0x1D300] =	vst v63  }
0xc0: {  	_ =	swait.ge @p1 [sflag:s25], $0x100  }
0xc1: {  	[sflag:s25] =	ssyncset.done @p1 $0x0  }
0xc2: {  	[sflag:s25] =	ssyncadd.s32 @p1 $0xFFFFFF00  }
0xc3: {  	_ =	swait.ge @!p1 [sflag:s24], $0x1000  }
0xc4: {  	[sflag:s24] =	ssyncset.done @!p1 $0x0  }
0xc5: {  	[sflag:s24] =	ssyncadd.s32 @!p1 $0xFFFFF000  }
0xc6: {  	_ =	swait.ge @!p1 [sflag:s28], $0x100  }
0xc7: {  	[sflag:s28] =	ssyncset.done @!p1 $0x0  }
0xc8: {  	[sflag:s28] =	ssyncadd.s32 @!p1 $0xFFFFFF00  }
0xc9: {  	v1 =	vld @!p1 [tilespmem:$0x190D0]  }
0xca: {  	v2 =	vld @!p1 [tilespmem:$0x19080]  }
0xcb: {  	v3 =	vld @!p1 [tilespmem:$0x190F0]  }
0xcc: {  	v4 =	vmov @!p1 s9;
	v0 =	vmov @p1 s9;
	v5 =	vld @!p1 [tilespmem:$0x190B0]  }
0xcd: {  	v0 =	vpsel p1, v0, v4;
	v4 =	vld @!p1 [tilespmem:$0x190E0]  }
0xce: {  	v6 =	vld @!p1 [tilespmem:$0x190C0];
	v1 =	vadd.s32 @!p1 v0, v1  }
0xcf: {  	v7 =	vld @!p1 [tilespmem:$0x190A0];
	v2 =	vadd.s32 @!p1 v0, v2;
	[tilespmem:$0x190D0] =	vst @!p1 v1  }
0xd0: {  	v1 =	vld @!p1 [tilespmem:$0x19090];
	[tilespmem:$0x19080] =	vst @!p1 v2;
	v2 =	vadd.s32 @!p1 v0, v3  }
0xd1: {  	v3 =	vadd.s32 @!p1 v0, v5;
	[tilespmem:$0x190F0] =	vst @!p1 v2  }
0xd2: {  	[tilespmem:$0x190B0] =	vst @!p1 v3;
	v2 =	vadd.s32 @!p1 v0, v4  }
0xd3: {  	v3 =	vadd.s32 @!p1 v0, v6;
	[tilespmem:$0x190E0] =	vst @!p1 v2  }
0xd4: {  	v2 =	vadd.s32 @!p1 v0, v7;
	[tilespmem:$0x190C0] =	vst @!p1 v3  }
0xd5: {  	[tilespmem:$0x190A0] =	vst @!p1 v2;
	v1 =	vadd.s32 @!p1 v0, v1  }
0xd6: {  	s0 =	simm.s32 @!p1 $0x19080;
	[tilespmem:$0x19090] =	vst @!p1 v1  }
0xd7: {  	[tilespmem:s26], [sflag:$0x4] =	stream.indirect.gather @!p1 [hbm4b:s1+s20], $0x20, s0, s20, $0xb8;
	[tilespmem:$0x1D300] =	vst v63  }
0xd8: {  	_ = 	snop  }
0xd9: {  	[spmem:s21] =	stream.indirect.scatter.add.f32 [tilespmem:s7], [sflag:$0x5], $0x20, s29, s8, $0xb8;
	[tilespmem:$0x1D300] =	vst v63  }
0xda: {  	_ =	swait.ge [sflag:s13], $0x1000  }
0xdb: {  	s19 =	simm.s32 $0x19100;
	s15 =	sadd.s32 $0x0, s23;
	[sflag:s13] =	ssyncset.done $0x0  }
0xdc: {  	s3 =	sadd.s32 $0x500, s15;
	s26 =	sadd.s32 $0x0, s30;
	[sflag:s13] =	ssyncadd.s32 $0xFFFFF000  }
0xdd: {  	[tilespmem:s19], [sflag:$0x3] =	stream.linear.gather [hbm4b:s3+s2], $0x80, $0x38;
	[tilespmem:$0x1D300] =	vst v63  }
0xde: {  	s22 =	sadd.s32 $0x500, s26  }
0xdf: {  	[tilespmem:s10], [sflag:$0x3] =	stream.linear.gather [hbm4b:s22+s2], $0x80, $0x38;
	[tilespmem:$0x1D300] =	vst v63  }
0xe0: {  	_ =	swait.ge @p1 [sflag:s16], $0x100  }
0xe1: {  	[sflag:s16] =	ssyncset.done @p1 $0x0  }
0xe2: {  	[sflag:s16] =	ssyncadd.s32 @p1 $0xFFFFFF00  }
0xe3: {  	_ =	swait.ge @!p1 [sflag:s24], $0x1000  }
0xe4: {  	[sflag:s24] =	ssyncset.done @!p1 $0x0  }
0xe5: {  	[sflag:s24] =	ssyncadd.s32 @!p1 $0xFFFFF000  }
0xe6: {  	_ =	swait.ge @!p1 [sflag:s17], $0x100  }
0xe7: {  	[sflag:s17] =	ssyncset.done @!p1 $0x0  }
0xe8: {  	[sflag:s17] =	ssyncadd.s32 @!p1 $0xFFFFFF00  }
0xe9: {  	s31 =	simm.s32 @!p1 $0x1A300;
	s4 =	simm.s32 @!p1 $0x19080;
	v2 =	vld @!p1 [tilespmem:$0x19100]  }
0xea: {  	s0 =	simm.s32 $0x19100;
	s19 =	smov.u32 s30;
	s30 =	simm.s32 $0x300;
	v1 =	vld @!p1 [tilespmem:$0x19110]  }
.LBB2_9:
0xeb: {  	v3 =	vld @!p1 [tilespmem:$0x19170]  }
0xec: {  	v4 =	vld @!p1 [tilespmem:$0x19130]  }
0xed: {  	v5 =	vld @!p1 [tilespmem:$0x19140]  }
0xee: {  	v6 =	vld @!p1 [tilespmem:$0x19150];
	v2 =	vadd.s32 @!p1 v0, v2  }
0xef: {  	v1 =	vadd.s32 @!p1 v0, v1;
	[tilespmem:$0x19100] =	vst @!p1 v2;
	v2 =	vld @!p1 [tilespmem:$0x19120]  }
0xf0: {  	[tilespmem:$0x19110] =	vst @!p1 v1;
	v1 =	vld @!p1 [tilespmem:$0x19160];
	v3 =	vadd.s32 @!p1 v0, v3  }
0xf1: {  	v4 =	vadd.s32 @!p1 v0, v4;
	[tilespmem:$0x19170] =	vst @!p1 v3  }
0xf2: {  	[tilespmem:$0x19130] =	vst @!p1 v4;
	v3 =	vadd.s32 @!p1 v0, v5  }
0xf3: {  	[tilespmem:$0x19140] =	vst @!p1 v3;
	v3 =	vadd.s32 @!p1 v0, v6  }
0xf4: {  	[tilespmem:$0x19150] =	vst @!p1 v3;
	v2 =	vadd.s32 @!p1 v0, v2  }
0xf5: {  	v1 =	vadd.s32 @!p1 v0, v1;
	[tilespmem:$0x19120] =	vst @!p1 v2  }
0xf6: {  	s3 =	simm.s32 @!p1 $0x19100;
	s22 =	simm.s32 @!p1 $0x1B300;
	[tilespmem:$0x19160] =	vst @!p1 v1  }
0xf7: {  	[tilespmem:s22], [sflag:$0x4] =	stream.indirect.gather @!p1 [hbm4b:s1+s20], $0x20, s3, s20, $0xb8;
	[tilespmem:$0x1D300] =	vst v63  }
0xf8: {  	_ = 	snop  }
0xf9: {  	[spmem:s21] =	stream.indirect.scatter.add.f32 [tilespmem:s5], [sflag:$0x6], $0x20, s6, s8, $0xb8;
	[tilespmem:$0x1D300] =	vst v63  }
0xfa: {  	_ =	swait.ge [sflag:s11], $0x1000  }
0xfb: {  	[sflag:s11] =	ssyncset.done $0x0  }
0xfc: {  	s22 =	sadd.s32 $0x600, s15;
	s3 =	simm.s32 $0x19000;
	[sflag:s11] =	ssyncadd.s32 $0xFFFFF000  }
0xfd: {  	[tilespmem:s3], [sflag:$0x1] =	stream.linear.gather [hbm4b:s22+s2], $0x80, $0x38;
	[tilespmem:$0x1D300] =	vst v63  }
0xfe: {  	s3 =	sadd.s32 $0x600, s26  }
0xff: {  	[tilespmem:s29], [sflag:$0x1] =	stream.linear.gather [hbm4b:s3+s2], $0x80, $0x38;
	[tilespmem:$0x1D300] =	vst v63  }
0x100: {  	_ =	swait.ge @p1 [sflag:s18], $0x100  }
0x101: {  	[sflag:s18] =	ssyncset.done @p1 $0x0  }
0x102: {  	[sflag:s18] =	ssyncadd.s32 @p1 $0xFFFFFF00  }
0x103: {  	_ =	swait.ge @!p1 [sflag:s24], $0x1000  }
0x104: {  	[sflag:s24] =	ssyncset.done @!p1 $0x0  }
0x105: {  	[sflag:s24] =	ssyncadd.s32 @!p1 $0xFFFFF000  }
0x106: {  	_ =	swait.ge @!p1 [sflag:s14], $0x100  }
0x107: {  	[sflag:s14] =	ssyncset.done @!p1 $0x0  }
0x108: {  	[sflag:s14] =	ssyncadd.s32 @!p1 $0xFFFFFF00  }
0x109: {  	v1 =	vld @!p1 [tilespmem:$0x19000]  }
0x10a: {  	v2 =	vld @!p1 [tilespmem:$0x19010]  }
0x10b: {  	v3 =	vld @!p1 [tilespmem:$0x19020]  }
0x10c: {  	v4 =	vld @!p1 [tilespmem:$0x19030]  }
0x10d: {  	v5 =	vld @!p1 [tilespmem:$0x19040]  }
0x10e: {  	v6 =	vld @!p1 [tilespmem:$0x19070];
	v1 =	vadd.s32 @!p1 v0, v1  }
0x10f: {  	[tilespmem:$0x19000] =	vst @!p1 v1;
	v1 =	vadd.s32 @!p1 v0, v2;
	v2 =	vld @!p1 [tilespmem:$0x19060]  }
0x110: {  	[tilespmem:$0x19010] =	vst @!p1 v1;
	v1 =	vadd.s32 @!p1 v0, v3;
	v3 =	vld @!p1 [tilespmem:$0x19050]  }
0x111: {  	[tilespmem:$0x19020] =	vst @!p1 v1;
	v1 =	vadd.s32 @!p1 v0, v4  }
0x112: {  	[tilespmem:$0x19030] =	vst @!p1 v1;
	v1 =	vadd.s32 @!p1 v0, v5  }
0x113: {  	[tilespmem:$0x19040] =	vst @!p1 v1;
	v1 =	vadd.s32 @!p1 v0, v6  }
0x114: {  	v2 =	vadd.s32 @!p1 v0, v2;
	[tilespmem:$0x19070] =	vst @!p1 v1  }
0x115: {  	v1 =	vadd.s32 @!p1 v0, v3;
	[tilespmem:$0x19060] =	vst @!p1 v2  }
0x116: {  	s22 =	simm.s32 @!p1 $0x19000;
	s3 =	simm.s32 @!p1 $0x19300;
	[tilespmem:$0x19050] =	vst @!p1 v1  }
0x117: {  	[tilespmem:s3], [sflag:$0x4] =	stream.indirect.gather @!p1 [hbm4b:s1+s20], $0x20, s22, s20, $0xb8;
	[tilespmem:$0x1D300] =	vst v63  }
0x118: {  	s22 =	simm.s32 @!p1 $0x1B300  }
0x119: {  	s22 =	simm.s32 @p1 $0x1C300  }
0x11a: {  	[spmem:s21] =	stream.indirect.scatter.add.f32 [tilespmem:s22], [sflag:$0x7], $0x20, s10, s8, $0xb8;
	[tilespmem:$0x1D300] =	vst v63  }
0x11b: {  	_ =	swait.ge [sflag:s12], $0x1000  }
0x11c: {  	[sflag:s12] =	ssyncset.done $0x0  }
0x11d: {  	s15 =	sadd.s32 $0x700, s15;
	s3 =	simm.s32 $0x19080;
	[sflag:s12] =	ssyncadd.s32 $0xFFFFF000  }
0x11e: {  	[tilespmem:s3], [sflag:$0x2] =	stream.linear.gather [hbm4b:s15+s2], $0x80, $0x38;
	[tilespmem:$0x1D300] =	vst v63  }
0x11f: {  	s26 =	sadd.s32 $0x700, s26  }
0x120: {  	[tilespmem:s6], [sflag:$0x2] =	stream.linear.gather [hbm4b:s26+s2], $0x80, $0x38;
	[tilespmem:$0x1D300] =	vst v63  }
0x121: {  	_ =	swait.ge @p1 [sflag:s25], $0x100  }
0x122: {  	[sflag:s25] =	ssyncset.done @p1 $0x0  }
0x123: {  	[sflag:s25] =	ssyncadd.s32 @p1 $0xFFFFFF00  }
0x124: {  	_ =	swait.ge @!p1 [sflag:s24], $0x1000  }
0x125: {  	[sflag:s24] =	ssyncset.done @!p1 $0x0  }
0x126: {  	[sflag:s24] =	ssyncadd.s32 @!p1 $0xFFFFF000  }
0x127: {  	_ =	swait.ge @!p1 [sflag:s28], $0x100  }
0x128: {  	[sflag:s28] =	ssyncset.done @!p1 $0x0  }
0x129: {  	[sflag:s28] =	ssyncadd.s32 @!p1 $0xFFFFFF00  }
0x12a: {  	v2 =	vld @!p1 [tilespmem:$0x190D0]  }
0x12b: {  	v1 =	vld @!p1 [tilespmem:$0x19080]  }
0x12c: {  	v3 =	vld @!p1 [tilespmem:$0x190F0]  }
0x12d: {  	v5 =	vld @!p1 [tilespmem:$0x190B0]  }
0x12e: {  	v7 =	vld @!p1 [tilespmem:$0x190C0]  }
0x12f: {  	v6 =	vld @!p1 [tilespmem:$0x190E0];
	v2 =	vadd.s32 @!p1 v0, v2  }
0x130: {  	v4 =	vld @!p1 [tilespmem:$0x190A0];
	v1 =	vadd.s32 @!p1 v0, v1;
	[tilespmem:$0x190D0] =	vst @!p1 v2  }
0x131: {  	v8 =	vld @!p1 [tilespmem:$0x19090];
	[tilespmem:$0x19080] =	vst @!p1 v1;
	v1 =	vadd.s32 @!p1 v0, v3  }
0x132: {  	v2 =	vadd.s32 @!p1 v0, v5;
	[tilespmem:$0x190F0] =	vst @!p1 v1  }
0x133: {  	v3 =	vadd.s32 @!p1 v0, v7;
	[tilespmem:$0x190B0] =	vst @!p1 v2  }
0x134: {  	v2 =	vadd.s32 @!p1 v0, v6;
	[tilespmem:$0x190C0] =	vst @!p1 v3  }
0x135: {  	v1 =	vadd.s32 @!p1 v0, v4;
	[tilespmem:$0x190E0] =	vst @!p1 v2  }
0x136: {  	v2 =	vadd.s32 @!p1 v0, v8;
	[tilespmem:$0x190A0] =	vst @!p1 v1  }
0x137: {  	[tilespmem:$0x19090] =	vst @!p1 v2  }
0x138: {  	[tilespmem:s31], [sflag:$0x4] =	stream.indirect.gather @!p1 [hbm4b:s1+s20], $0x20, s4, s20, $0xb8;
	[tilespmem:$0x1D300] =	vst v63  }
0x139: {  	_ = 	snop  }
0x13a: {  	[spmem:s21] =	stream.indirect.scatter.add.f32 [tilespmem:s7], [sflag:$0x5], $0x20, s29, s8, $0xb8;
	[tilespmem:$0x1D300] =	vst v63  }
0x13b: {  	s9 =	smov.u32 s30;
	_ =	swait.ge [sflag:s13], $0x1000  }
0x13c: {  	s15 =	sadd.s32 s9, s23;
	[sflag:s13] =	ssyncset.done $0x0  }
0x13d: {  	s23 =	sadd.s32 $0x500, s15;
	s26 =	sadd.s32 s9, s19;
	[sflag:s13] =	ssyncadd.s32 $0xFFFFF000  }
0x13e: {  	[tilespmem:s0], [sflag:$0x3] =	stream.linear.gather [hbm4b:s23+s2], $0x80, $0x38;
	[tilespmem:$0x1D300] =	vst v63  }
0x13f: {  	s9 =	sadd.s32 $0x500, s26  }
0x140: {  	[tilespmem:s10], [sflag:$0x3] =	stream.linear.gather [hbm4b:s9+s2], $0x80, $0x38;
	[tilespmem:$0x1D300] =	vst v63  }
0x141: {  	s23 =	rddreg [dreg:$0x6];
	_ =	swait.ge @p1 [sflag:s16], $0x100  }
0x142: {  	[sflag:s16] =	ssyncset.done @p1 $0x0  }
0x143: {  	[sflag:s16] =	ssyncadd.s32 @p1 $0xFFFFFF00  }
0x144: {  	_ =	swait.ge @!p1 [sflag:s24], $0x1000  }
0x145: {  	s30 =	sadd.s32 $0x300, s30;
	[sflag:s24] =	ssyncset.done @!p1 $0x0  }
0x146: {  	p2 =	sne.s32 s30, $0x12000;
	[sflag:s24] =	ssyncadd.s32 @!p1 $0xFFFFF000  }
.Ltmp3:
0x147: {  	_ =	swait.ge @!p1 [sflag:s17], $0x100;
	(pc) =	sbr.rel @p2 .LBB2_9-.Ltmp3, $4  }
0x148: {  	[sflag:s17] =	ssyncset.done @!p1 $0x0  }
0x149: {  	[sflag:s17] =	ssyncadd.s32 @!p1 $0xFFFFFF00  }
0x14a: {  	v2 =	vld @!p1 [tilespmem:$0x19100]  }
0x14b: {  	v1 =	vld @!p1 [tilespmem:$0x19110]  }
0x14c: {  	v3 =	vld @!p1 [tilespmem:$0x19170]  }
0x14d: {  	v4 =	vld @!p1 [tilespmem:$0x19130]  }
0x14e: {  	v5 =	vld @!p1 [tilespmem:$0x19140]  }
0x14f: {  	v6 =	vld @!p1 [tilespmem:$0x19150];
	v2 =	vadd.s32 @!p1 v0, v2  }
0x150: {  	[tilespmem:$0x19100] =	vst @!p1 v2;
	v1 =	vadd.s32 @!p1 v0, v1;
	v2 =	vld @!p1 [tilespmem:$0x19120]  }
0x151: {  	[tilespmem:$0x19110] =	vst @!p1 v1;
	v1 =	vld @!p1 [tilespmem:$0x19160];
	v3 =	vadd.s32 @!p1 v0, v3  }
0x152: {  	v4 =	vadd.s32 @!p1 v0, v4;
	[tilespmem:$0x19170] =	vst @!p1 v3  }
0x153: {  	[tilespmem:$0x19130] =	vst @!p1 v4;
	v3 =	vadd.s32 @!p1 v0, v5  }
0x154: {  	[tilespmem:$0x19140] =	vst @!p1 v3;
	v3 =	vadd.s32 @!p1 v0, v6  }
0x155: {  	[tilespmem:$0x19150] =	vst @!p1 v3;
	v2 =	vadd.s32 @!p1 v0, v2  }
0x156: {  	[tilespmem:$0x19120] =	vst @!p1 v2;
	v1 =	vadd.s32 @!p1 v0, v1  }
0x157: {  	s3 =	simm.s32 @!p1 $0x19100;
	s0 =	simm.s32 @!p1 $0x1B300;
	[tilespmem:$0x19160] =	vst @!p1 v1  }
0x158: {  	[tilespmem:s0], [sflag:$0x4] =	stream.indirect.gather @!p1 [hbm4b:s1+s20], $0x20, s3, s20, $0xb8;
	[tilespmem:$0x1D300] =	vst v63  }
0x159: {  	_ = 	snop  }
0x15a: {  	[spmem:s21] =	stream.indirect.scatter.add.f32 [tilespmem:s5], [sflag:$0x6], $0x20, s6, s8, $0xb8;
	[tilespmem:$0x1D300] =	vst v63  }
0x15b: {  	_ =	swait.ge [sflag:s11], $0x1000  }
0x15c: {  	[sflag:s11] =	ssyncset.done $0x0  }
0x15d: {  	s19 =	sadd.s32 $0x600, s15;
	s23 =	simm.s32 $0x19000;
	[sflag:s11] =	ssyncadd.s32 $0xFFFFF000  }
0x15e: {  	[tilespmem:s23], [sflag:$0x1] =	stream.linear.gather [hbm4b:s19+s2], $0x80, $0x38;
	[tilespmem:$0x1D300] =	vst v63  }
0x15f: {  	s25 =	sadd.s32 $0x600, s26  }
0x160: {  	[tilespmem:s29], [sflag:$0x1] =	stream.linear.gather [hbm4b:s25+s2], $0x80, $0x38;
	[tilespmem:$0x1D300] =	vst v63  }
0x161: {  	_ =	swait.ge @p1 [sflag:s18], $0x100  }
0x162: {  	[sflag:s18] =	ssyncset.done @p1 $0x0  }
0x163: {  	[sflag:s18] =	ssyncadd.s32 @p1 $0xFFFFFF00  }
0x164: {  	_ =	swait.ge @!p1 [sflag:s24], $0x1000  }
0x165: {  	[sflag:s24] =	ssyncset.done @!p1 $0x0  }
0x166: {  	[sflag:s24] =	ssyncadd.s32 @!p1 $0xFFFFF000  }
0x167: {  	_ =	swait.ge @!p1 [sflag:s14], $0x100  }
0x168: {  	[sflag:s14] =	ssyncset.done @!p1 $0x0  }
0x169: {  	[sflag:s14] =	ssyncadd.s32 @!p1 $0xFFFFFF00  }
0x16a: {  	v1 =	vld @!p1 [tilespmem:$0x19000]  }
0x16b: {  	v2 =	vld @!p1 [tilespmem:$0x19010]  }
0x16c: {  	v3 =	vld @!p1 [tilespmem:$0x19020]  }
0x16d: {  	v4 =	vld @!p1 [tilespmem:$0x19030]  }
0x16e: {  	v5 =	vld @!p1 [tilespmem:$0x19040]  }
0x16f: {  	v6 =	vld @!p1 [tilespmem:$0x19070];
	v1 =	vadd.s32 @!p1 v0, v1  }
0x170: {  	[tilespmem:$0x19000] =	vst @!p1 v1;
	v1 =	vadd.s32 @!p1 v0, v2;
	v2 =	vld @!p1 [tilespmem:$0x19060]  }
0x171: {  	[tilespmem:$0x19010] =	vst @!p1 v1;
	v1 =	vadd.s32 @!p1 v0, v3;
	v3 =	vld @!p1 [tilespmem:$0x19050]  }
0x172: {  	[tilespmem:$0x19020] =	vst @!p1 v1;
	v1 =	vadd.s32 @!p1 v0, v4  }
0x173: {  	[tilespmem:$0x19030] =	vst @!p1 v1;
	v1 =	vadd.s32 @!p1 v0, v5  }
0x174: {  	[tilespmem:$0x19040] =	vst @!p1 v1;
	v1 =	vadd.s32 @!p1 v0, v6  }
0x175: {  	v2 =	vadd.s32 @!p1 v0, v2;
	[tilespmem:$0x19070] =	vst @!p1 v1  }
0x176: {  	v1 =	vadd.s32 @!p1 v0, v3;
	[tilespmem:$0x19060] =	vst @!p1 v2  }
0x177: {  	s0 =	simm.s32 @!p1 $0x19000;
	s3 =	simm.s32 @!p1 $0x19300;
	[tilespmem:$0x19050] =	vst @!p1 v1  }
0x178: {  	[tilespmem:s3], [sflag:$0x4] =	stream.indirect.gather @!p1 [hbm4b:s1+s20], $0x20, s0, s20, $0xb8;
	[tilespmem:$0x1D300] =	vst v63  }
0x179: {  	_ = 	snop  }
0x17a: {  	[spmem:s21] =	stream.indirect.scatter.add.f32 [tilespmem:s22], [sflag:$0x7], $0x20, s10, s8, $0xb8;
	[tilespmem:$0x1D300] =	vst v63  }
0x17b: {  	_ =	swait.ge [sflag:s12], $0x1000  }
0x17c: {  	[sflag:s12] =	ssyncset.done $0x0  }
0x17d: {  	s28 =	sadd.s32 $0x700, s15;
	s30 =	simm.s32 $0x19080;
	[sflag:s12] =	ssyncadd.s32 $0xFFFFF000  }
0x17e: {  	[tilespmem:s30], [sflag:$0x2] =	stream.linear.gather [hbm4b:s28+s2], $0x80, $0x38;
	[tilespmem:$0x1D300] =	vst v63  }
0x17f: {  	s31 =	sadd.s32 $0x700, s26;
	s3 =	simm.s32 @p1 $0x2  }
0x180: {  	[tilespmem:s6], [sflag:$0x2] =	stream.linear.gather [hbm4b:s31+s2], $0x80, $0x38;
	[tilespmem:$0x1D300] =	vst v63  }
0x181: {  	_ =	swait.ge @p1 [sflag:s3], $0x100  }
0x182: {  	s4 =	simm.s32 @p1 $0x19180;
	[sflag:s3] =	ssyncset.done @p1 $0x0  }
0x183: {  	s5 =	simm.s32 @p1 $0x1C300;
	[sflag:s3] =	ssyncadd.s32 @p1 $0xFFFFFF00;
	s3 =	simm.s32 @p1 $0x80  }
0x184: {  	[spmem:s21] =	stream.indirect.scatter.add.f32 @p1 [tilespmem:s5], [sflag:$0x5], $0x20, s4, s3, $0xb8;
	[tilespmem:$0x1D300] =	vst v63  }
0x185: {  	s3 =	simm.s32 @!p1 $0x4  }
0x186: {  	_ =	swait.ge @!p1 [sflag:s3], $0x1000  }
0x187: {  	[sflag:s3] =	ssyncset.done @!p1 $0x0  }
0x188: {  	s4 =	simm.s32 @!p1 $0x2;
	[sflag:s3] =	ssyncadd.s32 @!p1 $0xFFFFF000  }
0x189: {  	_ =	swait.ge @!p1 [sflag:s4], $0x100  }
0x18a: {  	[sflag:s4] =	ssyncset.done @!p1 $0x0  }
0x18b: {  	[sflag:s4] =	ssyncadd.s32 @!p1 $0xFFFFFF00  }
0x18c: {  	v1 =	vld @!p1 [tilespmem:$0x19080]  }
0x18d: {  	v2 =	vld @!p1 [tilespmem:$0x19090]  }
0x18e: {  	v3 =	vld @!p1 [tilespmem:$0x190A0]  }
0x18f: {  	v4 =	vld @!p1 [tilespmem:$0x190B0]  }
0x190: {  	v5 =	vld @!p1 [tilespmem:$0x190C0]  }
0x191: {  	v6 =	vld @!p1 [tilespmem:$0x190D0];
	v1 =	vadd.s32 @!p1 v0, v1  }
0x192: {  	[tilespmem:$0x19080] =	vst @!p1 v1;
	v1 =	vadd.s32 @!p1 v0, v2;
	v2 =	vld @!p1 [tilespmem:$0x190E0]  }
0x193: {  	[tilespmem:$0x19090] =	vst @!p1 v1;
	v1 =	vadd.s32 @!p1 v0, v3;
	v3 =	vld @!p1 [tilespmem:$0x190F0]  }
0x194: {  	[tilespmem:$0x190A0] =	vst @!p1 v1;
	v1 =	vadd.s32 @!p1 v0, v4  }
0x195: {  	[tilespmem:$0x190B0] =	vst @!p1 v1;
	v1 =	vadd.s32 @!p1 v0, v5  }
0x196: {  	[tilespmem:$0x190C0] =	vst @!p1 v1;
	v1 =	vadd.s32 @!p1 v0, v6  }
0x197: {  	[tilespmem:$0x190D0] =	vst @!p1 v1;
	v1 =	vadd.s32 @!p1 v0, v2  }
0x198: {  	[tilespmem:$0x190E0] =	vst @!p1 v1;
	v0 =	vadd.s32 @!p1 v0, v3  }
0x199: {  	s7 =	simm.s32 @!p1 $0x1A300;
	s5 =	simm.s32 @!p1 $0x19080;
	s4 =	simm.s32 @!p1 $0x80;
	[tilespmem:$0x190F0] =	vst @!p1 v0  }
0x19a: {  	[tilespmem:s7], [sflag:$0x4] =	stream.indirect.gather @!p1 [hbm4b:s1+s4], $0x20, s5, s4, $0xb8;
	[tilespmem:$0x1D300] =	vst v63  }
0x19b: {  	s9 =	simm.s32 @!p1 $0x19300;
	s5 =	simm.s32 @!p1 $0x19180  }
0x19c: {  	[spmem:s21] =	stream.indirect.scatter.add.f32 @!p1 [tilespmem:s9], [sflag:$0x5], $0x20, s5, s4, $0xb8;
	[tilespmem:$0x1D300] =	vst v63  }
0x19d: {  	s4 =	simm.s32 @!p1 $0x7  }
0x19e: {  	_ =	swait.ge @!p1 [sflag:s4], $0x1000  }
0x19f: {  	[sflag:s4] =	ssyncset.done @!p1 $0x0  }
0x1a0: {  	s3 =	simm.s32 @p1 $0x7;
	[sflag:s4] =	ssyncadd.s32 @!p1 $0xFFFFF000  }
0x1a1: {  	_ =	swait.ge [sflag:s3], $0x1000  }
0x1a2: {  	[sflag:s3] =	ssyncset.done $0x0  }
0x1a3: {  	s7 =	simm.s32 @p1 $0x1C300;
	[sflag:s3] =	ssyncadd.s32 $0xFFFFF000  }
0x1a4: {  	[spmem:s21] =	stream.indirect.scatter.add.f32 [tilespmem:s7], [sflag:$0x6], $0x20, s6, s8, $0xb8;
	[tilespmem:$0x1D300] =	vst v63  }
0x1a5: {  	_ =	swait.ge [sflag:s11], $0x1000  }
0x1a6: {  	[sflag:s11] =	ssyncset.done $0x0  }
0x1a7: {  	[sflag:s11] =	ssyncadd.s32 $0xFFFFF000  }
.Ltmp4:
0x1a8: {  	_ =	swait.ge [sflag:s12], $0x1000;
	(pc) =	sbr.rel @p1 .LBB2_11-.Ltmp4, $4  }
0x1a9: {  	[sflag:s12] =	ssyncset.done $0x0  }
0x1aa: {  	[sflag:s12] =	ssyncadd.s32 $0xFFFFF000  }
0x1ab: {  	[bflag:$0x0] =	sbarrier.arrive $0xFFFF  }
0x1ac: {  	s15 =	simm.s32 $0x19000;
	s5 =	simm.s32 $0x19080  }
0x1ad: {  	s9 =	sld [smem:$0x7F6];
	_ =	sdelay $0x1  }
0x1ae: {  	s0 =	sld [smem:$0x7FD]  }
0x1af: {  	s3 =	smul.u32 $0xC800, s9  }
0x1b0: {  	s31 =	sld [smem:$0x7FA]  }
0x1b1: {  	s4 =	sld [smem:$0x7F5];
	s3 =	sadd.s32 s0, s3  }
0x1b2: {  	s28 =	rddreg [dreg:$0x1c];
	s3 =	sshll.u32 s3, $0x2  }
0x1b3: {  	s3 =	sadd.s32 s28, s3  }
0x1b4: {  	[hbm:s3], [sflag:s31] =	dma.local [spmem:s4], $0x3200  }
0x1b5: {  	s4 =	simm.s32 $0x8  }
.Ltmp5:
0x1b6: {  	_ =	swait.ge [sflag:s4], $0x3200;
	(pc) =	sbr.rel .LBB2_8-.Ltmp5, $4  }
0x1b7: {  	[sflag:s4] =	ssyncset.done $0x0  }
0x1b8: {  	[sflag:s4] =	ssyncadd.s32 $0xFFFFCE00  }
0x1b9: {  	s14 =	simm.s32 $0x19100;
	[bflag:$0x0] =	sbarrier.arrive $0xFFFF  }
0x1ba: {  	s9 =	sadd.s32 $0x1, s9;
	s3 =	smov.u32 s31;
	s30 =	rddreg [dreg:$0x10]  }
.LBB2_2:
0x1bb: {  	s0 =	rddreg [dreg:$0x1f]  }
0x1bc: {  	s16 =	sld [smem:$0x7FB]  }
0x1bd: {  	s1 =	sshrl.u32 s0, $0x3  }
0x1be: {  	[smem:$0x7F7] =	sst s1  }
0x1bf: {  	[spmem:s1], [sflag:s3] =	dma.local [hbm:s16], $0x3200  }
0x1c0: {  	_ =	swait.ge [sflag:s4], $0x3200  }
0x1c1: {  	[sflag:s4] =	ssyncset.done $0x0  }
0x1c2: {  	[sflag:s4] =	ssyncadd.s32 $0xFFFFCE00  }
0x1c3: {  	[bflag:$0x0] =	sbarrier.arrive $0xFFFF  }
0x1c4: {  	[tilespmem:s15], [sflag:$0x1] =	stream.linear.gather [hbm4b:s23+s2], $0x80, $0x38;
	[tilespmem:$0x1D300] =	vst v63  }
0x1c5: {  	_ = 	snop  }
0x1c6: {  	[tilespmem:s29], [sflag:$0x1] =	stream.linear.gather [hbm4b:s19+s2], $0x80, $0x38;
	[tilespmem:$0x1D300] =	vst v63  }
0x1c7: {  	s17 =	rddreg [dreg:$0x8]  }
0x1c8: {  	[tilespmem:s5], [sflag:$0x2] =	stream.linear.gather [hbm4b:s17+s2], $0x80, $0x38;
	[tilespmem:$0x1D300] =	vst v63  }
0x1c9: {  	s20 =	simm.s32 $0x1;
	s18 =	rddreg [dreg:$0x9]  }
0x1ca: {  	[tilespmem:s6], [sflag:$0x2] =	stream.linear.gather [hbm4b:s18+s2], $0x80, $0x38;
	[tilespmem:$0x1D300] =	vst v63  }
0x1cb: {  	_ =	swait.ge [sflag:s20], $0x100  }
0x1cc: {  	p1 =	seq.s32 s7, $0x4;
	[sflag:s20] =	ssyncset.done $0x0  }
0x1cd: {  	s25 =	simm.s32 @p1 $0x2;
	[sflag:s20] =	ssyncadd.s32 $0xFFFFFF00  }
0x1ce: {  	_ =	swait.ge @p1 [sflag:s25], $0x100  }
0x1cf: {  	[sflag:s25] =	ssyncset.done @p1 $0x0  }
0x1d0: {  	[sflag:s25] =	ssyncadd.s32 @p1 $0xFFFFFF00  }
0x1d1: {  	v0 =	vld @!p1 [tilespmem:$0x19000]  }
0x1d2: {  	v1 =	vld @!p1 [tilespmem:$0x19010]  }
0x1d3: {  	v2 =	vld @!p1 [tilespmem:$0x19020]  }
0x1d4: {  	s9 =	smul.u32 $0xC350, s7;
	v3 =	vld @!p1 [tilespmem:$0x19030]  }
0x1d5: {  	v4 =	vld @!p1 [tilespmem:$0x19040]  }
0x1d6: {  	v5 =	vld @!p1 [tilespmem:$0x19050];
	v0 =	vadd.s32 @!p1 s9, v0  }
0x1d7: {  	[tilespmem:$0x19000] =	vst @!p1 v0;
	v0 =	vadd.s32 @!p1 s9, v1;
	v1 =	vld @!p1 [tilespmem:$0x19060]  }
0x1d8: {  	[tilespmem:$0x19010] =	vst @!p1 v0;
	v0 =	vadd.s32 @!p1 s9, v2;
	v2 =	vld @!p1 [tilespmem:$0x19070]  }
0x1d9: {  	[tilespmem:$0x19020] =	vst @!p1 v0;
	v0 =	vadd.s32 @!p1 s9, v3  }
0x1da: {  	[tilespmem:$0x19030] =	vst @!p1 v0;
	v0 =	vadd.s32 @!p1 s9, v4  }
0x1db: {  	[tilespmem:$0x19040] =	vst @!p1 v0;
	v0 =	vadd.s32 @!p1 s9, v5  }
0x1dc: {  	[tilespmem:$0x19050] =	vst @!p1 v0;
	v0 =	vadd.s32 @!p1 s9, v1  }
0x1dd: {  	s30 =	simm.s32 @!p1 $0x19000;
	s26 =	simm.s32 @!p1 $0x19300;
	[smem:$0x7F8] =	sst s7;
	[tilespmem:$0x19060] =	vst @!p1 v0;
	v0 =	vadd.s32 @!p1 s9, v2  }
0x1de: {  	s24 =	simm.s32 @!p1 $0x4;
	s20 =	simm.s32 @!p1 $0x80;
	s0 =	rddreg [dreg:$0x0];
	[tilespmem:$0x19070] =	vst @!p1 v0  }
0x1df: {  	[tilespmem:s26], [sflag:$0x4] =	stream.indirect.gather @!p1 [hbm4b:s0+s20], $0x20, s30, s20, $0xb8;
	[tilespmem:$0x1D300] =	vst v63  }
0x1e0: {  	_ =	swait.ge @!p1 [sflag:s24], $0x1000  }
0x1e1: {  	[sflag:s24] =	ssyncset.done @!p1 $0x0  }
0x1e2: {  	s28 =	simm.s32 @!p1 $0x2;
	[sflag:s24] =	ssyncadd.s32 @!p1 $0xFFFFF000  }
0x1e3: {  	_ =	swait.ge @!p1 [sflag:s28], $0x100  }
0x1e4: {  	[sflag:s28] =	ssyncset.done @!p1 $0x0  }
0x1e5: {  	[sflag:s28] =	ssyncadd.s32 @!p1 $0xFFFFFF00  }
0x1e6: {  	v0 =	vld @!p1 [tilespmem:$0x19080]  }
0x1e7: {  	v1 =	vld @!p1 [tilespmem:$0x19090]  }
0x1e8: {  	v2 =	vld @!p1 [tilespmem:$0x190A0]  }
0x1e9: {  	v3 =	vld @!p1 [tilespmem:$0x190B0]  }
0x1ea: {  	v4 =	vld @!p1 [tilespmem:$0x190C0]  }
0x1eb: {  	v5 =	vld @!p1 [tilespmem:$0x190D0];
	v0 =	vadd.s32 @!p1 s9, v0  }
0x1ec: {  	[tilespmem:$0x19080] =	vst @!p1 v0;
	v0 =	vadd.s32 @!p1 s9, v1;
	v1 =	vld @!p1 [tilespmem:$0x190E0]  }
0x1ed: {  	[tilespmem:$0x19090] =	vst @!p1 v0;
	v0 =	vadd.s32 @!p1 s9, v2;
	v2 =	vld @!p1 [tilespmem:$0x190F0]  }
0x1ee: {  	[tilespmem:$0x190A0] =	vst @!p1 v0;
	v0 =	vadd.s32 @!p1 s9, v3  }
0x1ef: {  	[tilespmem:$0x190B0] =	vst @!p1 v0;
	v0 =	vadd.s32 @!p1 s9, v4  }
0x1f0: {  	[tilespmem:$0x190C0] =	vst @!p1 v0;
	v0 =	vadd.s32 @!p1 s9, v5  }
0x1f1: {  	[tilespmem:$0x190D0] =	vst @!p1 v0;
	v0 =	vadd.s32 @!p1 s9, v1  }
0x1f2: {  	[tilespmem:$0x190E0] =	vst @!p1 v0;
	v0 =	vadd.s32 @!p1 s9, v2  }
0x1f3: {  	s1 =	simm.s32 @!p1 $0x19080;
	s4 =	simm.s32 @!p1 $0x1A300;
	s7 =	simm.s32 @!p1 $0x19300;
	[tilespmem:$0x190F0] =	vst @!p1 v0  }
0x1f4: {  	[tilespmem:s4], [sflag:$0x4] =	stream.indirect.gather @!p1 [hbm4b:s0+s20], $0x20, s1, s20, $0xb8;
	[tilespmem:$0x1D300] =	vst v63  }
0x1f5: {  	s7 =	simm.s32 @p1 $0x1C300  }
0x1f6: {  	[spmem:s21] =	stream.indirect.scatter.add.f32 [tilespmem:s7], [sflag:$0x5], $0x20, s29, s8, $0xb8;
	[tilespmem:$0x1D300] =	vst v63  }
0x1f7: {  	s15 =	rddreg [dreg:$0xa]  }
0x1f8: {  	[tilespmem:s14], [sflag:$0x3] =	stream.linear.gather [hbm4b:s15+s2], $0x80, $0x38;
	[tilespmem:$0x1D300] =	vst v63  }
0x1f9: {  	s16 =	rddreg [dreg:$0xb]  }
0x1fa: {  	[tilespmem:s10], [sflag:$0x3] =	stream.linear.gather [hbm4b:s16+s2], $0x80, $0x38;
	[tilespmem:$0x1D300] =	vst v63  }
0x1fb: {  	s16 =	simm.s32 @p1 $0x3  }
0x1fc: {  	_ =	swait.ge @p1 [sflag:s16], $0x100  }
0x1fd: {  	[sflag:s16] =	ssyncset.done @p1 $0x0  }
0x1fe: {  	[sflag:s16] =	ssyncadd.s32 @p1 $0xFFFFFF00  }
0x1ff: {  	_ =	swait.ge @!p1 [sflag:s24], $0x1000  }
0x200: {  	[sflag:s24] =	ssyncset.done @!p1 $0x0  }
0x201: {  	s18 =	simm.s32 @!p1 $0x3;
	[sflag:s24] =	ssyncadd.s32 @!p1 $0xFFFFF000  }
0x202: {  	_ =	swait.ge @!p1 [sflag:s18], $0x100  }
0x203: {  	[sflag:s18] =	ssyncset.done @!p1 $0x0  }
0x204: {  	[sflag:s18] =	ssyncadd.s32 @!p1 $0xFFFFFF00  }
0x205: {  	v0 =	vld @!p1 [tilespmem:$0x19100]  }
0x206: {  	v1 =	vld @!p1 [tilespmem:$0x19110]  }
0x207: {  	v2 =	vld @!p1 [tilespmem:$0x19120]  }
0x208: {  	v3 =	vld @!p1 [tilespmem:$0x19130]  }
0x209: {  	v4 =	vld @!p1 [tilespmem:$0x19140]  }
0x20a: {  	v5 =	vld @!p1 [tilespmem:$0x19150];
	v0 =	vadd.s32 @!p1 s9, v0  }
0x20b: {  	[tilespmem:$0x19100] =	vst @!p1 v0;
	v0 =	vadd.s32 @!p1 s9, v1;
	v1 =	vld @!p1 [tilespmem:$0x19160]  }
0x20c: {  	[tilespmem:$0x19110] =	vst @!p1 v0;
	v0 =	vadd.s32 @!p1 s9, v2;
	v2 =	vld @!p1 [tilespmem:$0x19170]  }
0x20d: {  	[tilespmem:$0x19120] =	vst @!p1 v0;
	v0 =	vadd.s32 @!p1 s9, v3  }
0x20e: {  	[tilespmem:$0x19130] =	vst @!p1 v0;
	v0 =	vadd.s32 @!p1 s9, v4  }
0x20f: {  	[tilespmem:$0x19140] =	vst @!p1 v0;
	v0 =	vadd.s32 @!p1 s9, v5  }
0x210: {  	[tilespmem:$0x19150] =	vst @!p1 v0;
	v0 =	vadd.s32 @!p1 s9, v1  }
0x211: {  	[tilespmem:$0x19160] =	vst @!p1 v0;
	v0 =	vadd.s32 @!p1 s9, v2  }
0x212: {  	s5 =	simm.s32 @!p1 $0x1A300;
	s1 =	simm.s32 @!p1 $0x19100;
	s4 =	simm.s32 @!p1 $0x1B300;
	[tilespmem:$0x19170] =	vst @!p1 v0  }
0x213: {  	[tilespmem:s4], [sflag:$0x4] =	stream.indirect.gather @!p1 [hbm4b:s0+s20], $0x20, s1, s20, $0xb8;
	[tilespmem:$0x1D300] =	vst v63  }
0x214: {  	s5 =	simm.s32 @p1 $0x1C300  }
0x215: {  	[spmem:s21] =	stream.indirect.scatter.add.f32 [tilespmem:s5], [sflag:$0x6], $0x20, s6, s8, $0xb8;
	[tilespmem:$0x1D300] =	vst v63  }
0x216: {  	_ =	swait.ge [sflag:s11], $0x1000  }
0x217: {  	[sflag:s11] =	ssyncset.done $0x0  }
0x218: {  	s22 =	simm.s32 $0x19000;
	s17 =	rddreg [dreg:$0xc];
	[sflag:s11] =	ssyncadd.s32 $0xFFFFF000  }
0x219: {  	[tilespmem:s22], [sflag:$0x1] =	stream.linear.gather [hbm4b:s17+s2], $0x80, $0x38;
	[tilespmem:$0x1D300] =	vst v63  }
0x21a: {  	s22 =	rddreg [dreg:$0xd];
	s17 =	simm.s32 @p1 $0x1  }
0x21b: {  	[tilespmem:s29], [sflag:$0x1] =	stream.linear.gather [hbm4b:s22+s2], $0x80, $0x38;
	[tilespmem:$0x1D300] =	vst v63  }
0x21c: {  	_ =	swait.ge @p1 [sflag:s17], $0x100  }
0x21d: {  	s14 =	simm.s32 @p1 $0x1C300;
	[sflag:s17] =	ssyncset.done @p1 $0x0  }
0x21e: {  	s15 =	simm.s32 @p1 $0x80;
	s22 =	simm.s32 @p1 $0x19280;
	[sflag:s17] =	ssyncadd.s32 @p1 $0xFFFFFF00  }
0x21f: {  	[spmem:s21] =	stream.indirect.scatter.add.f32 @p1 [tilespmem:s14], [sflag:$0x7], $0x20, s22, s15, $0xb8;
	[tilespmem:$0x1D300] =	vst v63  }
0x220: {  	_ =	swait.ge @!p1 [sflag:s24], $0x1000  }
0x221: {  	[sflag:s24] =	ssyncset.done @!p1 $0x0  }
0x222: {  	s14 =	simm.s32 @!p1 $0x1;
	[sflag:s24] =	ssyncadd.s32 @!p1 $0xFFFFF000  }
0x223: {  	_ =	swait.ge @!p1 [sflag:s14], $0x100  }
0x224: {  	[sflag:s14] =	ssyncset.done @!p1 $0x0  }
0x225: {  	[sflag:s14] =	ssyncadd.s32 @!p1 $0xFFFFFF00  }
0x226: {  	v0 =	vld @!p1 [tilespmem:$0x19000]  }
0x227: {  	v1 =	vld @!p1 [tilespmem:$0x19010]  }
0x228: {  	v2 =	vld @!p1 [tilespmem:$0x19020]  }
0x229: {  	v3 =	vld @!p1 [tilespmem:$0x19030]  }
0x22a: {  	v4 =	vld @!p1 [tilespmem:$0x19040]  }
0x22b: {  	v5 =	vld @!p1 [tilespmem:$0x19050];
	v0 =	vadd.s32 @!p1 s9, v0  }
0x22c: {  	[tilespmem:$0x19000] =	vst @!p1 v0;
	v0 =	vadd.s32 @!p1 s9, v1;
	v1 =	vld @!p1 [tilespmem:$0x19060]  }
0x22d: {  	[tilespmem:$0x19010] =	vst @!p1 v0;
	v0 =	vadd.s32 @!p1 s9, v2;
	v2 =	vld @!p1 [tilespmem:$0x19070]  }
0x22e: {  	[tilespmem:$0x19020] =	vst @!p1 v0;
	v0 =	vadd.s32 @!p1 s9, v3  }
0x22f: {  	[tilespmem:$0x19030] =	vst @!p1 v0;
	v0 =	vadd.s32 @!p1 s9, v4  }
0x230: {  	[tilespmem:$0x19040] =	vst @!p1 v0;
	v0 =	vadd.s32 @!p1 s9, v5  }
0x231: {  	[tilespmem:$0x19050] =	vst @!p1 v0;
	v0 =	vadd.s32 @!p1 s9, v1  }
0x232: {  	[tilespmem:$0x19060] =	vst @!p1 v0;
	v0 =	vadd.s32 @!p1 s9, v2  }
0x233: {  	[tilespmem:$0x19070] =	vst @!p1 v0  }
0x234: {  	[tilespmem:s26], [sflag:$0x4] =	stream.indirect.gather @!p1 [hbm4b:s0+s20], $0x20, s30, s20, $0xb8;
	[tilespmem:$0x1D300] =	vst v63  }
0x235: {  	s15 =	simm.s32 @!p1 $0x19280  }
0x236: {  	[spmem:s21] =	stream.indirect.scatter.add.f32 @!p1 [tilespmem:s4], [sflag:$0x7], $0x20, s15, s20, $0xb8;
	[tilespmem:$0x1D300] =	vst v63  }
0x237: {  	_ =	swait.ge [sflag:s12], $0x1000  }
0x238: {  	s1 =	simm.s32 $0x19080;
	[sflag:s12] =	ssyncset.done $0x0  }
0x239: {  	s4 =	simm.s32 $0x0;
	s22 =	rddreg [dreg:$0xe];
	[sflag:s12] =	ssyncadd.s32 $0xFFFFF000  }
0x23a: {  	[tilespmem:s1], [sflag:$0x2] =	stream.linear.gather [hbm4b:s22+s4], $0x80, $0x38;
	[tilespmem:$0x1D300] =	vst v63  }
0x23b: {  	s26 =	rddreg [dreg:$0xf]  }
0x23c: {  	[tilespmem:s6], [sflag:$0x2] =	stream.linear.gather [hbm4b:s26+s4], $0x80, $0x38;
	[tilespmem:$0x1D300] =	vst v63  }
0x23d: {  	_ =	swait.ge @p1 [sflag:s25], $0x100  }
0x23e: {  	[sflag:s25] =	ssyncset.done @p1 $0x0  }
0x23f: {  	[sflag:s25] =	ssyncadd.s32 @p1 $0xFFFFFF00  }
0x240: {  	_ =	swait.ge @!p1 [sflag:s24], $0x1000  }
0x241: {  	[sflag:s24] =	ssyncset.done @!p1 $0x0  }
0x242: {  	[sflag:s24] =	ssyncadd.s32 @!p1 $0xFFFFF000  }
0x243: {  	_ =	swait.ge @!p1 [sflag:s28], $0x100  }
0x244: {  	[sflag:s28] =	ssyncset.done @!p1 $0x0  }
0x245: {  	[sflag:s28] =	ssyncadd.s32 @!p1 $0xFFFFFF00  }
0x246: {  	v1 =	vld @!p1 [tilespmem:$0x190D0]  }
0x247: {  	v2 =	vld @!p1 [tilespmem:$0x19080]  }
0x248: {  	v3 =	vld @!p1 [tilespmem:$0x190F0]  }
0x249: {  	v4 =	vmov @!p1 s9;
	v0 =	vmov @p1 s9;
	v5 =	vld @!p1 [tilespmem:$0x190B0]  }
0x24a: {  	v0 =	vpsel p1, v0, v4;
	v4 =	vld @!p1 [tilespmem:$0x190E0]  }
0x24b: {  	v6 =	vld @!p1 [tilespmem:$0x190C0];
	v1 =	vadd.s32 @!p1 v0, v1  }
0x24c: {  	v7 =	vld @!p1 [tilespmem:$0x190A0];
	v2 =	vadd.s32 @!p1 v0, v2;
	[tilespmem:$0x190D0] =	vst @!p1 v1  }
0x24d: {  	v1 =	vld @!p1 [tilespmem:$0x19090];
	[tilespmem:$0x19080] =	vst @!p1 v2;
	v2 =	vadd.s32 @!p1 v0, v3  }
0x24e: {  	v3 =	vadd.s32 @!p1 v0, v5;
	[tilespmem:$0x190F0] =	vst @!p1 v2  }
0x24f: {  	[tilespmem:$0x190B0] =	vst @!p1 v3;
	v2 =	vadd.s32 @!p1 v0, v4  }
0x250: {  	v3 =	vadd.s32 @!p1 v0, v6;
	[tilespmem:$0x190E0] =	vst @!p1 v2  }
0x251: {  	v2 =	vadd.s32 @!p1 v0, v7;
	[tilespmem:$0x190C0] =	vst @!p1 v3  }
0x252: {  	[tilespmem:$0x190A0] =	vst @!p1 v2;
	v1 =	vadd.s32 @!p1 v0, v1  }
0x253: {  	s3 =	simm.s32 @!p1 $0x19080;
	s1 =	simm.s32 @!p1 $0x1A300;
	[tilespmem:$0x19090] =	vst @!p1 v1  }
0x254: {  	[tilespmem:s1], [sflag:$0x4] =	stream.indirect.gather @!p1 [hbm4b:s0+s20], $0x20, s3, s20, $0xb8;
	[tilespmem:$0x1D300] =	vst v63  }
0x255: {  	_ = 	snop  }
0x256: {  	[spmem:s21] =	stream.indirect.scatter.add.f32 [tilespmem:s7], [sflag:$0x5], $0x20, s29, s8, $0xb8;
	[tilespmem:$0x1D300] =	vst v63  }
0x257: {  	_ =	swait.ge [sflag:s13], $0x1000  }
0x258: {  	s15 =	sadd.s32 $0x0, s23;
	s22 =	simm.s32 $0x19100;
	[sflag:s13] =	ssyncset.done $0x0  }
0x259: {  	s26 =	sadd.s32 $0x0, s19;
	s3 =	sadd.s32 $0x500, s15;
	[sflag:s13] =	ssyncadd.s32 $0xFFFFF000  }
0x25a: {  	[tilespmem:s22], [sflag:$0x3] =	stream.linear.gather [hbm4b:s3+s2], $0x80, $0x38;
	[tilespmem:$0x1D300] =	vst v63  }
0x25b: {  	s22 =	sadd.s32 $0x500, s26  }
0x25c: {  	[tilespmem:s10], [sflag:$0x3] =	stream.linear.gather [hbm4b:s22+s2], $0x80, $0x38;
	[tilespmem:$0x1D300] =	vst v63  }
0x25d: {  	_ =	swait.ge @p1 [sflag:s16], $0x100  }
0x25e: {  	[sflag:s16] =	ssyncset.done @p1 $0x0  }
0x25f: {  	[sflag:s16] =	ssyncadd.s32 @p1 $0xFFFFFF00  }
0x260: {  	_ =	swait.ge @!p1 [sflag:s24], $0x1000  }
0x261: {  	[sflag:s24] =	ssyncset.done @!p1 $0x0  }
0x262: {  	[sflag:s24] =	ssyncadd.s32 @!p1 $0xFFFFF000  }
0x263: {  	_ =	swait.ge @!p1 [sflag:s18], $0x100  }
0x264: {  	[sflag:s18] =	ssyncset.done @!p1 $0x0  }
0x265: {  	[sflag:s18] =	ssyncadd.s32 @!p1 $0xFFFFFF00  }
0x266: {  	s31 =	simm.s32 @!p1 $0x1A300;
	s30 =	simm.s32 $0x300;
	v2 =	vld @!p1 [tilespmem:$0x19100]  }
0x267: {  	s4 =	simm.s32 @!p1 $0x19080;
	s1 =	smov.u32 s19;
	s19 =	simm.s32 $0x19100;
	v1 =	vld @!p1 [tilespmem:$0x19110]  }
.LBB2_3:
0x268: {  	v3 =	vld @!p1 [tilespmem:$0x19170]  }
0x269: {  	v4 =	vld @!p1 [tilespmem:$0x19130]  }
0x26a: {  	v5 =	vld @!p1 [tilespmem:$0x19140]  }
0x26b: {  	v6 =	vld @!p1 [tilespmem:$0x19150];
	v2 =	vadd.s32 @!p1 v0, v2  }
0x26c: {  	v1 =	vadd.s32 @!p1 v0, v1;
	[tilespmem:$0x19100] =	vst @!p1 v2;
	v2 =	vld @!p1 [tilespmem:$0x19120]  }
0x26d: {  	[tilespmem:$0x19110] =	vst @!p1 v1;
	v1 =	vld @!p1 [tilespmem:$0x19160];
	v3 =	vadd.s32 @!p1 v0, v3  }
0x26e: {  	v4 =	vadd.s32 @!p1 v0, v4;
	[tilespmem:$0x19170] =	vst @!p1 v3  }
0x26f: {  	[tilespmem:$0x19130] =	vst @!p1 v4;
	v3 =	vadd.s32 @!p1 v0, v5  }
0x270: {  	[tilespmem:$0x19140] =	vst @!p1 v3;
	v3 =	vadd.s32 @!p1 v0, v6  }
0x271: {  	[tilespmem:$0x19150] =	vst @!p1 v3;
	v2 =	vadd.s32 @!p1 v0, v2  }
0x272: {  	v1 =	vadd.s32 @!p1 v0, v1;
	[tilespmem:$0x19120] =	vst @!p1 v2  }
0x273: {  	s3 =	simm.s32 @!p1 $0x19100;
	s22 =	simm.s32 @!p1 $0x1B300;
	[tilespmem:$0x19160] =	vst @!p1 v1  }
0x274: {  	[tilespmem:s22], [sflag:$0x4] =	stream.indirect.gather @!p1 [hbm4b:s0+s20], $0x20, s3, s20, $0xb8;
	[tilespmem:$0x1D300] =	vst v63  }
0x275: {  	_ = 	snop  }
0x276: {  	[spmem:s21] =	stream.indirect.scatter.add.f32 [tilespmem:s5], [sflag:$0x6], $0x20, s6, s8, $0xb8;
	[tilespmem:$0x1D300] =	vst v63  }
0x277: {  	_ =	swait.ge [sflag:s11], $0x1000  }
0x278: {  	[sflag:s11] =	ssyncset.done $0x0  }
0x279: {  	s22 =	sadd.s32 $0x600, s15;
	s3 =	simm.s32 $0x19000;
	[sflag:s11] =	ssyncadd.s32 $0xFFFFF000  }
0x27a: {  	[tilespmem:s3], [sflag:$0x1] =	stream.linear.gather [hbm4b:s22+s2], $0x80, $0x38;
	[tilespmem:$0x1D300] =	vst v63  }
0x27b: {  	s3 =	sadd.s32 $0x600, s26  }
0x27c: {  	[tilespmem:s29], [sflag:$0x1] =	stream.linear.gather [hbm4b:s3+s2], $0x80, $0x38;
	[tilespmem:$0x1D300] =	vst v63  }
0x27d: {  	_ =	swait.ge @p1 [sflag:s17], $0x100  }
0x27e: {  	[sflag:s17] =	ssyncset.done @p1 $0x0  }
0x27f: {  	[sflag:s17] =	ssyncadd.s32 @p1 $0xFFFFFF00  }
0x280: {  	_ =	swait.ge @!p1 [sflag:s24], $0x1000  }
0x281: {  	[sflag:s24] =	ssyncset.done @!p1 $0x0  }
0x282: {  	[sflag:s24] =	ssyncadd.s32 @!p1 $0xFFFFF000  }
0x283: {  	_ =	swait.ge @!p1 [sflag:s14], $0x100  }
0x284: {  	[sflag:s14] =	ssyncset.done @!p1 $0x0  }
0x285: {  	[sflag:s14] =	ssyncadd.s32 @!p1 $0xFFFFFF00  }
0x286: {  	v1 =	vld @!p1 [tilespmem:$0x19000]  }
0x287: {  	v2 =	vld @!p1 [tilespmem:$0x19010]  }
0x288: {  	v3 =	vld @!p1 [tilespmem:$0x19020]  }
0x289: {  	v4 =	vld @!p1 [tilespmem:$0x19030]  }
0x28a: {  	v5 =	vld @!p1 [tilespmem:$0x19040]  }
0x28b: {  	v6 =	vld @!p1 [tilespmem:$0x19070];
	v1 =	vadd.s32 @!p1 v0, v1  }
0x28c: {  	[tilespmem:$0x19000] =	vst @!p1 v1;
	v1 =	vadd.s32 @!p1 v0, v2;
	v2 =	vld @!p1 [tilespmem:$0x19060]  }
0x28d: {  	[tilespmem:$0x19010] =	vst @!p1 v1;
	v1 =	vadd.s32 @!p1 v0, v3;
	v3 =	vld @!p1 [tilespmem:$0x19050]  }
0x28e: {  	[tilespmem:$0x19020] =	vst @!p1 v1;
	v1 =	vadd.s32 @!p1 v0, v4  }
0x28f: {  	[tilespmem:$0x19030] =	vst @!p1 v1;
	v1 =	vadd.s32 @!p1 v0, v5  }
0x290: {  	[tilespmem:$0x19040] =	vst @!p1 v1;
	v1 =	vadd.s32 @!p1 v0, v6  }
0x291: {  	v2 =	vadd.s32 @!p1 v0, v2;
	[tilespmem:$0x19070] =	vst @!p1 v1  }
0x292: {  	v1 =	vadd.s32 @!p1 v0, v3;
	[tilespmem:$0x19060] =	vst @!p1 v2  }
0x293: {  	s22 =	simm.s32 @!p1 $0x19300;
	s3 =	simm.s32 @!p1 $0x19000;
	[tilespmem:$0x19050] =	vst @!p1 v1  }
0x294: {  	[tilespmem:s22], [sflag:$0x4] =	stream.indirect.gather @!p1 [hbm4b:s0+s20], $0x20, s3, s20, $0xb8;
	[tilespmem:$0x1D300] =	vst v63  }
0x295: {  	s22 =	simm.s32 @!p1 $0x1B300  }
0x296: {  	s22 =	simm.s32 @p1 $0x1C300  }
0x297: {  	[spmem:s21] =	stream.indirect.scatter.add.f32 [tilespmem:s22], [sflag:$0x7], $0x20, s10, s8, $0xb8;
	[tilespmem:$0x1D300] =	vst v63  }
0x298: {  	_ =	swait.ge [sflag:s12], $0x1000  }
0x299: {  	[sflag:s12] =	ssyncset.done $0x0  }
0x29a: {  	s15 =	sadd.s32 $0x700, s15;
	s3 =	simm.s32 $0x19080;
	[sflag:s12] =	ssyncadd.s32 $0xFFFFF000  }
0x29b: {  	[tilespmem:s3], [sflag:$0x2] =	stream.linear.gather [hbm4b:s15+s2], $0x80, $0x38;
	[tilespmem:$0x1D300] =	vst v63  }
0x29c: {  	s26 =	sadd.s32 $0x700, s26  }
0x29d: {  	[tilespmem:s6], [sflag:$0x2] =	stream.linear.gather [hbm4b:s26+s2], $0x80, $0x38;
	[tilespmem:$0x1D300] =	vst v63  }
0x29e: {  	_ =	swait.ge @p1 [sflag:s25], $0x100  }
0x29f: {  	[sflag:s25] =	ssyncset.done @p1 $0x0  }
0x2a0: {  	[sflag:s25] =	ssyncadd.s32 @p1 $0xFFFFFF00  }
0x2a1: {  	_ =	swait.ge @!p1 [sflag:s24], $0x1000  }
0x2a2: {  	[sflag:s24] =	ssyncset.done @!p1 $0x0  }
0x2a3: {  	[sflag:s24] =	ssyncadd.s32 @!p1 $0xFFFFF000  }
0x2a4: {  	_ =	swait.ge @!p1 [sflag:s28], $0x100  }
0x2a5: {  	[sflag:s28] =	ssyncset.done @!p1 $0x0  }
0x2a6: {  	[sflag:s28] =	ssyncadd.s32 @!p1 $0xFFFFFF00  }
0x2a7: {  	v2 =	vld @!p1 [tilespmem:$0x190D0]  }
0x2a8: {  	v1 =	vld @!p1 [tilespmem:$0x19080]  }
0x2a9: {  	v3 =	vld @!p1 [tilespmem:$0x190F0]  }
0x2aa: {  	v5 =	vld @!p1 [tilespmem:$0x190B0]  }
0x2ab: {  	v7 =	vld @!p1 [tilespmem:$0x190C0]  }
0x2ac: {  	v6 =	vld @!p1 [tilespmem:$0x190E0];
	v2 =	vadd.s32 @!p1 v0, v2  }
0x2ad: {  	v4 =	vld @!p1 [tilespmem:$0x190A0];
	v1 =	vadd.s32 @!p1 v0, v1;
	[tilespmem:$0x190D0] =	vst @!p1 v2  }
0x2ae: {  	v8 =	vld @!p1 [tilespmem:$0x19090];
	[tilespmem:$0x19080] =	vst @!p1 v1;
	v1 =	vadd.s32 @!p1 v0, v3  }
0x2af: {  	v2 =	vadd.s32 @!p1 v0, v5;
	[tilespmem:$0x190F0] =	vst @!p1 v1  }
0x2b0: {  	v3 =	vadd.s32 @!p1 v0, v7;
	[tilespmem:$0x190B0] =	vst @!p1 v2  }
0x2b1: {  	v2 =	vadd.s32 @!p1 v0, v6;
	[tilespmem:$0x190C0] =	vst @!p1 v3  }
0x2b2: {  	v1 =	vadd.s32 @!p1 v0, v4;
	[tilespmem:$0x190E0] =	vst @!p1 v2  }
0x2b3: {  	v2 =	vadd.s32 @!p1 v0, v8;
	[tilespmem:$0x190A0] =	vst @!p1 v1  }
0x2b4: {  	[tilespmem:$0x19090] =	vst @!p1 v2  }
0x2b5: {  	[tilespmem:s31], [sflag:$0x4] =	stream.indirect.gather @!p1 [hbm4b:s0+s20], $0x20, s4, s20, $0xb8;
	[tilespmem:$0x1D300] =	vst v63  }
0x2b6: {  	_ = 	snop  }
0x2b7: {  	[spmem:s21] =	stream.indirect.scatter.add.f32 [tilespmem:s7], [sflag:$0x5], $0x20, s29, s8, $0xb8;
	[tilespmem:$0x1D300] =	vst v63  }
0x2b8: {  	s9 =	smov.u32 s30;
	_ =	swait.ge [sflag:s13], $0x1000  }
0x2b9: {  	s15 =	sadd.s32 s9, s23;
	[sflag:s13] =	ssyncset.done $0x0  }
0x2ba: {  	s23 =	sadd.s32 $0x500, s15;
	s26 =	sadd.s32 s9, s1;
	[sflag:s13] =	ssyncadd.s32 $0xFFFFF000  }
0x2bb: {  	[tilespmem:s19], [sflag:$0x3] =	stream.linear.gather [hbm4b:s23+s2], $0x80, $0x38;
	[tilespmem:$0x1D300] =	vst v63  }
0x2bc: {  	s9 =	sadd.s32 $0x500, s26  }
0x2bd: {  	[tilespmem:s10], [sflag:$0x3] =	stream.linear.gather [hbm4b:s9+s2], $0x80, $0x38;
	[tilespmem:$0x1D300] =	vst v63  }
0x2be: {  	s23 =	rddreg [dreg:$0x5];
	_ =	swait.ge @p1 [sflag:s16], $0x100  }
0x2bf: {  	[sflag:s16] =	ssyncset.done @p1 $0x0  }
0x2c0: {  	[sflag:s16] =	ssyncadd.s32 @p1 $0xFFFFFF00  }
0x2c1: {  	_ =	swait.ge @!p1 [sflag:s24], $0x1000  }
0x2c2: {  	s30 =	sadd.s32 $0x300, s30;
	[sflag:s24] =	ssyncset.done @!p1 $0x0  }
0x2c3: {  	p2 =	sne.s32 s30, $0x12000;
	[sflag:s24] =	ssyncadd.s32 @!p1 $0xFFFFF000  }
.Ltmp6:
0x2c4: {  	_ =	swait.ge @!p1 [sflag:s18], $0x100;
	(pc) =	sbr.rel @p2 .LBB2_3-.Ltmp6, $4  }
0x2c5: {  	[sflag:s18] =	ssyncset.done @!p1 $0x0  }
0x2c6: {  	[sflag:s18] =	ssyncadd.s32 @!p1 $0xFFFFFF00  }
0x2c7: {  	v2 =	vld @!p1 [tilespmem:$0x19100]  }
0x2c8: {  	v1 =	vld @!p1 [tilespmem:$0x19110]  }
0x2c9: {  	v3 =	vld @!p1 [tilespmem:$0x19170]  }
0x2ca: {  	v4 =	vld @!p1 [tilespmem:$0x19130]  }
0x2cb: {  	v5 =	vld @!p1 [tilespmem:$0x19140]  }
0x2cc: {  	v6 =	vld @!p1 [tilespmem:$0x19150];
	v2 =	vadd.s32 @!p1 v0, v2  }
0x2cd: {  	[tilespmem:$0x19100] =	vst @!p1 v2;
	v1 =	vadd.s32 @!p1 v0, v1;
	v2 =	vld @!p1 [tilespmem:$0x19120]  }
0x2ce: {  	[tilespmem:$0x19110] =	vst @!p1 v1;
	v1 =	vld @!p1 [tilespmem:$0x19160];
	v3 =	vadd.s32 @!p1 v0, v3  }
0x2cf: {  	v4 =	vadd.s32 @!p1 v0, v4;
	[tilespmem:$0x19170] =	vst @!p1 v3  }
0x2d0: {  	[tilespmem:$0x19130] =	vst @!p1 v4;
	v3 =	vadd.s32 @!p1 v0, v5  }
0x2d1: {  	[tilespmem:$0x19140] =	vst @!p1 v3;
	v3 =	vadd.s32 @!p1 v0, v6  }
0x2d2: {  	[tilespmem:$0x19150] =	vst @!p1 v3;
	v2 =	vadd.s32 @!p1 v0, v2  }
0x2d3: {  	[tilespmem:$0x19120] =	vst @!p1 v2;
	v1 =	vadd.s32 @!p1 v0, v1  }
0x2d4: {  	s1 =	simm.s32 @!p1 $0x19100;
	s3 =	simm.s32 @!p1 $0x1B300;
	[tilespmem:$0x19160] =	vst @!p1 v1  }
0x2d5: {  	[tilespmem:s3], [sflag:$0x4] =	stream.indirect.gather @!p1 [hbm4b:s0+s20], $0x20, s1, s20, $0xb8;
	[tilespmem:$0x1D300] =	vst v63  }
0x2d6: {  	_ = 	snop  }
0x2d7: {  	[spmem:s21] =	stream.indirect.scatter.add.f32 [tilespmem:s5], [sflag:$0x6], $0x20, s6, s8, $0xb8;
	[tilespmem:$0x1D300] =	vst v63  }
0x2d8: {  	_ =	swait.ge [sflag:s11], $0x1000  }
0x2d9: {  	[sflag:s11] =	ssyncset.done $0x0  }
0x2da: {  	s18 =	sadd.s32 $0x600, s15;
	s19 =	simm.s32 $0x19000;
	[sflag:s11] =	ssyncadd.s32 $0xFFFFF000  }
0x2db: {  	[tilespmem:s19], [sflag:$0x1] =	stream.linear.gather [hbm4b:s18+s2], $0x80, $0x38;
	[tilespmem:$0x1D300] =	vst v63  }
0x2dc: {  	s25 =	sadd.s32 $0x600, s26  }
0x2dd: {  	[tilespmem:s29], [sflag:$0x1] =	stream.linear.gather [hbm4b:s25+s2], $0x80, $0x38;
	[tilespmem:$0x1D300] =	vst v63  }
0x2de: {  	_ =	swait.ge @p1 [sflag:s17], $0x100  }
0x2df: {  	[sflag:s17] =	ssyncset.done @p1 $0x0  }
0x2e0: {  	[sflag:s17] =	ssyncadd.s32 @p1 $0xFFFFFF00  }
0x2e1: {  	_ =	swait.ge @!p1 [sflag:s24], $0x1000  }
0x2e2: {  	[sflag:s24] =	ssyncset.done @!p1 $0x0  }
0x2e3: {  	[sflag:s24] =	ssyncadd.s32 @!p1 $0xFFFFF000  }
0x2e4: {  	_ =	swait.ge @!p1 [sflag:s14], $0x100  }
0x2e5: {  	[sflag:s14] =	ssyncset.done @!p1 $0x0  }
0x2e6: {  	[sflag:s14] =	ssyncadd.s32 @!p1 $0xFFFFFF00  }
0x2e7: {  	v1 =	vld @!p1 [tilespmem:$0x19000]  }
0x2e8: {  	v2 =	vld @!p1 [tilespmem:$0x19010]  }
0x2e9: {  	v3 =	vld @!p1 [tilespmem:$0x19020]  }
0x2ea: {  	v4 =	vld @!p1 [tilespmem:$0x19030]  }
0x2eb: {  	v5 =	vld @!p1 [tilespmem:$0x19040]  }
0x2ec: {  	v6 =	vld @!p1 [tilespmem:$0x19070];
	v1 =	vadd.s32 @!p1 v0, v1  }
0x2ed: {  	[tilespmem:$0x19000] =	vst @!p1 v1;
	v1 =	vadd.s32 @!p1 v0, v2;
	v2 =	vld @!p1 [tilespmem:$0x19060]  }
0x2ee: {  	[tilespmem:$0x19010] =	vst @!p1 v1;
	v1 =	vadd.s32 @!p1 v0, v3;
	v3 =	vld @!p1 [tilespmem:$0x19050]  }
0x2ef: {  	[tilespmem:$0x19020] =	vst @!p1 v1;
	v1 =	vadd.s32 @!p1 v0, v4  }
0x2f0: {  	[tilespmem:$0x19030] =	vst @!p1 v1;
	v1 =	vadd.s32 @!p1 v0, v5  }
0x2f1: {  	[tilespmem:$0x19040] =	vst @!p1 v1;
	v1 =	vadd.s32 @!p1 v0, v6  }
0x2f2: {  	v2 =	vadd.s32 @!p1 v0, v2;
	[tilespmem:$0x19070] =	vst @!p1 v1  }
0x2f3: {  	v1 =	vadd.s32 @!p1 v0, v3;
	[tilespmem:$0x19060] =	vst @!p1 v2  }
0x2f4: {  	s1 =	simm.s32 @!p1 $0x19000;
	s3 =	simm.s32 @!p1 $0x19300;
	[tilespmem:$0x19050] =	vst @!p1 v1  }
0x2f5: {  	[tilespmem:s3], [sflag:$0x4] =	stream.indirect.gather @!p1 [hbm4b:s0+s20], $0x20, s1, s20, $0xb8;
	[tilespmem:$0x1D300] =	vst v63  }
0x2f6: {  	_ = 	snop  }
0x2f7: {  	[spmem:s21] =	stream.indirect.scatter.add.f32 [tilespmem:s22], [sflag:$0x7], $0x20, s10, s8, $0xb8;
	[tilespmem:$0x1D300] =	vst v63  }
0x2f8: {  	_ =	swait.ge [sflag:s12], $0x1000  }
0x2f9: {  	[sflag:s12] =	ssyncset.done $0x0  }
0x2fa: {  	s28 =	sadd.s32 $0x700, s15;
	s30 =	simm.s32 $0x19080;
	[sflag:s12] =	ssyncadd.s32 $0xFFFFF000  }
0x2fb: {  	[tilespmem:s30], [sflag:$0x2] =	stream.linear.gather [hbm4b:s28+s2], $0x80, $0x38;
	[tilespmem:$0x1D300] =	vst v63  }
0x2fc: {  	s31 =	sadd.s32 $0x700, s26;
	s3 =	simm.s32 @p1 $0x2  }
0x2fd: {  	[tilespmem:s6], [sflag:$0x2] =	stream.linear.gather [hbm4b:s31+s2], $0x80, $0x38;
	[tilespmem:$0x1D300] =	vst v63  }
0x2fe: {  	_ =	swait.ge @p1 [sflag:s3], $0x100  }
0x2ff: {  	s4 =	simm.s32 @p1 $0x19180;
	[sflag:s3] =	ssyncset.done @p1 $0x0  }
0x300: {  	s5 =	simm.s32 @p1 $0x1C300;
	[sflag:s3] =	ssyncadd.s32 @p1 $0xFFFFFF00;
	s3 =	simm.s32 @p1 $0x80  }
0x301: {  	[spmem:s21] =	stream.indirect.scatter.add.f32 @p1 [tilespmem:s5], [sflag:$0x5], $0x20, s4, s3, $0xb8;
	[tilespmem:$0x1D300] =	vst v63  }
0x302: {  	s3 =	simm.s32 @!p1 $0x4  }
0x303: {  	_ =	swait.ge @!p1 [sflag:s3], $0x1000  }
0x304: {  	[sflag:s3] =	ssyncset.done @!p1 $0x0  }
0x305: {  	s4 =	simm.s32 @!p1 $0x2;
	[sflag:s3] =	ssyncadd.s32 @!p1 $0xFFFFF000  }
0x306: {  	_ =	swait.ge @!p1 [sflag:s4], $0x100  }
0x307: {  	[sflag:s4] =	ssyncset.done @!p1 $0x0  }
0x308: {  	[sflag:s4] =	ssyncadd.s32 @!p1 $0xFFFFFF00  }
0x309: {  	v1 =	vld @!p1 [tilespmem:$0x19080]  }
0x30a: {  	v2 =	vld @!p1 [tilespmem:$0x19090]  }
0x30b: {  	v3 =	vld @!p1 [tilespmem:$0x190A0]  }
0x30c: {  	v4 =	vld @!p1 [tilespmem:$0x190B0]  }
0x30d: {  	v5 =	vld @!p1 [tilespmem:$0x190C0]  }
0x30e: {  	v6 =	vld @!p1 [tilespmem:$0x190D0];
	v1 =	vadd.s32 @!p1 v0, v1  }
0x30f: {  	[tilespmem:$0x19080] =	vst @!p1 v1;
	v1 =	vadd.s32 @!p1 v0, v2;
	v2 =	vld @!p1 [tilespmem:$0x190E0]  }
0x310: {  	[tilespmem:$0x19090] =	vst @!p1 v1;
	v1 =	vadd.s32 @!p1 v0, v3;
	v3 =	vld @!p1 [tilespmem:$0x190F0]  }
0x311: {  	[tilespmem:$0x190A0] =	vst @!p1 v1;
	v1 =	vadd.s32 @!p1 v0, v4  }
0x312: {  	[tilespmem:$0x190B0] =	vst @!p1 v1;
	v1 =	vadd.s32 @!p1 v0, v5  }
0x313: {  	[tilespmem:$0x190C0] =	vst @!p1 v1;
	v1 =	vadd.s32 @!p1 v0, v6  }
0x314: {  	[tilespmem:$0x190D0] =	vst @!p1 v1;
	v1 =	vadd.s32 @!p1 v0, v2  }
0x315: {  	[tilespmem:$0x190E0] =	vst @!p1 v1;
	v0 =	vadd.s32 @!p1 v0, v3  }
0x316: {  	s7 =	simm.s32 @!p1 $0x1A300;
	s5 =	simm.s32 @!p1 $0x19080;
	s4 =	simm.s32 @!p1 $0x80;
	[tilespmem:$0x190F0] =	vst @!p1 v0  }
0x317: {  	[tilespmem:s7], [sflag:$0x4] =	stream.indirect.gather @!p1 [hbm4b:s0+s4], $0x20, s5, s4, $0xb8;
	[tilespmem:$0x1D300] =	vst v63  }
0x318: {  	s9 =	simm.s32 @!p1 $0x19300;
	s5 =	simm.s32 @!p1 $0x19180  }
0x319: {  	[spmem:s21] =	stream.indirect.scatter.add.f32 @!p1 [tilespmem:s9], [sflag:$0x5], $0x20, s5, s4, $0xb8;
	[tilespmem:$0x1D300] =	vst v63  }
0x31a: {  	s4 =	simm.s32 @!p1 $0x7  }
0x31b: {  	_ =	swait.ge @!p1 [sflag:s4], $0x1000  }
0x31c: {  	[sflag:s4] =	ssyncset.done @!p1 $0x0  }
0x31d: {  	s3 =	simm.s32 @p1 $0x7;
	[sflag:s4] =	ssyncadd.s32 @!p1 $0xFFFFF000  }
0x31e: {  	_ =	swait.ge [sflag:s3], $0x1000  }
0x31f: {  	[sflag:s3] =	ssyncset.done $0x0  }
0x320: {  	s7 =	simm.s32 @p1 $0x1C300;
	[sflag:s3] =	ssyncadd.s32 $0xFFFFF000  }
0x321: {  	[spmem:s21] =	stream.indirect.scatter.add.f32 [tilespmem:s7], [sflag:$0x6], $0x20, s6, s8, $0xb8;
	[tilespmem:$0x1D300] =	vst v63  }
0x322: {  	_ =	swait.ge [sflag:s11], $0x1000  }
0x323: {  	[sflag:s11] =	ssyncset.done $0x0  }
0x324: {  	[sflag:s11] =	ssyncadd.s32 $0xFFFFF000  }
.Ltmp7:
0x325: {  	_ =	swait.ge [sflag:s12], $0x1000;
	(pc) =	sbr.rel @p1 .LBB2_5-.Ltmp7, $4  }
0x326: {  	[sflag:s12] =	ssyncset.done $0x0  }
0x327: {  	[sflag:s12] =	ssyncadd.s32 $0xFFFFF000  }
0x328: {  	[bflag:$0x0] =	sbarrier.arrive $0xFFFF  }
0x329: {  	s15 =	simm.s32 $0x19000;
	s5 =	simm.s32 $0x19080  }
0x32a: {  	s7 =	sld [smem:$0x7F8];
	_ =	sdelay $0x1  }
0x32b: {  	s0 =	sld [smem:$0x7FD]  }
0x32c: {  	s3 =	smul.u32 $0xC800, s7  }
0x32d: {  	s31 =	sld [smem:$0x7FA]  }
0x32e: {  	s1 =	sld [smem:$0x7F7];
	s3 =	sadd.s32 s0, s3  }
0x32f: {  	s30 =	rddreg [dreg:$0x1b];
	s3 =	sshll.u32 s3, $0x2  }
0x330: {  	s4 =	simm.s32 $0x8;
	s3 =	sadd.s32 s30, s3  }
0x331: {  	[hbm:s3], [sflag:s31] =	dma.local [spmem:s1], $0x3200  }
.Ltmp8:
0x332: {  	_ =	swait.ge [sflag:s4], $0x3200;
	(pc) =	sbr.rel .LBB2_2-.Ltmp8, $4  }
0x333: {  	[sflag:s4] =	ssyncset.done $0x0  }
0x334: {  	[sflag:s4] =	ssyncadd.s32 $0xFFFFCE00  }
0x335: {  	s14 =	simm.s32 $0x19100;
	[bflag:$0x0] =	sbarrier.arrive $0xFFFF  }
0x336: {  	s7 =	sadd.s32 $0x1, s7;
	s3 =	smov.u32 s31;
	s19 =	rddreg [dreg:$0x7]  }
.LBB2_5:
.Ltmp9:
0x337: {  	s3 =	rddreg [dreg:$0x1d];
	(pc) =	sbr.rel .LBB2_12-.Ltmp9, $4  }
0x338: {  	s19 =	rddreg [dreg:$0x7]  }
0x339: {  	s1 =	rddreg [dreg:$0x1]  }
0x33a: {  	s30 =	rddreg [dreg:$0x10]  }
0x33b: {  	s14 =	simm.s32 $0x19100;
	s7 =	sld [smem:$0x7F9]  }
.LBB2_13:
0x33c: {  	_ =	sfence.sel $0x180000  }
0x33d: {  	[bflag:$0x0] =	sbarrier.arrive $0xFFFF  }
0x33e: {  	_ =	strace $0x90000047  }
0x33f: {  	s0 =	stileid.u32;
	[bflag:$0x2] =	sbarrier.arrive $0xFFFF  }
0x340: {  	p0 =	sne.s32 s0, $0x0;
	s0 =	rddreg [dreg:$0x4]  }
0x341: {  	s0 =	sadd.s32 @!p0 $0x100000, s0  }
0x342: {  	[sflag:s0] =	ssyncadd.tile.s32 @!p0 $0x1;
	_ =	shalt  }
.Lfunc_end2:
_tile_overlayer_lowered:
.L_overlay_start_2:
0x343: {  	(tag) =	ssettag $0x2  }
0x344: {  	s0 =	rddreg [dreg:$0x0];
	s2 =	stileid.u32  }
0x345: {  	s1 =	rddreg [dreg:$0x1];
	p0 =	sne.s32 s2, $0x0  }
0x346: {  	s3 =	rddreg [dreg:$0x2];
	[bflag:$0x3] =	sbarrier.arrive $0xFFFF;
	s2 =	simm.s32 @!p0 $0x1C08  }
0x347: {  	[timem:s3], [sflag:s2] =	dma.local @!p0 [hbm:s0], s1  }
0x348: {  	s0 =	simm.s32 @!p0 $0x8  }
0x349: {  	_ =	swait.ge @!p0 [sflag:s0], s1  }
0x34a: {  	s1 =	ssub.s32 @!p0 $0x0, s1;
	[sflag:s0] =	ssyncset.done @!p0 $0x0  }
0x34b: {  	[sflag:s0] =	ssyncadd.s32 @!p0 s1  }
0x34c: {  	[bflag:$0x3] =	sbarrier.arrive $0xFFFF  }
0x34d: {  	_ =	shalt  }

</sc_bundles>
